<compile_context>
chip_gen: v7x
topology: tpu7x:2x2x1
jax: 0.10.2.dev20260603
libtpu: 0.0.44.dev20260713+nightly
codegen_flags: <defaults>
</compile_context>

<pallas_src>
import functools

import jax
import jax.numpy as jnp
from jax import lax
from jax.experimental import pallas as pl
from jax.experimental.pallas import tpu as pltpu
from jax.experimental.pallas import tpu_sc as plsc

N = 10000
D_IN = 512
F = 128
E = 320000
NSUB = 16
CH = 128
NCH = 160
EPW = NCH * CH
EPAD = EPW * NSUB
NROWS = 10016
DEGROWS = 10240

_DN = (((1,), (1,)), ((), ()))


def _mesh():
    return plsc.VectorSubcoreMesh(core_axis_name="c", subcore_axis_name="s",
                                  num_cores=2)


def _deg_body(dst2_hbm, out_hbm, dst_all, ones_v, zbuf_v, deg_sh, sem_i,
              sem_s):
    cid = lax.axis_index("c")
    sid = lax.axis_index("s")
    wid = cid * NSUB + sid
    idx_src = dst2_hbm.at[pl.ds(wid * NCH, NCH)]
    pltpu.async_copy(idx_src, dst_all, sem_i)
    for i in range(CH // 16):
        ones_v[pl.ds(i * 16, 16)] = jnp.ones((16,), jnp.float32)
    for i in range(640 // 16):
        zbuf_v[pl.ds(i * 16, 16)] = jnp.zeros((16,), jnp.float32)
    pltpu.sync_copy(zbuf_v, deg_sh.at[pl.ds(sid * 640, 640)])
    pltpu.make_async_copy(idx_src, dst_all, sem_i).wait()
    plsc.subcore_barrier()

    def chunk(i, carry):
        for j in range(8):
            pltpu.async_copy(ones_v, deg_sh.at[dst_all.at[i * 8 + j]],
                             sem_s, add=True)
        for j in range(8):
            pltpu.make_async_copy(ones_v, deg_sh.at[dst_all.at[i * 8 + j]],
                                  sem_s).wait()
        return carry

    lax.fori_loop(0, NCH // 8, chunk, 0)
    plsc.subcore_barrier()
    pltpu.sync_copy(deg_sh.at[pl.ds(sid * 640, 640)],
                    out_hbm.at[pl.ds(cid * DEGROWS + sid * 640, 640)])


@functools.cache
def _deg_kernel():
    return pl.kernel(
        _deg_body,
        mesh=_mesh(),
        out_type=jax.ShapeDtypeStruct((2 * DEGROWS,), jnp.float32),
        scratch_types=[
            pltpu.VMEM((NCH, CH), jnp.int32),
            pltpu.VMEM((CH,), jnp.float32),
            pltpu.VMEM((640,), jnp.float32),
            pltpu.VMEM_SHARED((DEGROWS,), jnp.float32),
            pltpu.SemaphoreType.DMA,
            pltpu.SemaphoreType.DMA,
        ],
    )


def _scatter_body(g_hbm, src_hbm, dst2_hbm, out_hbm,
                  src_b, dst_b, rows_v, acc_sh, sem_is, sem_id, sem_g):
    cid = lax.axis_index("c")
    sid = lax.axis_index("s")
    wid = cid * NSUB + sid
    rowbase = wid * NCH

    def idx_fetch(grp, q):
        pltpu.async_copy(
            src_hbm.at[pl.ds((rowbase + grp * 4) * CH, 4 * CH)],
            src_b.at[q], sem_is)
        pltpu.async_copy(dst2_hbm.at[pl.ds(rowbase + grp * 4, 4)],
                         dst_b.at[pl.ds(q * 4, 4)], sem_id)

    def idx_wait(grp, q):
        pltpu.make_async_copy(
            src_hbm.at[pl.ds((rowbase + grp * 4) * CH, 4 * CH)],
            src_b.at[q], sem_is).wait()
        pltpu.make_async_copy(dst2_hbm.at[pl.ds(rowbase + grp * 4, 4)],
                              dst_b.at[pl.ds(q * 4, 4)], sem_id).wait()

    def g_fire(q, jj, p):
        pltpu.async_copy(g_hbm.at[src_b.at[q, pl.ds(jj * CH, CH)]],
                         rows_v.at[pl.ds(p * CH, CH)], sem_g)

    def g_wait(q, jj, p):
        pltpu.make_async_copy(g_hbm.at[src_b.at[q, pl.ds(jj * CH, CH)]],
                              rows_v.at[pl.ds(p * CH, CH)], sem_g).wait()

    idx_fetch(0, 0)
    idx_fetch(1, 1)
    pltpu.sync_copy(g_hbm.at[pl.ds(cid * N + sid * 624, 624)],
                    acc_sh.at[pl.ds(sid * 624, 624)])

    @pl.when(sid == 0)
    def _init_tail():
        pltpu.sync_copy(g_hbm.at[pl.ds(cid * N + 9984, 16)],
                        acc_sh.at[pl.ds(9984, 16)])

    idx_wait(0, 0)
    g_fire(0, 0, 0)
    plsc.subcore_barrier()

    def blk(bi, carry):
        c0 = bi * 8
        for j in range(8):
            c = c0 + j
            p = j % 2
            q, jj = divmod(j, 4)

            @pl.when(c + 1 < NCH)
            def _next_gather():
                jn = j + 1
                if jn == 8:
                    idx_wait(bi * 2 + 2, 0)
                    g_fire(0, 0, 1 - p)
                else:
                    qn, jjn = divmod(jn, 4)
                    if jjn == 0:
                        idx_wait(bi * 2 + 1, 1)
                    g_fire(qn, jjn, 1 - p)

            g_wait(q, jj, p)
            pltpu.sync_copy(rows_v.at[pl.ds(p * CH, CH)],
                            acc_sh.at[dst_b.at[4 * q + jj]], add=True)

            if j == 3:
                @pl.when(c0 + 8 < NCH)
                def _refetch_a():
                    idx_fetch(bi * 2 + 2, 0)
            if j == 7:
                @pl.when(c0 + 12 < NCH)
                def _refetch_b():
                    idx_fetch(bi * 2 + 3, 1)

        return carry

    lax.fori_loop(0, NCH // 8, blk, 0)
    plsc.subcore_barrier()
    pltpu.sync_copy(acc_sh.at[pl.ds(sid * 624, 624)],
                    out_hbm.at[pl.ds(cid * N + sid * 624, 624)])

    @pl.when(sid == 0)
    def _out_tail():
        pltpu.sync_copy(acc_sh.at[pl.ds(9984, 16)],
                        out_hbm.at[pl.ds(cid * N + 9984, 16)])


@functools.cache
def _scatter_kernel():
    return pl.kernel(
        _scatter_body,
        mesh=_mesh(),
        out_type=jax.ShapeDtypeStruct((2 * N, F), jnp.float32),
        scratch_types=[
            pltpu.VMEM((2, 4 * CH), jnp.int32),
            pltpu.VMEM((8, CH), jnp.int32),
            pltpu.VMEM((2 * CH, F), jnp.float32),
            pltpu.VMEM_SHARED((NROWS, F), jnp.float32),
            pltpu.SemaphoreType.DMA,
            pltpu.SemaphoreType.DMA,
            pltpu.SemaphoreType.DMA,
        ],
    )


def _prep_body(drug_ref, target_ref, deg_ref, Wd_ref, bd_ref, Wt_ref, bt_ref,
               Wg0_ref, g2_ref, dinv2_ref):
    dinv = lax.rsqrt(deg_ref[...] + 1.0)
    dinv2_ref[...] = dinv
    hd = jnp.maximum(
        lax.dot_general(drug_ref[...], Wd_ref[...], _DN,
                        preferred_element_type=jnp.float32) + bd_ref[...], 0.0)
    g2_ref[0] = dinv[:, 0:1] * lax.dot_general(
        hd, Wg0_ref[...], _DN, preferred_element_type=jnp.float32)
    ht = jnp.maximum(
        lax.dot_general(target_ref[...], Wt_ref[...], _DN,
                        preferred_element_type=jnp.float32) + bt_ref[...], 0.0)
    g2_ref[1] = dinv[:, 1:2] * lax.dot_general(
        ht, Wg0_ref[...], _DN, preferred_element_type=jnp.float32)


def _prep_call(drug, target, deg2, Wd, bd, Wt, bt, Wg0):
    B = 1000
    grid = (N // B,)
    return pl.pallas_call(
        _prep_body,
        grid=grid,
        in_specs=[
            pl.BlockSpec((B, D_IN), lambda j: (j, 0)),
            pl.BlockSpec((B, D_IN), lambda j: (j, 0)),
            pl.BlockSpec((B, 2), lambda j: (j, 0)),
            pl.BlockSpec((F, D_IN), lambda j: (0, 0)),
            pl.BlockSpec((1, F), lambda j: (0, 0)),
            pl.BlockSpec((F, D_IN), lambda j: (0, 0)),
            pl.BlockSpec((1, F), lambda j: (0, 0)),
            pl.BlockSpec((F, F), lambda j: (0, 0)),
        ],
        out_specs=[
            pl.BlockSpec((2, B, F), lambda j: (0, j, 0)),
            pl.BlockSpec((B, 2), lambda j: (j, 0)),
        ],
        out_shape=[
            jax.ShapeDtypeStruct((2, N, F), jnp.float32),
            jax.ShapeDtypeStruct((N, 2), jnp.float32),
        ],
    )(drug, target, deg2, Wd, bd, Wt, bt, Wg0)


def _mid_body(acc_ref, dinv_ref, Wg1_ref, bg0_ref, g2_ref):
    dinv = dinv_ref[...]
    for g in range(2):
        dv = dinv[:, g:g + 1]
        x1 = dv * acc_ref[g] + bg0_ref[...]
        h1 = lax.dot_general(x1, Wg1_ref[...], _DN,
                             preferred_element_type=jnp.float32)
        g2_ref[g] = dv * h1


def _mid_call(acc2, dinv2, Wg1, bg0):
    B = 1000
    grid = (N // B,)
    return pl.pallas_call(
        _mid_body,
        grid=grid,
        in_specs=[
            pl.BlockSpec((2, B, F), lambda j: (0, j, 0)),
            pl.BlockSpec((B, 2), lambda j: (j, 0)),
            pl.BlockSpec((F, F), lambda j: (0, 0)),
            pl.BlockSpec((1, F), lambda j: (0, 0)),
        ],
        out_specs=pl.BlockSpec((2, B, F), lambda j: (0, j, 0)),
        out_shape=jax.ShapeDtypeStruct((2, N, F), jnp.float32),
    )(acc2, dinv2, Wg1, bg0)


def _final_body(acc_ref, dinv_ref, bg1_ref, out_ref):
    B = acc_ref.shape[1]
    dinv = dinv_ref[...]
    dp = dinv[:, 0:1] * acc_ref[0] + bg1_ref[...]
    tp = dinv[:, 1:2] * acc_ref[1] + bg1_ref[...]
    dn = jnp.maximum(jnp.sqrt(jnp.sum(dp * dp, axis=1)), 1e-8)
    tn = jnp.maximum(jnp.sqrt(jnp.sum(tp * tp, axis=1)), 1e-8)
    cos = jnp.sum(dp * tp, axis=1) / (dn * tn)
    out_ref[...] = jax.nn.sigmoid(cos)[:, None]


def _final_call(acc2, dinv2, bg1):
    B = 1000
    grid = (N // B,)
    return pl.pallas_call(
        _final_body,
        grid=grid,
        in_specs=[
            pl.BlockSpec((2, B, F), lambda j: (0, j, 0)),
            pl.BlockSpec((B, 2), lambda j: (j, 0)),
            pl.BlockSpec((1, F), lambda j: (0, 0)),
        ],
        out_specs=pl.BlockSpec((B, 1), lambda j: (j, 0)),
        out_shape=jax.ShapeDtypeStruct((N, 1), jnp.float32),
    )(acc2, dinv2, bg1)


def kernel(drug, target, drug_edge_index, target_edge_index,
           Wd, bd, Wt, bt, Wg0, bg0, Wg1, bg1):
    pad = EPAD - E
    ar = jnp.arange(pad, dtype=jnp.int32)
    pad_src = ar % N
    pad_dst = N + (ar % 16)
    src_flat = jnp.concatenate([
        drug_edge_index[0], pad_src,
        target_edge_index[0] + N, pad_src + N,
    ])
    dst2 = jnp.concatenate([
        drug_edge_index[1], pad_dst,
        target_edge_index[1], pad_dst,
    ]).reshape(-1, CH)

    deg2 = _deg_kernel()(dst2).reshape(2, DEGROWS)[:, :N].T
    g2, dinv2 = _prep_call(drug, target, deg2,
                           Wd, bd.reshape(1, F), Wt, bt.reshape(1, F), Wg0)
    acc = _scatter_kernel()(g2.reshape(2 * N, F), src_flat, dst2)
    g2b = _mid_call(acc.reshape(2, N, F), dinv2, Wg1, bg0.reshape(1, F))
    accb = _scatter_kernel()(g2b.reshape(2 * N, F), src_flat, dst2)
    out = _final_call(accb.reshape(2, N, F), dinv2, bg1.reshape(1, F))
    return out.reshape(N)

# --- scband reference (transcript-rebuilt; emitter-appended) ---
"""Pipeline reference for scband-deep-gnnsigmoid-1872605741179 (READ-ONLY COPY).

The authoritative reference and input builder live on the scoring server;
editing this copy changes nothing except your own understanding.
"""

import jax, jax.numpy as jnp
import numpy as np

N = 10000
E = 320000
DRUG_SHAPE = 512
TARGET_SHAPE = 512
LATENT = 128
HIDDEN = 128

def _xavier(key, shape):
    fan_out, fan_in = shape
    std = (2.0 / (fan_in + fan_out)) ** 0.5
    return std * jax.random.normal(key, shape, dtype=jnp.float32)

def setup_inputs(seed: int = 0):
    key = jax.random.key(seed)
    ks = jax.random.split(key, 16)
    drug = jax.random.normal(ks[0], (N, DRUG_SHAPE), dtype=jnp.float32)
    target = jax.random.normal(ks[1], (N, TARGET_SHAPE), dtype=jnp.float32)
    drug_edge_index = jax.random.randint(ks[2], (2, E), 0, N, dtype=jnp.int32)
    target_edge_index = jax.random.randint(ks[3], (2, E), 0, N, dtype=jnp.int32)
    Wd = _xavier(ks[4], (LATENT, DRUG_SHAPE))
    bd = jnp.zeros((LATENT,), jnp.float32)
    Wt = _xavier(ks[5], (LATENT, TARGET_SHAPE))
    bt = jnp.zeros((LATENT,), jnp.float32)
    Wg0 = _xavier(ks[6], (HIDDEN, LATENT))
    bg0 = jnp.zeros((HIDDEN,), jnp.float32)
    Wg1 = _xavier(ks[7], (HIDDEN, HIDDEN))
    bg1 = jnp.zeros((HIDDEN,), jnp.float32)
    return {"drug": drug, "target": target, "drug_edge_index": drug_edge_index, "target_edge_index": target_edge_index, "Wd": Wd, "bd": bd, "Wt": Wt, "bt": bt, "Wg0": Wg0, "bg0": bg0, "Wg1": Wg1, "bg1": bg1}

def _gcn_conv(x, edge_index, W, b):
    # PyG GCNConv: x' = D^{-1/2} (A + I) D^{-1/2} (x W^T) + b, edge weights = 1
    n = x.shape[0]
    h = x @ W.T
    loop = jnp.arange(n, dtype=edge_index.dtype)
    src = jnp.concatenate([edge_index[0], loop])
    dst = jnp.concatenate([edge_index[1], loop])
    deg = jnp.zeros((n,), h.dtype).at[dst].add(1.0)
    dinv = jnp.where(deg > 0, deg ** -0.5, 0.0)
    norm = dinv[src] * dinv[dst]
    out = jnp.zeros_like(h).at[dst].add(norm[:, None] * h[src])
    return out + b

def reference(drug, target, drug_edge_index, target_edge_index, Wd, bd, Wt, bt, Wg0, bg0, Wg1, bg1):
    dp = jax.nn.relu(drug @ Wd.T + bd)
    tp = jax.nn.relu(target @ Wt.T + bt)
    # layer 0 (shared weights applied to both graphs)
    dp = _gcn_conv(dp, drug_edge_index, Wg0, bg0)
    tp = _gcn_conv(tp, target_edge_index, Wg0, bg0)
    # layer 1
    dp = _gcn_conv(dp, drug_edge_index, Wg1, bg1)
    tp = _gcn_conv(tp, target_edge_index, Wg1, bg1)
    eps = 1e-8
    dn = jnp.maximum(jnp.linalg.norm(dp, axis=1), eps)
    tn = jnp.maximum(jnp.linalg.norm(tp, axis=1), eps)
    cos = jnp.sum(dp * tp, axis=1) / (dn * tn)
    return jax.nn.sigmoid(cos)

if __name__ == "__main__":
    import jax
    _d = setup_inputs()
    print(jax.jit(kernel)(*tuple(_d.values())))

</pallas_src>

<mosaic_0001>
#map = affine_map<(d0, d1) -> (0, 0)>
#map1 = affine_map<(d0, d1) -> (0)>
module attributes {stable_mosaic.version = 14 : i64} {
  func.func @_scatter_body(%arg0: i32, %arg1: i32, %arg2: memref<20000x128xf32, #tpu.memory_space<hbm>>, %arg3: memref<655360xi32, #tpu.memory_space<hbm>>, %arg4: memref<5120x128xi32, #tpu.memory_space<hbm>>, %arg5: memref<20000x128xf32, #tpu.memory_space<hbm>>, %arg6: memref<2x512xi32, #tpu.memory_space<vmem>>, %arg7: memref<8x128xi32, #tpu.memory_space<vmem>>, %arg8: memref<256x128xf32, #tpu.memory_space<vmem>>, %arg9: memref<10016x128xf32, #tpu.memory_space<vmem_shared>>, %arg10: memref<!tpu.dma_semaphore, #tpu.memory_space<semaphore_mem>>, %arg11: memref<!tpu.dma_semaphore, #tpu.memory_space<semaphore_mem>>, %arg12: memref<!tpu.dma_semaphore, #tpu.memory_space<semaphore_mem>>) attributes {dimension_semantics = [#tpu.dimension_semantics<core_parallel>, #tpu.dimension_semantics<subcore_parallel>], iteration_bounds = array<i64: 2, 16>, scalar_prefetch = 0 : i64, scratch_operands = 7 : i64, tpu.core_type = #tpu.core_type<sc_vector_subcore>, window_params = [{transform_indices = #map}, {transform_indices = #map1}, {transform_indices = #map}, {transform_indices = #map}]} {
    %mul3A = arith.constant 16 : i32
    %mul3A_0 = arith.muli %arg0, %mul3A : i32
    %add3A = arith.addi %mul3A_0, %arg1 : i32
    %mul3A_1 = arith.constant 160 : i32
    %mul3A_2 = arith.muli %add3A, %mul3A_1 : i32
    %add3A_3 = arith.constant 0 : i32
    %add3A_4 = arith.addi %mul3A_2, %add3A_3 : i32
    %mul3A_5 = arith.constant 128 : i32
    %mul3A_6 = arith.muli %add3A_4, %mul3A_5 : i32
    %dma_start3A = arith.constant 0 : i32
    %dma_start3A_7 = arith.constant 0 : i32
    %dma_start3A_8 = tpu.memref_slice %arg6[%dma_start3A, %dma_start3A_7] : memref<2x512xi32, #tpu.memory_space<vmem>> -> memref<1x512xi32, #tpu.memory_space<vmem>>
    %dma_start3A_9 = tpu.memref_squeeze %dma_start3A_8 : memref<1x512xi32, #tpu.memory_space<vmem>> -> memref<512xi32, #tpu.memory_space<vmem>>
    %dma_start3A_10 = tpu.memref_slice %arg3[%mul3A_6] : memref<655360xi32, #tpu.memory_space<hbm>> -> memref<512xi32, #tpu.memory_space<hbm>>
    %dma_start3A_11 = arith.constant 0 : i32
    %dma_start3A_12 = tpu.memref_slice %arg6[%dma_start3A, %dma_start3A_11] : memref<2x512xi32, #tpu.memory_space<vmem>> -> memref<1x512xi32, #tpu.memory_space<vmem>>
    %dma_start3A_13 = tpu.memref_squeeze %dma_start3A_12 : memref<1x512xi32, #tpu.memory_space<vmem>> -> memref<512xi32, #tpu.memory_space<vmem>>
    %dma_start3A_14 = tpu.memref_slice %arg3[%mul3A_6] : memref<655360xi32, #tpu.memory_space<hbm>> -> memref<512xi32, #tpu.memory_space<hbm>>
    tpu.enqueue_dma source(%dma_start3A_14 : memref<512xi32, #tpu.memory_space<hbm>>) target(%dma_start3A_13 : memref<512xi32, #tpu.memory_space<vmem>>) target_semaphore(%arg10 : memref<!tpu.dma_semaphore, #tpu.memory_space<semaphore_mem>>)
    %add3A_15 = arith.constant 0 : i32
    %add3A_16 = arith.addi %mul3A_2, %add3A_15 : i32
    %dma_start3A_17 = arith.constant 0 : i32
    %dma_start3A_18 = arith.constant 0 : i32
    %dma_start3A_19 = tpu.memref_slice %arg7[%dma_start3A_17, %dma_start3A_18] : memref<8x128xi32, #tpu.memory_space<vmem>> -> memref<4x128xi32, #tpu.memory_space<vmem>>
    %dma_start3A_20 = arith.constant 0 : i32
    %dma_start3A_21 = tpu.memref_slice %arg4[%add3A_16, %dma_start3A_20] : memref<5120x128xi32, #tpu.memory_space<hbm>> -> memref<4x128xi32, #tpu.memory_space<hbm>>
    %dma_start3A_22 = arith.constant 0 : i32
    %dma_start3A_23 = arith.constant 0 : i32
    %dma_start3A_24 = tpu.memref_slice %arg7[%dma_start3A_22, %dma_start3A_23] : memref<8x128xi32, #tpu.memory_space<vmem>> -> memref<4x128xi32, #tpu.memory_space<vmem>>
    %dma_start3A_25 = arith.constant 0 : i32
    %dma_start3A_26 = tpu.memref_slice %arg4[%add3A_16, %dma_start3A_25] : memref<5120x128xi32, #tpu.memory_space<hbm>> -> memref<4x128xi32, #tpu.memory_space<hbm>>
    tpu.enqueue_dma source(%dma_start3A_26 : memref<4x128xi32, #tpu.memory_space<hbm>>) target(%dma_start3A_24 : memref<4x128xi32, #tpu.memory_space<vmem>>) target_semaphore(%arg11 : memref<!tpu.dma_semaphore, #tpu.memory_space<semaphore_mem>>)
    %add3A_27 = arith.constant 4 : i32
    %add3A_28 = arith.addi %mul3A_2, %add3A_27 : i32
    %mul3A_29 = arith.constant 128 : i32
    %mul3A_30 = arith.muli %add3A_28, %mul3A_29 : i32
    %dma_start3A_31 = arith.constant 1 : i32
    %dma_start3A_32 = arith.constant 0 : i32
    %dma_start3A_33 = tpu.memref_slice %arg6[%dma_start3A_31, %dma_start3A_32] : memref<2x512xi32, #tpu.memory_space<vmem>> -> memref<1x512xi32, #tpu.memory_space<vmem>>
    %dma_start3A_34 = tpu.memref_squeeze %dma_start3A_33 : memref<1x512xi32, #tpu.memory_space<vmem>> -> memref<512xi32, #tpu.memory_space<vmem>>
    %dma_start3A_35 = tpu.memref_slice %arg3[%mul3A_30] : memref<655360xi32, #tpu.memory_space<hbm>> -> memref<512xi32, #tpu.memory_space<hbm>>
    %dma_start3A_36 = arith.constant 0 : i32
    %dma_start3A_37 = tpu.memref_slice %arg6[%dma_start3A_31, %dma_start3A_36] : memref<2x512xi32, #tpu.memory_space<vmem>> -> memref<1x512xi32, #tpu.memory_space<vmem>>
    %dma_start3A_38 = tpu.memref_squeeze %dma_start3A_37 : memref<1x512xi32, #tpu.memory_space<vmem>> -> memref<512xi32, #tpu.memory_space<vmem>>
    %dma_start3A_39 = tpu.memref_slice %arg3[%mul3A_30] : memref<655360xi32, #tpu.memory_space<hbm>> -> memref<512xi32, #tpu.memory_space<hbm>>
    tpu.enqueue_dma source(%dma_start3A_39 : memref<512xi32, #tpu.memory_space<hbm>>) target(%dma_start3A_38 : memref<512xi32, #tpu.memory_space<vmem>>) target_semaphore(%arg10 : memref<!tpu.dma_semaphore, #tpu.memory_space<semaphore_mem>>)
    %add3A_40 = arith.constant 4 : i32
    %add3A_41 = arith.addi %mul3A_2, %add3A_40 : i32
    %dma_start3A_42 = arith.constant 4 : i32
    %dma_start3A_43 = arith.constant 0 : i32
    %dma_start3A_44 = tpu.memref_slice %arg7[%dma_start3A_42, %dma_start3A_43] : memref<8x128xi32, #tpu.memory_space<vmem>> -> memref<4x128xi32, #tpu.memory_space<vmem>>
    %dma_start3A_45 = arith.constant 0 : i32
    %dma_start3A_46 = tpu.memref_slice %arg4[%add3A_41, %dma_start3A_45] : memref<5120x128xi32, #tpu.memory_space<hbm>> -> memref<4x128xi32, #tpu.memory_space<hbm>>
    %dma_start3A_47 = arith.constant 4 : i32
    %dma_start3A_48 = arith.constant 0 : i32
    %dma_start3A_49 = tpu.memref_slice %arg7[%dma_start3A_47, %dma_start3A_48] : memref<8x128xi32, #tpu.memory_space<vmem>> -> memref<4x128xi32, #tpu.memory_space<vmem>>
    %dma_start3A_50 = arith.constant 0 : i32
    %dma_start3A_51 = tpu.memref_slice %arg4[%add3A_41, %dma_start3A_50] : memref<5120x128xi32, #tpu.memory_space<hbm>> -> memref<4x128xi32, #tpu.memory_space<hbm>>
    tpu.enqueue_dma source(%dma_start3A_51 : memref<4x128xi32, #tpu.memory_space<hbm>>) target(%dma_start3A_49 : memref<4x128xi32, #tpu.memory_space<vmem>>) target_semaphore(%arg11 : memref<!tpu.dma_semaphore, #tpu.memory_space<semaphore_mem>>)
    %mul3A_52 = arith.constant 10000 : i32
    %mul3A_53 = arith.muli %arg0, %mul3A_52 : i32
    %mul3A_54 = arith.constant 624 : i32
    %mul3A_55 = arith.muli %arg1, %mul3A_54 : i32
    %add3A_56 = arith.addi %mul3A_53, %mul3A_55 : i32
    %mul3A_57 = arith.constant 624 : i32
    %mul3A_58 = arith.muli %arg1, %mul3A_57 : i32
    "tpu.region"() ({
      %run_scoped3A = tpu.sem_alloc : memref<!tpu.dma_semaphore, #tpu.memory_space<semaphore_mem>>
      %dma_start3A_113 = arith.constant 0 : i32
      %dma_start3A_114 = tpu.memref_slice %arg9[%mul3A_58, %dma_start3A_113] : memref<10016x128xf32, #tpu.memory_space<vmem_shared>> -> memref<624x128xf32, #tpu.memory_space<vmem_shared>>
      %dma_start3A_115 = arith.constant 0 : i32
      %dma_start3A_116 = tpu.memref_slice %arg2[%add3A_56, %dma_start3A_115] : memref<20000x128xf32, #tpu.memory_space<hbm>> -> memref<624x128xf32, #tpu.memory_space<hbm>>
      tpu.enqueue_dma source(%dma_start3A_116 : memref<624x128xf32, #tpu.memory_space<hbm>>) target(%dma_start3A_114 : memref<624x128xf32, #tpu.memory_space<vmem_shared>>) target_semaphore(%run_scoped3A : memref<!tpu.dma_semaphore, #tpu.memory_space<semaphore_mem>>)
      %dma_wait3A_117 = arith.constant 0 : i32
      %dma_wait3A_118 = tpu.memref_slice %arg9[%mul3A_58, %dma_wait3A_117] : memref<10016x128xf32, #tpu.memory_space<vmem_shared>> -> memref<624x128xf32, #tpu.memory_space<vmem_shared>>
      %dma_wait3A_119 = arith.constant 0 : i32
      %dma_wait3A_120 = tpu.memref_slice %arg2[%add3A_56, %dma_wait3A_119] : memref<20000x128xf32, #tpu.memory_space<hbm>> -> memref<624x128xf32, #tpu.memory_space<hbm>>
      tpu.wait_dma2 semaphore(%run_scoped3A : memref<!tpu.dma_semaphore, #tpu.memory_space<semaphore_mem>>) src(%dma_wait3A_120 : memref<624x128xf32, #tpu.memory_space<hbm>>) dst(%dma_wait3A_118 : memref<624x128xf32, #tpu.memory_space<vmem_shared>>)
      tpu.yield
    }) : () -> ()
    %eq3A = arith.constant 0 : i32
    %eq3A_59 = arith.cmpi eq, %arg1, %eq3A : i32
    %convert_element_type3A = arith.extui %eq3A_59 : i1 to i32
    %cond3A = arith.constant 0 : i32
    %cond3A_60 = arith.cmpi ne, %convert_element_type3A, %cond3A : i32
    scf.if %cond3A_60 {
      %mul3A_113 = arith.constant 10000 : i32
      %mul3A_114 = arith.muli %arg0, %mul3A_113 : i32
      %add3A_115 = arith.constant 9984 : i32
      %add3A_116 = arith.addi %mul3A_114, %add3A_115 : i32
      "tpu.region"() ({
        %run_scoped3A = tpu.sem_alloc : memref<!tpu.dma_semaphore, #tpu.memory_space<semaphore_mem>>
        %dma_start3A_117 = arith.constant 9984 : i32
        %dma_start3A_118 = arith.constant 0 : i32
        %dma_start3A_119 = tpu.memref_slice %arg9[%dma_start3A_117, %dma_start3A_118] : memref<10016x128xf32, #tpu.memory_space<vmem_shared>> -> memref<16x128xf32, #tpu.memory_space<vmem_shared>>
        %dma_start3A_120 = arith.constant 0 : i32
        %dma_start3A_121 = tpu.memref_slice %arg2[%add3A_116, %dma_start3A_120] : memref<20000x128xf32, #tpu.memory_space<hbm>> -> memref<16x128xf32, #tpu.memory_space<hbm>>
        tpu.enqueue_dma source(%dma_start3A_121 : memref<16x128xf32, #tpu.memory_space<hbm>>) target(%dma_start3A_119 : memref<16x128xf32, #tpu.memory_space<vmem_shared>>) target_semaphore(%run_scoped3A : memref<!tpu.dma_semaphore, #tpu.memory_space<semaphore_mem>>)
        %dma_wait3A_122 = arith.constant 9984 : i32
        %dma_wait3A_123 = arith.constant 0 : i32
        %dma_wait3A_124 = tpu.memref_slice %arg9[%dma_wait3A_122, %dma_wait3A_123] : memref<10016x128xf32, #tpu.memory_space<vmem_shared>> -> memref<16x128xf32, #tpu.memory_space<vmem_shared>>
        %dma_wait3A_125 = arith.constant 0 : i32
        %dma_wait3A_126 = tpu.memref_slice %arg2[%add3A_116, %dma_wait3A_125] : memref<20000x128xf32, #tpu.memory_space<hbm>> -> memref<16x128xf32, #tpu.memory_space<hbm>>
        tpu.wait_dma2 semaphore(%run_scoped3A : memref<!tpu.dma_semaphore, #tpu.memory_space<semaphore_mem>>) src(%dma_wait3A_126 : memref<16x128xf32, #tpu.memory_space<hbm>>) dst(%dma_wait3A_124 : memref<16x128xf32, #tpu.memory_space<vmem_shared>>)
        tpu.yield
      }) : () -> ()
    } else {
    }
    %add3A_61 = arith.constant 0 : i32
    %add3A_62 = arith.addi %mul3A_2, %add3A_61 : i32
    %mul3A_63 = arith.constant 128 : i32
    %mul3A_64 = arith.muli %add3A_62, %mul3A_63 : i32
    %dma_wait3A = arith.constant 0 : i32
    %dma_wait3A_65 = arith.constant 0 : i32
    %dma_wait3A_66 = tpu.memref_slice %arg6[%dma_wait3A, %dma_wait3A_65] : memref<2x512xi32, #tpu.memory_space<vmem>> -> memref<1x512xi32, #tpu.memory_space<vmem>>
    %dma_wait3A_67 = tpu.memref_squeeze %dma_wait3A_66 : memref<1x512xi32, #tpu.memory_space<vmem>> -> memref<512xi32, #tpu.memory_space<vmem>>
    %dma_wait3A_68 = tpu.memref_slice %arg3[%mul3A_64] : memref<655360xi32, #tpu.memory_space<hbm>> -> memref<512xi32, #tpu.memory_space<hbm>>
    %dma_wait3A_69 = arith.constant 0 : i32
    %dma_wait3A_70 = tpu.memref_slice %arg6[%dma_wait3A, %dma_wait3A_69] : memref<2x512xi32, #tpu.memory_space<vmem>> -> memref<1x512xi32, #tpu.memory_space<vmem>>
    %dma_wait3A_71 = tpu.memref_squeeze %dma_wait3A_70 : memref<1x512xi32, #tpu.memory_space<vmem>> -> memref<512xi32, #tpu.memory_space<vmem>>
    %dma_wait3A_72 = tpu.memref_slice %arg3[%mul3A_64] : memref<655360xi32, #tpu.memory_space<hbm>> -> memref<512xi32, #tpu.memory_space<hbm>>
    tpu.wait_dma2 semaphore(%arg10 : memref<!tpu.dma_semaphore, #tpu.memory_space<semaphore_mem>>) src(%dma_wait3A_72 : memref<512xi32, #tpu.memory_space<hbm>>) dst(%dma_wait3A_71 : memref<512xi32, #tpu.memory_space<vmem>>)
    %add3A_73 = arith.constant 0 : i32
    %add3A_74 = arith.addi %mul3A_2, %add3A_73 : i32
    %dma_wait3A_75 = arith.constant 0 : i32
    %dma_wait3A_76 = arith.constant 0 : i32
    %dma_wait3A_77 = tpu.memref_slice %arg7[%dma_wait3A_75, %dma_wait3A_76] : memref<8x128xi32, #tpu.memory_space<vmem>> -> memref<4x128xi32, #tpu.memory_space<vmem>>
    %dma_wait3A_78 = arith.constant 0 : i32
    %dma_wait3A_79 = tpu.memref_slice %arg4[%add3A_74, %dma_wait3A_78] : memref<5120x128xi32, #tpu.memory_space<hbm>> -> memref<4x128xi32, #tpu.memory_space<hbm>>
    %dma_wait3A_80 = arith.constant 0 : i32
    %dma_wait3A_81 = arith.constant 0 : i32
    %dma_wait3A_82 = tpu.memref_slice %arg7[%dma_wait3A_80, %dma_wait3A_81] : memref<8x128xi32, #tpu.memory_space<vmem>> -> memref<4x128xi32, #tpu.memory_space<vmem>>
    %dma_wait3A_83 = arith.constant 0 : i32
    %dma_wait3A_84 = tpu.memref_slice %arg4[%add3A_74, %dma_wait3A_83] : memref<5120x128xi32, #tpu.memory_space<hbm>> -> memref<4x128xi32, #tpu.memory_space<hbm>>
    tpu.wait_dma2 semaphore(%arg11 : memref<!tpu.dma_semaphore, #tpu.memory_space<semaphore_mem>>) src(%dma_wait3A_84 : memref<4x128xi32, #tpu.memory_space<hbm>>) dst(%dma_wait3A_82 : memref<4x128xi32, #tpu.memory_space<vmem>>)
    %dma_start3A_85 = arith.constant 0 : i32
    %dma_start3A_86 = arith.constant 0 : i32
    %dma_start3A_87 = arith.constant 0 : i32
    %dma_start3A_88 = tpu.memref_slice %arg8[%dma_start3A_86, %dma_start3A_87] : memref<256x128xf32, #tpu.memory_space<vmem>> -> memref<128x128xf32, #tpu.memory_space<vmem>>
    %dma_start3A_89 = arith.constant 0 : i32
    %dma_start3A_90 = tpu.memref_slice %arg6[%dma_start3A_85, %dma_start3A_89] : memref<2x512xi32, #tpu.memory_space<vmem>> -> memref<1x128xi32, #tpu.memory_space<vmem>>
    %dma_start3A_91 = tpu.memref_squeeze %dma_start3A_90 : memref<1x128xi32, #tpu.memory_space<vmem>> -> memref<128xi32, #tpu.memory_space<vmem>>
    %dma_start3A_92 = arith.constant 0 : i32
    %dma_start3A_93 = arith.constant 0 : i32
    %dma_start3A_94 = tpu.memref_slice %arg2[%dma_start3A_92, %dma_start3A_93] : memref<20000x128xf32, #tpu.memory_space<hbm>> -> memref<20000x128xf32, #tpu.memory_space<hbm>>
    tpu.enqueue_indirect_dma source(%dma_start3A_94 : memref<20000x128xf32, #tpu.memory_space<hbm>>) target(%dma_start3A_88 : memref<128x128xf32, #tpu.memory_space<vmem>>) offsets(%dma_start3A_91 : memref<128xi32, #tpu.memory_space<vmem>>) semaphore(%arg12 : memref<!tpu.dma_semaphore, #tpu.memory_space<semaphore_mem>>)
    %barrier3A = arith.constant 0 : index
    tpu.barrier barrier_id(%barrier3A)
    %scan3A = arith.constant 0 : i32
    %scan3A_95 = arith.constant 0 : i32
    %scan3A_96 = arith.constant 20 : i32
    %scan3A_97 = arith.addi %scan3A_95, %scan3A_96 : i32
    %scan3A_98 = arith.constant 1 : i32
    scf.for %scan3A_113 = %scan3A_95 to %scan3A_97 step %scan3A_98  : i32 {
      %mul3A_114 = arith.constant 8 : i32
      %mul3A_115 = arith.muli %scan3A_113, %mul3A_114 : i32
      %add3A_116 = arith.constant 0 : i32
      %add3A_117 = arith.addi %mul3A_115, %add3A_116 : i32
      %add3A_118 = arith.constant 1 : i32
      %add3A_119 = arith.addi %add3A_117, %add3A_118 : i32
      %lt3A = arith.constant 160 : i32
      %lt3A_120 = arith.cmpi slt, %add3A_119, %lt3A : i32
      %convert_element_type3A_121 = arith.extui %lt3A_120 : i1 to i32
      %cond3A_122 = arith.constant 0 : i32
      %cond3A_123 = arith.cmpi ne, %convert_element_type3A_121, %cond3A_122 : i32
      scf.if %cond3A_123 {
        %dma_start3A_288 = arith.constant 0 : i32
        %dma_start3A_289 = arith.constant 128 : i32
        %dma_start3A_290 = arith.constant 0 : i32
        %dma_start3A_291 = tpu.memref_slice %arg8[%dma_start3A_289, %dma_start3A_290] : memref<256x128xf32, #tpu.memory_space<vmem>> -> memref<128x128xf32, #tpu.memory_space<vmem>>
        %dma_start3A_292 = arith.constant 128 : i32
        %dma_start3A_293 = tpu.memref_slice %arg6[%dma_start3A_288, %dma_start3A_292] : memref<2x512xi32, #tpu.memory_space<vmem>> -> memref<1x128xi32, #tpu.memory_space<vmem>>
        %dma_start3A_294 = tpu.memref_squeeze %dma_start3A_293 : memref<1x128xi32, #tpu.memory_space<vmem>> -> memref<128xi32, #tpu.memory_space<vmem>>
        %dma_start3A_295 = arith.constant 0 : i32
        %dma_start3A_296 = arith.constant 0 : i32
        %dma_start3A_297 = tpu.memref_slice %arg2[%dma_start3A_295, %dma_start3A_296] : memref<20000x128xf32, #tpu.memory_space<hbm>> -> memref<20000x128xf32, #tpu.memory_space<hbm>>
        tpu.enqueue_indirect_dma source(%dma_start3A_297 : memref<20000x128xf32, #tpu.memory_space<hbm>>) target(%dma_start3A_291 : memref<128x128xf32, #tpu.memory_space<vmem>>) offsets(%dma_start3A_294 : memref<128xi32, #tpu.memory_space<vmem>>) semaphore(%arg12 : memref<!tpu.dma_semaphore, #tpu.memory_space<semaphore_mem>>)
      } else {
      }
      %dma_wait3A_124 = arith.constant 0 : i32
      %dma_wait3A_125 = arith.constant 0 : i32
      %dma_wait3A_126 = arith.constant 0 : i32
      %dma_wait3A_127 = tpu.memref_slice %arg8[%dma_wait3A_125, %dma_wait3A_126] : memref<256x128xf32, #tpu.memory_space<vmem>> -> memref<128x128xf32, #tpu.memory_space<vmem>>
      %dma_wait3A_128 = arith.constant 0 : i32
      %dma_wait3A_129 = tpu.memref_slice %arg6[%dma_wait3A_124, %dma_wait3A_128] : memref<2x512xi32, #tpu.memory_space<vmem>> -> memref<1x128xi32, #tpu.memory_space<vmem>>
      %dma_wait3A_130 = tpu.memref_squeeze %dma_wait3A_129 : memref<1x128xi32, #tpu.memory_space<vmem>> -> memref<128xi32, #tpu.memory_space<vmem>>
      %dma_wait3A_131 = arith.constant 0 : i32
      %dma_wait3A_132 = arith.constant 0 : i32
      %dma_wait3A_133 = tpu.memref_slice %arg2[%dma_wait3A_131, %dma_wait3A_132] : memref<20000x128xf32, #tpu.memory_space<hbm>> -> memref<20000x128xf32, #tpu.memory_space<hbm>>
      tpu.wait_indirect_dma semaphore(%arg12 : memref<!tpu.dma_semaphore, #tpu.memory_space<semaphore_mem>>) src(%dma_wait3A_133 : memref<20000x128xf32, #tpu.memory_space<hbm>>) dst(%dma_wait3A_127 : memref<128x128xf32, #tpu.memory_space<vmem>>)
      %run_scoped3A = arith.constant 0 : i32
      "tpu.region"() ({
        %run_scoped3A_288 = tpu.sem_alloc : memref<!tpu.dma_semaphore, #tpu.memory_space<semaphore_mem>>
        %dma_start3A_289 = arith.constant 0 : i32
        %dma_start3A_290 = arith.constant 0 : i32
        %dma_start3A_291 = tpu.memref_slice %arg8[%dma_start3A_289, %dma_start3A_290] : memref<256x128xf32, #tpu.memory_space<vmem>> -> memref<128x128xf32, #tpu.memory_space<vmem>>
        %dma_start3A_292 = arith.constant 0 : i32
        %dma_start3A_293 = tpu.memref_slice %arg7[%run_scoped3A, %dma_start3A_292] : memref<8x128xi32, #tpu.memory_space<vmem>> -> memref<1x128xi32, #tpu.memory_space<vmem>>
        %dma_start3A_294 = tpu.memref_squeeze %dma_start3A_293 : memref<1x128xi32, #tpu.memory_space<vmem>> -> memref<128xi32, #tpu.memory_space<vmem>>
        %dma_start3A_295 = arith.constant 0 : i32
        %dma_start3A_296 = arith.constant 0 : i32
        %dma_start3A_297 = tpu.memref_slice %arg9[%dma_start3A_295, %dma_start3A_296] : memref<10016x128xf32, #tpu.memory_space<vmem_shared>> -> memref<10016x128xf32, #tpu.memory_space<vmem_shared>>
        tpu.enqueue_indirect_dma source(%dma_start3A_291 : memref<128x128xf32, #tpu.memory_space<vmem>>) target(%dma_start3A_297 : memref<10016x128xf32, #tpu.memory_space<vmem_shared>>) offsets(%dma_start3A_294 : memref<128xi32, #tpu.memory_space<vmem>>) semaphore(%run_scoped3A_288 : memref<!tpu.dma_semaphore, #tpu.memory_space<semaphore_mem>>) {add = true}
        %dma_wait3A_298 = arith.constant 0 : i32
        %dma_wait3A_299 = arith.constant 0 : i32
        %dma_wait3A_300 = tpu.memref_slice %arg8[%dma_wait3A_298, %dma_wait3A_299] : memref<256x128xf32, #tpu.memory_space<vmem>> -> memref<128x128xf32, #tpu.memory_space<vmem>>
        %dma_wait3A_301 = arith.constant 0 : i32
        %dma_wait3A_302 = tpu.memref_slice %arg7[%run_scoped3A, %dma_wait3A_301] : memref<8x128xi32, #tpu.memory_space<vmem>> -> memref<1x128xi32, #tpu.memory_space<vmem>>
        %dma_wait3A_303 = tpu.memref_squeeze %dma_wait3A_302 : memref<1x128xi32, #tpu.memory_space<vmem>> -> memref<128xi32, #tpu.memory_space<vmem>>
        %dma_wait3A_304 = arith.constant 0 : i32
        %dma_wait3A_305 = arith.constant 0 : i32
        %dma_wait3A_306 = tpu.memref_slice %arg9[%dma_wait3A_304, %dma_wait3A_305] : memref<10016x128xf32, #tpu.memory_space<vmem_shared>> -> memref<10016x128xf32, #tpu.memory_space<vmem_shared>>
        tpu.wait_indirect_dma semaphore(%run_scoped3A_288 : memref<!tpu.dma_semaphore, #tpu.memory_space<semaphore_mem>>) src(%dma_wait3A_300 : memref<128x128xf32, #tpu.memory_space<vmem>>) dst(%dma_wait3A_306 : memref<10016x128xf32, #tpu.memory_space<vmem_shared>>)
        tpu.yield
      }) : () -> ()
      %add3A_134 = arith.constant 1 : i32
      %add3A_135 = arith.addi %mul3A_115, %add3A_134 : i32
      %add3A_136 = arith.constant 1 : i32
      %add3A_137 = arith.addi %add3A_135, %add3A_136 : i32
      %lt3A_138 = arith.constant 160 : i32
      %lt3A_139 = arith.cmpi slt, %add3A_137, %lt3A_138 : i32
      %convert_element_type3A_140 = arith.extui %lt3A_139 : i1 to i32
      %cond3A_141 = arith.constant 0 : i32
      %cond3A_142 = arith.cmpi ne, %convert_element_type3A_140, %cond3A_141 : i32
      scf.if %cond3A_142 {
        %dma_start3A_288 = arith.constant 0 : i32
        %dma_start3A_289 = arith.constant 0 : i32
        %dma_start3A_290 = arith.constant 0 : i32
        %dma_start3A_291 = tpu.memref_slice %arg8[%dma_start3A_289, %dma_start3A_290] : memref<256x128xf32, #tpu.memory_space<vmem>> -> memref<128x128xf32, #tpu.memory_space<vmem>>
        %dma_start3A_292 = arith.constant 256 : i32
        %dma_start3A_293 = tpu.memref_slice %arg6[%dma_start3A_288, %dma_start3A_292] : memref<2x512xi32, #tpu.memory_space<vmem>> -> memref<1x128xi32, #tpu.memory_space<vmem>>
        %dma_start3A_294 = tpu.memref_squeeze %dma_start3A_293 : memref<1x128xi32, #tpu.memory_space<vmem>> -> memref<128xi32, #tpu.memory_space<vmem>>
        %dma_start3A_295 = arith.constant 0 : i32
        %dma_start3A_296 = arith.constant 0 : i32
        %dma_start3A_297 = tpu.memref_slice %arg2[%dma_start3A_295, %dma_start3A_296] : memref<20000x128xf32, #tpu.memory_space<hbm>> -> memref<20000x128xf32, #tpu.memory_space<hbm>>
        tpu.enqueue_indirect_dma source(%dma_start3A_297 : memref<20000x128xf32, #tpu.memory_space<hbm>>) target(%dma_start3A_291 : memref<128x128xf32, #tpu.memory_space<vmem>>) offsets(%dma_start3A_294 : memref<128xi32, #tpu.memory_space<vmem>>) semaphore(%arg12 : memref<!tpu.dma_semaphore, #tpu.memory_space<semaphore_mem>>)
      } else {
      }
      %dma_wait3A_143 = arith.constant 0 : i32
      %dma_wait3A_144 = arith.constant 128 : i32
      %dma_wait3A_145 = arith.constant 0 : i32
      %dma_wait3A_146 = tpu.memref_slice %arg8[%dma_wait3A_144, %dma_wait3A_145] : memref<256x128xf32, #tpu.memory_space<vmem>> -> memref<128x128xf32, #tpu.memory_space<vmem>>
      %dma_wait3A_147 = arith.constant 128 : i32
      %dma_wait3A_148 = tpu.memref_slice %arg6[%dma_wait3A_143, %dma_wait3A_147] : memref<2x512xi32, #tpu.memory_space<vmem>> -> memref<1x128xi32, #tpu.memory_space<vmem>>
      %dma_wait3A_149 = tpu.memref_squeeze %dma_wait3A_148 : memref<1x128xi32, #tpu.memory_space<vmem>> -> memref<128xi32, #tpu.memory_space<vmem>>
      %dma_wait3A_150 = arith.constant 0 : i32
      %dma_wait3A_151 = arith.constant 0 : i32
      %dma_wait3A_152 = tpu.memref_slice %arg2[%dma_wait3A_150, %dma_wait3A_151] : memref<20000x128xf32, #tpu.memory_space<hbm>> -> memref<20000x128xf32, #tpu.memory_space<hbm>>
      tpu.wait_indirect_dma semaphore(%arg12 : memref<!tpu.dma_semaphore, #tpu.memory_space<semaphore_mem>>) src(%dma_wait3A_152 : memref<20000x128xf32, #tpu.memory_space<hbm>>) dst(%dma_wait3A_146 : memref<128x128xf32, #tpu.memory_space<vmem>>)
      %run_scoped3A_153 = arith.constant 1 : i32
      "tpu.region"() ({
        %run_scoped3A_288 = tpu.sem_alloc : memref<!tpu.dma_semaphore, #tpu.memory_space<semaphore_mem>>
        %dma_start3A_289 = arith.constant 128 : i32
        %dma_start3A_290 = arith.constant 0 : i32
        %dma_start3A_291 = tpu.memref_slice %arg8[%dma_start3A_289, %dma_start3A_290] : memref<256x128xf32, #tpu.memory_space<vmem>> -> memref<128x128xf32, #tpu.memory_space<vmem>>
        %dma_start3A_292 = arith.constant 0 : i32
        %dma_start3A_293 = tpu.memref_slice %arg7[%run_scoped3A_153, %dma_start3A_292] : memref<8x128xi32, #tpu.memory_space<vmem>> -> memref<1x128xi32, #tpu.memory_space<vmem>>
        %dma_start3A_294 = tpu.memref_squeeze %dma_start3A_293 : memref<1x128xi32, #tpu.memory_space<vmem>> -> memref<128xi32, #tpu.memory_space<vmem>>
        %dma_start3A_295 = arith.constant 0 : i32
        %dma_start3A_296 = arith.constant 0 : i32
        %dma_start3A_297 = tpu.memref_slice %arg9[%dma_start3A_295, %dma_start3A_296] : memref<10016x128xf32, #tpu.memory_space<vmem_shared>> -> memref<10016x128xf32, #tpu.memory_space<vmem_shared>>
        tpu.enqueue_indirect_dma source(%dma_start3A_291 : memref<128x128xf32, #tpu.memory_space<vmem>>) target(%dma_start3A_297 : memref<10016x128xf32, #tpu.memory_space<vmem_shared>>) offsets(%dma_start3A_294 : memref<128xi32, #tpu.memory_space<vmem>>) semaphore(%run_scoped3A_288 : memref<!tpu.dma_semaphore, #tpu.memory_space<semaphore_mem>>) {add = true}
        %dma_wait3A_298 = arith.constant 128 : i32
        %dma_wait3A_299 = arith.constant 0 : i32
        %dma_wait3A_300 = tpu.memref_slice %arg8[%dma_wait3A_298, %dma_wait3A_299] : memref<256x128xf32, #tpu.memory_space<vmem>> -> memref<128x128xf32, #tpu.memory_space<vmem>>
        %dma_wait3A_301 = arith.constant 0 : i32
        %dma_wait3A_302 = tpu.memref_slice %arg7[%run_scoped3A_153, %dma_wait3A_301] : memref<8x128xi32, #tpu.memory_space<vmem>> -> memref<1x128xi32, #tpu.memory_space<vmem>>
        %dma_wait3A_303 = tpu.memref_squeeze %dma_wait3A_302 : memref<1x128xi32, #tpu.memory_space<vmem>> -> memref<128xi32, #tpu.memory_space<vmem>>
        %dma_wait3A_304 = arith.constant 0 : i32
        %dma_wait3A_305 = arith.constant 0 : i32
        %dma_wait3A_306 = tpu.memref_slice %arg9[%dma_wait3A_304, %dma_wait3A_305] : memref<10016x128xf32, #tpu.memory_space<vmem_shared>> -> memref<10016x128xf32, #tpu.memory_space<vmem_shared>>
        tpu.wait_indirect_dma semaphore(%run_scoped3A_288 : memref<!tpu.dma_semaphore, #tpu.memory_space<semaphore_mem>>) src(%dma_wait3A_300 : memref<128x128xf32, #tpu.memory_space<vmem>>) dst(%dma_wait3A_306 : memref<10016x128xf32, #tpu.memory_space<vmem_shared>>)
        tpu.yield
      }) : () -> ()
      %add3A_154 = arith.constant 2 : i32
      %add3A_155 = arith.addi %mul3A_115, %add3A_154 : i32
      %add3A_156 = arith.constant 1 : i32
      %add3A_157 = arith.addi %add3A_155, %add3A_156 : i32
      %lt3A_158 = arith.constant 160 : i32
      %lt3A_159 = arith.cmpi slt, %add3A_157, %lt3A_158 : i32
      %convert_element_type3A_160 = arith.extui %lt3A_159 : i1 to i32
      %cond3A_161 = arith.constant 0 : i32
      %cond3A_162 = arith.cmpi ne, %convert_element_type3A_160, %cond3A_161 : i32
      scf.if %cond3A_162 {
        %dma_start3A_288 = arith.constant 0 : i32
        %dma_start3A_289 = arith.constant 128 : i32
        %dma_start3A_290 = arith.constant 0 : i32
        %dma_start3A_291 = tpu.memref_slice %arg8[%dma_start3A_289, %dma_start3A_290] : memref<256x128xf32, #tpu.memory_space<vmem>> -> memref<128x128xf32, #tpu.memory_space<vmem>>
        %dma_start3A_292 = arith.constant 384 : i32
        %dma_start3A_293 = tpu.memref_slice %arg6[%dma_start3A_288, %dma_start3A_292] : memref<2x512xi32, #tpu.memory_space<vmem>> -> memref<1x128xi32, #tpu.memory_space<vmem>>
        %dma_start3A_294 = tpu.memref_squeeze %dma_start3A_293 : memref<1x128xi32, #tpu.memory_space<vmem>> -> memref<128xi32, #tpu.memory_space<vmem>>
        %dma_start3A_295 = arith.constant 0 : i32
        %dma_start3A_296 = arith.constant 0 : i32
        %dma_start3A_297 = tpu.memref_slice %arg2[%dma_start3A_295, %dma_start3A_296] : memref<20000x128xf32, #tpu.memory_space<hbm>> -> memref<20000x128xf32, #tpu.memory_space<hbm>>
        tpu.enqueue_indirect_dma source(%dma_start3A_297 : memref<20000x128xf32, #tpu.memory_space<hbm>>) target(%dma_start3A_291 : memref<128x128xf32, #tpu.memory_space<vmem>>) offsets(%dma_start3A_294 : memref<128xi32, #tpu.memory_space<vmem>>) semaphore(%arg12 : memref<!tpu.dma_semaphore, #tpu.memory_space<semaphore_mem>>)
      } else {
      }
      %dma_wait3A_163 = arith.constant 0 : i32
      %dma_wait3A_164 = arith.constant 0 : i32
      %dma_wait3A_165 = arith.constant 0 : i32
      %dma_wait3A_166 = tpu.memref_slice %arg8[%dma_wait3A_164, %dma_wait3A_165] : memref<256x128xf32, #tpu.memory_space<vmem>> -> memref<128x128xf32, #tpu.memory_space<vmem>>
      %dma_wait3A_167 = arith.constant 256 : i32
      %dma_wait3A_168 = tpu.memref_slice %arg6[%dma_wait3A_163, %dma_wait3A_167] : memref<2x512xi32, #tpu.memory_space<vmem>> -> memref<1x128xi32, #tpu.memory_space<vmem>>
      %dma_wait3A_169 = tpu.memref_squeeze %dma_wait3A_168 : memref<1x128xi32, #tpu.memory_space<vmem>> -> memref<128xi32, #tpu.memory_space<vmem>>
      %dma_wait3A_170 = arith.constant 0 : i32
      %dma_wait3A_171 = arith.constant 0 : i32
      %dma_wait3A_172 = tpu.memref_slice %arg2[%dma_wait3A_170, %dma_wait3A_171] : memref<20000x128xf32, #tpu.memory_space<hbm>> -> memref<20000x128xf32, #tpu.memory_space<hbm>>
      tpu.wait_indirect_dma semaphore(%arg12 : memref<!tpu.dma_semaphore, #tpu.memory_space<semaphore_mem>>) src(%dma_wait3A_172 : memref<20000x128xf32, #tpu.memory_space<hbm>>) dst(%dma_wait3A_166 : memref<128x128xf32, #tpu.memory_space<vmem>>)
      %run_scoped3A_173 = arith.constant 2 : i32
      "tpu.region"() ({
        %run_scoped3A_288 = tpu.sem_alloc : memref<!tpu.dma_semaphore, #tpu.memory_space<semaphore_mem>>
        %dma_start3A_289 = arith.constant 0 : i32
        %dma_start3A_290 = arith.constant 0 : i32
        %dma_start3A_291 = tpu.memref_slice %arg8[%dma_start3A_289, %dma_start3A_290] : memref<256x128xf32, #tpu.memory_space<vmem>> -> memref<128x128xf32, #tpu.memory_space<vmem>>
        %dma_start3A_292 = arith.constant 0 : i32
        %dma_start3A_293 = tpu.memref_slice %arg7[%run_scoped3A_173, %dma_start3A_292] : memref<8x128xi32, #tpu.memory_space<vmem>> -> memref<1x128xi32, #tpu.memory_space<vmem>>
        %dma_start3A_294 = tpu.memref_squeeze %dma_start3A_293 : memref<1x128xi32, #tpu.memory_space<vmem>> -> memref<128xi32, #tpu.memory_space<vmem>>
        %dma_start3A_295 = arith.constant 0 : i32
        %dma_start3A_296 = arith.constant 0 : i32
        %dma_start3A_297 = tpu.memref_slice %arg9[%dma_start3A_295, %dma_start3A_296] : memref<10016x128xf32, #tpu.memory_space<vmem_shared>> -> memref<10016x128xf32, #tpu.memory_space<vmem_shared>>
        tpu.enqueue_indirect_dma source(%dma_start3A_291 : memref<128x128xf32, #tpu.memory_space<vmem>>) target(%dma_start3A_297 : memref<10016x128xf32, #tpu.memory_space<vmem_shared>>) offsets(%dma_start3A_294 : memref<128xi32, #tpu.memory_space<vmem>>) semaphore(%run_scoped3A_288 : memref<!tpu.dma_semaphore, #tpu.memory_space<semaphore_mem>>) {add = true}
        %dma_wait3A_298 = arith.constant 0 : i32
        %dma_wait3A_299 = arith.constant 0 : i32
        %dma_wait3A_300 = tpu.memref_slice %arg8[%dma_wait3A_298, %dma_wait3A_299] : memref<256x128xf32, #tpu.memory_space<vmem>> -> memref<128x128xf32, #tpu.memory_space<vmem>>
        %dma_wait3A_301 = arith.constant 0 : i32
        %dma_wait3A_302 = tpu.memref_slice %arg7[%run_scoped3A_173, %dma_wait3A_301] : memref<8x128xi32, #tpu.memory_space<vmem>> -> memref<1x128xi32, #tpu.memory_space<vmem>>
        %dma_wait3A_303 = tpu.memref_squeeze %dma_wait3A_302 : memref<1x128xi32, #tpu.memory_space<vmem>> -> memref<128xi32, #tpu.memory_space<vmem>>
        %dma_wait3A_304 = arith.constant 0 : i32
        %dma_wait3A_305 = arith.constant 0 : i32
        %dma_wait3A_306 = tpu.memref_slice %arg9[%dma_wait3A_304, %dma_wait3A_305] : memref<10016x128xf32, #tpu.memory_space<vmem_shared>> -> memref<10016x128xf32, #tpu.memory_space<vmem_shared>>
        tpu.wait_indirect_dma semaphore(%run_scoped3A_288 : memref<!tpu.dma_semaphore, #tpu.memory_space<semaphore_mem>>) src(%dma_wait3A_300 : memref<128x128xf32, #tpu.memory_space<vmem>>) dst(%dma_wait3A_306 : memref<10016x128xf32, #tpu.memory_space<vmem_shared>>)
        tpu.yield
      }) : () -> ()
      %add3A_174 = arith.constant 3 : i32
      %add3A_175 = arith.addi %mul3A_115, %add3A_174 : i32
      %add3A_176 = arith.constant 1 : i32
      %add3A_177 = arith.addi %add3A_175, %add3A_176 : i32
      %lt3A_178 = arith.constant 160 : i32
      %lt3A_179 = arith.cmpi slt, %add3A_177, %lt3A_178 : i32
      %convert_element_type3A_180 = arith.extui %lt3A_179 : i1 to i32
      %cond3A_181 = arith.constant 0 : i32
      %cond3A_182 = arith.cmpi ne, %convert_element_type3A_180, %cond3A_181 : i32
      scf.if %cond3A_182 {
        %mul3A_288 = arith.constant 2 : i32
        %mul3A_289 = arith.muli %scan3A_113, %mul3A_288 : i32
        %add3A_290 = arith.constant 1 : i32
        %add3A_291 = arith.addi %mul3A_289, %add3A_290 : i32
        %mul3A_292 = arith.constant 4 : i32
        %mul3A_293 = arith.muli %add3A_291, %mul3A_292 : i32
        %add3A_294 = arith.addi %mul3A_2, %mul3A_293 : i32
        %mul3A_295 = arith.constant 128 : i32
        %mul3A_296 = arith.muli %add3A_294, %mul3A_295 : i32
        %dma_wait3A_297 = arith.constant 1 : i32
        %dma_wait3A_298 = arith.constant 0 : i32
        %dma_wait3A_299 = tpu.memref_slice %arg6[%dma_wait3A_297, %dma_wait3A_298] : memref<2x512xi32, #tpu.memory_space<vmem>> -> memref<1x512xi32, #tpu.memory_space<vmem>>
        %dma_wait3A_300 = tpu.memref_squeeze %dma_wait3A_299 : memref<1x512xi32, #tpu.memory_space<vmem>> -> memref<512xi32, #tpu.memory_space<vmem>>
        %dma_wait3A_301 = tpu.memref_slice %arg3[%mul3A_296] : memref<655360xi32, #tpu.memory_space<hbm>> -> memref<512xi32, #tpu.memory_space<hbm>>
        %dma_wait3A_302 = arith.constant 0 : i32
        %dma_wait3A_303 = tpu.memref_slice %arg6[%dma_wait3A_297, %dma_wait3A_302] : memref<2x512xi32, #tpu.memory_space<vmem>> -> memref<1x512xi32, #tpu.memory_space<vmem>>
        %dma_wait3A_304 = tpu.memref_squeeze %dma_wait3A_303 : memref<1x512xi32, #tpu.memory_space<vmem>> -> memref<512xi32, #tpu.memory_space<vmem>>
        %dma_wait3A_305 = tpu.memref_slice %arg3[%mul3A_296] : memref<655360xi32, #tpu.memory_space<hbm>> -> memref<512xi32, #tpu.memory_space<hbm>>
        tpu.wait_dma2 semaphore(%arg10 : memref<!tpu.dma_semaphore, #tpu.memory_space<semaphore_mem>>) src(%dma_wait3A_305 : memref<512xi32, #tpu.memory_space<hbm>>) dst(%dma_wait3A_304 : memref<512xi32, #tpu.memory_space<vmem>>)
        %mul3A_306 = arith.constant 4 : i32
        %mul3A_307 = arith.muli %add3A_291, %mul3A_306 : i32
        %add3A_308 = arith.addi %mul3A_2, %mul3A_307 : i32
        %dma_wait3A_309 = arith.constant 4 : i32
        %dma_wait3A_310 = arith.constant 0 : i32
        %dma_wait3A_311 = tpu.memref_slice %arg7[%dma_wait3A_309, %dma_wait3A_310] : memref<8x128xi32, #tpu.memory_space<vmem>> -> memref<4x128xi32, #tpu.memory_space<vmem>>
        %dma_wait3A_312 = arith.constant 0 : i32
        %dma_wait3A_313 = tpu.memref_slice %arg4[%add3A_308, %dma_wait3A_312] : memref<5120x128xi32, #tpu.memory_space<hbm>> -> memref<4x128xi32, #tpu.memory_space<hbm>>
        %dma_wait3A_314 = arith.constant 4 : i32
        %dma_wait3A_315 = arith.constant 0 : i32
        %dma_wait3A_316 = tpu.memref_slice %arg7[%dma_wait3A_314, %dma_wait3A_315] : memref<8x128xi32, #tpu.memory_space<vmem>> -> memref<4x128xi32, #tpu.memory_space<vmem>>
        %dma_wait3A_317 = arith.constant 0 : i32
        %dma_wait3A_318 = tpu.memref_slice %arg4[%add3A_308, %dma_wait3A_317] : memref<5120x128xi32, #tpu.memory_space<hbm>> -> memref<4x128xi32, #tpu.memory_space<hbm>>
        tpu.wait_dma2 semaphore(%arg11 : memref<!tpu.dma_semaphore, #tpu.memory_space<semaphore_mem>>) src(%dma_wait3A_318 : memref<4x128xi32, #tpu.memory_space<hbm>>) dst(%dma_wait3A_316 : memref<4x128xi32, #tpu.memory_space<vmem>>)
        %dma_start3A_319 = arith.constant 1 : i32
        %dma_start3A_320 = arith.constant 0 : i32
        %dma_start3A_321 = arith.constant 0 : i32
        %dma_start3A_322 = tpu.memref_slice %arg8[%dma_start3A_320, %dma_start3A_321] : memref<256x128xf32, #tpu.memory_space<vmem>> -> memref<128x128xf32, #tpu.memory_space<vmem>>
        %dma_start3A_323 = arith.constant 0 : i32
        %dma_start3A_324 = tpu.memref_slice %arg6[%dma_start3A_319, %dma_start3A_323] : memref<2x512xi32, #tpu.memory_space<vmem>> -> memref<1x128xi32, #tpu.memory_space<vmem>>
        %dma_start3A_325 = tpu.memref_squeeze %dma_start3A_324 : memref<1x128xi32, #tpu.memory_space<vmem>> -> memref<128xi32, #tpu.memory_space<vmem>>
        %dma_start3A_326 = arith.constant 0 : i32
        %dma_start3A_327 = arith.constant 0 : i32
        %dma_start3A_328 = tpu.memref_slice %arg2[%dma_start3A_326, %dma_start3A_327] : memref<20000x128xf32, #tpu.memory_space<hbm>> -> memref<20000x128xf32, #tpu.memory_space<hbm>>
        tpu.enqueue_indirect_dma source(%dma_start3A_328 : memref<20000x128xf32, #tpu.memory_space<hbm>>) target(%dma_start3A_322 : memref<128x128xf32, #tpu.memory_space<vmem>>) offsets(%dma_start3A_325 : memref<128xi32, #tpu.memory_space<vmem>>) semaphore(%arg12 : memref<!tpu.dma_semaphore, #tpu.memory_space<semaphore_mem>>)
      } else {
      }
      %dma_wait3A_183 = arith.constant 0 : i32
      %dma_wait3A_184 = arith.constant 128 : i32
      %dma_wait3A_185 = arith.constant 0 : i32
      %dma_wait3A_186 = tpu.memref_slice %arg8[%dma_wait3A_184, %dma_wait3A_185] : memref<256x128xf32, #tpu.memory_space<vmem>> -> memref<128x128xf32, #tpu.memory_space<vmem>>
      %dma_wait3A_187 = arith.constant 384 : i32
      %dma_wait3A_188 = tpu.memref_slice %arg6[%dma_wait3A_183, %dma_wait3A_187] : memref<2x512xi32, #tpu.memory_space<vmem>> -> memref<1x128xi32, #tpu.memory_space<vmem>>
      %dma_wait3A_189 = tpu.memref_squeeze %dma_wait3A_188 : memref<1x128xi32, #tpu.memory_space<vmem>> -> memref<128xi32, #tpu.memory_space<vmem>>
      %dma_wait3A_190 = arith.constant 0 : i32
      %dma_wait3A_191 = arith.constant 0 : i32
      %dma_wait3A_192 = tpu.memref_slice %arg2[%dma_wait3A_190, %dma_wait3A_191] : memref<20000x128xf32, #tpu.memory_space<hbm>> -> memref<20000x128xf32, #tpu.memory_space<hbm>>
      tpu.wait_indirect_dma semaphore(%arg12 : memref<!tpu.dma_semaphore, #tpu.memory_space<semaphore_mem>>) src(%dma_wait3A_192 : memref<20000x128xf32, #tpu.memory_space<hbm>>) dst(%dma_wait3A_186 : memref<128x128xf32, #tpu.memory_space<vmem>>)
      %run_scoped3A_193 = arith.constant 3 : i32
      "tpu.region"() ({
        %run_scoped3A_288 = tpu.sem_alloc : memref<!tpu.dma_semaphore, #tpu.memory_space<semaphore_mem>>
        %dma_start3A_289 = arith.constant 128 : i32
        %dma_start3A_290 = arith.constant 0 : i32
        %dma_start3A_291 = tpu.memref_slice %arg8[%dma_start3A_289, %dma_start3A_290] : memref<256x128xf32, #tpu.memory_space<vmem>> -> memref<128x128xf32, #tpu.memory_space<vmem>>
        %dma_start3A_292 = arith.constant 0 : i32
        %dma_start3A_293 = tpu.memref_slice %arg7[%run_scoped3A_193, %dma_start3A_292] : memref<8x128xi32, #tpu.memory_space<vmem>> -> memref<1x128xi32, #tpu.memory_space<vmem>>
        %dma_start3A_294 = tpu.memref_squeeze %dma_start3A_293 : memref<1x128xi32, #tpu.memory_space<vmem>> -> memref<128xi32, #tpu.memory_space<vmem>>
        %dma_start3A_295 = arith.constant 0 : i32
        %dma_start3A_296 = arith.constant 0 : i32
        %dma_start3A_297 = tpu.memref_slice %arg9[%dma_start3A_295, %dma_start3A_296] : memref<10016x128xf32, #tpu.memory_space<vmem_shared>> -> memref<10016x128xf32, #tpu.memory_space<vmem_shared>>
        tpu.enqueue_indirect_dma source(%dma_start3A_291 : memref<128x128xf32, #tpu.memory_space<vmem>>) target(%dma_start3A_297 : memref<10016x128xf32, #tpu.memory_space<vmem_shared>>) offsets(%dma_start3A_294 : memref<128xi32, #tpu.memory_space<vmem>>) semaphore(%run_scoped3A_288 : memref<!tpu.dma_semaphore, #tpu.memory_space<semaphore_mem>>) {add = true}
        %dma_wait3A_298 = arith.constant 128 : i32
        %dma_wait3A_299 = arith.constant 0 : i32
        %dma_wait3A_300 = tpu.memref_slice %arg8[%dma_wait3A_298, %dma_wait3A_299] : memref<256x128xf32, #tpu.memory_space<vmem>> -> memref<128x128xf32, #tpu.memory_space<vmem>>
        %dma_wait3A_301 = arith.constant 0 : i32
        %dma_wait3A_302 = tpu.memref_slice %arg7[%run_scoped3A_193, %dma_wait3A_301] : memref<8x128xi32, #tpu.memory_space<vmem>> -> memref<1x128xi32, #tpu.memory_space<vmem>>
        %dma_wait3A_303 = tpu.memref_squeeze %dma_wait3A_302 : memref<1x128xi32, #tpu.memory_space<vmem>> -> memref<128xi32, #tpu.memory_space<vmem>>
        %dma_wait3A_304 = arith.constant 0 : i32
        %dma_wait3A_305 = arith.constant 0 : i32
        %dma_wait3A_306 = tpu.memref_slice %arg9[%dma_wait3A_304, %dma_wait3A_305] : memref<10016x128xf32, #tpu.memory_space<vmem_shared>> -> memref<10016x128xf32, #tpu.memory_space<vmem_shared>>
        tpu.wait_indirect_dma semaphore(%run_scoped3A_288 : memref<!tpu.dma_semaphore, #tpu.memory_space<semaphore_mem>>) src(%dma_wait3A_300 : memref<128x128xf32, #tpu.memory_space<vmem>>) dst(%dma_wait3A_306 : memref<10016x128xf32, #tpu.memory_space<vmem_shared>>)
        tpu.yield
      }) : () -> ()
      %add3A_194 = arith.constant 8 : i32
      %add3A_195 = arith.addi %mul3A_115, %add3A_194 : i32
      %lt3A_196 = arith.constant 160 : i32
      %lt3A_197 = arith.cmpi slt, %add3A_195, %lt3A_196 : i32
      %convert_element_type3A_198 = arith.extui %lt3A_197 : i1 to i32
      %cond3A_199 = arith.constant 0 : i32
      %cond3A_200 = arith.cmpi ne, %convert_element_type3A_198, %cond3A_199 : i32
      scf.if %cond3A_200 {
        %mul3A_288 = arith.constant 2 : i32
        %mul3A_289 = arith.muli %scan3A_113, %mul3A_288 : i32
        %add3A_290 = arith.constant 2 : i32
        %add3A_291 = arith.addi %mul3A_289, %add3A_290 : i32
        %mul3A_292 = arith.constant 4 : i32
        %mul3A_293 = arith.muli %add3A_291, %mul3A_292 : i32
        %add3A_294 = arith.addi %mul3A_2, %mul3A_293 : i32
        %mul3A_295 = arith.constant 128 : i32
        %mul3A_296 = arith.muli %add3A_294, %mul3A_295 : i32
        %dma_start3A_297 = arith.constant 0 : i32
        %dma_start3A_298 = arith.constant 0 : i32
        %dma_start3A_299 = tpu.memref_slice %arg6[%dma_start3A_297, %dma_start3A_298] : memref<2x512xi32, #tpu.memory_space<vmem>> -> memref<1x512xi32, #tpu.memory_space<vmem>>
        %dma_start3A_300 = tpu.memref_squeeze %dma_start3A_299 : memref<1x512xi32, #tpu.memory_space<vmem>> -> memref<512xi32, #tpu.memory_space<vmem>>
        %dma_start3A_301 = tpu.memref_slice %arg3[%mul3A_296] : memref<655360xi32, #tpu.memory_space<hbm>> -> memref<512xi32, #tpu.memory_space<hbm>>
        %dma_start3A_302 = arith.constant 0 : i32
        %dma_start3A_303 = tpu.memref_slice %arg6[%dma_start3A_297, %dma_start3A_302] : memref<2x512xi32, #tpu.memory_space<vmem>> -> memref<1x512xi32, #tpu.memory_space<vmem>>
        %dma_start3A_304 = tpu.memref_squeeze %dma_start3A_303 : memref<1x512xi32, #tpu.memory_space<vmem>> -> memref<512xi32, #tpu.memory_space<vmem>>
        %dma_start3A_305 = tpu.memref_slice %arg3[%mul3A_296] : memref<655360xi32, #tpu.memory_space<hbm>> -> memref<512xi32, #tpu.memory_space<hbm>>
        tpu.enqueue_dma source(%dma_start3A_305 : memref<512xi32, #tpu.memory_space<hbm>>) target(%dma_start3A_304 : memref<512xi32, #tpu.memory_space<vmem>>) target_semaphore(%arg10 : memref<!tpu.dma_semaphore, #tpu.memory_space<semaphore_mem>>)
        %mul3A_306 = arith.constant 4 : i32
        %mul3A_307 = arith.muli %add3A_291, %mul3A_306 : i32
        %add3A_308 = arith.addi %mul3A_2, %mul3A_307 : i32
        %dma_start3A_309 = arith.constant 0 : i32
        %dma_start3A_310 = arith.constant 0 : i32
        %dma_start3A_311 = tpu.memref_slice %arg7[%dma_start3A_309, %dma_start3A_310] : memref<8x128xi32, #tpu.memory_space<vmem>> -> memref<4x128xi32, #tpu.memory_space<vmem>>
        %dma_start3A_312 = arith.constant 0 : i32
        %dma_start3A_313 = tpu.memref_slice %arg4[%add3A_308, %dma_start3A_312] : memref<5120x128xi32, #tpu.memory_space<hbm>> -> memref<4x128xi32, #tpu.memory_space<hbm>>
        %dma_start3A_314 = arith.constant 0 : i32
        %dma_start3A_315 = arith.constant 0 : i32
        %dma_start3A_316 = tpu.memref_slice %arg7[%dma_start3A_314, %dma_start3A_315] : memref<8x128xi32, #tpu.memory_space<vmem>> -> memref<4x128xi32, #tpu.memory_space<vmem>>
        %dma_start3A_317 = arith.constant 0 : i32
        %dma_start3A_318 = tpu.memref_slice %arg4[%add3A_308, %dma_start3A_317] : memref<5120x128xi32, #tpu.memory_space<hbm>> -> memref<4x128xi32, #tpu.memory_space<hbm>>
        tpu.enqueue_dma source(%dma_start3A_318 : memref<4x128xi32, #tpu.memory_space<hbm>>) target(%dma_start3A_316 : memref<4x128xi32, #tpu.memory_space<vmem>>) target_semaphore(%arg11 : memref<!tpu.dma_semaphore, #tpu.memory_space<semaphore_mem>>)
      } else {
      }
      %add3A_201 = arith.constant 4 : i32
      %add3A_202 = arith.addi %mul3A_115, %add3A_201 : i32
      %add3A_203 = arith.constant 1 : i32
      %add3A_204 = arith.addi %add3A_202, %add3A_203 : i32
      %lt3A_205 = arith.constant 160 : i32
      %lt3A_206 = arith.cmpi slt, %add3A_204, %lt3A_205 : i32
      %convert_element_type3A_207 = arith.extui %lt3A_206 : i1 to i32
      %cond3A_208 = arith.constant 0 : i32
      %cond3A_209 = arith.cmpi ne, %convert_element_type3A_207, %cond3A_208 : i32
      scf.if %cond3A_209 {
        %dma_start3A_288 = arith.constant 1 : i32
        %dma_start3A_289 = arith.constant 128 : i32
        %dma_start3A_290 = arith.constant 0 : i32
        %dma_start3A_291 = tpu.memref_slice %arg8[%dma_start3A_289, %dma_start3A_290] : memref<256x128xf32, #tpu.memory_space<vmem>> -> memref<128x128xf32, #tpu.memory_space<vmem>>
        %dma_start3A_292 = arith.constant 128 : i32
        %dma_start3A_293 = tpu.memref_slice %arg6[%dma_start3A_288, %dma_start3A_292] : memref<2x512xi32, #tpu.memory_space<vmem>> -> memref<1x128xi32, #tpu.memory_space<vmem>>
        %dma_start3A_294 = tpu.memref_squeeze %dma_start3A_293 : memref<1x128xi32, #tpu.memory_space<vmem>> -> memref<128xi32, #tpu.memory_space<vmem>>
        %dma_start3A_295 = arith.constant 0 : i32
        %dma_start3A_296 = arith.constant 0 : i32
        %dma_start3A_297 = tpu.memref_slice %arg2[%dma_start3A_295, %dma_start3A_296] : memref<20000x128xf32, #tpu.memory_space<hbm>> -> memref<20000x128xf32, #tpu.memory_space<hbm>>
        tpu.enqueue_indirect_dma source(%dma_start3A_297 : memref<20000x128xf32, #tpu.memory_space<hbm>>) target(%dma_start3A_291 : memref<128x128xf32, #tpu.memory_space<vmem>>) offsets(%dma_start3A_294 : memref<128xi32, #tpu.memory_space<vmem>>) semaphore(%arg12 : memref<!tpu.dma_semaphore, #tpu.memory_space<semaphore_mem>>)
      } else {
      }
      %dma_wait3A_210 = arith.constant 1 : i32
      %dma_wait3A_211 = arith.constant 0 : i32
      %dma_wait3A_212 = arith.constant 0 : i32
      %dma_wait3A_213 = tpu.memref_slice %arg8[%dma_wait3A_211, %dma_wait3A_212] : memref<256x128xf32, #tpu.memory_space<vmem>> -> memref<128x128xf32, #tpu.memory_space<vmem>>
      %dma_wait3A_214 = arith.constant 0 : i32
      %dma_wait3A_215 = tpu.memref_slice %arg6[%dma_wait3A_210, %dma_wait3A_214] : memref<2x512xi32, #tpu.memory_space<vmem>> -> memref<1x128xi32, #tpu.memory_space<vmem>>
      %dma_wait3A_216 = tpu.memref_squeeze %dma_wait3A_215 : memref<1x128xi32, #tpu.memory_space<vmem>> -> memref<128xi32, #tpu.memory_space<vmem>>
      %dma_wait3A_217 = arith.constant 0 : i32
      %dma_wait3A_218 = arith.constant 0 : i32
      %dma_wait3A_219 = tpu.memref_slice %arg2[%dma_wait3A_217, %dma_wait3A_218] : memref<20000x128xf32, #tpu.memory_space<hbm>> -> memref<20000x128xf32, #tpu.memory_space<hbm>>
      tpu.wait_indirect_dma semaphore(%arg12 : memref<!tpu.dma_semaphore, #tpu.memory_space<semaphore_mem>>) src(%dma_wait3A_219 : memref<20000x128xf32, #tpu.memory_space<hbm>>) dst(%dma_wait3A_213 : memref<128x128xf32, #tpu.memory_space<vmem>>)
      %run_scoped3A_220 = arith.constant 4 : i32
      "tpu.region"() ({
        %run_scoped3A_288 = tpu.sem_alloc : memref<!tpu.dma_semaphore, #tpu.memory_space<semaphore_mem>>
        %dma_start3A_289 = arith.constant 0 : i32
        %dma_start3A_290 = arith.constant 0 : i32
        %dma_start3A_291 = tpu.memref_slice %arg8[%dma_start3A_289, %dma_start3A_290] : memref<256x128xf32, #tpu.memory_space<vmem>> -> memref<128x128xf32, #tpu.memory_space<vmem>>
        %dma_start3A_292 = arith.constant 0 : i32
        %dma_start3A_293 = tpu.memref_slice %arg7[%run_scoped3A_220, %dma_start3A_292] : memref<8x128xi32, #tpu.memory_space<vmem>> -> memref<1x128xi32, #tpu.memory_space<vmem>>
        %dma_start3A_294 = tpu.memref_squeeze %dma_start3A_293 : memref<1x128xi32, #tpu.memory_space<vmem>> -> memref<128xi32, #tpu.memory_space<vmem>>
        %dma_start3A_295 = arith.constant 0 : i32
        %dma_start3A_296 = arith.constant 0 : i32
        %dma_start3A_297 = tpu.memref_slice %arg9[%dma_start3A_295, %dma_start3A_296] : memref<10016x128xf32, #tpu.memory_space<vmem_shared>> -> memref<10016x128xf32, #tpu.memory_space<vmem_shared>>
        tpu.enqueue_indirect_dma source(%dma_start3A_291 : memref<128x128xf32, #tpu.memory_space<vmem>>) target(%dma_start3A_297 : memref<10016x128xf32, #tpu.memory_space<vmem_shared>>) offsets(%dma_start3A_294 : memref<128xi32, #tpu.memory_space<vmem>>) semaphore(%run_scoped3A_288 : memref<!tpu.dma_semaphore, #tpu.memory_space<semaphore_mem>>) {add = true}
        %dma_wait3A_298 = arith.constant 0 : i32
        %dma_wait3A_299 = arith.constant 0 : i32
        %dma_wait3A_300 = tpu.memref_slice %arg8[%dma_wait3A_298, %dma_wait3A_299] : memref<256x128xf32, #tpu.memory_space<vmem>> -> memref<128x128xf32, #tpu.memory_space<vmem>>
        %dma_wait3A_301 = arith.constant 0 : i32
        %dma_wait3A_302 = tpu.memref_slice %arg7[%run_scoped3A_220, %dma_wait3A_301] : memref<8x128xi32, #tpu.memory_space<vmem>> -> memref<1x128xi32, #tpu.memory_space<vmem>>
        %dma_wait3A_303 = tpu.memref_squeeze %dma_wait3A_302 : memref<1x128xi32, #tpu.memory_space<vmem>> -> memref<128xi32, #tpu.memory_space<vmem>>
        %dma_wait3A_304 = arith.constant 0 : i32
        %dma_wait3A_305 = arith.constant 0 : i32
        %dma_wait3A_306 = tpu.memref_slice %arg9[%dma_wait3A_304, %dma_wait3A_305] : memref<10016x128xf32, #tpu.memory_space<vmem_shared>> -> memref<10016x128xf32, #tpu.memory_space<vmem_shared>>
        tpu.wait_indirect_dma semaphore(%run_scoped3A_288 : memref<!tpu.dma_semaphore, #tpu.memory_space<semaphore_mem>>) src(%dma_wait3A_300 : memref<128x128xf32, #tpu.memory_space<vmem>>) dst(%dma_wait3A_306 : memref<10016x128xf32, #tpu.memory_space<vmem_shared>>)
        tpu.yield
      }) : () -> ()
      %add3A_221 = arith.constant 5 : i32
      %add3A_222 = arith.addi %mul3A_115, %add3A_221 : i32
      %add3A_223 = arith.constant 1 : i32
      %add3A_224 = arith.addi %add3A_222, %add3A_223 : i32
      %lt3A_225 = arith.constant 160 : i32
      %lt3A_226 = arith.cmpi slt, %add3A_224, %lt3A_225 : i32
      %convert_element_type3A_227 = arith.extui %lt3A_226 : i1 to i32
      %cond3A_228 = arith.constant 0 : i32
      %cond3A_229 = arith.cmpi ne, %convert_element_type3A_227, %cond3A_228 : i32
      scf.if %cond3A_229 {
        %dma_start3A_288 = arith.constant 1 : i32
        %dma_start3A_289 = arith.constant 0 : i32
        %dma_start3A_290 = arith.constant 0 : i32
        %dma_start3A_291 = tpu.memref_slice %arg8[%dma_start3A_289, %dma_start3A_290] : memref<256x128xf32, #tpu.memory_space<vmem>> -> memref<128x128xf32, #tpu.memory_space<vmem>>
        %dma_start3A_292 = arith.constant 256 : i32
        %dma_start3A_293 = tpu.memref_slice %arg6[%dma_start3A_288, %dma_start3A_292] : memref<2x512xi32, #tpu.memory_space<vmem>> -> memref<1x128xi32, #tpu.memory_space<vmem>>
        %dma_start3A_294 = tpu.memref_squeeze %dma_start3A_293 : memref<1x128xi32, #tpu.memory_space<vmem>> -> memref<128xi32, #tpu.memory_space<vmem>>
        %dma_start3A_295 = arith.constant 0 : i32
        %dma_start3A_296 = arith.constant 0 : i32
        %dma_start3A_297 = tpu.memref_slice %arg2[%dma_start3A_295, %dma_start3A_296] : memref<20000x128xf32, #tpu.memory_space<hbm>> -> memref<20000x128xf32, #tpu.memory_space<hbm>>
        tpu.enqueue_indirect_dma source(%dma_start3A_297 : memref<20000x128xf32, #tpu.memory_space<hbm>>) target(%dma_start3A_291 : memref<128x128xf32, #tpu.memory_space<vmem>>) offsets(%dma_start3A_294 : memref<128xi32, #tpu.memory_space<vmem>>) semaphore(%arg12 : memref<!tpu.dma_semaphore, #tpu.memory_space<semaphore_mem>>)
      } else {
      }
      %dma_wait3A_230 = arith.constant 1 : i32
      %dma_wait3A_231 = arith.constant 128 : i32
      %dma_wait3A_232 = arith.constant 0 : i32
      %dma_wait3A_233 = tpu.memref_slice %arg8[%dma_wait3A_231, %dma_wait3A_232] : memref<256x128xf32, #tpu.memory_space<vmem>> -> memref<128x128xf32, #tpu.memory_space<vmem>>
      %dma_wait3A_234 = arith.constant 128 : i32
      %dma_wait3A_235 = tpu.memref_slice %arg6[%dma_wait3A_230, %dma_wait3A_234] : memref<2x512xi32, #tpu.memory_space<vmem>> -> memref<1x128xi32, #tpu.memory_space<vmem>>
      %dma_wait3A_236 = tpu.memref_squeeze %dma_wait3A_235 : memref<1x128xi32, #tpu.memory_space<vmem>> -> memref<128xi32, #tpu.memory_space<vmem>>
      %dma_wait3A_237 = arith.constant 0 : i32
      %dma_wait3A_238 = arith.constant 0 : i32
      %dma_wait3A_239 = tpu.memref_slice %arg2[%dma_wait3A_237, %dma_wait3A_238] : memref<20000x128xf32, #tpu.memory_space<hbm>> -> memref<20000x128xf32, #tpu.memory_space<hbm>>
      tpu.wait_indirect_dma semaphore(%arg12 : memref<!tpu.dma_semaphore, #tpu.memory_space<semaphore_mem>>) src(%dma_wait3A_239 : memref<20000x128xf32, #tpu.memory_space<hbm>>) dst(%dma_wait3A_233 : memref<128x128xf32, #tpu.memory_space<vmem>>)
      %run_scoped3A_240 = arith.constant 5 : i32
      "tpu.region"() ({
        %run_scoped3A_288 = tpu.sem_alloc : memref<!tpu.dma_semaphore, #tpu.memory_space<semaphore_mem>>
        %dma_start3A_289 = arith.constant 128 : i32
        %dma_start3A_290 = arith.constant 0 : i32
        %dma_start3A_291 = tpu.memref_slice %arg8[%dma_start3A_289, %dma_start3A_290] : memref<256x128xf32, #tpu.memory_space<vmem>> -> memref<128x128xf32, #tpu.memory_space<vmem>>
        %dma_start3A_292 = arith.constant 0 : i32
        %dma_start3A_293 = tpu.memref_slice %arg7[%run_scoped3A_240, %dma_start3A_292] : memref<8x128xi32, #tpu.memory_space<vmem>> -> memref<1x128xi32, #tpu.memory_space<vmem>>
        %dma_start3A_294 = tpu.memref_squeeze %dma_start3A_293 : memref<1x128xi32, #tpu.memory_space<vmem>> -> memref<128xi32, #tpu.memory_space<vmem>>
        %dma_start3A_295 = arith.constant 0 : i32
        %dma_start3A_296 = arith.constant 0 : i32
        %dma_start3A_297 = tpu.memref_slice %arg9[%dma_start3A_295, %dma_start3A_296] : memref<10016x128xf32, #tpu.memory_space<vmem_shared>> -> memref<10016x128xf32, #tpu.memory_space<vmem_shared>>
        tpu.enqueue_indirect_dma source(%dma_start3A_291 : memref<128x128xf32, #tpu.memory_space<vmem>>) target(%dma_start3A_297 : memref<10016x128xf32, #tpu.memory_space<vmem_shared>>) offsets(%dma_start3A_294 : memref<128xi32, #tpu.memory_space<vmem>>) semaphore(%run_scoped3A_288 : memref<!tpu.dma_semaphore, #tpu.memory_space<semaphore_mem>>) {add = true}
        %dma_wait3A_298 = arith.constant 128 : i32
        %dma_wait3A_299 = arith.constant 0 : i32
        %dma_wait3A_300 = tpu.memref_slice %arg8[%dma_wait3A_298, %dma_wait3A_299] : memref<256x128xf32, #tpu.memory_space<vmem>> -> memref<128x128xf32, #tpu.memory_space<vmem>>
        %dma_wait3A_301 = arith.constant 0 : i32
        %dma_wait3A_302 = tpu.memref_slice %arg7[%run_scoped3A_240, %dma_wait3A_301] : memref<8x128xi32, #tpu.memory_space<vmem>> -> memref<1x128xi32, #tpu.memory_space<vmem>>
        %dma_wait3A_303 = tpu.memref_squeeze %dma_wait3A_302 : memref<1x128xi32, #tpu.memory_space<vmem>> -> memref<128xi32, #tpu.memory_space<vmem>>
        %dma_wait3A_304 = arith.constant 0 : i32
        %dma_wait3A_305 = arith.constant 0 : i32
        %dma_wait3A_306 = tpu.memref_slice %arg9[%dma_wait3A_304, %dma_wait3A_305] : memref<10016x128xf32, #tpu.memory_space<vmem_shared>> -> memref<10016x128xf32, #tpu.memory_space<vmem_shared>>
        tpu.wait_indirect_dma semaphore(%run_scoped3A_288 : memref<!tpu.dma_semaphore, #tpu.memory_space<semaphore_mem>>) src(%dma_wait3A_300 : memref<128x128xf32, #tpu.memory_space<vmem>>) dst(%dma_wait3A_306 : memref<10016x128xf32, #tpu.memory_space<vmem_shared>>)
        tpu.yield
      }) : () -> ()
      %add3A_241 = arith.constant 6 : i32
      %add3A_242 = arith.addi %mul3A_115, %add3A_241 : i32
      %add3A_243 = arith.constant 1 : i32
      %add3A_244 = arith.addi %add3A_242, %add3A_243 : i32
      %lt3A_245 = arith.constant 160 : i32
      %lt3A_246 = arith.cmpi slt, %add3A_244, %lt3A_245 : i32
      %convert_element_type3A_247 = arith.extui %lt3A_246 : i1 to i32
      %cond3A_248 = arith.constant 0 : i32
      %cond3A_249 = arith.cmpi ne, %convert_element_type3A_247, %cond3A_248 : i32
      scf.if %cond3A_249 {
        %dma_start3A_288 = arith.constant 1 : i32
        %dma_start3A_289 = arith.constant 128 : i32
        %dma_start3A_290 = arith.constant 0 : i32
        %dma_start3A_291 = tpu.memref_slice %arg8[%dma_start3A_289, %dma_start3A_290] : memref<256x128xf32, #tpu.memory_space<vmem>> -> memref<128x128xf32, #tpu.memory_space<vmem>>
        %dma_start3A_292 = arith.constant 384 : i32
        %dma_start3A_293 = tpu.memref_slice %arg6[%dma_start3A_288, %dma_start3A_292] : memref<2x512xi32, #tpu.memory_space<vmem>> -> memref<1x128xi32, #tpu.memory_space<vmem>>
        %dma_start3A_294 = tpu.memref_squeeze %dma_start3A_293 : memref<1x128xi32, #tpu.memory_space<vmem>> -> memref<128xi32, #tpu.memory_space<vmem>>
        %dma_start3A_295 = arith.constant 0 : i32
        %dma_start3A_296 = arith.constant 0 : i32
        %dma_start3A_297 = tpu.memref_slice %arg2[%dma_start3A_295, %dma_start3A_296] : memref<20000x128xf32, #tpu.memory_space<hbm>> -> memref<20000x128xf32, #tpu.memory_space<hbm>>
        tpu.enqueue_indirect_dma source(%dma_start3A_297 : memref<20000x128xf32, #tpu.memory_space<hbm>>) target(%dma_start3A_291 : memref<128x128xf32, #tpu.memory_space<vmem>>) offsets(%dma_start3A_294 : memref<128xi32, #tpu.memory_space<vmem>>) semaphore(%arg12 : memref<!tpu.dma_semaphore, #tpu.memory_space<semaphore_mem>>)
      } else {
      }
      %dma_wait3A_250 = arith.constant 1 : i32
      %dma_wait3A_251 = arith.constant 0 : i32
      %dma_wait3A_252 = arith.constant 0 : i32
      %dma_wait3A_253 = tpu.memref_slice %arg8[%dma_wait3A_251, %dma_wait3A_252] : memref<256x128xf32, #tpu.memory_space<vmem>> -> memref<128x128xf32, #tpu.memory_space<vmem>>
      %dma_wait3A_254 = arith.constant 256 : i32
      %dma_wait3A_255 = tpu.memref_slice %arg6[%dma_wait3A_250, %dma_wait3A_254] : memref<2x512xi32, #tpu.memory_space<vmem>> -> memref<1x128xi32, #tpu.memory_space<vmem>>
      %dma_wait3A_256 = tpu.memref_squeeze %dma_wait3A_255 : memref<1x128xi32, #tpu.memory_space<vmem>> -> memref<128xi32, #tpu.memory_space<vmem>>
      %dma_wait3A_257 = arith.constant 0 : i32
      %dma_wait3A_258 = arith.constant 0 : i32
      %dma_wait3A_259 = tpu.memref_slice %arg2[%dma_wait3A_257, %dma_wait3A_258] : memref<20000x128xf32, #tpu.memory_space<hbm>> -> memref<20000x128xf32, #tpu.memory_space<hbm>>
      tpu.wait_indirect_dma semaphore(%arg12 : memref<!tpu.dma_semaphore, #tpu.memory_space<semaphore_mem>>) src(%dma_wait3A_259 : memref<20000x128xf32, #tpu.memory_space<hbm>>) dst(%dma_wait3A_253 : memref<128x128xf32, #tpu.memory_space<vmem>>)
      %run_scoped3A_260 = arith.constant 6 : i32
      "tpu.region"() ({
        %run_scoped3A_288 = tpu.sem_alloc : memref<!tpu.dma_semaphore, #tpu.memory_space<semaphore_mem>>
        %dma_start3A_289 = arith.constant 0 : i32
        %dma_start3A_290 = arith.constant 0 : i32
        %dma_start3A_291 = tpu.memref_slice %arg8[%dma_start3A_289, %dma_start3A_290] : memref<256x128xf32, #tpu.memory_space<vmem>> -> memref<128x128xf32, #tpu.memory_space<vmem>>
        %dma_start3A_292 = arith.constant 0 : i32
        %dma_start3A_293 = tpu.memref_slice %arg7[%run_scoped3A_260, %dma_start3A_292] : memref<8x128xi32, #tpu.memory_space<vmem>> -> memref<1x128xi32, #tpu.memory_space<vmem>>
        %dma_start3A_294 = tpu.memref_squeeze %dma_start3A_293 : memref<1x128xi32, #tpu.memory_space<vmem>> -> memref<128xi32, #tpu.memory_space<vmem>>
        %dma_start3A_295 = arith.constant 0 : i32
        %dma_start3A_296 = arith.constant 0 : i32
        %dma_start3A_297 = tpu.memref_slice %arg9[%dma_start3A_295, %dma_start3A_296] : memref<10016x128xf32, #tpu.memory_space<vmem_shared>> -> memref<10016x128xf32, #tpu.memory_space<vmem_shared>>
        tpu.enqueue_indirect_dma source(%dma_start3A_291 : memref<128x128xf32, #tpu.memory_space<vmem>>) target(%dma_start3A_297 : memref<10016x128xf32, #tpu.memory_space<vmem_shared>>) offsets(%dma_start3A_294 : memref<128xi32, #tpu.memory_space<vmem>>) semaphore(%run_scoped3A_288 : memref<!tpu.dma_semaphore, #tpu.memory_space<semaphore_mem>>) {add = true}
        %dma_wait3A_298 = arith.constant 0 : i32
        %dma_wait3A_299 = arith.constant 0 : i32
        %dma_wait3A_300 = tpu.memref_slice %arg8[%dma_wait3A_298, %dma_wait3A_299] : memref<256x128xf32, #tpu.memory_space<vmem>> -> memref<128x128xf32, #tpu.memory_space<vmem>>
        %dma_wait3A_301 = arith.constant 0 : i32
        %dma_wait3A_302 = tpu.memref_slice %arg7[%run_scoped3A_260, %dma_wait3A_301] : memref<8x128xi32, #tpu.memory_space<vmem>> -> memref<1x128xi32, #tpu.memory_space<vmem>>
        %dma_wait3A_303 = tpu.memref_squeeze %dma_wait3A_302 : memref<1x128xi32, #tpu.memory_space<vmem>> -> memref<128xi32, #tpu.memory_space<vmem>>
        %dma_wait3A_304 = arith.constant 0 : i32
        %dma_wait3A_305 = arith.constant 0 : i32
        %dma_wait3A_306 = tpu.memref_slice %arg9[%dma_wait3A_304, %dma_wait3A_305] : memref<10016x128xf32, #tpu.memory_space<vmem_shared>> -> memref<10016x128xf32, #tpu.memory_space<vmem_shared>>
        tpu.wait_indirect_dma semaphore(%run_scoped3A_288 : memref<!tpu.dma_semaphore, #tpu.memory_space<semaphore_mem>>) src(%dma_wait3A_300 : memref<128x128xf32, #tpu.memory_space<vmem>>) dst(%dma_wait3A_306 : memref<10016x128xf32, #tpu.memory_space<vmem_shared>>)
        tpu.yield
      }) : () -> ()
      %add3A_261 = arith.constant 7 : i32
      %add3A_262 = arith.addi %mul3A_115, %add3A_261 : i32
      %add3A_263 = arith.constant 1 : i32
      %add3A_264 = arith.addi %add3A_262, %add3A_263 : i32
      %lt3A_265 = arith.constant 160 : i32
      %lt3A_266 = arith.cmpi slt, %add3A_264, %lt3A_265 : i32
      %convert_element_type3A_267 = arith.extui %lt3A_266 : i1 to i32
      %cond3A_268 = arith.constant 0 : i32
      %cond3A_269 = arith.cmpi ne, %convert_element_type3A_267, %cond3A_268 : i32
      scf.if %cond3A_269 {
        %mul3A_288 = arith.constant 2 : i32
        %mul3A_289 = arith.muli %scan3A_113, %mul3A_288 : i32
        %add3A_290 = arith.constant 2 : i32
        %add3A_291 = arith.addi %mul3A_289, %add3A_290 : i32
        %mul3A_292 = arith.constant 4 : i32
        %mul3A_293 = arith.muli %add3A_291, %mul3A_292 : i32
        %add3A_294 = arith.addi %mul3A_2, %mul3A_293 : i32
        %mul3A_295 = arith.constant 128 : i32
        %mul3A_296 = arith.muli %add3A_294, %mul3A_295 : i32
        %dma_wait3A_297 = arith.constant 0 : i32
        %dma_wait3A_298 = arith.constant 0 : i32
        %dma_wait3A_299 = tpu.memref_slice %arg6[%dma_wait3A_297, %dma_wait3A_298] : memref<2x512xi32, #tpu.memory_space<vmem>> -> memref<1x512xi32, #tpu.memory_space<vmem>>
        %dma_wait3A_300 = tpu.memref_squeeze %dma_wait3A_299 : memref<1x512xi32, #tpu.memory_space<vmem>> -> memref<512xi32, #tpu.memory_space<vmem>>
        %dma_wait3A_301 = tpu.memref_slice %arg3[%mul3A_296] : memref<655360xi32, #tpu.memory_space<hbm>> -> memref<512xi32, #tpu.memory_space<hbm>>
        %dma_wait3A_302 = arith.constant 0 : i32
        %dma_wait3A_303 = tpu.memref_slice %arg6[%dma_wait3A_297, %dma_wait3A_302] : memref<2x512xi32, #tpu.memory_space<vmem>> -> memref<1x512xi32, #tpu.memory_space<vmem>>
        %dma_wait3A_304 = tpu.memref_squeeze %dma_wait3A_303 : memref<1x512xi32, #tpu.memory_space<vmem>> -> memref<512xi32, #tpu.memory_space<vmem>>
        %dma_wait3A_305 = tpu.memref_slice %arg3[%mul3A_296] : memref<655360xi32, #tpu.memory_space<hbm>> -> memref<512xi32, #tpu.memory_space<hbm>>
        tpu.wait_dma2 semaphore(%arg10 : memref<!tpu.dma_semaphore, #tpu.memory_space<semaphore_mem>>) src(%dma_wait3A_305 : memref<512xi32, #tpu.memory_space<hbm>>) dst(%dma_wait3A_304 : memref<512xi32, #tpu.memory_space<vmem>>)
        %mul3A_306 = arith.constant 4 : i32
        %mul3A_307 = arith.muli %add3A_291, %mul3A_306 : i32
        %add3A_308 = arith.addi %mul3A_2, %mul3A_307 : i32
        %dma_wait3A_309 = arith.constant 0 : i32
        %dma_wait3A_310 = arith.constant 0 : i32
        %dma_wait3A_311 = tpu.memref_slice %arg7[%dma_wait3A_309, %dma_wait3A_310] : memref<8x128xi32, #tpu.memory_space<vmem>> -> memref<4x128xi32, #tpu.memory_space<vmem>>
        %dma_wait3A_312 = arith.constant 0 : i32
        %dma_wait3A_313 = tpu.memref_slice %arg4[%add3A_308, %dma_wait3A_312] : memref<5120x128xi32, #tpu.memory_space<hbm>> -> memref<4x128xi32, #tpu.memory_space<hbm>>
        %dma_wait3A_314 = arith.constant 0 : i32
        %dma_wait3A_315 = arith.constant 0 : i32
        %dma_wait3A_316 = tpu.memref_slice %arg7[%dma_wait3A_314, %dma_wait3A_315] : memref<8x128xi32, #tpu.memory_space<vmem>> -> memref<4x128xi32, #tpu.memory_space<vmem>>
        %dma_wait3A_317 = arith.constant 0 : i32
        %dma_wait3A_318 = tpu.memref_slice %arg4[%add3A_308, %dma_wait3A_317] : memref<5120x128xi32, #tpu.memory_space<hbm>> -> memref<4x128xi32, #tpu.memory_space<hbm>>
        tpu.wait_dma2 semaphore(%arg11 : memref<!tpu.dma_semaphore, #tpu.memory_space<semaphore_mem>>) src(%dma_wait3A_318 : memref<4x128xi32, #tpu.memory_space<hbm>>) dst(%dma_wait3A_316 : memref<4x128xi32, #tpu.memory_space<vmem>>)
        %dma_start3A_319 = arith.constant 0 : i32
        %dma_start3A_320 = arith.constant 0 : i32
        %dma_start3A_321 = arith.constant 0 : i32
        %dma_start3A_322 = tpu.memref_slice %arg8[%dma_start3A_320, %dma_start3A_321] : memref<256x128xf32, #tpu.memory_space<vmem>> -> memref<128x128xf32, #tpu.memory_space<vmem>>
        %dma_start3A_323 = arith.constant 0 : i32
        %dma_start3A_324 = tpu.memref_slice %arg6[%dma_start3A_319, %dma_start3A_323] : memref<2x512xi32, #tpu.memory_space<vmem>> -> memref<1x128xi32, #tpu.memory_space<vmem>>
        %dma_start3A_325 = tpu.memref_squeeze %dma_start3A_324 : memref<1x128xi32, #tpu.memory_space<vmem>> -> memref<128xi32, #tpu.memory_space<vmem>>
        %dma_start3A_326 = arith.constant 0 : i32
        %dma_start3A_327 = arith.constant 0 : i32
        %dma_start3A_328 = tpu.memref_slice %arg2[%dma_start3A_326, %dma_start3A_327] : memref<20000x128xf32, #tpu.memory_space<hbm>> -> memref<20000x128xf32, #tpu.memory_space<hbm>>
        tpu.enqueue_indirect_dma source(%dma_start3A_328 : memref<20000x128xf32, #tpu.memory_space<hbm>>) target(%dma_start3A_322 : memref<128x128xf32, #tpu.memory_space<vmem>>) offsets(%dma_start3A_325 : memref<128xi32, #tpu.memory_space<vmem>>) semaphore(%arg12 : memref<!tpu.dma_semaphore, #tpu.memory_space<semaphore_mem>>)
      } else {
      }
      %dma_wait3A_270 = arith.constant 1 : i32
      %dma_wait3A_271 = arith.constant 128 : i32
      %dma_wait3A_272 = arith.constant 0 : i32
      %dma_wait3A_273 = tpu.memref_slice %arg8[%dma_wait3A_271, %dma_wait3A_272] : memref<256x128xf32, #tpu.memory_space<vmem>> -> memref<128x128xf32, #tpu.memory_space<vmem>>
      %dma_wait3A_274 = arith.constant 384 : i32
      %dma_wait3A_275 = tpu.memref_slice %arg6[%dma_wait3A_270, %dma_wait3A_274] : memref<2x512xi32, #tpu.memory_space<vmem>> -> memref<1x128xi32, #tpu.memory_space<vmem>>
      %dma_wait3A_276 = tpu.memref_squeeze %dma_wait3A_275 : memref<1x128xi32, #tpu.memory_space<vmem>> -> memref<128xi32, #tpu.memory_space<vmem>>
      %dma_wait3A_277 = arith.constant 0 : i32
      %dma_wait3A_278 = arith.constant 0 : i32
      %dma_wait3A_279 = tpu.memref_slice %arg2[%dma_wait3A_277, %dma_wait3A_278] : memref<20000x128xf32, #tpu.memory_space<hbm>> -> memref<20000x128xf32, #tpu.memory_space<hbm>>
      tpu.wait_indirect_dma semaphore(%arg12 : memref<!tpu.dma_semaphore, #tpu.memory_space<semaphore_mem>>) src(%dma_wait3A_279 : memref<20000x128xf32, #tpu.memory_space<hbm>>) dst(%dma_wait3A_273 : memref<128x128xf32, #tpu.memory_space<vmem>>)
      %run_scoped3A_280 = arith.constant 7 : i32
      "tpu.region"() ({
        %run_scoped3A_288 = tpu.sem_alloc : memref<!tpu.dma_semaphore, #tpu.memory_space<semaphore_mem>>
        %dma_start3A_289 = arith.constant 128 : i32
        %dma_start3A_290 = arith.constant 0 : i32
        %dma_start3A_291 = tpu.memref_slice %arg8[%dma_start3A_289, %dma_start3A_290] : memref<256x128xf32, #tpu.memory_space<vmem>> -> memref<128x128xf32, #tpu.memory_space<vmem>>
        %dma_start3A_292 = arith.constant 0 : i32
        %dma_start3A_293 = tpu.memref_slice %arg7[%run_scoped3A_280, %dma_start3A_292] : memref<8x128xi32, #tpu.memory_space<vmem>> -> memref<1x128xi32, #tpu.memory_space<vmem>>
        %dma_start3A_294 = tpu.memref_squeeze %dma_start3A_293 : memref<1x128xi32, #tpu.memory_space<vmem>> -> memref<128xi32, #tpu.memory_space<vmem>>
        %dma_start3A_295 = arith.constant 0 : i32
        %dma_start3A_296 = arith.constant 0 : i32
        %dma_start3A_297 = tpu.memref_slice %arg9[%dma_start3A_295, %dma_start3A_296] : memref<10016x128xf32, #tpu.memory_space<vmem_shared>> -> memref<10016x128xf32, #tpu.memory_space<vmem_shared>>
        tpu.enqueue_indirect_dma source(%dma_start3A_291 : memref<128x128xf32, #tpu.memory_space<vmem>>) target(%dma_start3A_297 : memref<10016x128xf32, #tpu.memory_space<vmem_shared>>) offsets(%dma_start3A_294 : memref<128xi32, #tpu.memory_space<vmem>>) semaphore(%run_scoped3A_288 : memref<!tpu.dma_semaphore, #tpu.memory_space<semaphore_mem>>) {add = true}
        %dma_wait3A_298 = arith.constant 128 : i32
        %dma_wait3A_299 = arith.constant 0 : i32
        %dma_wait3A_300 = tpu.memref_slice %arg8[%dma_wait3A_298, %dma_wait3A_299] : memref<256x128xf32, #tpu.memory_space<vmem>> -> memref<128x128xf32, #tpu.memory_space<vmem>>
        %dma_wait3A_301 = arith.constant 0 : i32
        %dma_wait3A_302 = tpu.memref_slice %arg7[%run_scoped3A_280, %dma_wait3A_301] : memref<8x128xi32, #tpu.memory_space<vmem>> -> memref<1x128xi32, #tpu.memory_space<vmem>>
        %dma_wait3A_303 = tpu.memref_squeeze %dma_wait3A_302 : memref<1x128xi32, #tpu.memory_space<vmem>> -> memref<128xi32, #tpu.memory_space<vmem>>
        %dma_wait3A_304 = arith.constant 0 : i32
        %dma_wait3A_305 = arith.constant 0 : i32
        %dma_wait3A_306 = tpu.memref_slice %arg9[%dma_wait3A_304, %dma_wait3A_305] : memref<10016x128xf32, #tpu.memory_space<vmem_shared>> -> memref<10016x128xf32, #tpu.memory_space<vmem_shared>>
        tpu.wait_indirect_dma semaphore(%run_scoped3A_288 : memref<!tpu.dma_semaphore, #tpu.memory_space<semaphore_mem>>) src(%dma_wait3A_300 : memref<128x128xf32, #tpu.memory_space<vmem>>) dst(%dma_wait3A_306 : memref<10016x128xf32, #tpu.memory_space<vmem_shared>>)
        tpu.yield
      }) : () -> ()
      %add3A_281 = arith.constant 12 : i32
      %add3A_282 = arith.addi %mul3A_115, %add3A_281 : i32
      %lt3A_283 = arith.constant 160 : i32
      %lt3A_284 = arith.cmpi slt, %add3A_282, %lt3A_283 : i32
      %convert_element_type3A_285 = arith.extui %lt3A_284 : i1 to i32
      %cond3A_286 = arith.constant 0 : i32
      %cond3A_287 = arith.cmpi ne, %convert_element_type3A_285, %cond3A_286 : i32
      scf.if %cond3A_287 {
        %mul3A_288 = arith.constant 2 : i32
        %mul3A_289 = arith.muli %scan3A_113, %mul3A_288 : i32
        %add3A_290 = arith.constant 3 : i32
        %add3A_291 = arith.addi %mul3A_289, %add3A_290 : i32
        %mul3A_292 = arith.constant 4 : i32
        %mul3A_293 = arith.muli %add3A_291, %mul3A_292 : i32
        %add3A_294 = arith.addi %mul3A_2, %mul3A_293 : i32
        %mul3A_295 = arith.constant 128 : i32
        %mul3A_296 = arith.muli %add3A_294, %mul3A_295 : i32
        %dma_start3A_297 = arith.constant 1 : i32
        %dma_start3A_298 = arith.constant 0 : i32
        %dma_start3A_299 = tpu.memref_slice %arg6[%dma_start3A_297, %dma_start3A_298] : memref<2x512xi32, #tpu.memory_space<vmem>> -> memref<1x512xi32, #tpu.memory_space<vmem>>
        %dma_start3A_300 = tpu.memref_squeeze %dma_start3A_299 : memref<1x512xi32, #tpu.memory_space<vmem>> -> memref<512xi32, #tpu.memory_space<vmem>>
        %dma_start3A_301 = tpu.memref_slice %arg3[%mul3A_296] : memref<655360xi32, #tpu.memory_space<hbm>> -> memref<512xi32, #tpu.memory_space<hbm>>
        %dma_start3A_302 = arith.constant 0 : i32
        %dma_start3A_303 = tpu.memref_slice %arg6[%dma_start3A_297, %dma_start3A_302] : memref<2x512xi32, #tpu.memory_space<vmem>> -> memref<1x512xi32, #tpu.memory_space<vmem>>
        %dma_start3A_304 = tpu.memref_squeeze %dma_start3A_303 : memref<1x512xi32, #tpu.memory_space<vmem>> -> memref<512xi32, #tpu.memory_space<vmem>>
        %dma_start3A_305 = tpu.memref_slice %arg3[%mul3A_296] : memref<655360xi32, #tpu.memory_space<hbm>> -> memref<512xi32, #tpu.memory_space<hbm>>
        tpu.enqueue_dma source(%dma_start3A_305 : memref<512xi32, #tpu.memory_space<hbm>>) target(%dma_start3A_304 : memref<512xi32, #tpu.memory_space<vmem>>) target_semaphore(%arg10 : memref<!tpu.dma_semaphore, #tpu.memory_space<semaphore_mem>>)
        %mul3A_306 = arith.constant 4 : i32
        %mul3A_307 = arith.muli %add3A_291, %mul3A_306 : i32
        %add3A_308 = arith.addi %mul3A_2, %mul3A_307 : i32
        %dma_start3A_309 = arith.constant 4 : i32
        %dma_start3A_310 = arith.constant 0 : i32
        %dma_start3A_311 = tpu.memref_slice %arg7[%dma_start3A_309, %dma_start3A_310] : memref<8x128xi32, #tpu.memory_space<vmem>> -> memref<4x128xi32, #tpu.memory_space<vmem>>
        %dma_start3A_312 = arith.constant 0 : i32
        %dma_start3A_313 = tpu.memref_slice %arg4[%add3A_308, %dma_start3A_312] : memref<5120x128xi32, #tpu.memory_space<hbm>> -> memref<4x128xi32, #tpu.memory_space<hbm>>
        %dma_start3A_314 = arith.constant 4 : i32
        %dma_start3A_315 = arith.constant 0 : i32
        %dma_start3A_316 = tpu.memref_slice %arg7[%dma_start3A_314, %dma_start3A_315] : memref<8x128xi32, #tpu.memory_space<vmem>> -> memref<4x128xi32, #tpu.memory_space<vmem>>
        %dma_start3A_317 = arith.constant 0 : i32
        %dma_start3A_318 = tpu.memref_slice %arg4[%add3A_308, %dma_start3A_317] : memref<5120x128xi32, #tpu.memory_space<hbm>> -> memref<4x128xi32, #tpu.memory_space<hbm>>
        tpu.enqueue_dma source(%dma_start3A_318 : memref<4x128xi32, #tpu.memory_space<hbm>>) target(%dma_start3A_316 : memref<4x128xi32, #tpu.memory_space<vmem>>) target_semaphore(%arg11 : memref<!tpu.dma_semaphore, #tpu.memory_space<semaphore_mem>>)
      } else {
      }
    }
    %scan3A_99 = arith.constant 20 : i32
    %barrier3A_100 = arith.constant 0 : index
    tpu.barrier barrier_id(%barrier3A_100)
    %mul3A_101 = arith.constant 624 : i32
    %mul3A_102 = arith.muli %arg1, %mul3A_101 : i32
    %mul3A_103 = arith.constant 10000 : i32
    %mul3A_104 = arith.muli %arg0, %mul3A_103 : i32
    %mul3A_105 = arith.constant 624 : i32
    %mul3A_106 = arith.muli %arg1, %mul3A_105 : i32
    %add3A_107 = arith.addi %mul3A_104, %mul3A_106 : i32
    "tpu.region"() ({
      %run_scoped3A = tpu.sem_alloc : memref<!tpu.dma_semaphore, #tpu.memory_space<semaphore_mem>>
      %dma_start3A_113 = arith.constant 0 : i32
      %dma_start3A_114 = tpu.memref_slice %arg5[%add3A_107, %dma_start3A_113] : memref<20000x128xf32, #tpu.memory_space<hbm>> -> memref<624x128xf32, #tpu.memory_space<hbm>>
      %dma_start3A_115 = arith.constant 0 : i32
      %dma_start3A_116 = tpu.memref_slice %arg9[%mul3A_102, %dma_start3A_115] : memref<10016x128xf32, #tpu.memory_space<vmem_shared>> -> memref<624x128xf32, #tpu.memory_space<vmem_shared>>
      tpu.enqueue_dma source(%dma_start3A_116 : memref<624x128xf32, #tpu.memory_space<vmem_shared>>) target(%dma_start3A_114 : memref<624x128xf32, #tpu.memory_space<hbm>>) target_semaphore(%run_scoped3A : memref<!tpu.dma_semaphore, #tpu.memory_space<semaphore_mem>>)
      %dma_wait3A_117 = arith.constant 0 : i32
      %dma_wait3A_118 = tpu.memref_slice %arg5[%add3A_107, %dma_wait3A_117] : memref<20000x128xf32, #tpu.memory_space<hbm>> -> memref<624x128xf32, #tpu.memory_space<hbm>>
      %dma_wait3A_119 = arith.constant 0 : i32
      %dma_wait3A_120 = tpu.memref_slice %arg9[%mul3A_102, %dma_wait3A_119] : memref<10016x128xf32, #tpu.memory_space<vmem_shared>> -> memref<624x128xf32, #tpu.memory_space<vmem_shared>>
      tpu.wait_dma2 semaphore(%run_scoped3A : memref<!tpu.dma_semaphore, #tpu.memory_space<semaphore_mem>>) src(%dma_wait3A_120 : memref<624x128xf32, #tpu.memory_space<vmem_shared>>) dst(%dma_wait3A_118 : memref<624x128xf32, #tpu.memory_space<hbm>>)
      tpu.yield
    }) : () -> ()
    %eq3A_108 = arith.constant 0 : i32
    %eq3A_109 = arith.cmpi eq, %arg1, %eq3A_108 : i32
    %convert_element_type3A_110 = arith.extui %eq3A_109 : i1 to i32
    %cond3A_111 = arith.constant 0 : i32
    %cond3A_112 = arith.cmpi ne, %convert_element_type3A_110, %cond3A_111 : i32
    scf.if %cond3A_112 {
      %mul3A_113 = arith.constant 10000 : i32
      %mul3A_114 = arith.muli %arg0, %mul3A_113 : i32
      %add3A_115 = arith.constant 9984 : i32
      %add3A_116 = arith.addi %mul3A_114, %add3A_115 : i32
      "tpu.region"() ({
        %run_scoped3A = tpu.sem_alloc : memref<!tpu.dma_semaphore, #tpu.memory_space<semaphore_mem>>
        %dma_start3A_117 = arith.constant 0 : i32
        %dma_start3A_118 = tpu.memref_slice %arg5[%add3A_116, %dma_start3A_117] : memref<20000x128xf32, #tpu.memory_space<hbm>> -> memref<16x128xf32, #tpu.memory_space<hbm>>
        %dma_start3A_119 = arith.constant 9984 : i32
        %dma_start3A_120 = arith.constant 0 : i32
        %dma_start3A_121 = tpu.memref_slice %arg9[%dma_start3A_119, %dma_start3A_120] : memref<10016x128xf32, #tpu.memory_space<vmem_shared>> -> memref<16x128xf32, #tpu.memory_space<vmem_shared>>
        tpu.enqueue_dma source(%dma_start3A_121 : memref<16x128xf32, #tpu.memory_space<vmem_shared>>) target(%dma_start3A_118 : memref<16x128xf32, #tpu.memory_space<hbm>>) target_semaphore(%run_scoped3A : memref<!tpu.dma_semaphore, #tpu.memory_space<semaphore_mem>>)
        %dma_wait3A_122 = arith.constant 0 : i32
        %dma_wait3A_123 = tpu.memref_slice %arg5[%add3A_116, %dma_wait3A_122] : memref<20000x128xf32, #tpu.memory_space<hbm>> -> memref<16x128xf32, #tpu.memory_space<hbm>>
        %dma_wait3A_124 = arith.constant 9984 : i32
        %dma_wait3A_125 = arith.constant 0 : i32
        %dma_wait3A_126 = tpu.memref_slice %arg9[%dma_wait3A_124, %dma_wait3A_125] : memref<10016x128xf32, #tpu.memory_space<vmem_shared>> -> memref<16x128xf32, #tpu.memory_space<vmem_shared>>
        tpu.wait_dma2 semaphore(%run_scoped3A : memref<!tpu.dma_semaphore, #tpu.memory_space<semaphore_mem>>) src(%dma_wait3A_126 : memref<16x128xf32, #tpu.memory_space<vmem_shared>>) dst(%dma_wait3A_123 : memref<16x128xf32, #tpu.memory_space<hbm>>)
        tpu.yield
      }) : () -> ()
    } else {
    }
    return
  }
}

#map = affine_map<(d0, d1) -> (0, 0)>
#map1 = affine_map<(d0, d1) -> (0)>
module attributes {stable_mosaic.version = 14 : i64} {
  func.func @_scatter_body(%arg0: i32, %arg1: i32, %arg2: memref<20000x128xf32, #tpu.memory_space<hbm>>, %arg3: memref<655360xi32, #tpu.memory_space<hbm>>, %arg4: memref<5120x128xi32, #tpu.memory_space<hbm>>, %arg5: memref<20000x128xf32, #tpu.memory_space<hbm>>, %arg6: memref<2x512xi32, #tpu.memory_space<vmem>>, %arg7: memref<8x128xi32, #tpu.memory_space<vmem>>, %arg8: memref<256x128xf32, #tpu.memory_space<vmem>>, %arg9: memref<10016x128xf32, #tpu.memory_space<vmem_shared>>, %arg10: memref<!tpu.dma_semaphore, #tpu.memory_space<semaphore_mem>>, %arg11: memref<!tpu.dma_semaphore, #tpu.memory_space<semaphore_mem>>, %arg12: memref<!tpu.dma_semaphore, #tpu.memory_space<semaphore_mem>>) attributes {dimension_semantics = [#tpu.dimension_semantics<core_parallel>, #tpu.dimension_semantics<subcore_parallel>], iteration_bounds = array<i64: 2, 16>, scalar_prefetch = 0 : i64, scratch_operands = 7 : i64, tpu.core_type = #tpu.core_type<sc_vector_subcore>, window_params = [{transform_indices = #map}, {transform_indices = #map1}, {transform_indices = #map}, {transform_indices = #map}]} {
    %mul3A = arith.constant 16 : i32
    %mul3A_0 = arith.muli %arg0, %mul3A : i32
    %add3A = arith.addi %mul3A_0, %arg1 : i32
    %mul3A_1 = arith.constant 160 : i32
    %mul3A_2 = arith.muli %add3A, %mul3A_1 : i32
    %add3A_3 = arith.constant 0 : i32
    %add3A_4 = arith.addi %mul3A_2, %add3A_3 : i32
    %mul3A_5 = arith.constant 128 : i32
    %mul3A_6 = arith.muli %add3A_4, %mul3A_5 : i32
    %dma_start3A = arith.constant 0 : i32
    %dma_start3A_7 = arith.constant 0 : i32
    %dma_start3A_8 = tpu.memref_slice %arg6[%dma_start3A, %dma_start3A_7] : memref<2x512xi32, #tpu.memory_space<vmem>> -> memref<1x512xi32, #tpu.memory_space<vmem>>
    %dma_start3A_9 = tpu.memref_squeeze %dma_start3A_8 : memref<1x512xi32, #tpu.memory_space<vmem>> -> memref<512xi32, #tpu.memory_space<vmem>>
    %dma_start3A_10 = tpu.memref_slice %arg3[%mul3A_6] : memref<655360xi32, #tpu.memory_space<hbm>> -> memref<512xi32, #tpu.memory_space<hbm>>
    %dma_start3A_11 = arith.constant 0 : i32
    %dma_start3A_12 = tpu.memref_slice %arg6[%dma_start3A, %dma_start3A_11] : memref<2x512xi32, #tpu.memory_space<vmem>> -> memref<1x512xi32, #tpu.memory_space<vmem>>
    %dma_start3A_13 = tpu.memref_squeeze %dma_start3A_12 : memref<1x512xi32, #tpu.memory_space<vmem>> -> memref<512xi32, #tpu.memory_space<vmem>>
    %dma_start3A_14 = tpu.memref_slice %arg3[%mul3A_6] : memref<655360xi32, #tpu.memory_space<hbm>> -> memref<512xi32, #tpu.memory_space<hbm>>
    tpu.enqueue_dma source(%dma_start3A_14 : memref<512xi32, #tpu.memory_space<hbm>>) target(%dma_start3A_13 : memref<512xi32, #tpu.memory_space<vmem>>) target_semaphore(%arg10 : memref<!tpu.dma_semaphore, #tpu.memory_space<semaphore_mem>>)
    %add3A_15 = arith.constant 0 : i32
    %add3A_16 = arith.addi %mul3A_2, %add3A_15 : i32
    %dma_start3A_17 = arith.constant 0 : i32
    %dma_start3A_18 = arith.constant 0 : i32
    %dma_start3A_19 = tpu.memref_slice %arg7[%dma_start3A_17, %dma_start3A_18] : memref<8x128xi32, #tpu.memory_space<vmem>> -> memref<4x128xi32, #tpu.memory_space<vmem>>
    %dma_start3A_20 = arith.constant 0 : i32
    %dma_start3A_21 = tpu.memref_slice %arg4[%add3A_16, %dma_start3A_20] : memref<5120x128xi32, #tpu.memory_space<hbm>> -> memref<4x128xi32, #tpu.memory_space<hbm>>
    %dma_start3A_22 = arith.constant 0 : i32
    %dma_start3A_23 = arith.constant 0 : i32
    %dma_start3A_24 = tpu.memref_slice %arg7[%dma_start3A_22, %dma_start3A_23] : memref<8x128xi32, #tpu.memory_space<vmem>> -> memref<4x128xi32, #tpu.memory_space<vmem>>
    %dma_start3A_25 = arith.constant 0 : i32
    %dma_start3A_26 = tpu.memref_slice %arg4[%add3A_16, %dma_start3A_25] : memref<5120x128xi32, #tpu.memory_space<hbm>> -> memref<4x128xi32, #tpu.memory_space<hbm>>
    tpu.enqueue_dma source(%dma_start3A_26 : memref<4x128xi32, #tpu.memory_space<hbm>>) target(%dma_start3A_24 : memref<4x128xi32, #tpu.memory_space<vmem>>) target_semaphore(%arg11 : memref<!tpu.dma_semaphore, #tpu.memory_space<semaphore_mem>>)
    %add3A_27 = arith.constant 4 : i32
    %add3A_28 = arith.addi %mul3A_2, %add3A_27 : i32
    %mul3A_29 = arith.constant 128 : i32
    %mul3A_30 = arith.muli %add3A_28, %mul3A_29 : i32
    %dma_start3A_31 = arith.constant 1 : i32
    %dma_start3A_32 = arith.constant 0 : i32
    %dma_start3A_33 = tpu.memref_slice %arg6[%dma_start3A_31, %dma_start3A_32] : memref<2x512xi32, #tpu.memory_space<vmem>> -> memref<1x512xi32, #tpu.memory_space<vmem>>
    %dma_start3A_34 = tpu.memref_squeeze %dma_start3A_33 : memref<1x512xi32, #tpu.memory_space<vmem>> -> memref<512xi32, #tpu.memory_space<vmem>>
    %dma_start3A_35 = tpu.memref_slice %arg3[%mul3A_30] : memref<655360xi32, #tpu.memory_space<hbm>> -> memref<512xi32, #tpu.memory_space<hbm>>
    %dma_start3A_36 = arith.constant 0 : i32
    %dma_start3A_37 = tpu.memref_slice %arg6[%dma_start3A_31, %dma_start3A_36] : memref<2x512xi32, #tpu.memory_space<vmem>> -> memref<1x512xi32, #tpu.memory_space<vmem>>
    %dma_start3A_38 = tpu.memref_squeeze %dma_start3A_37 : memref<1x512xi32, #tpu.memory_space<vmem>> -> memref<512xi32, #tpu.memory_space<vmem>>
    %dma_start3A_39 = tpu.memref_slice %arg3[%mul3A_30] : memref<655360xi32, #tpu.memory_space<hbm>> -> memref<512xi32, #tpu.memory_space<hbm>>
    tpu.enqueue_dma source(%dma_start3A_39 : memref<512xi32, #tpu.memory_space<hbm>>) target(%dma_start3A_38 : memref<512xi32, #tpu.memory_space<vmem>>) target_semaphore(%arg10 : memref<!tpu.dma_semaphore, #tpu.memory_space<semaphore_mem>>)
    %add3A_40 = arith.constant 4 : i32
    %add3A_41 = arith.addi %mul3A_2, %add3A_40 : i32
    %dma_start3A_42 = arith.constant 4 : i32
    %dma_start3A_43 = arith.constant 0 : i32
    %dma_start3A_44 = tpu.memref_slice %arg7[%dma_start3A_42, %dma_start3A_43] : memref<8x128xi32, #tpu.memory_space<vmem>> -> memref<4x128xi32, #tpu.memory_space<vmem>>
    %dma_start3A_45 = arith.constant 0 : i32
    %dma_start3A_46 = tpu.memref_slice %arg4[%add3A_41, %dma_start3A_45] : memref<5120x128xi32, #tpu.memory_space<hbm>> -> memref<4x128xi32, #tpu.memory_space<hbm>>
    %dma_start3A_47 = arith.constant 4 : i32
    %dma_start3A_48 = arith.constant 0 : i32
    %dma_start3A_49 = tpu.memref_slice %arg7[%dma_start3A_47, %dma_start3A_48] : memref<8x128xi32, #tpu.memory_space<vmem>> -> memref<4x128xi32, #tpu.memory_space<vmem>>
    %dma_start3A_50 = arith.constant 0 : i32
    %dma_start3A_51 = tpu.memref_slice %arg4[%add3A_41, %dma_start3A_50] : memref<5120x128xi32, #tpu.memory_space<hbm>> -> memref<4x128xi32, #tpu.memory_space<hbm>>
    tpu.enqueue_dma source(%dma_start3A_51 : memref<4x128xi32, #tpu.memory_space<hbm>>) target(%dma_start3A_49 : memref<4x128xi32, #tpu.memory_space<vmem>>) target_semaphore(%arg11 : memref<!tpu.dma_semaphore, #tpu.memory_space<semaphore_mem>>)
    %mul3A_52 = arith.constant 10000 : i32
    %mul3A_53 = arith.muli %arg0, %mul3A_52 : i32
    %mul3A_54 = arith.constant 624 : i32
    %mul3A_55 = arith.muli %arg1, %mul3A_54 : i32
    %add3A_56 = arith.addi %mul3A_53, %mul3A_55 : i32
    %mul3A_57 = arith.constant 624 : i32
    %mul3A_58 = arith.muli %arg1, %mul3A_57 : i32
    "tpu.region"() ({
      %run_scoped3A = tpu.sem_alloc : memref<!tpu.dma_semaphore, #tpu.memory_space<semaphore_mem>>
      %dma_start3A_113 = arith.constant 0 : i32
      %dma_start3A_114 = tpu.memref_slice %arg9[%mul3A_58, %dma_start3A_113] : memref<10016x128xf32, #tpu.memory_space<vmem_shared>> -> memref<624x128xf32, #tpu.memory_space<vmem_shared>>
      %dma_start3A_115 = arith.constant 0 : i32
      %dma_start3A_116 = tpu.memref_slice %arg2[%add3A_56, %dma_start3A_115] : memref<20000x128xf32, #tpu.memory_space<hbm>> -> memref<624x128xf32, #tpu.memory_space<hbm>>
      tpu.enqueue_dma source(%dma_start3A_116 : memref<624x128xf32, #tpu.memory_space<hbm>>) target(%dma_start3A_114 : memref<624x128xf32, #tpu.memory_space<vmem_shared>>) target_semaphore(%run_scoped3A : memref<!tpu.dma_semaphore, #tpu.memory_space<semaphore_mem>>)
      %dma_wait3A_117 = arith.constant 0 : i32
      %dma_wait3A_118 = tpu.memref_slice %arg9[%mul3A_58, %dma_wait3A_117] : memref<10016x128xf32, #tpu.memory_space<vmem_shared>> -> memref<624x128xf32, #tpu.memory_space<vmem_shared>>
      %dma_wait3A_119 = arith.constant 0 : i32
      %dma_wait3A_120 = tpu.memref_slice %arg2[%add3A_56, %dma_wait3A_119] : memref<20000x128xf32, #tpu.memory_space<hbm>> -> memref<624x128xf32, #tpu.memory_space<hbm>>
      tpu.wait_dma2 semaphore(%run_scoped3A : memref<!tpu.dma_semaphore, #tpu.memory_space<semaphore_mem>>) src(%dma_wait3A_120 : memref<624x128xf32, #tpu.memory_space<hbm>>) dst(%dma_wait3A_118 : memref<624x128xf32, #tpu.memory_space<vmem_shared>>)
      tpu.yield
    }) : () -> ()
    %eq3A = arith.constant 0 : i32
    %eq3A_59 = arith.cmpi eq, %arg1, %eq3A : i32
    %convert_element_type3A = arith.extui %eq3A_59 : i1 to i32
    %cond3A = arith.constant 0 : i32
    %cond3A_60 = arith.cmpi ne, %convert_element_type3A, %cond3A : i32
    scf.if %cond3A_60 {
      %mul3A_113 = arith.constant 10000 : i32
      %mul3A_114 = arith.muli %arg0, %mul3A_113 : i32
      %add3A_115 = arith.constant 9984 : i32
      %add3A_116 = arith.addi %mul3A_114, %add3A_115 : i32
      "tpu.region"() ({
        %run_scoped3A = tpu.sem_alloc : memref<!tpu.dma_semaphore, #tpu.memory_space<semaphore_mem>>
        %dma_start3A_117 = arith.constant 9984 : i32
        %dma_start3A_118 = arith.constant 0 : i32
        %dma_start3A_119 = tpu.memref_slice %arg9[%dma_start3A_117, %dma_start3A_118] : memref<10016x128xf32, #tpu.memory_space<vmem_shared>> -> memref<16x128xf32, #tpu.memory_space<vmem_shared>>
        %dma_start3A_120 = arith.constant 0 : i32
        %dma_start3A_121 = tpu.memref_slice %arg2[%add3A_116, %dma_start3A_120] : memref<20000x128xf32, #tpu.memory_space<hbm>> -> memref<16x128xf32, #tpu.memory_space<hbm>>
        tpu.enqueue_dma source(%dma_start3A_121 : memref<16x128xf32, #tpu.memory_space<hbm>>) target(%dma_start3A_119 : memref<16x128xf32, #tpu.memory_space<vmem_shared>>) target_semaphore(%run_scoped3A : memref<!tpu.dma_semaphore, #tpu.memory_space<semaphore_mem>>)
        %dma_wait3A_122 = arith.constant 9984 : i32
        %dma_wait3A_123 = arith.constant 0 : i32
        %dma_wait3A_124 = tpu.memref_slice %arg9[%dma_wait3A_122, %dma_wait3A_123] : memref<10016x128xf32, #tpu.memory_space<vmem_shared>> -> memref<16x128xf32, #tpu.memory_space<vmem_shared>>
        %dma_wait3A_125 = arith.constant 0 : i32
        %dma_wait3A_126 = tpu.memref_slice %arg2[%add3A_116, %dma_wait3A_125] : memref<20000x128xf32, #tpu.memory_space<hbm>> -> memref<16x128xf32, #tpu.memory_space<hbm>>
        tpu.wait_dma2 semaphore(%run_scoped3A : memref<!tpu.dma_semaphore, #tpu.memory_space<semaphore_mem>>) src(%dma_wait3A_126 : memref<16x128xf32, #tpu.memory_space<hbm>>) dst(%dma_wait3A_124 : memref<16x128xf32, #tpu.memory_space<vmem_shared>>)
        tpu.yield
      }) : () -> ()
    } else {
    }
    %add3A_61 = arith.constant 0 : i32
    %add3A_62 = arith.addi %mul3A_2, %add3A_61 : i32
    %mul3A_63 = arith.constant 128 : i32
    %mul3A_64 = arith.muli %add3A_62, %mul3A_63 : i32
    %dma_wait3A = arith.constant 0 : i32
    %dma_wait3A_65 = arith.constant 0 : i32
    %dma_wait3A_66 = tpu.memref_slice %arg6[%dma_wait3A, %dma_wait3A_65] : memref<2x512xi32, #tpu.memory_space<vmem>> -> memref<1x512xi32, #tpu.memory_space<vmem>>
    %dma_wait3A_67 = tpu.memref_squeeze %dma_wait3A_66 : memref<1x512xi32, #tpu.memory_space<vmem>> -> memref<512xi32, #tpu.memory_space<vmem>>
    %dma_wait3A_68 = tpu.memref_slice %arg3[%mul3A_64] : memref<655360xi32, #tpu.memory_space<hbm>> -> memref<512xi32, #tpu.memory_space<hbm>>
    %dma_wait3A_69 = arith.constant 0 : i32
    %dma_wait3A_70 = tpu.memref_slice %arg6[%dma_wait3A, %dma_wait3A_69] : memref<2x512xi32, #tpu.memory_space<vmem>> -> memref<1x512xi32, #tpu.memory_space<vmem>>
    %dma_wait3A_71 = tpu.memref_squeeze %dma_wait3A_70 : memref<1x512xi32, #tpu.memory_space<vmem>> -> memref<512xi32, #tpu.memory_space<vmem>>
    %dma_wait3A_72 = tpu.memref_slice %arg3[%mul3A_64] : memref<655360xi32, #tpu.memory_space<hbm>> -> memref<512xi32, #tpu.memory_space<hbm>>
    tpu.wait_dma2 semaphore(%arg10 : memref<!tpu.dma_semaphore, #tpu.memory_space<semaphore_mem>>) src(%dma_wait3A_72 : memref<512xi32, #tpu.memory_space<hbm>>) dst(%dma_wait3A_71 : memref<512xi32, #tpu.memory_space<vmem>>)
    %add3A_73 = arith.constant 0 : i32
    %add3A_74 = arith.addi %mul3A_2, %add3A_73 : i32
    %dma_wait3A_75 = arith.constant 0 : i32
    %dma_wait3A_76 = arith.constant 0 : i32
    %dma_wait3A_77 = tpu.memref_slice %arg7[%dma_wait3A_75, %dma_wait3A_76] : memref<8x128xi32, #tpu.memory_space<vmem>> -> memref<4x128xi32, #tpu.memory_space<vmem>>
    %dma_wait3A_78 = arith.constant 0 : i32
    %dma_wait3A_79 = tpu.memref_slice %arg4[%add3A_74, %dma_wait3A_78] : memref<5120x128xi32, #tpu.memory_space<hbm>> -> memref<4x128xi32, #tpu.memory_space<hbm>>
    %dma_wait3A_80 = arith.constant 0 : i32
    %dma_wait3A_81 = arith.constant 0 : i32
    %dma_wait3A_82 = tpu.memref_slice %arg7[%dma_wait3A_80, %dma_wait3A_81] : memref<8x128xi32, #tpu.memory_space<vmem>> -> memref<4x128xi32, #tpu.memory_space<vmem>>
    %dma_wait3A_83 = arith.constant 0 : i32
    %dma_wait3A_84 = tpu.memref_slice %arg4[%add3A_74, %dma_wait3A_83] : memref<5120x128xi32, #tpu.memory_space<hbm>> -> memref<4x128xi32, #tpu.memory_space<hbm>>
    tpu.wait_dma2 semaphore(%arg11 : memref<!tpu.dma_semaphore, #tpu.memory_space<semaphore_mem>>) src(%dma_wait3A_84 : memref<4x128xi32, #tpu.memory_space<hbm>>) dst(%dma_wait3A_82 : memref<4x128xi32, #tpu.memory_space<vmem>>)
    %dma_start3A_85 = arith.constant 0 : i32
    %dma_start3A_86 = arith.constant 0 : i32
    %dma_start3A_87 = arith.constant 0 : i32
    %dma_start3A_88 = tpu.memref_slice %arg8[%dma_start3A_86, %dma_start3A_87] : memref<256x128xf32, #tpu.memory_space<vmem>> -> memref<128x128xf32, #tpu.memory_space<vmem>>
    %dma_start3A_89 = arith.constant 0 : i32
    %dma_start3A_90 = tpu.memref_slice %arg6[%dma_start3A_85, %dma_start3A_89] : memref<2x512xi32, #tpu.memory_space<vmem>> -> memref<1x128xi32, #tpu.memory_space<vmem>>
    %dma_start3A_91 = tpu.memref_squeeze %dma_start3A_90 : memref<1x128xi32, #tpu.memory_space<vmem>> -> memref<128xi32, #tpu.memory_space<vmem>>
    %dma_start3A_92 = arith.constant 0 : i32
    %dma_start3A_93 = arith.constant 0 : i32
    %dma_start3A_94 = tpu.memref_slice %arg2[%dma_start3A_92, %dma_start3A_93] : memref<20000x128xf32, #tpu.memory_space<hbm>> -> memref<20000x128xf32, #tpu.memory_space<hbm>>
    tpu.enqueue_indirect_dma source(%dma_start3A_94 : memref<20000x128xf32, #tpu.memory_space<hbm>>) target(%dma_start3A_88 : memref<128x128xf32, #tpu.memory_space<vmem>>) offsets(%dma_start3A_91 : memref<128xi32, #tpu.memory_space<vmem>>) semaphore(%arg12 : memref<!tpu.dma_semaphore, #tpu.memory_space<semaphore_mem>>)
    %barrier3A = arith.constant 0 : index
    tpu.barrier barrier_id(%barrier3A)
    %scan3A = arith.constant 0 : i32
    %scan3A_95 = arith.constant 0 : i32
    %scan3A_96 = arith.constant 20 : i32
    %scan3A_97 = arith.addi %scan3A_95, %scan3A_96 : i32
    %scan3A_98 = arith.constant 1 : i32
    scf.for %scan3A_113 = %scan3A_95 to %scan3A_97 step %scan3A_98  : i32 {
      %mul3A_114 = arith.constant 8 : i32
      %mul3A_115 = arith.muli %scan3A_113, %mul3A_114 : i32
      %add3A_116 = arith.constant 0 : i32
      %add3A_117 = arith.addi %mul3A_115, %add3A_116 : i32
      %add3A_118 = arith.constant 1 : i32
      %add3A_119 = arith.addi %add3A_117, %add3A_118 : i32
      %lt3A = arith.constant 160 : i32
      %lt3A_120 = arith.cmpi slt, %add3A_119, %lt3A : i32
      %convert_element_type3A_121 = arith.extui %lt3A_120 : i1 to i32
      %cond3A_122 = arith.constant 0 : i32
      %cond3A_123 = arith.cmpi ne, %convert_element_type3A_121, %cond3A_122 : i32
      scf.if %cond3A_123 {
        %dma_start3A_288 = arith.constant 0 : i32
        %dma_start3A_289 = arith.constant 128 : i32
        %dma_start3A_290 = arith.constant 0 : i32
        %dma_start3A_291 = tpu.memref_slice %arg8[%dma_start3A_289, %dma_start3A_290] : memref<256x128xf32, #tpu.memory_space<vmem>> -> memref<128x128xf32, #tpu.memory_space<vmem>>
        %dma_start3A_292 = arith.constant 128 : i32
        %dma_start3A_293 = tpu.memref_slice %arg6[%dma_start3A_288, %dma_start3A_292] : memref<2x512xi32, #tpu.memory_space<vmem>> -> memref<1x128xi32, #tpu.memory_space<vmem>>
        %dma_start3A_294 = tpu.memref_squeeze %dma_start3A_293 : memref<1x128xi32, #tpu.memory_space<vmem>> -> memref<128xi32, #tpu.memory_space<vmem>>
        %dma_start3A_295 = arith.constant 0 : i32
        %dma_start3A_296 = arith.constant 0 : i32
        %dma_start3A_297 = tpu.memref_slice %arg2[%dma_start3A_295, %dma_start3A_296] : memref<20000x128xf32, #tpu.memory_space<hbm>> -> memref<20000x128xf32, #tpu.memory_space<hbm>>
        tpu.enqueue_indirect_dma source(%dma_start3A_297 : memref<20000x128xf32, #tpu.memory_space<hbm>>) target(%dma_start3A_291 : memref<128x128xf32, #tpu.memory_space<vmem>>) offsets(%dma_start3A_294 : memref<128xi32, #tpu.memory_space<vmem>>) semaphore(%arg12 : memref<!tpu.dma_semaphore, #tpu.memory_space<semaphore_mem>>)
      } else {
      }
      %dma_wait3A_124 = arith.constant 0 : i32
      %dma_wait3A_125 = arith.constant 0 : i32
      %dma_wait3A_126 = arith.constant 0 : i32
      %dma_wait3A_127 = tpu.memref_slice %arg8[%dma_wait3A_125, %dma_wait3A_126] : memref<256x128xf32, #tpu.memory_space<vmem>> -> memref<128x128xf32, #tpu.memory_space<vmem>>
      %dma_wait3A_128 = arith.constant 0 : i32
      %dma_wait3A_129 = tpu.memref_slice %arg6[%dma_wait3A_124, %dma_wait3A_128] : memref<2x512xi32, #tpu.memory_space<vmem>> -> memref<1x128xi32, #tpu.memory_space<vmem>>
      %dma_wait3A_130 = tpu.memref_squeeze %dma_wait3A_129 : memref<1x128xi32, #tpu.memory_space<vmem>> -> memref<128xi32, #tpu.memory_space<vmem>>
      %dma_wait3A_131 = arith.constant 0 : i32
      %dma_wait3A_132 = arith.constant 0 : i32
      %dma_wait3A_133 = tpu.memref_slice %arg2[%dma_wait3A_131, %dma_wait3A_132] : memref<20000x128xf32, #tpu.memory_space<hbm>> -> memref<20000x128xf32, #tpu.memory_space<hbm>>
      tpu.wait_indirect_dma semaphore(%arg12 : memref<!tpu.dma_semaphore, #tpu.memory_space<semaphore_mem>>) src(%dma_wait3A_133 : memref<20000x128xf32, #tpu.memory_space<hbm>>) dst(%dma_wait3A_127 : memref<128x128xf32, #tpu.memory_space<vmem>>)
      %run_scoped3A = arith.constant 0 : i32
      "tpu.region"() ({
        %run_scoped3A_288 = tpu.sem_alloc : memref<!tpu.dma_semaphore, #tpu.memory_space<semaphore_mem>>
        %dma_start3A_289 = arith.constant 0 : i32
        %dma_start3A_290 = arith.constant 0 : i32
        %dma_start3A_291 = tpu.memref_slice %arg8[%dma_start3A_289, %dma_start3A_290] : memref<256x128xf32, #tpu.memory_space<vmem>> -> memref<128x128xf32, #tpu.memory_space<vmem>>
        %dma_start3A_292 = arith.constant 0 : i32
        %dma_start3A_293 = tpu.memref_slice %arg7[%run_scoped3A, %dma_start3A_292] : memref<8x128xi32, #tpu.memory_space<vmem>> -> memref<1x128xi32, #tpu.memory_space<vmem>>
        %dma_start3A_294 = tpu.memref_squeeze %dma_start3A_293 : memref<1x128xi32, #tpu.memory_space<vmem>> -> memref<128xi32, #tpu.memory_space<vmem>>
        %dma_start3A_295 = arith.constant 0 : i32
        %dma_start3A_296 = arith.constant 0 : i32
        %dma_start3A_297 = tpu.memref_slice %arg9[%dma_start3A_295, %dma_start3A_296] : memref<10016x128xf32, #tpu.memory_space<vmem_shared>> -> memref<10016x128xf32, #tpu.memory_space<vmem_shared>>
        tpu.enqueue_indirect_dma source(%dma_start3A_291 : memref<128x128xf32, #tpu.memory_space<vmem>>) target(%dma_start3A_297 : memref<10016x128xf32, #tpu.memory_space<vmem_shared>>) offsets(%dma_start3A_294 : memref<128xi32, #tpu.memory_space<vmem>>) semaphore(%run_scoped3A_288 : memref<!tpu.dma_semaphore, #tpu.memory_space<semaphore_mem>>) {add = true}
        %dma_wait3A_298 = arith.constant 0 : i32
        %dma_wait3A_299 = arith.constant 0 : i32
        %dma_wait3A_300 = tpu.memref_slice %arg8[%dma_wait3A_298, %dma_wait3A_299] : memref<256x128xf32, #tpu.memory_space<vmem>> -> memref<128x128xf32, #tpu.memory_space<vmem>>
        %dma_wait3A_301 = arith.constant 0 : i32
        %dma_wait3A_302 = tpu.memref_slice %arg7[%run_scoped3A, %dma_wait3A_301] : memref<8x128xi32, #tpu.memory_space<vmem>> -> memref<1x128xi32, #tpu.memory_space<vmem>>
        %dma_wait3A_303 = tpu.memref_squeeze %dma_wait3A_302 : memref<1x128xi32, #tpu.memory_space<vmem>> -> memref<128xi32, #tpu.memory_space<vmem>>
        %dma_wait3A_304 = arith.constant 0 : i32
        %dma_wait3A_305 = arith.constant 0 : i32
        %dma_wait3A_306 = tpu.memref_slice %arg9[%dma_wait3A_304, %dma_wait3A_305] : memref<10016x128xf32, #tpu.memory_space<vmem_shared>> -> memref<10016x128xf32, #tpu.memory_space<vmem_shared>>
        tpu.wait_indirect_dma semaphore(%run_scoped3A_288 : memref<!tpu.dma_semaphore, #tpu.memory_space<semaphore_mem>>) src(%dma_wait3A_300 : memref<128x128xf32, #tpu.memory_space<vmem>>) dst(%dma_wait3A_306 : memref<10016x128xf32, #tpu.memory_space<vmem_shared>>)
        tpu.yield
      }) : () -> ()
      %add3A_134 = arith.constant 1 : i32
      %add3A_135 = arith.addi %mul3A_115, %add3A_134 : i32
      %add3A_136 = arith.constant 1 : i32
      %add3A_137 = arith.addi %add3A_135, %add3A_136 : i32
      %lt3A_138 = arith.constant 160 : i32
      %lt3A_139 = arith.cmpi slt, %add3A_137, %lt3A_138 : i32
      %convert_element_type3A_140 = arith.extui %lt3A_139 : i1 to i32
      %cond3A_141 = arith.constant 0 : i32
      %cond3A_142 = arith.cmpi ne, %convert_element_type3A_140, %cond3A_141 : i32
      scf.if %cond3A_142 {
        %dma_start3A_288 = arith.constant 0 : i32
        %dma_start3A_289 = arith.constant 0 : i32
        %dma_start3A_290 = arith.constant 0 : i32
        %dma_start3A_291 = tpu.memref_slice %arg8[%dma_start3A_289, %dma_start3A_290] : memref<256x128xf32, #tpu.memory_space<vmem>> -> memref<128x128xf32, #tpu.memory_space<vmem>>
        %dma_start3A_292 = arith.constant 256 : i32
        %dma_start3A_293 = tpu.memref_slice %arg6[%dma_start3A_288, %dma_start3A_292] : memref<2x512xi32, #tpu.memory_space<vmem>> -> memref<1x128xi32, #tpu.memory_space<vmem>>
        %dma_start3A_294 = tpu.memref_squeeze %dma_start3A_293 : memref<1x128xi32, #tpu.memory_space<vmem>> -> memref<128xi32, #tpu.memory_space<vmem>>
        %dma_start3A_295 = arith.constant 0 : i32
        %dma_start3A_296 = arith.constant 0 : i32
        %dma_start3A_297 = tpu.memref_slice %arg2[%dma_start3A_295, %dma_start3A_296] : memref<20000x128xf32, #tpu.memory_space<hbm>> -> memref<20000x128xf32, #tpu.memory_space<hbm>>
        tpu.enqueue_indirect_dma source(%dma_start3A_297 : memref<20000x128xf32, #tpu.memory_space<hbm>>) target(%dma_start3A_291 : memref<128x128xf32, #tpu.memory_space<vmem>>) offsets(%dma_start3A_294 : memref<128xi32, #tpu.memory_space<vmem>>) semaphore(%arg12 : memref<!tpu.dma_semaphore, #tpu.memory_space<semaphore_mem>>)
      } else {
      }
      %dma_wait3A_143 = arith.constant 0 : i32
      %dma_wait3A_144 = arith.constant 128 : i32
      %dma_wait3A_145 = arith.constant 0 : i32
      %dma_wait3A_146 = tpu.memref_slice %arg8[%dma_wait3A_144, %dma_wait3A_145] : memref<256x128xf32, #tpu.memory_space<vmem>> -> memref<128x128xf32, #tpu.memory_space<vmem>>
      %dma_wait3A_147 = arith.constant 128 : i32
      %dma_wait3A_148 = tpu.memref_slice %arg6[%dma_wait3A_143, %dma_wait3A_147] : memref<2x512xi32, #tpu.memory_space<vmem>> -> memref<1x128xi32, #tpu.memory_space<vmem>>
      %dma_wait3A_149 = tpu.memref_squeeze %dma_wait3A_148 : memref<1x128xi32, #tpu.memory_space<vmem>> -> memref<128xi32, #tpu.memory_space<vmem>>
      %dma_wait3A_150 = arith.constant 0 : i32
      %dma_wait3A_151 = arith.constant 0 : i32
      %dma_wait3A_152 = tpu.memref_slice %arg2[%dma_wait3A_150, %dma_wait3A_151] : memref<20000x128xf32, #tpu.memory_space<hbm>> -> memref<20000x128xf32, #tpu.memory_space<hbm>>
      tpu.wait_indirect_dma semaphore(%arg12 : memref<!tpu.dma_semaphore, #tpu.memory_space<semaphore_mem>>) src(%dma_wait3A_152 : memref<20000x128xf32, #tpu.memory_space<hbm>>) dst(%dma_wait3A_146 : memref<128x128xf32, #tpu.memory_space<vmem>>)
      %run_scoped3A_153 = arith.constant 1 : i32
      "tpu.region"() ({
        %run_scoped3A_288 = tpu.sem_alloc : memref<!tpu.dma_semaphore, #tpu.memory_space<semaphore_mem>>
        %dma_start3A_289 = arith.constant 128 : i32
        %dma_start3A_290 = arith.constant 0 : i32
        %dma_start3A_291 = tpu.memref_slice %arg8[%dma_start3A_289, %dma_start3A_290] : memref<256x128xf32, #tpu.memory_space<vmem>> -> memref<128x128xf32, #tpu.memory_space<vmem>>
        %dma_start3A_292 = arith.constant 0 : i32
        %dma_start3A_293 = tpu.memref_slice %arg7[%run_scoped3A_153, %dma_start3A_292] : memref<8x128xi32, #tpu.memory_space<vmem>> -> memref<1x128xi32, #tpu.memory_space<vmem>>
        %dma_start3A_294 = tpu.memref_squeeze %dma_start3A_293 : memref<1x128xi32, #tpu.memory_space<vmem>> -> memref<128xi32, #tpu.memory_space<vmem>>
        %dma_start3A_295 = arith.constant 0 : i32
        %dma_start3A_296 = arith.constant 0 : i32
        %dma_start3A_297 = tpu.memref_slice %arg9[%dma_start3A_295, %dma_start3A_296] : memref<10016x128xf32, #tpu.memory_space<vmem_shared>> -> memref<10016x128xf32, #tpu.memory_space<vmem_shared>>
        tpu.enqueue_indirect_dma source(%dma_start3A_291 : memref<128x128xf32, #tpu.memory_space<vmem>>) target(%dma_start3A_297 : memref<10016x128xf32, #tpu.memory_space<vmem_shared>>) offsets(%dma_start3A_294 : memref<128xi32, #tpu.memory_space<vmem>>) semaphore(%run_scoped3A_288 : memref<!tpu.dma_semaphore, #tpu.memory_space<semaphore_mem>>) {add = true}
        %dma_wait3A_298 = arith.constant 128 : i32
        %dma_wait3A_299 = arith.constant 0 : i32
        %dma_wait3A_300 = tpu.memref_slice %arg8[%dma_wait3A_298, %dma_wait3A_299] : memref<256x128xf32, #tpu.memory_space<vmem>> -> memref<128x128xf32, #tpu.memory_space<vmem>>
        %dma_wait3A_301 = arith.constant 0 : i32
        %dma_wait3A_302 = tpu.memref_slice %arg7[%run_scoped3A_153, %dma_wait3A_301] : memref<8x128xi32, #tpu.memory_space<vmem>> -> memref<1x128xi32, #tpu.memory_space<vmem>>
        %dma_wait3A_303 = tpu.memref_squeeze %dma_wait3A_302 : memref<1x128xi32, #tpu.memory_space<vmem>> -> memref<128xi32, #tpu.memory_space<vmem>>
        %dma_wait3A_304 = arith.constant 0 : i32
        %dma_wait3A_305 = arith.constant 0 : i32
        %dma_wait3A_306 = tpu.memref_slice %arg9[%dma_wait3A_304, %dma_wait3A_305] : memref<10016x128xf32, #tpu.memory_space<vmem_shared>> -> memref<10016x128xf32, #tpu.memory_space<vmem_shared>>
        tpu.wait_indirect_dma semaphore(%run_scoped3A_288 : memref<!tpu.dma_semaphore, #tpu.memory_space<semaphore_mem>>) src(%dma_wait3A_300 : memref<128x128xf32, #tpu.memory_space<vmem>>) dst(%dma_wait3A_306 : memref<10016x128xf32, #tpu.memory_space<vmem_shared>>)
        tpu.yield
      }) : () -> ()
      %add3A_154 = arith.constant 2 : i32
      %add3A_155 = arith.addi %mul3A_115, %add3A_154 : i32
      %add3A_156 = arith.constant 1 : i32
      %add3A_157 = arith.addi %add3A_155, %add3A_156 : i32
      %lt3A_158 = arith.constant 160 : i32
      %lt3A_159 = arith.cmpi slt, %add3A_157, %lt3A_158 : i32
      %convert_element_type3A_160 = arith.extui %lt3A_159 : i1 to i32
      %cond3A_161 = arith.constant 0 : i32
      %cond3A_162 = arith.cmpi ne, %convert_element_type3A_160, %cond3A_161 : i32
      scf.if %cond3A_162 {
        %dma_start3A_288 = arith.constant 0 : i32
        %dma_start3A_289 = arith.constant 128 : i32
        %dma_start3A_290 = arith.constant 0 : i32
        %dma_start3A_291 = tpu.memref_slice %arg8[%dma_start3A_289, %dma_start3A_290] : memref<256x128xf32, #tpu.memory_space<vmem>> -> memref<128x128xf32, #tpu.memory_space<vmem>>
        %dma_start3A_292 = arith.constant 384 : i32
        %dma_start3A_293 = tpu.memref_slice %arg6[%dma_start3A_288, %dma_start3A_292] : memref<2x512xi32, #tpu.memory_space<vmem>> -> memref<1x128xi32, #tpu.memory_space<vmem>>
        %dma_start3A_294 = tpu.memref_squeeze %dma_start3A_293 : memref<1x128xi32, #tpu.memory_space<vmem>> -> memref<128xi32, #tpu.memory_space<vmem>>
        %dma_start3A_295 = arith.constant 0 : i32
        %dma_start3A_296 = arith.constant 0 : i32
        %dma_start3A_297 = tpu.memref_slice %arg2[%dma_start3A_295, %dma_start3A_296] : memref<20000x128xf32, #tpu.memory_space<hbm>> -> memref<20000x128xf32, #tpu.memory_space<hbm>>
        tpu.enqueue_indirect_dma source(%dma_start3A_297 : memref<20000x128xf32, #tpu.memory_space<hbm>>) target(%dma_start3A_291 : memref<128x128xf32, #tpu.memory_space<vmem>>) offsets(%dma_start3A_294 : memref<128xi32, #tpu.memory_space<vmem>>) semaphore(%arg12 : memref<!tpu.dma_semaphore, #tpu.memory_space<semaphore_mem>>)
      } else {
      }
      %dma_wait3A_163 = arith.constant 0 : i32
      %dma_wait3A_164 = arith.constant 0 : i32
      %dma_wait3A_165 = arith.constant 0 : i32
      %dma_wait3A_166 = tpu.memref_slice %arg8[%dma_wait3A_164, %dma_wait3A_165] : memref<256x128xf32, #tpu.memory_space<vmem>> -> memref<128x128xf32, #tpu.memory_space<vmem>>
      %dma_wait3A_167 = arith.constant 256 : i32
      %dma_wait3A_168 = tpu.memref_slice %arg6[%dma_wait3A_163, %dma_wait3A_167] : memref<2x512xi32, #tpu.memory_space<vmem>> -> memref<1x128xi32, #tpu.memory_space<vmem>>
      %dma_wait3A_169 = tpu.memref_squeeze %dma_wait3A_168 : memref<1x128xi32, #tpu.memory_space<vmem>> -> memref<128xi32, #tpu.memory_space<vmem>>
      %dma_wait3A_170 = arith.constant 0 : i32
      %dma_wait3A_171 = arith.constant 0 : i32
      %dma_wait3A_172 = tpu.memref_slice %arg2[%dma_wait3A_170, %dma_wait3A_171] : memref<20000x128xf32, #tpu.memory_space<hbm>> -> memref<20000x128xf32, #tpu.memory_space<hbm>>
      tpu.wait_indirect_dma semaphore(%arg12 : memref<!tpu.dma_semaphore, #tpu.memory_space<semaphore_mem>>) src(%dma_wait3A_172 : memref<20000x128xf32, #tpu.memory_space<hbm>>) dst(%dma_wait3A_166 : memref<128x128xf32, #tpu.memory_space<vmem>>)
      %run_scoped3A_173 = arith.constant 2 : i32
      "tpu.region"() ({
        %run_scoped3A_288 = tpu.sem_alloc : memref<!tpu.dma_semaphore, #tpu.memory_space<semaphore_mem>>
        %dma_start3A_289 = arith.constant 0 : i32
        %dma_start3A_290 = arith.constant 0 : i32
        %dma_start3A_291 = tpu.memref_slice %arg8[%dma_start3A_289, %dma_start3A_290] : memref<256x128xf32, #tpu.memory_space<vmem>> -> memref<128x128xf32, #tpu.memory_space<vmem>>
        %dma_start3A_292 = arith.constant 0 : i32
        %dma_start3A_293 = tpu.memref_slice %arg7[%run_scoped3A_173, %dma_start3A_292] : memref<8x128xi32, #tpu.memory_space<vmem>> -> memref<1x128xi32, #tpu.memory_space<vmem>>
        %dma_start3A_294 = tpu.memref_squeeze %dma_start3A_293 : memref<1x128xi32, #tpu.memory_space<vmem>> -> memref<128xi32, #tpu.memory_space<vmem>>
        %dma_start3A_295 = arith.constant 0 : i32
        %dma_start3A_296 = arith.constant 0 : i32
        %dma_start3A_297 = tpu.memref_slice %arg9[%dma_start3A_295, %dma_start3A_296] : memref<10016x128xf32, #tpu.memory_space<vmem_shared>> -> memref<10016x128xf32, #tpu.memory_space<vmem_shared>>
        tpu.enqueue_indirect_dma source(%dma_start3A_291 : memref<128x128xf32, #tpu.memory_space<vmem>>) target(%dma_start3A_297 : memref<10016x128xf32, #tpu.memory_space<vmem_shared>>) offsets(%dma_start3A_294 : memref<128xi32, #tpu.memory_space<vmem>>) semaphore(%run_scoped3A_288 : memref<!tpu.dma_semaphore, #tpu.memory_space<semaphore_mem>>) {add = true}
        %dma_wait3A_298 = arith.constant 0 : i32
        %dma_wait3A_299 = arith.constant 0 : i32
        %dma_wait3A_300 = tpu.memref_slice %arg8[%dma_wait3A_298, %dma_wait3A_299] : memref<256x128xf32, #tpu.memory_space<vmem>> -> memref<128x128xf32, #tpu.memory_space<vmem>>
        %dma_wait3A_301 = arith.constant 0 : i32
        %dma_wait3A_302 = tpu.memref_slice %arg7[%run_scoped3A_173, %dma_wait3A_301] : memref<8x128xi32, #tpu.memory_space<vmem>> -> memref<1x128xi32, #tpu.memory_space<vmem>>
        %dma_wait3A_303 = tpu.memref_squeeze %dma_wait3A_302 : memref<1x128xi32, #tpu.memory_space<vmem>> -> memref<128xi32, #tpu.memory_space<vmem>>
        %dma_wait3A_304 = arith.constant 0 : i32
        %dma_wait3A_305 = arith.constant 0 : i32
        %dma_wait3A_306 = tpu.memref_slice %arg9[%dma_wait3A_304, %dma_wait3A_305] : memref<10016x128xf32, #tpu.memory_space<vmem_shared>> -> memref<10016x128xf32, #tpu.memory_space<vmem_shared>>
        tpu.wait_indirect_dma semaphore(%run_scoped3A_288 : memref<!tpu.dma_semaphore, #tpu.memory_space<semaphore_mem>>) src(%dma_wait3A_300 : memref<128x128xf32, #tpu.memory_space<vmem>>) dst(%dma_wait3A_306 : memref<10016x128xf32, #tpu.memory_space<vmem_shared>>)
        tpu.yield
      }) : () -> ()
      %add3A_174 = arith.constant 3 : i32
      %add3A_175 = arith.addi %mul3A_115, %add3A_174 : i32
      %add3A_176 = arith.constant 1 : i32
      %add3A_177 = arith.addi %add3A_175, %add3A_176 : i32
      %lt3A_178 = arith.constant 160 : i32
      %lt3A_179 = arith.cmpi slt, %add3A_177, %lt3A_178 : i32
      %convert_element_type3A_180 = arith.extui %lt3A_179 : i1 to i32
      %cond3A_181 = arith.constant 0 : i32
      %cond3A_182 = arith.cmpi ne, %convert_element_type3A_180, %cond3A_181 : i32
      scf.if %cond3A_182 {
        %mul3A_288 = arith.constant 2 : i32
        %mul3A_289 = arith.muli %scan3A_113, %mul3A_288 : i32
        %add3A_290 = arith.constant 1 : i32
        %add3A_291 = arith.addi %mul3A_289, %add3A_290 : i32
        %mul3A_292 = arith.constant 4 : i32
        %mul3A_293 = arith.muli %add3A_291, %mul3A_292 : i32
        %add3A_294 = arith.addi %mul3A_2, %mul3A_293 : i32
        %mul3A_295 = arith.constant 128 : i32
        %mul3A_296 = arith.muli %add3A_294, %mul3A_295 : i32
        %dma_wait3A_297 = arith.constant 1 : i32
        %dma_wait3A_298 = arith.constant 0 : i32
        %dma_wait3A_299 = tpu.memref_slice %arg6[%dma_wait3A_297, %dma_wait3A_298] : memref<2x512xi32, #tpu.memory_space<vmem>> -> memref<1x512xi32, #tpu.memory_space<vmem>>
        %dma_wait3A_300 = tpu.memref_squeeze %dma_wait3A_299 : memref<1x512xi32, #tpu.memory_space<vmem>> -> memref<512xi32, #tpu.memory_space<vmem>>
        %dma_wait3A_301 = tpu.memref_slice %arg3[%mul3A_296] : memref<655360xi32, #tpu.memory_space<hbm>> -> memref<512xi32, #tpu.memory_space<hbm>>
        %dma_wait3A_302 = arith.constant 0 : i32
        %dma_wait3A_303 = tpu.memref_slice %arg6[%dma_wait3A_297, %dma_wait3A_302] : memref<2x512xi32, #tpu.memory_space<vmem>> -> memref<1x512xi32, #tpu.memory_space<vmem>>
        %dma_wait3A_304 = tpu.memref_squeeze %dma_wait3A_303 : memref<1x512xi32, #tpu.memory_space<vmem>> -> memref<512xi32, #tpu.memory_space<vmem>>
        %dma_wait3A_305 = tpu.memref_slice %arg3[%mul3A_296] : memref<655360xi32, #tpu.memory_space<hbm>> -> memref<512xi32, #tpu.memory_space<hbm>>
        tpu.wait_dma2 semaphore(%arg10 : memref<!tpu.dma_semaphore, #tpu.memory_space<semaphore_mem>>) src(%dma_wait3A_305 : memref<512xi32, #tpu.memory_space<hbm>>) dst(%dma_wait3A_304 : memref<512xi32, #tpu.memory_space<vmem>>)
        %mul3A_306 = arith.constant 4 : i32
        %mul3A_307 = arith.muli %add3A_291, %mul3A_306 : i32
        %add3A_308 = arith.addi %mul3A_2, %mul3A_307 : i32
        %dma_wait3A_309 = arith.constant 4 : i32
        %dma_wait3A_310 = arith.constant 0 : i32
        %dma_wait3A_311 = tpu.memref_slice %arg7[%dma_wait3A_309, %dma_wait3A_310] : memref<8x128xi32, #tpu.memory_space<vmem>> -> memref<4x128xi32, #tpu.memory_space<vmem>>
        %dma_wait3A_312 = arith.constant 0 : i32
        %dma_wait3A_313 = tpu.memref_slice %arg4[%add3A_308, %dma_wait3A_312] : memref<5120x128xi32, #tpu.memory_space<hbm>> -> memref<4x128xi32, #tpu.memory_space<hbm>>
        %dma_wait3A_314 = arith.constant 4 : i32
        %dma_wait3A_315 = arith.constant 0 : i32
        %dma_wait3A_316 = tpu.memref_slice %arg7[%dma_wait3A_314, %dma_wait3A_315] : memref<8x128xi32, #tpu.memory_space<vmem>> -> memref<4x128xi32, #tpu.memory_space<vmem>>
        %dma_wait3A_317 = arith.constant 0 : i32
        %dma_wait3A_318 = tpu.memref_slice %arg4[%add3A_308, %dma_wait3A_317] : memref<5120x128xi32, #tpu.memory_space<hbm>> -> memref<4x128xi32, #tpu.memory_space<hbm>>
        tpu.wait_dma2 semaphore(%arg11 : memref<!tpu.dma_semaphore, #tpu.memory_space<semaphore_mem>>) src(%dma_wait3A_318 : memref<4x128xi32, #tpu.memory_space<hbm>>) dst(%dma_wait3A_316 : memref<4x128xi32, #tpu.memory_space<vmem>>)
        %dma_start3A_319 = arith.constant 1 : i32
        %dma_start3A_320 = arith.constant 0 : i32
        %dma_start3A_321 = arith.constant 0 : i32
        %dma_start3A_322 = tpu.memref_slice %arg8[%dma_start3A_320, %dma_start3A_321] : memref<256x128xf32, #tpu.memory_space<vmem>> -> memref<128x128xf32, #tpu.memory_space<vmem>>
        %dma_start3A_323 = arith.constant 0 : i32
        %dma_start3A_324 = tpu.memref_slice %arg6[%dma_start3A_319, %dma_start3A_323] : memref<2x512xi32, #tpu.memory_space<vmem>> -> memref<1x128xi32, #tpu.memory_space<vmem>>
        %dma_start3A_325 = tpu.memref_squeeze %dma_start3A_324 : memref<1x128xi32, #tpu.memory_space<vmem>> -> memref<128xi32, #tpu.memory_space<vmem>>
        %dma_start3A_326 = arith.constant 0 : i32
        %dma_start3A_327 = arith.constant 0 : i32
        %dma_start3A_328 = tpu.memref_slice %arg2[%dma_start3A_326, %dma_start3A_327] : memref<20000x128xf32, #tpu.memory_space<hbm>> -> memref<20000x128xf32, #tpu.memory_space<hbm>>
        tpu.enqueue_indirect_dma source(%dma_start3A_328 : memref<20000x128xf32, #tpu.memory_space<hbm>>) target(%dma_start3A_322 : memref<128x128xf32, #tpu.memory_space<vmem>>) offsets(%dma_start3A_325 : memref<128xi32, #tpu.memory_space<vmem>>) semaphore(%arg12 : memref<!tpu.dma_semaphore, #tpu.memory_space<semaphore_mem>>)
      } else {
      }
      %dma_wait3A_183 = arith.constant 0 : i32
      %dma_wait3A_184 = arith.constant 128 : i32
      %dma_wait3A_185 = arith.constant 0 : i32
      %dma_wait3A_186 = tpu.memref_slice %arg8[%dma_wait3A_184, %dma_wait3A_185] : memref<256x128xf32, #tpu.memory_space<vmem>> -> memref<128x128xf32, #tpu.memory_space<vmem>>
      %dma_wait3A_187 = arith.constant 384 : i32
      %dma_wait3A_188 = tpu.memref_slice %arg6[%dma_wait3A_183, %dma_wait3A_187] : memref<2x512xi32, #tpu.memory_space<vmem>> -> memref<1x128xi32, #tpu.memory_space<vmem>>
      %dma_wait3A_189 = tpu.memref_squeeze %dma_wait3A_188 : memref<1x128xi32, #tpu.memory_space<vmem>> -> memref<128xi32, #tpu.memory_space<vmem>>
      %dma_wait3A_190 = arith.constant 0 : i32
      %dma_wait3A_191 = arith.constant 0 : i32
      %dma_wait3A_192 = tpu.memref_slice %arg2[%dma_wait3A_190, %dma_wait3A_191] : memref<20000x128xf32, #tpu.memory_space<hbm>> -> memref<20000x128xf32, #tpu.memory_space<hbm>>
      tpu.wait_indirect_dma semaphore(%arg12 : memref<!tpu.dma_semaphore, #tpu.memory_space<semaphore_mem>>) src(%dma_wait3A_192 : memref<20000x128xf32, #tpu.memory_space<hbm>>) dst(%dma_wait3A_186 : memref<128x128xf32, #tpu.memory_space<vmem>>)
      %run_scoped3A_193 = arith.constant 3 : i32
      "tpu.region"() ({
        %run_scoped3A_288 = tpu.sem_alloc : memref<!tpu.dma_semaphore, #tpu.memory_space<semaphore_mem>>
        %dma_start3A_289 = arith.constant 128 : i32
        %dma_start3A_290 = arith.constant 0 : i32
        %dma_start3A_291 = tpu.memref_slice %arg8[%dma_start3A_289, %dma_start3A_290] : memref<256x128xf32, #tpu.memory_space<vmem>> -> memref<128x128xf32, #tpu.memory_space<vmem>>
        %dma_start3A_292 = arith.constant 0 : i32
        %dma_start3A_293 = tpu.memref_slice %arg7[%run_scoped3A_193, %dma_start3A_292] : memref<8x128xi32, #tpu.memory_space<vmem>> -> memref<1x128xi32, #tpu.memory_space<vmem>>
        %dma_start3A_294 = tpu.memref_squeeze %dma_start3A_293 : memref<1x128xi32, #tpu.memory_space<vmem>> -> memref<128xi32, #tpu.memory_space<vmem>>
        %dma_start3A_295 = arith.constant 0 : i32
        %dma_start3A_296 = arith.constant 0 : i32
        %dma_start3A_297 = tpu.memref_slice %arg9[%dma_start3A_295, %dma_start3A_296] : memref<10016x128xf32, #tpu.memory_space<vmem_shared>> -> memref<10016x128xf32, #tpu.memory_space<vmem_shared>>
        tpu.enqueue_indirect_dma source(%dma_start3A_291 : memref<128x128xf32, #tpu.memory_space<vmem>>) target(%dma_start3A_297 : memref<10016x128xf32, #tpu.memory_space<vmem_shared>>) offsets(%dma_start3A_294 : memref<128xi32, #tpu.memory_space<vmem>>) semaphore(%run_scoped3A_288 : memref<!tpu.dma_semaphore, #tpu.memory_space<semaphore_mem>>) {add = true}
        %dma_wait3A_298 = arith.constant 128 : i32
        %dma_wait3A_299 = arith.constant 0 : i32
        %dma_wait3A_300 = tpu.memref_slice %arg8[%dma_wait3A_298, %dma_wait3A_299] : memref<256x128xf32, #tpu.memory_space<vmem>> -> memref<128x128xf32, #tpu.memory_space<vmem>>
        %dma_wait3A_301 = arith.constant 0 : i32
        %dma_wait3A_302 = tpu.memref_slice %arg7[%run_scoped3A_193, %dma_wait3A_301] : memref<8x128xi32, #tpu.memory_space<vmem>> -> memref<1x128xi32, #tpu.memory_space<vmem>>
        %dma_wait3A_303 = tpu.memref_squeeze %dma_wait3A_302 : memref<1x128xi32, #tpu.memory_space<vmem>> -> memref<128xi32, #tpu.memory_space<vmem>>
        %dma_wait3A_304 = arith.constant 0 : i32
        %dma_wait3A_305 = arith.constant 0 : i32
        %dma_wait3A_306 = tpu.memref_slice %arg9[%dma_wait3A_304, %dma_wait3A_305] : memref<10016x128xf32, #tpu.memory_space<vmem_shared>> -> memref<10016x128xf32, #tpu.memory_space<vmem_shared>>
        tpu.wait_indirect_dma semaphore(%run_scoped3A_288 : memref<!tpu.dma_semaphore, #tpu.memory_space<semaphore_mem>>) src(%dma_wait3A_300 : memref<128x128xf32, #tpu.memory_space<vmem>>) dst(%dma_wait3A_306 : memref<10016x128xf32, #tpu.memory_space<vmem_shared>>)
        tpu.yield
      }) : () -> ()
      %add3A_194 = arith.constant 8 : i32
      %add3A_195 = arith.addi %mul3A_115, %add3A_194 : i32
      %lt3A_196 = arith.constant 160 : i32
      %lt3A_197 = arith.cmpi slt, %add3A_195, %lt3A_196 : i32
      %convert_element_type3A_198 = arith.extui %lt3A_197 : i1 to i32
      %cond3A_199 = arith.constant 0 : i32
      %cond3A_200 = arith.cmpi ne, %convert_element_type3A_198, %cond3A_199 : i32
      scf.if %cond3A_200 {
        %mul3A_288 = arith.constant 2 : i32
        %mul3A_289 = arith.muli %scan3A_113, %mul3A_288 : i32
        %add3A_290 = arith.constant 2 : i32
        %add3A_291 = arith.addi %mul3A_289, %add3A_290 : i32
        %mul3A_292 = arith.constant 4 : i32
        %mul3A_293 = arith.muli %add3A_291, %mul3A_292 : i32
        %add3A_294 = arith.addi %mul3A_2, %mul3A_293 : i32
        %mul3A_295 = arith.constant 128 : i32
        %mul3A_296 = arith.muli %add3A_294, %mul3A_295 : i32
        %dma_start3A_297 = arith.constant 0 : i32
        %dma_start3A_298 = arith.constant 0 : i32
        %dma_start3A_299 = tpu.memref_slice %arg6[%dma_start3A_297, %dma_start3A_298] : memref<2x512xi32, #tpu.memory_space<vmem>> -> memref<1x512xi32, #tpu.memory_space<vmem>>
        %dma_start3A_300 = tpu.memref_squeeze %dma_start3A_299 : memref<1x512xi32, #tpu.memory_space<vmem>> -> memref<512xi32, #tpu.memory_space<vmem>>
        %dma_start3A_301 = tpu.memref_slice %arg3[%mul3A_296] : memref<655360xi32, #tpu.memory_space<hbm>> -> memref<512xi32, #tpu.memory_space<hbm>>
        %dma_start3A_302 = arith.constant 0 : i32
        %dma_start3A_303 = tpu.memref_slice %arg6[%dma_start3A_297, %dma_start3A_302] : memref<2x512xi32, #tpu.memory_space<vmem>> -> memref<1x512xi32, #tpu.memory_space<vmem>>
        %dma_start3A_304 = tpu.memref_squeeze %dma_start3A_303 : memref<1x512xi32, #tpu.memory_space<vmem>> -> memref<512xi32, #tpu.memory_space<vmem>>
        %dma_start3A_305 = tpu.memref_slice %arg3[%mul3A_296] : memref<655360xi32, #tpu.memory_space<hbm>> -> memref<512xi32, #tpu.memory_space<hbm>>
        tpu.enqueue_dma source(%dma_start3A_305 : memref<512xi32, #tpu.memory_space<hbm>>) target(%dma_start3A_304 : memref<512xi32, #tpu.memory_space<vmem>>) target_semaphore(%arg10 : memref<!tpu.dma_semaphore, #tpu.memory_space<semaphore_mem>>)
        %mul3A_306 = arith.constant 4 : i32
        %mul3A_307 = arith.muli %add3A_291, %mul3A_306 : i32
        %add3A_308 = arith.addi %mul3A_2, %mul3A_307 : i32
        %dma_start3A_309 = arith.constant 0 : i32
        %dma_start3A_310 = arith.constant 0 : i32
        %dma_start3A_311 = tpu.memref_slice %arg7[%dma_start3A_309, %dma_start3A_310] : memref<8x128xi32, #tpu.memory_space<vmem>> -> memref<4x128xi32, #tpu.memory_space<vmem>>
        %dma_start3A_312 = arith.constant 0 : i32
        %dma_start3A_313 = tpu.memref_slice %arg4[%add3A_308, %dma_start3A_312] : memref<5120x128xi32, #tpu.memory_space<hbm>> -> memref<4x128xi32, #tpu.memory_space<hbm>>
        %dma_start3A_314 = arith.constant 0 : i32
        %dma_start3A_315 = arith.constant 0 : i32
        %dma_start3A_316 = tpu.memref_slice %arg7[%dma_start3A_314, %dma_start3A_315] : memref<8x128xi32, #tpu.memory_space<vmem>> -> memref<4x128xi32, #tpu.memory_space<vmem>>
        %dma_start3A_317 = arith.constant 0 : i32
        %dma_start3A_318 = tpu.memref_slice %arg4[%add3A_308, %dma_start3A_317] : memref<5120x128xi32, #tpu.memory_space<hbm>> -> memref<4x128xi32, #tpu.memory_space<hbm>>
        tpu.enqueue_dma source(%dma_start3A_318 : memref<4x128xi32, #tpu.memory_space<hbm>>) target(%dma_start3A_316 : memref<4x128xi32, #tpu.memory_space<vmem>>) target_semaphore(%arg11 : memref<!tpu.dma_semaphore, #tpu.memory_space<semaphore_mem>>)
      } else {
      }
      %add3A_201 = arith.constant 4 : i32
      %add3A_202 = arith.addi %mul3A_115, %add3A_201 : i32
      %add3A_203 = arith.constant 1 : i32
      %add3A_204 = arith.addi %add3A_202, %add3A_203 : i32
      %lt3A_205 = arith.constant 160 : i32
      %lt3A_206 = arith.cmpi slt, %add3A_204, %lt3A_205 : i32
      %convert_element_type3A_207 = arith.extui %lt3A_206 : i1 to i32
      %cond3A_208 = arith.constant 0 : i32
      %cond3A_209 = arith.cmpi ne, %convert_element_type3A_207, %cond3A_208 : i32
      scf.if %cond3A_209 {
        %dma_start3A_288 = arith.constant 1 : i32
        %dma_start3A_289 = arith.constant 128 : i32
        %dma_start3A_290 = arith.constant 0 : i32
        %dma_start3A_291 = tpu.memref_slice %arg8[%dma_start3A_289, %dma_start3A_290] : memref<256x128xf32, #tpu.memory_space<vmem>> -> memref<128x128xf32, #tpu.memory_space<vmem>>
        %dma_start3A_292 = arith.constant 128 : i32
        %dma_start3A_293 = tpu.memref_slice %arg6[%dma_start3A_288, %dma_start3A_292] : memref<2x512xi32, #tpu.memory_space<vmem>> -> memref<1x128xi32, #tpu.memory_space<vmem>>
        %dma_start3A_294 = tpu.memref_squeeze %dma_start3A_293 : memref<1x128xi32, #tpu.memory_space<vmem>> -> memref<128xi32, #tpu.memory_space<vmem>>
        %dma_start3A_295 = arith.constant 0 : i32
        %dma_start3A_296 = arith.constant 0 : i32
        %dma_start3A_297 = tpu.memref_slice %arg2[%dma_start3A_295, %dma_start3A_296] : memref<20000x128xf32, #tpu.memory_space<hbm>> -> memref<20000x128xf32, #tpu.memory_space<hbm>>
        tpu.enqueue_indirect_dma source(%dma_start3A_297 : memref<20000x128xf32, #tpu.memory_space<hbm>>) target(%dma_start3A_291 : memref<128x128xf32, #tpu.memory_space<vmem>>) offsets(%dma_start3A_294 : memref<128xi32, #tpu.memory_space<vmem>>) semaphore(%arg12 : memref<!tpu.dma_semaphore, #tpu.memory_space<semaphore_mem>>)
      } else {
      }
      %dma_wait3A_210 = arith.constant 1 : i32
      %dma_wait3A_211 = arith.constant 0 : i32
      %dma_wait3A_212 = arith.constant 0 : i32
      %dma_wait3A_213 = tpu.memref_slice %arg8[%dma_wait3A_211, %dma_wait3A_212] : memref<256x128xf32, #tpu.memory_space<vmem>> -> memref<128x128xf32, #tpu.memory_space<vmem>>
      %dma_wait3A_214 = arith.constant 0 : i32
      %dma_wait3A_215 = tpu.memref_slice %arg6[%dma_wait3A_210, %dma_wait3A_214] : memref<2x512xi32, #tpu.memory_space<vmem>> -> memref<1x128xi32, #tpu.memory_space<vmem>>
      %dma_wait3A_216 = tpu.memref_squeeze %dma_wait3A_215 : memref<1x128xi32, #tpu.memory_space<vmem>> -> memref<128xi32, #tpu.memory_space<vmem>>
      %dma_wait3A_217 = arith.constant 0 : i32
      %dma_wait3A_218 = arith.constant 0 : i32
      %dma_wait3A_219 = tpu.memref_slice %arg2[%dma_wait3A_217, %dma_wait3A_218] : memref<20000x128xf32, #tpu.memory_space<hbm>> -> memref<20000x128xf32, #tpu.memory_space<hbm>>
      tpu.wait_indirect_dma semaphore(%arg12 : memref<!tpu.dma_semaphore, #tpu.memory_space<semaphore_mem>>) src(%dma_wait3A_219 : memref<20000x128xf32, #tpu.memory_space<hbm>>) dst(%dma_wait3A_213 : memref<128x128xf32, #tpu.memory_space<vmem>>)
      %run_scoped3A_220 = arith.constant 4 : i32
      "tpu.region"() ({
        %run_scoped3A_288 = tpu.sem_alloc : memref<!tpu.dma_semaphore, #tpu.memory_space<semaphore_mem>>
        %dma_start3A_289 = arith.constant 0 : i32
        %dma_start3A_290 = arith.constant 0 : i32
        %dma_start3A_291 = tpu.memref_slice %arg8[%dma_start3A_289, %dma_start3A_290] : memref<256x128xf32, #tpu.memory_space<vmem>> -> memref<128x128xf32, #tpu.memory_space<vmem>>
        %dma_start3A_292 = arith.constant 0 : i32
        %dma_start3A_293 = tpu.memref_slice %arg7[%run_scoped3A_220, %dma_start3A_292] : memref<8x128xi32, #tpu.memory_space<vmem>> -> memref<1x128xi32, #tpu.memory_space<vmem>>
        %dma_start3A_294 = tpu.memref_squeeze %dma_start3A_293 : memref<1x128xi32, #tpu.memory_space<vmem>> -> memref<128xi32, #tpu.memory_space<vmem>>
        %dma_start3A_295 = arith.constant 0 : i32
        %dma_start3A_296 = arith.constant 0 : i32
        %dma_start3A_297 = tpu.memref_slice %arg9[%dma_start3A_295, %dma_start3A_296] : memref<10016x128xf32, #tpu.memory_space<vmem_shared>> -> memref<10016x128xf32, #tpu.memory_space<vmem_shared>>
        tpu.enqueue_indirect_dma source(%dma_start3A_291 : memref<128x128xf32, #tpu.memory_space<vmem>>) target(%dma_start3A_297 : memref<10016x128xf32, #tpu.memory_space<vmem_shared>>) offsets(%dma_start3A_294 : memref<128xi32, #tpu.memory_space<vmem>>) semaphore(%run_scoped3A_288 : memref<!tpu.dma_semaphore, #tpu.memory_space<semaphore_mem>>) {add = true}
        %dma_wait3A_298 = arith.constant 0 : i32
        %dma_wait3A_299 = arith.constant 0 : i32
        %dma_wait3A_300 = tpu.memref_slice %arg8[%dma_wait3A_298, %dma_wait3A_299] : memref<256x128xf32, #tpu.memory_space<vmem>> -> memref<128x128xf32, #tpu.memory_space<vmem>>
        %dma_wait3A_301 = arith.constant 0 : i32
        %dma_wait3A_302 = tpu.memref_slice %arg7[%run_scoped3A_220, %dma_wait3A_301] : memref<8x128xi32, #tpu.memory_space<vmem>> -> memref<1x128xi32, #tpu.memory_space<vmem>>
        %dma_wait3A_303 = tpu.memref_squeeze %dma_wait3A_302 : memref<1x128xi32, #tpu.memory_space<vmem>> -> memref<128xi32, #tpu.memory_space<vmem>>
        %dma_wait3A_304 = arith.constant 0 : i32
        %dma_wait3A_305 = arith.constant 0 : i32
        %dma_wait3A_306 = tpu.memref_slice %arg9[%dma_wait3A_304, %dma_wait3A_305] : memref<10016x128xf32, #tpu.memory_space<vmem_shared>> -> memref<10016x128xf32, #tpu.memory_space<vmem_shared>>
        tpu.wait_indirect_dma semaphore(%run_scoped3A_288 : memref<!tpu.dma_semaphore, #tpu.memory_space<semaphore_mem>>) src(%dma_wait3A_300 : memref<128x128xf32, #tpu.memory_space<vmem>>) dst(%dma_wait3A_306 : memref<10016x128xf32, #tpu.memory_space<vmem_shared>>)
        tpu.yield
      }) : () -> ()
      %add3A_221 = arith.constant 5 : i32
      %add3A_222 = arith.addi %mul3A_115, %add3A_221 : i32
      %add3A_223 = arith.constant 1 : i32
      %add3A_224 = arith.addi %add3A_222, %add3A_223 : i32
      %lt3A_225 = arith.constant 160 : i32
      %lt3A_226 = arith.cmpi slt, %add3A_224, %lt3A_225 : i32
      %convert_element_type3A_227 = arith.extui %lt3A_226 : i1 to i32
      %cond3A_228 = arith.constant 0 : i32
      %cond3A_229 = arith.cmpi ne, %convert_element_type3A_227, %cond3A_228 : i32
      scf.if %cond3A_229 {
        %dma_start3A_288 = arith.constant 1 : i32
        %dma_start3A_289 = arith.constant 0 : i32
        %dma_start3A_290 = arith.constant 0 : i32
        %dma_start3A_291 = tpu.memref_slice %arg8[%dma_start3A_289, %dma_start3A_290] : memref<256x128xf32, #tpu.memory_space<vmem>> -> memref<128x128xf32, #tpu.memory_space<vmem>>
        %dma_start3A_292 = arith.constant 256 : i32
        %dma_start3A_293 = tpu.memref_slice %arg6[%dma_start3A_288, %dma_start3A_292] : memref<2x512xi32, #tpu.memory_space<vmem>> -> memref<1x128xi32, #tpu.memory_space<vmem>>
        %dma_start3A_294 = tpu.memref_squeeze %dma_start3A_293 : memref<1x128xi32, #tpu.memory_space<vmem>> -> memref<128xi32, #tpu.memory_space<vmem>>
        %dma_start3A_295 = arith.constant 0 : i32
        %dma_start3A_296 = arith.constant 0 : i32
        %dma_start3A_297 = tpu.memref_slice %arg2[%dma_start3A_295, %dma_start3A_296] : memref<20000x128xf32, #tpu.memory_space<hbm>> -> memref<20000x128xf32, #tpu.memory_space<hbm>>
        tpu.enqueue_indirect_dma source(%dma_start3A_297 : memref<20000x128xf32, #tpu.memory_space<hbm>>) target(%dma_start3A_291 : memref<128x128xf32, #tpu.memory_space<vmem>>) offsets(%dma_start3A_294 : memref<128xi32, #tpu.memory_space<vmem>>) semaphore(%arg12 : memref<!tpu.dma_semaphore, #tpu.memory_space<semaphore_mem>>)
      } else {
      }
      %dma_wait3A_230 = arith.constant 1 : i32
      %dma_wait3A_231 = arith.constant 128 : i32
      %dma_wait3A_232 = arith.constant 0 : i32
      %dma_wait3A_233 = tpu.memref_slice %arg8[%dma_wait3A_231, %dma_wait3A_232] : memref<256x128xf32, #tpu.memory_space<vmem>> -> memref<128x128xf32, #tpu.memory_space<vmem>>
      %dma_wait3A_234 = arith.constant 128 : i32
      %dma_wait3A_235 = tpu.memref_slice %arg6[%dma_wait3A_230, %dma_wait3A_234] : memref<2x512xi32, #tpu.memory_space<vmem>> -> memref<1x128xi32, #tpu.memory_space<vmem>>
      %dma_wait3A_236 = tpu.memref_squeeze %dma_wait3A_235 : memref<1x128xi32, #tpu.memory_space<vmem>> -> memref<128xi32, #tpu.memory_space<vmem>>
      %dma_wait3A_237 = arith.constant 0 : i32
      %dma_wait3A_238 = arith.constant 0 : i32
      %dma_wait3A_239 = tpu.memref_slice %arg2[%dma_wait3A_237, %dma_wait3A_238] : memref<20000x128xf32, #tpu.memory_space<hbm>> -> memref<20000x128xf32, #tpu.memory_space<hbm>>
      tpu.wait_indirect_dma semaphore(%arg12 : memref<!tpu.dma_semaphore, #tpu.memory_space<semaphore_mem>>) src(%dma_wait3A_239 : memref<20000x128xf32, #tpu.memory_space<hbm>>) dst(%dma_wait3A_233 : memref<128x128xf32, #tpu.memory_space<vmem>>)
      %run_scoped3A_240 = arith.constant 5 : i32
      "tpu.region"() ({
        %run_scoped3A_288 = tpu.sem_alloc : memref<!tpu.dma_semaphore, #tpu.memory_space<semaphore_mem>>
        %dma_start3A_289 = arith.constant 128 : i32
        %dma_start3A_290 = arith.constant 0 : i32
        %dma_start3A_291 = tpu.memref_slice %arg8[%dma_start3A_289, %dma_start3A_290] : memref<256x128xf32, #tpu.memory_space<vmem>> -> memref<128x128xf32, #tpu.memory_space<vmem>>
        %dma_start3A_292 = arith.constant 0 : i32
        %dma_start3A_293 = tpu.memref_slice %arg7[%run_scoped3A_240, %dma_start3A_292] : memref<8x128xi32, #tpu.memory_space<vmem>> -> memref<1x128xi32, #tpu.memory_space<vmem>>
        %dma_start3A_294 = tpu.memref_squeeze %dma_start3A_293 : memref<1x128xi32, #tpu.memory_space<vmem>> -> memref<128xi32, #tpu.memory_space<vmem>>
        %dma_start3A_295 = arith.constant 0 : i32
        %dma_start3A_296 = arith.constant 0 : i32
        %dma_start3A_297 = tpu.memref_slice %arg9[%dma_start3A_295, %dma_start3A_296] : memref<10016x128xf32, #tpu.memory_space<vmem_shared>> -> memref<10016x128xf32, #tpu.memory_space<vmem_shared>>
        tpu.enqueue_indirect_dma source(%dma_start3A_291 : memref<128x128xf32, #tpu.memory_space<vmem>>) target(%dma_start3A_297 : memref<10016x128xf32, #tpu.memory_space<vmem_shared>>) offsets(%dma_start3A_294 : memref<128xi32, #tpu.memory_space<vmem>>) semaphore(%run_scoped3A_288 : memref<!tpu.dma_semaphore, #tpu.memory_space<semaphore_mem>>) {add = true}
        %dma_wait3A_298 = arith.constant 128 : i32
        %dma_wait3A_299 = arith.constant 0 : i32
        %dma_wait3A_300 = tpu.memref_slice %arg8[%dma_wait3A_298, %dma_wait3A_299] : memref<256x128xf32, #tpu.memory_space<vmem>> -> memref<128x128xf32, #tpu.memory_space<vmem>>
        %dma_wait3A_301 = arith.constant 0 : i32
        %dma_wait3A_302 = tpu.memref_slice %arg7[%run_scoped3A_240, %dma_wait3A_301] : memref<8x128xi32, #tpu.memory_space<vmem>> -> memref<1x128xi32, #tpu.memory_space<vmem>>
        %dma_wait3A_303 = tpu.memref_squeeze %dma_wait3A_302 : memref<1x128xi32, #tpu.memory_space<vmem>> -> memref<128xi32, #tpu.memory_space<vmem>>
        %dma_wait3A_304 = arith.constant 0 : i32
        %dma_wait3A_305 = arith.constant 0 : i32
        %dma_wait3A_306 = tpu.memref_slice %arg9[%dma_wait3A_304, %dma_wait3A_305] : memref<10016x128xf32, #tpu.memory_space<vmem_shared>> -> memref<10016x128xf32, #tpu.memory_space<vmem_shared>>
        tpu.wait_indirect_dma semaphore(%run_scoped3A_288 : memref<!tpu.dma_semaphore, #tpu.memory_space<semaphore_mem>>) src(%dma_wait3A_300 : memref<128x128xf32, #tpu.memory_space<vmem>>) dst(%dma_wait3A_306 : memref<10016x128xf32, #tpu.memory_space<vmem_shared>>)
        tpu.yield
      }) : () -> ()
      %add3A_241 = arith.constant 6 : i32
      %add3A_242 = arith.addi %mul3A_115, %add3A_241 : i32
      %add3A_243 = arith.constant 1 : i32
      %add3A_244 = arith.addi %add3A_242, %add3A_243 : i32
      %lt3A_245 = arith.constant 160 : i32
      %lt3A_246 = arith.cmpi slt, %add3A_244, %lt3A_245 : i32
      %convert_element_type3A_247 = arith.extui %lt3A_246 : i1 to i32
      %cond3A_248 = arith.constant 0 : i32
      %cond3A_249 = arith.cmpi ne, %convert_element_type3A_247, %cond3A_248 : i32
      scf.if %cond3A_249 {
        %dma_start3A_288 = arith.constant 1 : i32
        %dma_start3A_289 = arith.constant 128 : i32
        %dma_start3A_290 = arith.constant 0 : i32
        %dma_start3A_291 = tpu.memref_slice %arg8[%dma_start3A_289, %dma_start3A_290] : memref<256x128xf32, #tpu.memory_space<vmem>> -> memref<128x128xf32, #tpu.memory_space<vmem>>
        %dma_start3A_292 = arith.constant 384 : i32
        %dma_start3A_293 = tpu.memref_slice %arg6[%dma_start3A_288, %dma_start3A_292] : memref<2x512xi32, #tpu.memory_space<vmem>> -> memref<1x128xi32, #tpu.memory_space<vmem>>
        %dma_start3A_294 = tpu.memref_squeeze %dma_start3A_293 : memref<1x128xi32, #tpu.memory_space<vmem>> -> memref<128xi32, #tpu.memory_space<vmem>>
        %dma_start3A_295 = arith.constant 0 : i32
        %dma_start3A_296 = arith.constant 0 : i32
        %dma_start3A_297 = tpu.memref_slice %arg2[%dma_start3A_295, %dma_start3A_296] : memref<20000x128xf32, #tpu.memory_space<hbm>> -> memref<20000x128xf32, #tpu.memory_space<hbm>>
        tpu.enqueue_indirect_dma source(%dma_start3A_297 : memref<20000x128xf32, #tpu.memory_space<hbm>>) target(%dma_start3A_291 : memref<128x128xf32, #tpu.memory_space<vmem>>) offsets(%dma_start3A_294 : memref<128xi32, #tpu.memory_space<vmem>>) semaphore(%arg12 : memref<!tpu.dma_semaphore, #tpu.memory_space<semaphore_mem>>)
      } else {
      }
      %dma_wait3A_250 = arith.constant 1 : i32
      %dma_wait3A_251 = arith.constant 0 : i32
      %dma_wait3A_252 = arith.constant 0 : i32
      %dma_wait3A_253 = tpu.memref_slice %arg8[%dma_wait3A_251, %dma_wait3A_252] : memref<256x128xf32, #tpu.memory_space<vmem>> -> memref<128x128xf32, #tpu.memory_space<vmem>>
      %dma_wait3A_254 = arith.constant 256 : i32
      %dma_wait3A_255 = tpu.memref_slice %arg6[%dma_wait3A_250, %dma_wait3A_254] : memref<2x512xi32, #tpu.memory_space<vmem>> -> memref<1x128xi32, #tpu.memory_space<vmem>>
      %dma_wait3A_256 = tpu.memref_squeeze %dma_wait3A_255 : memref<1x128xi32, #tpu.memory_space<vmem>> -> memref<128xi32, #tpu.memory_space<vmem>>
      %dma_wait3A_257 = arith.constant 0 : i32
      %dma_wait3A_258 = arith.constant 0 : i32
      %dma_wait3A_259 = tpu.memref_slice %arg2[%dma_wait3A_257, %dma_wait3A_258] : memref<20000x128xf32, #tpu.memory_space<hbm>> -> memref<20000x128xf32, #tpu.memory_space<hbm>>
      tpu.wait_indirect_dma semaphore(%arg12 : memref<!tpu.dma_semaphore, #tpu.memory_space<semaphore_mem>>) src(%dma_wait3A_259 : memref<20000x128xf32, #tpu.memory_space<hbm>>) dst(%dma_wait3A_253 : memref<128x128xf32, #tpu.memory_space<vmem>>)
      %run_scoped3A_260 = arith.constant 6 : i32
      "tpu.region"() ({
        %run_scoped3A_288 = tpu.sem_alloc : memref<!tpu.dma_semaphore, #tpu.memory_space<semaphore_mem>>
        %dma_start3A_289 = arith.constant 0 : i32
        %dma_start3A_290 = arith.constant 0 : i32
        %dma_start3A_291 = tpu.memref_slice %arg8[%dma_start3A_289, %dma_start3A_290] : memref<256x128xf32, #tpu.memory_space<vmem>> -> memref<128x128xf32, #tpu.memory_space<vmem>>
        %dma_start3A_292 = arith.constant 0 : i32
        %dma_start3A_293 = tpu.memref_slice %arg7[%run_scoped3A_260, %dma_start3A_292] : memref<8x128xi32, #tpu.memory_space<vmem>> -> memref<1x128xi32, #tpu.memory_space<vmem>>
        %dma_start3A_294 = tpu.memref_squeeze %dma_start3A_293 : memref<1x128xi32, #tpu.memory_space<vmem>> -> memref<128xi32, #tpu.memory_space<vmem>>
        %dma_start3A_295 = arith.constant 0 : i32
        %dma_start3A_296 = arith.constant 0 : i32
        %dma_start3A_297 = tpu.memref_slice %arg9[%dma_start3A_295, %dma_start3A_296] : memref<10016x128xf32, #tpu.memory_space<vmem_shared>> -> memref<10016x128xf32, #tpu.memory_space<vmem_shared>>
        tpu.enqueue_indirect_dma source(%dma_start3A_291 : memref<128x128xf32, #tpu.memory_space<vmem>>) target(%dma_start3A_297 : memref<10016x128xf32, #tpu.memory_space<vmem_shared>>) offsets(%dma_start3A_294 : memref<128xi32, #tpu.memory_space<vmem>>) semaphore(%run_scoped3A_288 : memref<!tpu.dma_semaphore, #tpu.memory_space<semaphore_mem>>) {add = true}
        %dma_wait3A_298 = arith.constant 0 : i32
        %dma_wait3A_299 = arith.constant 0 : i32
        %dma_wait3A_300 = tpu.memref_slice %arg8[%dma_wait3A_298, %dma_wait3A_299] : memref<256x128xf32, #tpu.memory_space<vmem>> -> memref<128x128xf32, #tpu.memory_space<vmem>>
        %dma_wait3A_301 = arith.constant 0 : i32
        %dma_wait3A_302 = tpu.memref_slice %arg7[%run_scoped3A_260, %dma_wait3A_301] : memref<8x128xi32, #tpu.memory_space<vmem>> -> memref<1x128xi32, #tpu.memory_space<vmem>>
        %dma_wait3A_303 = tpu.memref_squeeze %dma_wait3A_302 : memref<1x128xi32, #tpu.memory_space<vmem>> -> memref<128xi32, #tpu.memory_space<vmem>>
        %dma_wait3A_304 = arith.constant 0 : i32
        %dma_wait3A_305 = arith.constant 0 : i32
        %dma_wait3A_306 = tpu.memref_slice %arg9[%dma_wait3A_304, %dma_wait3A_305] : memref<10016x128xf32, #tpu.memory_space<vmem_shared>> -> memref<10016x128xf32, #tpu.memory_space<vmem_shared>>
        tpu.wait_indirect_dma semaphore(%run_scoped3A_288 : memref<!tpu.dma_semaphore, #tpu.memory_space<semaphore_mem>>) src(%dma_wait3A_300 : memref<128x128xf32, #tpu.memory_space<vmem>>) dst(%dma_wait3A_306 : memref<10016x128xf32, #tpu.memory_space<vmem_shared>>)
        tpu.yield
      }) : () -> ()
      %add3A_261 = arith.constant 7 : i32
      %add3A_262 = arith.addi %mul3A_115, %add3A_261 : i32
      %add3A_263 = arith.constant 1 : i32
      %add3A_264 = arith.addi %add3A_262, %add3A_263 : i32
      %lt3A_265 = arith.constant 160 : i32
      %lt3A_266 = arith.cmpi slt, %add3A_264, %lt3A_265 : i32
      %convert_element_type3A_267 = arith.extui %lt3A_266 : i1 to i32
      %cond3A_268 = arith.constant 0 : i32
      %cond3A_269 = arith.cmpi ne, %convert_element_type3A_267, %cond3A_268 : i32
      scf.if %cond3A_269 {
        %mul3A_288 = arith.constant 2 : i32
        %mul3A_289 = arith.muli %scan3A_113, %mul3A_288 : i32
        %add3A_290 = arith.constant 2 : i32
        %add3A_291 = arith.addi %mul3A_289, %add3A_290 : i32
        %mul3A_292 = arith.constant 4 : i32
        %mul3A_293 = arith.muli %add3A_291, %mul3A_292 : i32
        %add3A_294 = arith.addi %mul3A_2, %mul3A_293 : i32
        %mul3A_295 = arith.constant 128 : i32
        %mul3A_296 = arith.muli %add3A_294, %mul3A_295 : i32
        %dma_wait3A_297 = arith.constant 0 : i32
        %dma_wait3A_298 = arith.constant 0 : i32
        %dma_wait3A_299 = tpu.memref_slice %arg6[%dma_wait3A_297, %dma_wait3A_298] : memref<2x512xi32, #tpu.memory_space<vmem>> -> memref<1x512xi32, #tpu.memory_space<vmem>>
        %dma_wait3A_300 = tpu.memref_squeeze %dma_wait3A_299 : memref<1x512xi32, #tpu.memory_space<vmem>> -> memref<512xi32, #tpu.memory_space<vmem>>
        %dma_wait3A_301 = tpu.memref_slice %arg3[%mul3A_296] : memref<655360xi32, #tpu.memory_space<hbm>> -> memref<512xi32, #tpu.memory_space<hbm>>
        %dma_wait3A_302 = arith.constant 0 : i32
        %dma_wait3A_303 = tpu.memref_slice %arg6[%dma_wait3A_297, %dma_wait3A_302] : memref<2x512xi32, #tpu.memory_space<vmem>> -> memref<1x512xi32, #tpu.memory_space<vmem>>
        %dma_wait3A_304 = tpu.memref_squeeze %dma_wait3A_303 : memref<1x512xi32, #tpu.memory_space<vmem>> -> memref<512xi32, #tpu.memory_space<vmem>>
        %dma_wait3A_305 = tpu.memref_slice %arg3[%mul3A_296] : memref<655360xi32, #tpu.memory_space<hbm>> -> memref<512xi32, #tpu.memory_space<hbm>>
        tpu.wait_dma2 semaphore(%arg10 : memref<!tpu.dma_semaphore, #tpu.memory_space<semaphore_mem>>) src(%dma_wait3A_305 : memref<512xi32, #tpu.memory_space<hbm>>) dst(%dma_wait3A_304 : memref<512xi32, #tpu.memory_space<vmem>>)
        %mul3A_306 = arith.constant 4 : i32
        %mul3A_307 = arith.muli %add3A_291, %mul3A_306 : i32
        %add3A_308 = arith.addi %mul3A_2, %mul3A_307 : i32
        %dma_wait3A_309 = arith.constant 0 : i32
        %dma_wait3A_310 = arith.constant 0 : i32
        %dma_wait3A_311 = tpu.memref_slice %arg7[%dma_wait3A_309, %dma_wait3A_310] : memref<8x128xi32, #tpu.memory_space<vmem>> -> memref<4x128xi32, #tpu.memory_space<vmem>>
        %dma_wait3A_312 = arith.constant 0 : i32
        %dma_wait3A_313 = tpu.memref_slice %arg4[%add3A_308, %dma_wait3A_312] : memref<5120x128xi32, #tpu.memory_space<hbm>> -> memref<4x128xi32, #tpu.memory_space<hbm>>
        %dma_wait3A_314 = arith.constant 0 : i32
        %dma_wait3A_315 = arith.constant 0 : i32
        %dma_wait3A_316 = tpu.memref_slice %arg7[%dma_wait3A_314, %dma_wait3A_315] : memref<8x128xi32, #tpu.memory_space<vmem>> -> memref<4x128xi32, #tpu.memory_space<vmem>>
        %dma_wait3A_317 = arith.constant 0 : i32
        %dma_wait3A_318 = tpu.memref_slice %arg4[%add3A_308, %dma_wait3A_317] : memref<5120x128xi32, #tpu.memory_space<hbm>> -> memref<4x128xi32, #tpu.memory_space<hbm>>
        tpu.wait_dma2 semaphore(%arg11 : memref<!tpu.dma_semaphore, #tpu.memory_space<semaphore_mem>>) src(%dma_wait3A_318 : memref<4x128xi32, #tpu.memory_space<hbm>>) dst(%dma_wait3A_316 : memref<4x128xi32, #tpu.memory_space<vmem>>)
        %dma_start3A_319 = arith.constant 0 : i32
        %dma_start3A_320 = arith.constant 0 : i32
        %dma_start3A_321 = arith.constant 0 : i32
        %dma_start3A_322 = tpu.memref_slice %arg8[%dma_start3A_320, %dma_start3A_321] : memref<256x128xf32, #tpu.memory_space<vmem>> -> memref<128x128xf32, #tpu.memory_space<vmem>>
        %dma_start3A_323 = arith.constant 0 : i32
        %dma_start3A_324 = tpu.memref_slice %arg6[%dma_start3A_319, %dma_start3A_323] : memref<2x512xi32, #tpu.memory_space<vmem>> -> memref<1x128xi32, #tpu.memory_space<vmem>>
        %dma_start3A_325 = tpu.memref_squeeze %dma_start3A_324 : memref<1x128xi32, #tpu.memory_space<vmem>> -> memref<128xi32, #tpu.memory_space<vmem>>
        %dma_start3A_326 = arith.constant 0 : i32
        %dma_start3A_327 = arith.constant 0 : i32
        %dma_start3A_328 = tpu.memref_slice %arg2[%dma_start3A_326, %dma_start3A_327] : memref<20000x128xf32, #tpu.memory_space<hbm>> -> memref<20000x128xf32, #tpu.memory_space<hbm>>
        tpu.enqueue_indirect_dma source(%dma_start3A_328 : memref<20000x128xf32, #tpu.memory_space<hbm>>) target(%dma_start3A_322 : memref<128x128xf32, #tpu.memory_space<vmem>>) offsets(%dma_start3A_325 : memref<128xi32, #tpu.memory_space<vmem>>) semaphore(%arg12 : memref<!tpu.dma_semaphore, #tpu.memory_space<semaphore_mem>>)
      } else {
      }
      %dma_wait3A_270 = arith.constant 1 : i32
      %dma_wait3A_271 = arith.constant 128 : i32
      %dma_wait3A_272 = arith.constant 0 : i32
      %dma_wait3A_273 = tpu.memref_slice %arg8[%dma_wait3A_271, %dma_wait3A_272] : memref<256x128xf32, #tpu.memory_space<vmem>> -> memref<128x128xf32, #tpu.memory_space<vmem>>
      %dma_wait3A_274 = arith.constant 384 : i32
      %dma_wait3A_275 = tpu.memref_slice %arg6[%dma_wait3A_270, %dma_wait3A_274] : memref<2x512xi32, #tpu.memory_space<vmem>> -> memref<1x128xi32, #tpu.memory_space<vmem>>
      %dma_wait3A_276 = tpu.memref_squeeze %dma_wait3A_275 : memref<1x128xi32, #tpu.memory_space<vmem>> -> memref<128xi32, #tpu.memory_space<vmem>>
      %dma_wait3A_277 = arith.constant 0 : i32
      %dma_wait3A_278 = arith.constant 0 : i32
      %dma_wait3A_279 = tpu.memref_slice %arg2[%dma_wait3A_277, %dma_wait3A_278] : memref<20000x128xf32, #tpu.memory_space<hbm>> -> memref<20000x128xf32, #tpu.memory_space<hbm>>
      tpu.wait_indirect_dma semaphore(%arg12 : memref<!tpu.dma_semaphore, #tpu.memory_space<semaphore_mem>>) src(%dma_wait3A_279 : memref<20000x128xf32, #tpu.memory_space<hbm>>) dst(%dma_wait3A_273 : memref<128x128xf32, #tpu.memory_space<vmem>>)
      %run_scoped3A_280 = arith.constant 7 : i32
      "tpu.region"() ({
        %run_scoped3A_288 = tpu.sem_alloc : memref<!tpu.dma_semaphore, #tpu.memory_space<semaphore_mem>>
        %dma_start3A_289 = arith.constant 128 : i32
        %dma_start3A_290 = arith.constant 0 : i32
        %dma_start3A_291 = tpu.memref_slice %arg8[%dma_start3A_289, %dma_start3A_290] : memref<256x128xf32, #tpu.memory_space<vmem>> -> memref<128x128xf32, #tpu.memory_space<vmem>>
        %dma_start3A_292 = arith.constant 0 : i32
        %dma_start3A_293 = tpu.memref_slice %arg7[%run_scoped3A_280, %dma_start3A_292] : memref<8x128xi32, #tpu.memory_space<vmem>> -> memref<1x128xi32, #tpu.memory_space<vmem>>
        %dma_start3A_294 = tpu.memref_squeeze %dma_start3A_293 : memref<1x128xi32, #tpu.memory_space<vmem>> -> memref<128xi32, #tpu.memory_space<vmem>>
        %dma_start3A_295 = arith.constant 0 : i32
        %dma_start3A_296 = arith.constant 0 : i32
        %dma_start3A_297 = tpu.memref_slice %arg9[%dma_start3A_295, %dma_start3A_296] : memref<10016x128xf32, #tpu.memory_space<vmem_shared>> -> memref<10016x128xf32, #tpu.memory_space<vmem_shared>>
        tpu.enqueue_indirect_dma source(%dma_start3A_291 : memref<128x128xf32, #tpu.memory_space<vmem>>) target(%dma_start3A_297 : memref<10016x128xf32, #tpu.memory_space<vmem_shared>>) offsets(%dma_start3A_294 : memref<128xi32, #tpu.memory_space<vmem>>) semaphore(%run_scoped3A_288 : memref<!tpu.dma_semaphore, #tpu.memory_space<semaphore_mem>>) {add = true}
        %dma_wait3A_298 = arith.constant 128 : i32
        %dma_wait3A_299 = arith.constant 0 : i32
        %dma_wait3A_300 = tpu.memref_slice %arg8[%dma_wait3A_298, %dma_wait3A_299] : memref<256x128xf32, #tpu.memory_space<vmem>> -> memref<128x128xf32, #tpu.memory_space<vmem>>
        %dma_wait3A_301 = arith.constant 0 : i32
        %dma_wait3A_302 = tpu.memref_slice %arg7[%run_scoped3A_280, %dma_wait3A_301] : memref<8x128xi32, #tpu.memory_space<vmem>> -> memref<1x128xi32, #tpu.memory_space<vmem>>
        %dma_wait3A_303 = tpu.memref_squeeze %dma_wait3A_302 : memref<1x128xi32, #tpu.memory_space<vmem>> -> memref<128xi32, #tpu.memory_space<vmem>>
        %dma_wait3A_304 = arith.constant 0 : i32
        %dma_wait3A_305 = arith.constant 0 : i32
        %dma_wait3A_306 = tpu.memref_slice %arg9[%dma_wait3A_304, %dma_wait3A_305] : memref<10016x128xf32, #tpu.memory_space<vmem_shared>> -> memref<10016x128xf32, #tpu.memory_space<vmem_shared>>
        tpu.wait_indirect_dma semaphore(%run_scoped3A_288 : memref<!tpu.dma_semaphore, #tpu.memory_space<semaphore_mem>>) src(%dma_wait3A_300 : memref<128x128xf32, #tpu.memory_space<vmem>>) dst(%dma_wait3A_306 : memref<10016x128xf32, #tpu.memory_space<vmem_shared>>)
        tpu.yield
      }) : () -> ()
      %add3A_281 = arith.constant 12 : i32
      %add3A_282 = arith.addi %mul3A_115, %add3A_281 : i32
      %lt3A_283 = arith.constant 160 : i32
      %lt3A_284 = arith.cmpi slt, %add3A_282, %lt3A_283 : i32
      %convert_element_type3A_285 = arith.extui %lt3A_284 : i1 to i32
      %cond3A_286 = arith.constant 0 : i32
      %cond3A_287 = arith.cmpi ne, %convert_element_type3A_285, %cond3A_286 : i32
      scf.if %cond3A_287 {
        %mul3A_288 = arith.constant 2 : i32
        %mul3A_289 = arith.muli %scan3A_113, %mul3A_288 : i32
        %add3A_290 = arith.constant 3 : i32
        %add3A_291 = arith.addi %mul3A_289, %add3A_290 : i32
        %mul3A_292 = arith.constant 4 : i32
        %mul3A_293 = arith.muli %add3A_291, %mul3A_292 : i32
        %add3A_294 = arith.addi %mul3A_2, %mul3A_293 : i32
        %mul3A_295 = arith.constant 128 : i32
        %mul3A_296 = arith.muli %add3A_294, %mul3A_295 : i32
        %dma_start3A_297 = arith.constant 1 : i32
        %dma_start3A_298 = arith.constant 0 : i32
        %dma_start3A_299 = tpu.memref_slice %arg6[%dma_start3A_297, %dma_start3A_298] : memref<2x512xi32, #tpu.memory_space<vmem>> -> memref<1x512xi32, #tpu.memory_space<vmem>>
        %dma_start3A_300 = tpu.memref_squeeze %dma_start3A_299 : memref<1x512xi32, #tpu.memory_space<vmem>> -> memref<512xi32, #tpu.memory_space<vmem>>
        %dma_start3A_301 = tpu.memref_slice %arg3[%mul3A_296] : memref<655360xi32, #tpu.memory_space<hbm>> -> memref<512xi32, #tpu.memory_space<hbm>>
        %dma_start3A_302 = arith.constant 0 : i32
        %dma_start3A_303 = tpu.memref_slice %arg6[%dma_start3A_297, %dma_start3A_302] : memref<2x512xi32, #tpu.memory_space<vmem>> -> memref<1x512xi32, #tpu.memory_space<vmem>>
        %dma_start3A_304 = tpu.memref_squeeze %dma_start3A_303 : memref<1x512xi32, #tpu.memory_space<vmem>> -> memref<512xi32, #tpu.memory_space<vmem>>
        %dma_start3A_305 = tpu.memref_slice %arg3[%mul3A_296] : memref<655360xi32, #tpu.memory_space<hbm>> -> memref<512xi32, #tpu.memory_space<hbm>>
        tpu.enqueue_dma source(%dma_start3A_305 : memref<512xi32, #tpu.memory_space<hbm>>) target(%dma_start3A_304 : memref<512xi32, #tpu.memory_space<vmem>>) target_semaphore(%arg10 : memref<!tpu.dma_semaphore, #tpu.memory_space<semaphore_mem>>)
        %mul3A_306 = arith.constant 4 : i32
        %mul3A_307 = arith.muli %add3A_291, %mul3A_306 : i32
        %add3A_308 = arith.addi %mul3A_2, %mul3A_307 : i32
        %dma_start3A_309 = arith.constant 4 : i32
        %dma_start3A_310 = arith.constant 0 : i32
        %dma_start3A_311 = tpu.memref_slice %arg7[%dma_start3A_309, %dma_start3A_310] : memref<8x128xi32, #tpu.memory_space<vmem>> -> memref<4x128xi32, #tpu.memory_space<vmem>>
        %dma_start3A_312 = arith.constant 0 : i32
        %dma_start3A_313 = tpu.memref_slice %arg4[%add3A_308, %dma_start3A_312] : memref<5120x128xi32, #tpu.memory_space<hbm>> -> memref<4x128xi32, #tpu.memory_space<hbm>>
        %dma_start3A_314 = arith.constant 4 : i32
        %dma_start3A_315 = arith.constant 0 : i32
        %dma_start3A_316 = tpu.memref_slice %arg7[%dma_start3A_314, %dma_start3A_315] : memref<8x128xi32, #tpu.memory_space<vmem>> -> memref<4x128xi32, #tpu.memory_space<vmem>>
        %dma_start3A_317 = arith.constant 0 : i32
        %dma_start3A_318 = tpu.memref_slice %arg4[%add3A_308, %dma_start3A_317] : memref<5120x128xi32, #tpu.memory_space<hbm>> -> memref<4x128xi32, #tpu.memory_space<hbm>>
        tpu.enqueue_dma source(%dma_start3A_318 : memref<4x128xi32, #tpu.memory_space<hbm>>) target(%dma_start3A_316 : memref<4x128xi32, #tpu.memory_space<vmem>>) target_semaphore(%arg11 : memref<!tpu.dma_semaphore, #tpu.memory_space<semaphore_mem>>)
      } else {
      }
    }
    %scan3A_99 = arith.constant 20 : i32
    %barrier3A_100 = arith.constant 0 : index
    tpu.barrier barrier_id(%barrier3A_100)
    %mul3A_101 = arith.constant 624 : i32
    %mul3A_102 = arith.muli %arg1, %mul3A_101 : i32
    %mul3A_103 = arith.constant 10000 : i32
    %mul3A_104 = arith.muli %arg0, %mul3A_103 : i32
    %mul3A_105 = arith.constant 624 : i32
    %mul3A_106 = arith.muli %arg1, %mul3A_105 : i32
    %add3A_107 = arith.addi %mul3A_104, %mul3A_106 : i32
    "tpu.region"() ({
      %run_scoped3A = tpu.sem_alloc : memref<!tpu.dma_semaphore, #tpu.memory_space<semaphore_mem>>
      %dma_start3A_113 = arith.constant 0 : i32
      %dma_start3A_114 = tpu.memref_slice %arg5[%add3A_107, %dma_start3A_113] : memref<20000x128xf32, #tpu.memory_space<hbm>> -> memref<624x128xf32, #tpu.memory_space<hbm>>
      %dma_start3A_115 = arith.constant 0 : i32
      %dma_start3A_116 = tpu.memref_slice %arg9[%mul3A_102, %dma_start3A_115] : memref<10016x128xf32, #tpu.memory_space<vmem_shared>> -> memref<624x128xf32, #tpu.memory_space<vmem_shared>>
      tpu.enqueue_dma source(%dma_start3A_116 : memref<624x128xf32, #tpu.memory_space<vmem_shared>>) target(%dma_start3A_114 : memref<624x128xf32, #tpu.memory_space<hbm>>) target_semaphore(%run_scoped3A : memref<!tpu.dma_semaphore, #tpu.memory_space<semaphore_mem>>)
      %dma_wait3A_117 = arith.constant 0 : i32
      %dma_wait3A_118 = tpu.memref_slice %arg5[%add3A_107, %dma_wait3A_117] : memref<20000x128xf32, #tpu.memory_space<hbm>> -> memref<624x128xf32, #tpu.memory_space<hbm>>
      %dma_wait3A_119 = arith.constant 0 : i32
      %dma_wait3A_120 = tpu.memref_slice %arg9[%mul3A_102, %dma_wait3A_119] : memref<10016x128xf32, #tpu.memory_space<vmem_shared>> -> memref<624x128xf32, #tpu.memory_space<vmem_shared>>
      tpu.wait_dma2 semaphore(%run_scoped3A : memref<!tpu.dma_semaphore, #tpu.memory_space<semaphore_mem>>) src(%dma_wait3A_120 : memref<624x128xf32, #tpu.memory_space<vmem_shared>>) dst(%dma_wait3A_118 : memref<624x128xf32, #tpu.memory_space<hbm>>)
      tpu.yield
    }) : () -> ()
    %eq3A_108 = arith.constant 0 : i32
    %eq3A_109 = arith.cmpi eq, %arg1, %eq3A_108 : i32
    %convert_element_type3A_110 = arith.extui %eq3A_109 : i1 to i32
    %cond3A_111 = arith.constant 0 : i32
    %cond3A_112 = arith.cmpi ne, %convert_element_type3A_110, %cond3A_111 : i32
    scf.if %cond3A_112 {
      %mul3A_113 = arith.constant 10000 : i32
      %mul3A_114 = arith.muli %arg0, %mul3A_113 : i32
      %add3A_115 = arith.constant 9984 : i32
      %add3A_116 = arith.addi %mul3A_114, %add3A_115 : i32
      "tpu.region"() ({
        %run_scoped3A = tpu.sem_alloc : memref<!tpu.dma_semaphore, #tpu.memory_space<semaphore_mem>>
        %dma_start3A_117 = arith.constant 0 : i32
        %dma_start3A_118 = tpu.memref_slice %arg5[%add3A_116, %dma_start3A_117] : memref<20000x128xf32, #tpu.memory_space<hbm>> -> memref<16x128xf32, #tpu.memory_space<hbm>>
        %dma_start3A_119 = arith.constant 9984 : i32
        %dma_start3A_120 = arith.constant 0 : i32
        %dma_start3A_121 = tpu.memref_slice %arg9[%dma_start3A_119, %dma_start3A_120] : memref<10016x128xf32, #tpu.memory_space<vmem_shared>> -> memref<16x128xf32, #tpu.memory_space<vmem_shared>>
        tpu.enqueue_dma source(%dma_start3A_121 : memref<16x128xf32, #tpu.memory_space<vmem_shared>>) target(%dma_start3A_118 : memref<16x128xf32, #tpu.memory_space<hbm>>) target_semaphore(%run_scoped3A : memref<!tpu.dma_semaphore, #tpu.memory_space<semaphore_mem>>)
        %dma_wait3A_122 = arith.constant 0 : i32
        %dma_wait3A_123 = tpu.memref_slice %arg5[%add3A_116, %dma_wait3A_122] : memref<20000x128xf32, #tpu.memory_space<hbm>> -> memref<16x128xf32, #tpu.memory_space<hbm>>
        %dma_wait3A_124 = arith.constant 9984 : i32
        %dma_wait3A_125 = arith.constant 0 : i32
        %dma_wait3A_126 = tpu.memref_slice %arg9[%dma_wait3A_124, %dma_wait3A_125] : memref<10016x128xf32, #tpu.memory_space<vmem_shared>> -> memref<16x128xf32, #tpu.memory_space<vmem_shared>>
        tpu.wait_dma2 semaphore(%run_scoped3A : memref<!tpu.dma_semaphore, #tpu.memory_space<semaphore_mem>>) src(%dma_wait3A_126 : memref<16x128xf32, #tpu.memory_space<vmem_shared>>) dst(%dma_wait3A_123 : memref<16x128xf32, #tpu.memory_space<hbm>>)
        tpu.yield
      }) : () -> ()
    } else {
    }
    return
  }
}

#map = affine_map<(d0, d1) -> (0, 0)>
#map1 = affine_map<(d0, d1) -> (0)>
module attributes {stable_mosaic.version = 14 : i64} {
  func.func @_deg_body(%arg0: i32, %arg1: i32, %arg2: memref<5120x128xi32, #tpu.memory_space<hbm>>, %arg3: memref<20480xf32, #tpu.memory_space<hbm>>, %arg4: memref<160x128xi32, #tpu.memory_space<vmem>>, %arg5: memref<128xf32, #tpu.memory_space<vmem>>, %arg6: memref<640xf32, #tpu.memory_space<vmem>>, %arg7: memref<10240xf32, #tpu.memory_space<vmem_shared>>, %arg8: memref<!tpu.dma_semaphore, #tpu.memory_space<semaphore_mem>>, %arg9: memref<!tpu.dma_semaphore, #tpu.memory_space<semaphore_mem>>) attributes {dimension_semantics = [#tpu.dimension_semantics<core_parallel>, #tpu.dimension_semantics<subcore_parallel>], iteration_bounds = array<i64: 2, 16>, scalar_prefetch = 0 : i64, scratch_operands = 6 : i64, tpu.core_type = #tpu.core_type<sc_vector_subcore>, window_params = [{transform_indices = #map}, {transform_indices = #map1}]} {
    %mul3A = arith.constant 16 : i32
    %mul3A_0 = arith.muli %arg0, %mul3A : i32
    %add3A = arith.addi %mul3A_0, %arg1 : i32
    %mul3A_1 = arith.constant 160 : i32
    %mul3A_2 = arith.muli %add3A, %mul3A_1 : i32
    %dma_start3A = arith.constant 0 : i32
    %dma_start3A_3 = tpu.memref_slice %arg2[%mul3A_2, %dma_start3A] : memref<5120x128xi32, #tpu.memory_space<hbm>> -> memref<160x128xi32, #tpu.memory_space<hbm>>
    %dma_start3A_4 = arith.constant 0 : i32
    %dma_start3A_5 = tpu.memref_slice %arg2[%mul3A_2, %dma_start3A_4] : memref<5120x128xi32, #tpu.memory_space<hbm>> -> memref<160x128xi32, #tpu.memory_space<hbm>>
    tpu.enqueue_dma source(%dma_start3A_5 : memref<160x128xi32, #tpu.memory_space<hbm>>) target(%arg4 : memref<160x128xi32, #tpu.memory_space<vmem>>) target_semaphore(%arg8 : memref<!tpu.dma_semaphore, #tpu.memory_space<semaphore_mem>>)
    %broadcast_in_dim3A = arith.constant 1.000000e+00 : f32
    %broadcast_in_dim3A_6 = vector.broadcast %broadcast_in_dim3A : f32 to vector<16xf32>
    %swap3A = arith.constant 0 : index
    %swap3A_7 = tpu.vector_load %arg5[%swap3A] {strides = array<i32>} : memref<128xf32, #tpu.memory_space<vmem>>, vector<16xf32>,
    %swap3A_8 = vector.shape_cast %swap3A_7 : vector<16xf32> to vector<16xf32>
    %swap3A_9 = vector.shape_cast %broadcast_in_dim3A_6 : vector<16xf32> to vector<16xf32>
    tpu.vector_store %arg5[%swap3A], %swap3A_9 {strides = array<i32>} : memref<128xf32, #tpu.memory_space<vmem>>, vector<16xf32>,
    %broadcast_in_dim3A_10 = arith.constant 1.000000e+00 : f32
    %broadcast_in_dim3A_11 = vector.broadcast %broadcast_in_dim3A_10 : f32 to vector<16xf32>
    %swap3A_12 = arith.constant 16 : index
    %swap3A_13 = tpu.vector_load %arg5[%swap3A_12] {strides = array<i32>} : memref<128xf32, #tpu.memory_space<vmem>>, vector<16xf32>,
    %swap3A_14 = vector.shape_cast %swap3A_13 : vector<16xf32> to vector<16xf32>
    %swap3A_15 = vector.shape_cast %broadcast_in_dim3A_11 : vector<16xf32> to vector<16xf32>
    tpu.vector_store %arg5[%swap3A_12], %swap3A_15 {strides = array<i32>} : memref<128xf32, #tpu.memory_space<vmem>>, vector<16xf32>,
    %broadcast_in_dim3A_16 = arith.constant 1.000000e+00 : f32
    %broadcast_in_dim3A_17 = vector.broadcast %broadcast_in_dim3A_16 : f32 to vector<16xf32>
    %swap3A_18 = arith.constant 32 : index
    %swap3A_19 = tpu.vector_load %arg5[%swap3A_18] {strides = array<i32>} : memref<128xf32, #tpu.memory_space<vmem>>, vector<16xf32>,
    %swap3A_20 = vector.shape_cast %swap3A_19 : vector<16xf32> to vector<16xf32>
    %swap3A_21 = vector.shape_cast %broadcast_in_dim3A_17 : vector<16xf32> to vector<16xf32>
    tpu.vector_store %arg5[%swap3A_18], %swap3A_21 {strides = array<i32>} : memref<128xf32, #tpu.memory_space<vmem>>, vector<16xf32>,
    %broadcast_in_dim3A_22 = arith.constant 1.000000e+00 : f32
    %broadcast_in_dim3A_23 = vector.broadcast %broadcast_in_dim3A_22 : f32 to vector<16xf32>
    %swap3A_24 = arith.constant 48 : index
    %swap3A_25 = tpu.vector_load %arg5[%swap3A_24] {strides = array<i32>} : memref<128xf32, #tpu.memory_space<vmem>>, vector<16xf32>,
    %swap3A_26 = vector.shape_cast %swap3A_25 : vector<16xf32> to vector<16xf32>
    %swap3A_27 = vector.shape_cast %broadcast_in_dim3A_23 : vector<16xf32> to vector<16xf32>
    tpu.vector_store %arg5[%swap3A_24], %swap3A_27 {strides = array<i32>} : memref<128xf32, #tpu.memory_space<vmem>>, vector<16xf32>,
    %broadcast_in_dim3A_28 = arith.constant 1.000000e+00 : f32
    %broadcast_in_dim3A_29 = vector.broadcast %broadcast_in_dim3A_28 : f32 to vector<16xf32>
    %swap3A_30 = arith.constant 64 : index
    %swap3A_31 = tpu.vector_load %arg5[%swap3A_30] {strides = array<i32>} : memref<128xf32, #tpu.memory_space<vmem>>, vector<16xf32>,
    %swap3A_32 = vector.shape_cast %swap3A_31 : vector<16xf32> to vector<16xf32>
    %swap3A_33 = vector.shape_cast %broadcast_in_dim3A_29 : vector<16xf32> to vector<16xf32>
    tpu.vector_store %arg5[%swap3A_30], %swap3A_33 {strides = array<i32>} : memref<128xf32, #tpu.memory_space<vmem>>, vector<16xf32>,
    %broadcast_in_dim3A_34 = arith.constant 1.000000e+00 : f32
    %broadcast_in_dim3A_35 = vector.broadcast %broadcast_in_dim3A_34 : f32 to vector<16xf32>
    %swap3A_36 = arith.constant 80 : index
    %swap3A_37 = tpu.vector_load %arg5[%swap3A_36] {strides = array<i32>} : memref<128xf32, #tpu.memory_space<vmem>>, vector<16xf32>,
    %swap3A_38 = vector.shape_cast %swap3A_37 : vector<16xf32> to vector<16xf32>
    %swap3A_39 = vector.shape_cast %broadcast_in_dim3A_35 : vector<16xf32> to vector<16xf32>
    tpu.vector_store %arg5[%swap3A_36], %swap3A_39 {strides = array<i32>} : memref<128xf32, #tpu.memory_space<vmem>>, vector<16xf32>,
    %broadcast_in_dim3A_40 = arith.constant 1.000000e+00 : f32
    %broadcast_in_dim3A_41 = vector.broadcast %broadcast_in_dim3A_40 : f32 to vector<16xf32>
    %swap3A_42 = arith.constant 96 : index
    %swap3A_43 = tpu.vector_load %arg5[%swap3A_42] {strides = array<i32>} : memref<128xf32, #tpu.memory_space<vmem>>, vector<16xf32>,
    %swap3A_44 = vector.shape_cast %swap3A_43 : vector<16xf32> to vector<16xf32>
    %swap3A_45 = vector.shape_cast %broadcast_in_dim3A_41 : vector<16xf32> to vector<16xf32>
    tpu.vector_store %arg5[%swap3A_42], %swap3A_45 {strides = array<i32>} : memref<128xf32, #tpu.memory_space<vmem>>, vector<16xf32>,
    %broadcast_in_dim3A_46 = arith.constant 1.000000e+00 : f32
    %broadcast_in_dim3A_47 = vector.broadcast %broadcast_in_dim3A_46 : f32 to vector<16xf32>
    %swap3A_48 = arith.constant 112 : index
    %swap3A_49 = tpu.vector_load %arg5[%swap3A_48] {strides = array<i32>} : memref<128xf32, #tpu.memory_space<vmem>>, vector<16xf32>,
    %swap3A_50 = vector.shape_cast %swap3A_49 : vector<16xf32> to vector<16xf32>
    %swap3A_51 = vector.shape_cast %broadcast_in_dim3A_47 : vector<16xf32> to vector<16xf32>
    tpu.vector_store %arg5[%swap3A_48], %swap3A_51 {strides = array<i32>} : memref<128xf32, #tpu.memory_space<vmem>>, vector<16xf32>,
    %broadcast_in_dim3A_52 = arith.constant 0.000000e+00 : f32
    %broadcast_in_dim3A_53 = vector.broadcast %broadcast_in_dim3A_52 : f32 to vector<16xf32>
    %swap3A_54 = arith.constant 0 : index
    %swap3A_55 = tpu.vector_load %arg6[%swap3A_54] {strides = array<i32>} : memref<640xf32, #tpu.memory_space<vmem>>, vector<16xf32>,
    %swap3A_56 = vector.shape_cast %swap3A_55 : vector<16xf32> to vector<16xf32>
    %swap3A_57 = vector.shape_cast %broadcast_in_dim3A_53 : vector<16xf32> to vector<16xf32>
    tpu.vector_store %arg6[%swap3A_54], %swap3A_57 {strides = array<i32>} : memref<640xf32, #tpu.memory_space<vmem>>, vector<16xf32>,
    %broadcast_in_dim3A_58 = arith.constant 0.000000e+00 : f32
    %broadcast_in_dim3A_59 = vector.broadcast %broadcast_in_dim3A_58 : f32 to vector<16xf32>
    %swap3A_60 = arith.constant 16 : index
    %swap3A_61 = tpu.vector_load %arg6[%swap3A_60] {strides = array<i32>} : memref<640xf32, #tpu.memory_space<vmem>>, vector<16xf32>,
    %swap3A_62 = vector.shape_cast %swap3A_61 : vector<16xf32> to vector<16xf32>
    %swap3A_63 = vector.shape_cast %broadcast_in_dim3A_59 : vector<16xf32> to vector<16xf32>
    tpu.vector_store %arg6[%swap3A_60], %swap3A_63 {strides = array<i32>} : memref<640xf32, #tpu.memory_space<vmem>>, vector<16xf32>,
    %broadcast_in_dim3A_64 = arith.constant 0.000000e+00 : f32
    %broadcast_in_dim3A_65 = vector.broadcast %broadcast_in_dim3A_64 : f32 to vector<16xf32>
    %swap3A_66 = arith.constant 32 : index
    %swap3A_67 = tpu.vector_load %arg6[%swap3A_66] {strides = array<i32>} : memref<640xf32, #tpu.memory_space<vmem>>, vector<16xf32>,
    %swap3A_68 = vector.shape_cast %swap3A_67 : vector<16xf32> to vector<16xf32>
    %swap3A_69 = vector.shape_cast %broadcast_in_dim3A_65 : vector<16xf32> to vector<16xf32>
    tpu.vector_store %arg6[%swap3A_66], %swap3A_69 {strides = array<i32>} : memref<640xf32, #tpu.memory_space<vmem>>, vector<16xf32>,
    %broadcast_in_dim3A_70 = arith.constant 0.000000e+00 : f32
    %broadcast_in_dim3A_71 = vector.broadcast %broadcast_in_dim3A_70 : f32 to vector<16xf32>
    %swap3A_72 = arith.constant 48 : index
    %swap3A_73 = tpu.vector_load %arg6[%swap3A_72] {strides = array<i32>} : memref<640xf32, #tpu.memory_space<vmem>>, vector<16xf32>,
    %swap3A_74 = vector.shape_cast %swap3A_73 : vector<16xf32> to vector<16xf32>
    %swap3A_75 = vector.shape_cast %broadcast_in_dim3A_71 : vector<16xf32> to vector<16xf32>
    tpu.vector_store %arg6[%swap3A_72], %swap3A_75 {strides = array<i32>} : memref<640xf32, #tpu.memory_space<vmem>>, vector<16xf32>,
    %broadcast_in_dim3A_76 = arith.constant 0.000000e+00 : f32
    %broadcast_in_dim3A_77 = vector.broadcast %broadcast_in_dim3A_76 : f32 to vector<16xf32>
    %swap3A_78 = arith.constant 64 : index
    %swap3A_79 = tpu.vector_load %arg6[%swap3A_78] {strides = array<i32>} : memref<640xf32, #tpu.memory_space<vmem>>, vector<16xf32>,
    %swap3A_80 = vector.shape_cast %swap3A_79 : vector<16xf32> to vector<16xf32>
    %swap3A_81 = vector.shape_cast %broadcast_in_dim3A_77 : vector<16xf32> to vector<16xf32>
    tpu.vector_store %arg6[%swap3A_78], %swap3A_81 {strides = array<i32>} : memref<640xf32, #tpu.memory_space<vmem>>, vector<16xf32>,
    %broadcast_in_dim3A_82 = arith.constant 0.000000e+00 : f32
    %broadcast_in_dim3A_83 = vector.broadcast %broadcast_in_dim3A_82 : f32 to vector<16xf32>
    %swap3A_84 = arith.constant 80 : index
    %swap3A_85 = tpu.vector_load %arg6[%swap3A_84] {strides = array<i32>} : memref<640xf32, #tpu.memory_space<vmem>>, vector<16xf32>,
    %swap3A_86 = vector.shape_cast %swap3A_85 : vector<16xf32> to vector<16xf32>
    %swap3A_87 = vector.shape_cast %broadcast_in_dim3A_83 : vector<16xf32> to vector<16xf32>
    tpu.vector_store %arg6[%swap3A_84], %swap3A_87 {strides = array<i32>} : memref<640xf32, #tpu.memory_space<vmem>>, vector<16xf32>,
    %broadcast_in_dim3A_88 = arith.constant 0.000000e+00 : f32
    %broadcast_in_dim3A_89 = vector.broadcast %broadcast_in_dim3A_88 : f32 to vector<16xf32>
    %swap3A_90 = arith.constant 96 : index
    %swap3A_91 = tpu.vector_load %arg6[%swap3A_90] {strides = array<i32>} : memref<640xf32, #tpu.memory_space<vmem>>, vector<16xf32>,
    %swap3A_92 = vector.shape_cast %swap3A_91 : vector<16xf32> to vector<16xf32>
    %swap3A_93 = vector.shape_cast %broadcast_in_dim3A_89 : vector<16xf32> to vector<16xf32>
    tpu.vector_store %arg6[%swap3A_90], %swap3A_93 {strides = array<i32>} : memref<640xf32, #tpu.memory_space<vmem>>, vector<16xf32>,
    %broadcast_in_dim3A_94 = arith.constant 0.000000e+00 : f32
    %broadcast_in_dim3A_95 = vector.broadcast %broadcast_in_dim3A_94 : f32 to vector<16xf32>
    %swap3A_96 = arith.constant 112 : index
    %swap3A_97 = tpu.vector_load %arg6[%swap3A_96] {strides = array<i32>} : memref<640xf32, #tpu.memory_space<vmem>>, vector<16xf32>,
    %swap3A_98 = vector.shape_cast %swap3A_97 : vector<16xf32> to vector<16xf32>
    %swap3A_99 = vector.shape_cast %broadcast_in_dim3A_95 : vector<16xf32> to vector<16xf32>
    tpu.vector_store %arg6[%swap3A_96], %swap3A_99 {strides = array<i32>} : memref<640xf32, #tpu.memory_space<vmem>>, vector<16xf32>,
    %broadcast_in_dim3A_100 = arith.constant 0.000000e+00 : f32
    %broadcast_in_dim3A_101 = vector.broadcast %broadcast_in_dim3A_100 : f32 to vector<16xf32>
    %swap3A_102 = arith.constant 128 : index
    %swap3A_103 = tpu.vector_load %arg6[%swap3A_102] {strides = array<i32>} : memref<640xf32, #tpu.memory_space<vmem>>, vector<16xf32>,
    %swap3A_104 = vector.shape_cast %swap3A_103 : vector<16xf32> to vector<16xf32>
    %swap3A_105 = vector.shape_cast %broadcast_in_dim3A_101 : vector<16xf32> to vector<16xf32>
    tpu.vector_store %arg6[%swap3A_102], %swap3A_105 {strides = array<i32>} : memref<640xf32, #tpu.memory_space<vmem>>, vector<16xf32>,
    %broadcast_in_dim3A_106 = arith.constant 0.000000e+00 : f32
    %broadcast_in_dim3A_107 = vector.broadcast %broadcast_in_dim3A_106 : f32 to vector<16xf32>
    %swap3A_108 = arith.constant 144 : index
    %swap3A_109 = tpu.vector_load %arg6[%swap3A_108] {strides = array<i32>} : memref<640xf32, #tpu.memory_space<vmem>>, vector<16xf32>,
    %swap3A_110 = vector.shape_cast %swap3A_109 : vector<16xf32> to vector<16xf32>
    %swap3A_111 = vector.shape_cast %broadcast_in_dim3A_107 : vector<16xf32> to vector<16xf32>
    tpu.vector_store %arg6[%swap3A_108], %swap3A_111 {strides = array<i32>} : memref<640xf32, #tpu.memory_space<vmem>>, vector<16xf32>,
    %broadcast_in_dim3A_112 = arith.constant 0.000000e+00 : f32
    %broadcast_in_dim3A_113 = vector.broadcast %broadcast_in_dim3A_112 : f32 to vector<16xf32>
    %swap3A_114 = arith.constant 160 : index
    %swap3A_115 = tpu.vector_load %arg6[%swap3A_114] {strides = array<i32>} : memref<640xf32, #tpu.memory_space<vmem>>, vector<16xf32>,
    %swap3A_116 = vector.shape_cast %swap3A_115 : vector<16xf32> to vector<16xf32>
    %swap3A_117 = vector.shape_cast %broadcast_in_dim3A_113 : vector<16xf32> to vector<16xf32>
    tpu.vector_store %arg6[%swap3A_114], %swap3A_117 {strides = array<i32>} : memref<640xf32, #tpu.memory_space<vmem>>, vector<16xf32>,
    %broadcast_in_dim3A_118 = arith.constant 0.000000e+00 : f32
    %broadcast_in_dim3A_119 = vector.broadcast %broadcast_in_dim3A_118 : f32 to vector<16xf32>
    %swap3A_120 = arith.constant 176 : index
    %swap3A_121 = tpu.vector_load %arg6[%swap3A_120] {strides = array<i32>} : memref<640xf32, #tpu.memory_space<vmem>>, vector<16xf32>,
    %swap3A_122 = vector.shape_cast %swap3A_121 : vector<16xf32> to vector<16xf32>
    %swap3A_123 = vector.shape_cast %broadcast_in_dim3A_119 : vector<16xf32> to vector<16xf32>
    tpu.vector_store %arg6[%swap3A_120], %swap3A_123 {strides = array<i32>} : memref<640xf32, #tpu.memory_space<vmem>>, vector<16xf32>,
    %broadcast_in_dim3A_124 = arith.constant 0.000000e+00 : f32
    %broadcast_in_dim3A_125 = vector.broadcast %broadcast_in_dim3A_124 : f32 to vector<16xf32>
    %swap3A_126 = arith.constant 192 : index
    %swap3A_127 = tpu.vector_load %arg6[%swap3A_126] {strides = array<i32>} : memref<640xf32, #tpu.memory_space<vmem>>, vector<16xf32>,
    %swap3A_128 = vector.shape_cast %swap3A_127 : vector<16xf32> to vector<16xf32>
    %swap3A_129 = vector.shape_cast %broadcast_in_dim3A_125 : vector<16xf32> to vector<16xf32>
    tpu.vector_store %arg6[%swap3A_126], %swap3A_129 {strides = array<i32>} : memref<640xf32, #tpu.memory_space<vmem>>, vector<16xf32>,
    %broadcast_in_dim3A_130 = arith.constant 0.000000e+00 : f32
    %broadcast_in_dim3A_131 = vector.broadcast %broadcast_in_dim3A_130 : f32 to vector<16xf32>
    %swap3A_132 = arith.constant 208 : index
    %swap3A_133 = tpu.vector_load %arg6[%swap3A_132] {strides = array<i32>} : memref<640xf32, #tpu.memory_space<vmem>>, vector<16xf32>,
    %swap3A_134 = vector.shape_cast %swap3A_133 : vector<16xf32> to vector<16xf32>
    %swap3A_135 = vector.shape_cast %broadcast_in_dim3A_131 : vector<16xf32> to vector<16xf32>
    tpu.vector_store %arg6[%swap3A_132], %swap3A_135 {strides = array<i32>} : memref<640xf32, #tpu.memory_space<vmem>>, vector<16xf32>,
    %broadcast_in_dim3A_136 = arith.constant 0.000000e+00 : f32
    %broadcast_in_dim3A_137 = vector.broadcast %broadcast_in_dim3A_136 : f32 to vector<16xf32>
    %swap3A_138 = arith.constant 224 : index
    %swap3A_139 = tpu.vector_load %arg6[%swap3A_138] {strides = array<i32>} : memref<640xf32, #tpu.memory_space<vmem>>, vector<16xf32>,
    %swap3A_140 = vector.shape_cast %swap3A_139 : vector<16xf32> to vector<16xf32>
    %swap3A_141 = vector.shape_cast %broadcast_in_dim3A_137 : vector<16xf32> to vector<16xf32>
    tpu.vector_store %arg6[%swap3A_138], %swap3A_141 {strides = array<i32>} : memref<640xf32, #tpu.memory_space<vmem>>, vector<16xf32>,
    %broadcast_in_dim3A_142 = arith.constant 0.000000e+00 : f32
    %broadcast_in_dim3A_143 = vector.broadcast %broadcast_in_dim3A_142 : f32 to vector<16xf32>
    %swap3A_144 = arith.constant 240 : index
    %swap3A_145 = tpu.vector_load %arg6[%swap3A_144] {strides = array<i32>} : memref<640xf32, #tpu.memory_space<vmem>>, vector<16xf32>,
    %swap3A_146 = vector.shape_cast %swap3A_145 : vector<16xf32> to vector<16xf32>
    %swap3A_147 = vector.shape_cast %broadcast_in_dim3A_143 : vector<16xf32> to vector<16xf32>
    tpu.vector_store %arg6[%swap3A_144], %swap3A_147 {strides = array<i32>} : memref<640xf32, #tpu.memory_space<vmem>>, vector<16xf32>,
    %broadcast_in_dim3A_148 = arith.constant 0.000000e+00 : f32
    %broadcast_in_dim3A_149 = vector.broadcast %broadcast_in_dim3A_148 : f32 to vector<16xf32>
    %swap3A_150 = arith.constant 256 : index
    %swap3A_151 = tpu.vector_load %arg6[%swap3A_150] {strides = array<i32>} : memref<640xf32, #tpu.memory_space<vmem>>, vector<16xf32>,
    %swap3A_152 = vector.shape_cast %swap3A_151 : vector<16xf32> to vector<16xf32>
    %swap3A_153 = vector.shape_cast %broadcast_in_dim3A_149 : vector<16xf32> to vector<16xf32>
    tpu.vector_store %arg6[%swap3A_150], %swap3A_153 {strides = array<i32>} : memref<640xf32, #tpu.memory_space<vmem>>, vector<16xf32>,
    %broadcast_in_dim3A_154 = arith.constant 0.000000e+00 : f32
    %broadcast_in_dim3A_155 = vector.broadcast %broadcast_in_dim3A_154 : f32 to vector<16xf32>
    %swap3A_156 = arith.constant 272 : index
    %swap3A_157 = tpu.vector_load %arg6[%swap3A_156] {strides = array<i32>} : memref<640xf32, #tpu.memory_space<vmem>>, vector<16xf32>,
    %swap3A_158 = vector.shape_cast %swap3A_157 : vector<16xf32> to vector<16xf32>
    %swap3A_159 = vector.shape_cast %broadcast_in_dim3A_155 : vector<16xf32> to vector<16xf32>
    tpu.vector_store %arg6[%swap3A_156], %swap3A_159 {strides = array<i32>} : memref<640xf32, #tpu.memory_space<vmem>>, vector<16xf32>,
    %broadcast_in_dim3A_160 = arith.constant 0.000000e+00 : f32
    %broadcast_in_dim3A_161 = vector.broadcast %broadcast_in_dim3A_160 : f32 to vector<16xf32>
    %swap3A_162 = arith.constant 288 : index
    %swap3A_163 = tpu.vector_load %arg6[%swap3A_162] {strides = array<i32>} : memref<640xf32, #tpu.memory_space<vmem>>, vector<16xf32>,
    %swap3A_164 = vector.shape_cast %swap3A_163 : vector<16xf32> to vector<16xf32>
    %swap3A_165 = vector.shape_cast %broadcast_in_dim3A_161 : vector<16xf32> to vector<16xf32>
    tpu.vector_store %arg6[%swap3A_162], %swap3A_165 {strides = array<i32>} : memref<640xf32, #tpu.memory_space<vmem>>, vector<16xf32>,
    %broadcast_in_dim3A_166 = arith.constant 0.000000e+00 : f32
    %broadcast_in_dim3A_167 = vector.broadcast %broadcast_in_dim3A_166 : f32 to vector<16xf32>
    %swap3A_168 = arith.constant 304 : index
    %swap3A_169 = tpu.vector_load %arg6[%swap3A_168] {strides = array<i32>} : memref<640xf32, #tpu.memory_space<vmem>>, vector<16xf32>,
    %swap3A_170 = vector.shape_cast %swap3A_169 : vector<16xf32> to vector<16xf32>
    %swap3A_171 = vector.shape_cast %broadcast_in_dim3A_167 : vector<16xf32> to vector<16xf32>
    tpu.vector_store %arg6[%swap3A_168], %swap3A_171 {strides = array<i32>} : memref<640xf32, #tpu.memory_space<vmem>>, vector<16xf32>,
    %broadcast_in_dim3A_172 = arith.constant 0.000000e+00 : f32
    %broadcast_in_dim3A_173 = vector.broadcast %broadcast_in_dim3A_172 : f32 to vector<16xf32>
    %swap3A_174 = arith.constant 320 : index
    %swap3A_175 = tpu.vector_load %arg6[%swap3A_174] {strides = array<i32>} : memref<640xf32, #tpu.memory_space<vmem>>, vector<16xf32>,
    %swap3A_176 = vector.shape_cast %swap3A_175 : vector<16xf32> to vector<16xf32>
    %swap3A_177 = vector.shape_cast %broadcast_in_dim3A_173 : vector<16xf32> to vector<16xf32>
    tpu.vector_store %arg6[%swap3A_174], %swap3A_177 {strides = array<i32>} : memref<640xf32, #tpu.memory_space<vmem>>, vector<16xf32>,
    %broadcast_in_dim3A_178 = arith.constant 0.000000e+00 : f32
    %broadcast_in_dim3A_179 = vector.broadcast %broadcast_in_dim3A_178 : f32 to vector<16xf32>
    %swap3A_180 = arith.constant 336 : index
    %swap3A_181 = tpu.vector_load %arg6[%swap3A_180] {strides = array<i32>} : memref<640xf32, #tpu.memory_space<vmem>>, vector<16xf32>,
    %swap3A_182 = vector.shape_cast %swap3A_181 : vector<16xf32> to vector<16xf32>
    %swap3A_183 = vector.shape_cast %broadcast_in_dim3A_179 : vector<16xf32> to vector<16xf32>
    tpu.vector_store %arg6[%swap3A_180], %swap3A_183 {strides = array<i32>} : memref<640xf32, #tpu.memory_space<vmem>>, vector<16xf32>,
    %broadcast_in_dim3A_184 = arith.constant 0.000000e+00 : f32
    %broadcast_in_dim3A_185 = vector.broadcast %broadcast_in_dim3A_184 : f32 to vector<16xf32>
    %swap3A_186 = arith.constant 352 : index
    %swap3A_187 = tpu.vector_load %arg6[%swap3A_186] {strides = array<i32>} : memref<640xf32, #tpu.memory_space<vmem>>, vector<16xf32>,
    %swap3A_188 = vector.shape_cast %swap3A_187 : vector<16xf32> to vector<16xf32>
    %swap3A_189 = vector.shape_cast %broadcast_in_dim3A_185 : vector<16xf32> to vector<16xf32>
    tpu.vector_store %arg6[%swap3A_186], %swap3A_189 {strides = array<i32>} : memref<640xf32, #tpu.memory_space<vmem>>, vector<16xf32>,
    %broadcast_in_dim3A_190 = arith.constant 0.000000e+00 : f32
    %broadcast_in_dim3A_191 = vector.broadcast %broadcast_in_dim3A_190 : f32 to vector<16xf32>
    %swap3A_192 = arith.constant 368 : index
    %swap3A_193 = tpu.vector_load %arg6[%swap3A_192] {strides = array<i32>} : memref<640xf32, #tpu.memory_space<vmem>>, vector<16xf32>,
    %swap3A_194 = vector.shape_cast %swap3A_193 : vector<16xf32> to vector<16xf32>
    %swap3A_195 = vector.shape_cast %broadcast_in_dim3A_191 : vector<16xf32> to vector<16xf32>
    tpu.vector_store %arg6[%swap3A_192], %swap3A_195 {strides = array<i32>} : memref<640xf32, #tpu.memory_space<vmem>>, vector<16xf32>,
    %broadcast_in_dim3A_196 = arith.constant 0.000000e+00 : f32
    %broadcast_in_dim3A_197 = vector.broadcast %broadcast_in_dim3A_196 : f32 to vector<16xf32>
    %swap3A_198 = arith.constant 384 : index
    %swap3A_199 = tpu.vector_load %arg6[%swap3A_198] {strides = array<i32>} : memref<640xf32, #tpu.memory_space<vmem>>, vector<16xf32>,
    %swap3A_200 = vector.shape_cast %swap3A_199 : vector<16xf32> to vector<16xf32>
    %swap3A_201 = vector.shape_cast %broadcast_in_dim3A_197 : vector<16xf32> to vector<16xf32>
    tpu.vector_store %arg6[%swap3A_198], %swap3A_201 {strides = array<i32>} : memref<640xf32, #tpu.memory_space<vmem>>, vector<16xf32>,
    %broadcast_in_dim3A_202 = arith.constant 0.000000e+00 : f32
    %broadcast_in_dim3A_203 = vector.broadcast %broadcast_in_dim3A_202 : f32 to vector<16xf32>
    %swap3A_204 = arith.constant 400 : index
    %swap3A_205 = tpu.vector_load %arg6[%swap3A_204] {strides = array<i32>} : memref<640xf32, #tpu.memory_space<vmem>>, vector<16xf32>,
    %swap3A_206 = vector.shape_cast %swap3A_205 : vector<16xf32> to vector<16xf32>
    %swap3A_207 = vector.shape_cast %broadcast_in_dim3A_203 : vector<16xf32> to vector<16xf32>
    tpu.vector_store %arg6[%swap3A_204], %swap3A_207 {strides = array<i32>} : memref<640xf32, #tpu.memory_space<vmem>>, vector<16xf32>,
    %broadcast_in_dim3A_208 = arith.constant 0.000000e+00 : f32
    %broadcast_in_dim3A_209 = vector.broadcast %broadcast_in_dim3A_208 : f32 to vector<16xf32>
    %swap3A_210 = arith.constant 416 : index
    %swap3A_211 = tpu.vector_load %arg6[%swap3A_210] {strides = array<i32>} : memref<640xf32, #tpu.memory_space<vmem>>, vector<16xf32>,
    %swap3A_212 = vector.shape_cast %swap3A_211 : vector<16xf32> to vector<16xf32>
    %swap3A_213 = vector.shape_cast %broadcast_in_dim3A_209 : vector<16xf32> to vector<16xf32>
    tpu.vector_store %arg6[%swap3A_210], %swap3A_213 {strides = array<i32>} : memref<640xf32, #tpu.memory_space<vmem>>, vector<16xf32>,
    %broadcast_in_dim3A_214 = arith.constant 0.000000e+00 : f32
    %broadcast_in_dim3A_215 = vector.broadcast %broadcast_in_dim3A_214 : f32 to vector<16xf32>
    %swap3A_216 = arith.constant 432 : index
    %swap3A_217 = tpu.vector_load %arg6[%swap3A_216] {strides = array<i32>} : memref<640xf32, #tpu.memory_space<vmem>>, vector<16xf32>,
    %swap3A_218 = vector.shape_cast %swap3A_217 : vector<16xf32> to vector<16xf32>
    %swap3A_219 = vector.shape_cast %broadcast_in_dim3A_215 : vector<16xf32> to vector<16xf32>
    tpu.vector_store %arg6[%swap3A_216], %swap3A_219 {strides = array<i32>} : memref<640xf32, #tpu.memory_space<vmem>>, vector<16xf32>,
    %broadcast_in_dim3A_220 = arith.constant 0.000000e+00 : f32
    %broadcast_in_dim3A_221 = vector.broadcast %broadcast_in_dim3A_220 : f32 to vector<16xf32>
    %swap3A_222 = arith.constant 448 : index
    %swap3A_223 = tpu.vector_load %arg6[%swap3A_222] {strides = array<i32>} : memref<640xf32, #tpu.memory_space<vmem>>, vector<16xf32>,
    %swap3A_224 = vector.shape_cast %swap3A_223 : vector<16xf32> to vector<16xf32>
    %swap3A_225 = vector.shape_cast %broadcast_in_dim3A_221 : vector<16xf32> to vector<16xf32>
    tpu.vector_store %arg6[%swap3A_222], %swap3A_225 {strides = array<i32>} : memref<640xf32, #tpu.memory_space<vmem>>, vector<16xf32>,
    %broadcast_in_dim3A_226 = arith.constant 0.000000e+00 : f32
    %broadcast_in_dim3A_227 = vector.broadcast %broadcast_in_dim3A_226 : f32 to vector<16xf32>
    %swap3A_228 = arith.constant 464 : index
    %swap3A_229 = tpu.vector_load %arg6[%swap3A_228] {strides = array<i32>} : memref<640xf32, #tpu.memory_space<vmem>>, vector<16xf32>,
    %swap3A_230 = vector.shape_cast %swap3A_229 : vector<16xf32> to vector<16xf32>
    %swap3A_231 = vector.shape_cast %broadcast_in_dim3A_227 : vector<16xf32> to vector<16xf32>
    tpu.vector_store %arg6[%swap3A_228], %swap3A_231 {strides = array<i32>} : memref<640xf32, #tpu.memory_space<vmem>>, vector<16xf32>,
    %broadcast_in_dim3A_232 = arith.constant 0.000000e+00 : f32
    %broadcast_in_dim3A_233 = vector.broadcast %broadcast_in_dim3A_232 : f32 to vector<16xf32>
    %swap3A_234 = arith.constant 480 : index
    %swap3A_235 = tpu.vector_load %arg6[%swap3A_234] {strides = array<i32>} : memref<640xf32, #tpu.memory_space<vmem>>, vector<16xf32>,
    %swap3A_236 = vector.shape_cast %swap3A_235 : vector<16xf32> to vector<16xf32>
    %swap3A_237 = vector.shape_cast %broadcast_in_dim3A_233 : vector<16xf32> to vector<16xf32>
    tpu.vector_store %arg6[%swap3A_234], %swap3A_237 {strides = array<i32>} : memref<640xf32, #tpu.memory_space<vmem>>, vector<16xf32>,
    %broadcast_in_dim3A_238 = arith.constant 0.000000e+00 : f32
    %broadcast_in_dim3A_239 = vector.broadcast %broadcast_in_dim3A_238 : f32 to vector<16xf32>
    %swap3A_240 = arith.constant 496 : index
    %swap3A_241 = tpu.vector_load %arg6[%swap3A_240] {strides = array<i32>} : memref<640xf32, #tpu.memory_space<vmem>>, vector<16xf32>,
    %swap3A_242 = vector.shape_cast %swap3A_241 : vector<16xf32> to vector<16xf32>
    %swap3A_243 = vector.shape_cast %broadcast_in_dim3A_239 : vector<16xf32> to vector<16xf32>
    tpu.vector_store %arg6[%swap3A_240], %swap3A_243 {strides = array<i32>} : memref<640xf32, #tpu.memory_space<vmem>>, vector<16xf32>,
    %broadcast_in_dim3A_244 = arith.constant 0.000000e+00 : f32
    %broadcast_in_dim3A_245 = vector.broadcast %broadcast_in_dim3A_244 : f32 to vector<16xf32>
    %swap3A_246 = arith.constant 512 : index
    %swap3A_247 = tpu.vector_load %arg6[%swap3A_246] {strides = array<i32>} : memref<640xf32, #tpu.memory_space<vmem>>, vector<16xf32>,
    %swap3A_248 = vector.shape_cast %swap3A_247 : vector<16xf32> to vector<16xf32>
    %swap3A_249 = vector.shape_cast %broadcast_in_dim3A_245 : vector<16xf32> to vector<16xf32>
    tpu.vector_store %arg6[%swap3A_246], %swap3A_249 {strides = array<i32>} : memref<640xf32, #tpu.memory_space<vmem>>, vector<16xf32>,
    %broadcast_in_dim3A_250 = arith.constant 0.000000e+00 : f32
    %broadcast_in_dim3A_251 = vector.broadcast %broadcast_in_dim3A_250 : f32 to vector<16xf32>
    %swap3A_252 = arith.constant 528 : index
    %swap3A_253 = tpu.vector_load %arg6[%swap3A_252] {strides = array<i32>} : memref<640xf32, #tpu.memory_space<vmem>>, vector<16xf32>,
    %swap3A_254 = vector.shape_cast %swap3A_253 : vector<16xf32> to vector<16xf32>
    %swap3A_255 = vector.shape_cast %broadcast_in_dim3A_251 : vector<16xf32> to vector<16xf32>
    tpu.vector_store %arg6[%swap3A_252], %swap3A_255 {strides = array<i32>} : memref<640xf32, #tpu.memory_space<vmem>>, vector<16xf32>,
    %broadcast_in_dim3A_256 = arith.constant 0.000000e+00 : f32
    %broadcast_in_dim3A_257 = vector.broadcast %broadcast_in_dim3A_256 : f32 to vector<16xf32>
    %swap3A_258 = arith.constant 544 : index
    %swap3A_259 = tpu.vector_load %arg6[%swap3A_258] {strides = array<i32>} : memref<640xf32, #tpu.memory_space<vmem>>, vector<16xf32>,
    %swap3A_260 = vector.shape_cast %swap3A_259 : vector<16xf32> to vector<16xf32>
    %swap3A_261 = vector.shape_cast %broadcast_in_dim3A_257 : vector<16xf32> to vector<16xf32>
    tpu.vector_store %arg6[%swap3A_258], %swap3A_261 {strides = array<i32>} : memref<640xf32, #tpu.memory_space<vmem>>, vector<16xf32>,
    %broadcast_in_dim3A_262 = arith.constant 0.000000e+00 : f32
    %broadcast_in_dim3A_263 = vector.broadcast %broadcast_in_dim3A_262 : f32 to vector<16xf32>
    %swap3A_264 = arith.constant 560 : index
    %swap3A_265 = tpu.vector_load %arg6[%swap3A_264] {strides = array<i32>} : memref<640xf32, #tpu.memory_space<vmem>>, vector<16xf32>,
    %swap3A_266 = vector.shape_cast %swap3A_265 : vector<16xf32> to vector<16xf32>
    %swap3A_267 = vector.shape_cast %broadcast_in_dim3A_263 : vector<16xf32> to vector<16xf32>
    tpu.vector_store %arg6[%swap3A_264], %swap3A_267 {strides = array<i32>} : memref<640xf32, #tpu.memory_space<vmem>>, vector<16xf32>,
    %broadcast_in_dim3A_268 = arith.constant 0.000000e+00 : f32
    %broadcast_in_dim3A_269 = vector.broadcast %broadcast_in_dim3A_268 : f32 to vector<16xf32>
    %swap3A_270 = arith.constant 576 : index
    %swap3A_271 = tpu.vector_load %arg6[%swap3A_270] {strides = array<i32>} : memref<640xf32, #tpu.memory_space<vmem>>, vector<16xf32>,
    %swap3A_272 = vector.shape_cast %swap3A_271 : vector<16xf32> to vector<16xf32>
    %swap3A_273 = vector.shape_cast %broadcast_in_dim3A_269 : vector<16xf32> to vector<16xf32>
    tpu.vector_store %arg6[%swap3A_270], %swap3A_273 {strides = array<i32>} : memref<640xf32, #tpu.memory_space<vmem>>, vector<16xf32>,
    %broadcast_in_dim3A_274 = arith.constant 0.000000e+00 : f32
    %broadcast_in_dim3A_275 = vector.broadcast %broadcast_in_dim3A_274 : f32 to vector<16xf32>
    %swap3A_276 = arith.constant 592 : index
    %swap3A_277 = tpu.vector_load %arg6[%swap3A_276] {strides = array<i32>} : memref<640xf32, #tpu.memory_space<vmem>>, vector<16xf32>,
    %swap3A_278 = vector.shape_cast %swap3A_277 : vector<16xf32> to vector<16xf32>
    %swap3A_279 = vector.shape_cast %broadcast_in_dim3A_275 : vector<16xf32> to vector<16xf32>
    tpu.vector_store %arg6[%swap3A_276], %swap3A_279 {strides = array<i32>} : memref<640xf32, #tpu.memory_space<vmem>>, vector<16xf32>,
    %broadcast_in_dim3A_280 = arith.constant 0.000000e+00 : f32
    %broadcast_in_dim3A_281 = vector.broadcast %broadcast_in_dim3A_280 : f32 to vector<16xf32>
    %swap3A_282 = arith.constant 608 : index
    %swap3A_283 = tpu.vector_load %arg6[%swap3A_282] {strides = array<i32>} : memref<640xf32, #tpu.memory_space<vmem>>, vector<16xf32>,
    %swap3A_284 = vector.shape_cast %swap3A_283 : vector<16xf32> to vector<16xf32>
    %swap3A_285 = vector.shape_cast %broadcast_in_dim3A_281 : vector<16xf32> to vector<16xf32>
    tpu.vector_store %arg6[%swap3A_282], %swap3A_285 {strides = array<i32>} : memref<640xf32, #tpu.memory_space<vmem>>, vector<16xf32>,
    %broadcast_in_dim3A_286 = arith.constant 0.000000e+00 : f32
    %broadcast_in_dim3A_287 = vector.broadcast %broadcast_in_dim3A_286 : f32 to vector<16xf32>
    %swap3A_288 = arith.constant 624 : index
    %swap3A_289 = tpu.vector_load %arg6[%swap3A_288] {strides = array<i32>} : memref<640xf32, #tpu.memory_space<vmem>>, vector<16xf32>,
    %swap3A_290 = vector.shape_cast %swap3A_289 : vector<16xf32> to vector<16xf32>
    %swap3A_291 = vector.shape_cast %broadcast_in_dim3A_287 : vector<16xf32> to vector<16xf32>
    tpu.vector_store %arg6[%swap3A_288], %swap3A_291 {strides = array<i32>} : memref<640xf32, #tpu.memory_space<vmem>>, vector<16xf32>,
    %mul3A_292 = arith.constant 640 : i32
    %mul3A_293 = arith.muli %arg1, %mul3A_292 : i32
    "tpu.region"() ({
      %run_scoped3A = tpu.sem_alloc : memref<!tpu.dma_semaphore, #tpu.memory_space<semaphore_mem>>
      %dma_start3A_310 = tpu.memref_slice %arg7[%mul3A_293] : memref<10240xf32, #tpu.memory_space<vmem_shared>> -> memref<640xf32, #tpu.memory_space<vmem_shared>>
      %dma_start3A_311 = tpu.memref_slice %arg7[%mul3A_293] : memref<10240xf32, #tpu.memory_space<vmem_shared>> -> memref<640xf32, #tpu.memory_space<vmem_shared>>
      tpu.enqueue_dma source(%arg6 : memref<640xf32, #tpu.memory_space<vmem>>) target(%dma_start3A_311 : memref<640xf32, #tpu.memory_space<vmem_shared>>) target_semaphore(%run_scoped3A : memref<!tpu.dma_semaphore, #tpu.memory_space<semaphore_mem>>)
      %dma_wait3A_312 = tpu.memref_slice %arg7[%mul3A_293] : memref<10240xf32, #tpu.memory_space<vmem_shared>> -> memref<640xf32, #tpu.memory_space<vmem_shared>>
      %dma_wait3A_313 = tpu.memref_slice %arg7[%mul3A_293] : memref<10240xf32, #tpu.memory_space<vmem_shared>> -> memref<640xf32, #tpu.memory_space<vmem_shared>>
      tpu.wait_dma2 semaphore(%run_scoped3A : memref<!tpu.dma_semaphore, #tpu.memory_space<semaphore_mem>>) src(%arg6 : memref<640xf32, #tpu.memory_space<vmem>>) dst(%dma_wait3A_313 : memref<640xf32, #tpu.memory_space<vmem_shared>>)
      tpu.yield
    }) : () -> ()
    %dma_wait3A = arith.constant 0 : i32
    %dma_wait3A_294 = tpu.memref_slice %arg2[%mul3A_2, %dma_wait3A] : memref<5120x128xi32, #tpu.memory_space<hbm>> -> memref<160x128xi32, #tpu.memory_space<hbm>>
    %dma_wait3A_295 = arith.constant 0 : i32
    %dma_wait3A_296 = tpu.memref_slice %arg2[%mul3A_2, %dma_wait3A_295] : memref<5120x128xi32, #tpu.memory_space<hbm>> -> memref<160x128xi32, #tpu.memory_space<hbm>>
    tpu.wait_dma2 semaphore(%arg8 : memref<!tpu.dma_semaphore, #tpu.memory_space<semaphore_mem>>) src(%dma_wait3A_296 : memref<160x128xi32, #tpu.memory_space<hbm>>) dst(%arg4 : memref<160x128xi32, #tpu.memory_space<vmem>>)
    %barrier3A = arith.constant 0 : index
    tpu.barrier barrier_id(%barrier3A)
    %scan3A = arith.constant 0 : i32
    %scan3A_297 = arith.constant 0 : i32
    %scan3A_298 = arith.constant 20 : i32
    %scan3A_299 = arith.addi %scan3A_297, %scan3A_298 : i32
    %scan3A_300 = arith.constant 1 : i32
    scf.for %scan3A_310 = %scan3A_297 to %scan3A_299 step %scan3A_300  : i32 {
      %mul3A_311 = arith.constant 8 : i32
      %mul3A_312 = arith.muli %scan3A_310, %mul3A_311 : i32
      %add3A_313 = arith.constant 0 : i32
      %add3A_314 = arith.addi %mul3A_312, %add3A_313 : i32
      %dma_start3A_315 = arith.constant 0 : i32
      %dma_start3A_316 = tpu.memref_slice %arg4[%add3A_314, %dma_start3A_315] : memref<160x128xi32, #tpu.memory_space<vmem>> -> memref<1x128xi32, #tpu.memory_space<vmem>>
      %dma_start3A_317 = tpu.memref_squeeze %dma_start3A_316 : memref<1x128xi32, #tpu.memory_space<vmem>> -> memref<128xi32, #tpu.memory_space<vmem>>
      %dma_start3A_318 = arith.constant 0 : i32
      %dma_start3A_319 = tpu.memref_slice %arg7[%dma_start3A_318] : memref<10240xf32, #tpu.memory_space<vmem_shared>> -> memref<10240xf32, #tpu.memory_space<vmem_shared>>
      tpu.enqueue_indirect_dma source(%arg5 : memref<128xf32, #tpu.memory_space<vmem>>) target(%dma_start3A_319 : memref<10240xf32, #tpu.memory_space<vmem_shared>>) offsets(%dma_start3A_317 : memref<128xi32, #tpu.memory_space<vmem>>) semaphore(%arg9 : memref<!tpu.dma_semaphore, #tpu.memory_space<semaphore_mem>>) {add = true}
      %mul3A_320 = arith.constant 8 : i32
      %mul3A_321 = arith.muli %scan3A_310, %mul3A_320 : i32
      %add3A_322 = arith.constant 1 : i32
      %add3A_323 = arith.addi %mul3A_321, %add3A_322 : i32
      %dma_start3A_324 = arith.constant 0 : i32
      %dma_start3A_325 = tpu.memref_slice %arg4[%add3A_323, %dma_start3A_324] : memref<160x128xi32, #tpu.memory_space<vmem>> -> memref<1x128xi32, #tpu.memory_space<vmem>>
      %dma_start3A_326 = tpu.memref_squeeze %dma_start3A_325 : memref<1x128xi32, #tpu.memory_space<vmem>> -> memref<128xi32, #tpu.memory_space<vmem>>
      %dma_start3A_327 = arith.constant 0 : i32
      %dma_start3A_328 = tpu.memref_slice %arg7[%dma_start3A_327] : memref<10240xf32, #tpu.memory_space<vmem_shared>> -> memref<10240xf32, #tpu.memory_space<vmem_shared>>
      tpu.enqueue_indirect_dma source(%arg5 : memref<128xf32, #tpu.memory_space<vmem>>) target(%dma_start3A_328 : memref<10240xf32, #tpu.memory_space<vmem_shared>>) offsets(%dma_start3A_326 : memref<128xi32, #tpu.memory_space<vmem>>) semaphore(%arg9 : memref<!tpu.dma_semaphore, #tpu.memory_space<semaphore_mem>>) {add = true}
      %mul3A_329 = arith.constant 8 : i32
      %mul3A_330 = arith.muli %scan3A_310, %mul3A_329 : i32
      %add3A_331 = arith.constant 2 : i32
      %add3A_332 = arith.addi %mul3A_330, %add3A_331 : i32
      %dma_start3A_333 = arith.constant 0 : i32
      %dma_start3A_334 = tpu.memref_slice %arg4[%add3A_332, %dma_start3A_333] : memref<160x128xi32, #tpu.memory_space<vmem>> -> memref<1x128xi32, #tpu.memory_space<vmem>>
      %dma_start3A_335 = tpu.memref_squeeze %dma_start3A_334 : memref<1x128xi32, #tpu.memory_space<vmem>> -> memref<128xi32, #tpu.memory_space<vmem>>
      %dma_start3A_336 = arith.constant 0 : i32
      %dma_start3A_337 = tpu.memref_slice %arg7[%dma_start3A_336] : memref<10240xf32, #tpu.memory_space<vmem_shared>> -> memref<10240xf32, #tpu.memory_space<vmem_shared>>
      tpu.enqueue_indirect_dma source(%arg5 : memref<128xf32, #tpu.memory_space<vmem>>) target(%dma_start3A_337 : memref<10240xf32, #tpu.memory_space<vmem_shared>>) offsets(%dma_start3A_335 : memref<128xi32, #tpu.memory_space<vmem>>) semaphore(%arg9 : memref<!tpu.dma_semaphore, #tpu.memory_space<semaphore_mem>>) {add = true}
      %mul3A_338 = arith.constant 8 : i32
      %mul3A_339 = arith.muli %scan3A_310, %mul3A_338 : i32
      %add3A_340 = arith.constant 3 : i32
      %add3A_341 = arith.addi %mul3A_339, %add3A_340 : i32
      %dma_start3A_342 = arith.constant 0 : i32
      %dma_start3A_343 = tpu.memref_slice %arg4[%add3A_341, %dma_start3A_342] : memref<160x128xi32, #tpu.memory_space<vmem>> -> memref<1x128xi32, #tpu.memory_space<vmem>>
      %dma_start3A_344 = tpu.memref_squeeze %dma_start3A_343 : memref<1x128xi32, #tpu.memory_space<vmem>> -> memref<128xi32, #tpu.memory_space<vmem>>
      %dma_start3A_345 = arith.constant 0 : i32
      %dma_start3A_346 = tpu.memref_slice %arg7[%dma_start3A_345] : memref<10240xf32, #tpu.memory_space<vmem_shared>> -> memref<10240xf32, #tpu.memory_space<vmem_shared>>
      tpu.enqueue_indirect_dma source(%arg5 : memref<128xf32, #tpu.memory_space<vmem>>) target(%dma_start3A_346 : memref<10240xf32, #tpu.memory_space<vmem_shared>>) offsets(%dma_start3A_344 : memref<128xi32, #tpu.memory_space<vmem>>) semaphore(%arg9 : memref<!tpu.dma_semaphore, #tpu.memory_space<semaphore_mem>>) {add = true}
      %mul3A_347 = arith.constant 8 : i32
      %mul3A_348 = arith.muli %scan3A_310, %mul3A_347 : i32
      %add3A_349 = arith.constant 4 : i32
      %add3A_350 = arith.addi %mul3A_348, %add3A_349 : i32
      %dma_start3A_351 = arith.constant 0 : i32
      %dma_start3A_352 = tpu.memref_slice %arg4[%add3A_350, %dma_start3A_351] : memref<160x128xi32, #tpu.memory_space<vmem>> -> memref<1x128xi32, #tpu.memory_space<vmem>>
      %dma_start3A_353 = tpu.memref_squeeze %dma_start3A_352 : memref<1x128xi32, #tpu.memory_space<vmem>> -> memref<128xi32, #tpu.memory_space<vmem>>
      %dma_start3A_354 = arith.constant 0 : i32
      %dma_start3A_355 = tpu.memref_slice %arg7[%dma_start3A_354] : memref<10240xf32, #tpu.memory_space<vmem_shared>> -> memref<10240xf32, #tpu.memory_space<vmem_shared>>
      tpu.enqueue_indirect_dma source(%arg5 : memref<128xf32, #tpu.memory_space<vmem>>) target(%dma_start3A_355 : memref<10240xf32, #tpu.memory_space<vmem_shared>>) offsets(%dma_start3A_353 : memref<128xi32, #tpu.memory_space<vmem>>) semaphore(%arg9 : memref<!tpu.dma_semaphore, #tpu.memory_space<semaphore_mem>>) {add = true}
      %mul3A_356 = arith.constant 8 : i32
      %mul3A_357 = arith.muli %scan3A_310, %mul3A_356 : i32
      %add3A_358 = arith.constant 5 : i32
      %add3A_359 = arith.addi %mul3A_357, %add3A_358 : i32
      %dma_start3A_360 = arith.constant 0 : i32
      %dma_start3A_361 = tpu.memref_slice %arg4[%add3A_359, %dma_start3A_360] : memref<160x128xi32, #tpu.memory_space<vmem>> -> memref<1x128xi32, #tpu.memory_space<vmem>>
      %dma_start3A_362 = tpu.memref_squeeze %dma_start3A_361 : memref<1x128xi32, #tpu.memory_space<vmem>> -> memref<128xi32, #tpu.memory_space<vmem>>
      %dma_start3A_363 = arith.constant 0 : i32
      %dma_start3A_364 = tpu.memref_slice %arg7[%dma_start3A_363] : memref<10240xf32, #tpu.memory_space<vmem_shared>> -> memref<10240xf32, #tpu.memory_space<vmem_shared>>
      tpu.enqueue_indirect_dma source(%arg5 : memref<128xf32, #tpu.memory_space<vmem>>) target(%dma_start3A_364 : memref<10240xf32, #tpu.memory_space<vmem_shared>>) offsets(%dma_start3A_362 : memref<128xi32, #tpu.memory_space<vmem>>) semaphore(%arg9 : memref<!tpu.dma_semaphore, #tpu.memory_space<semaphore_mem>>) {add = true}
      %mul3A_365 = arith.constant 8 : i32
      %mul3A_366 = arith.muli %scan3A_310, %mul3A_365 : i32
      %add3A_367 = arith.constant 6 : i32
      %add3A_368 = arith.addi %mul3A_366, %add3A_367 : i32
      %dma_start3A_369 = arith.constant 0 : i32
      %dma_start3A_370 = tpu.memref_slice %arg4[%add3A_368, %dma_start3A_369] : memref<160x128xi32, #tpu.memory_space<vmem>> -> memref<1x128xi32, #tpu.memory_space<vmem>>
      %dma_start3A_371 = tpu.memref_squeeze %dma_start3A_370 : memref<1x128xi32, #tpu.memory_space<vmem>> -> memref<128xi32, #tpu.memory_space<vmem>>
      %dma_start3A_372 = arith.constant 0 : i32
      %dma_start3A_373 = tpu.memref_slice %arg7[%dma_start3A_372] : memref<10240xf32, #tpu.memory_space<vmem_shared>> -> memref<10240xf32, #tpu.memory_space<vmem_shared>>
      tpu.enqueue_indirect_dma source(%arg5 : memref<128xf32, #tpu.memory_space<vmem>>) target(%dma_start3A_373 : memref<10240xf32, #tpu.memory_space<vmem_shared>>) offsets(%dma_start3A_371 : memref<128xi32, #tpu.memory_space<vmem>>) semaphore(%arg9 : memref<!tpu.dma_semaphore, #tpu.memory_space<semaphore_mem>>) {add = true}
      %mul3A_374 = arith.constant 8 : i32
      %mul3A_375 = arith.muli %scan3A_310, %mul3A_374 : i32
      %add3A_376 = arith.constant 7 : i32
      %add3A_377 = arith.addi %mul3A_375, %add3A_376 : i32
      %dma_start3A_378 = arith.constant 0 : i32
      %dma_start3A_379 = tpu.memref_slice %arg4[%add3A_377, %dma_start3A_378] : memref<160x128xi32, #tpu.memory_space<vmem>> -> memref<1x128xi32, #tpu.memory_space<vmem>>
      %dma_start3A_380 = tpu.memref_squeeze %dma_start3A_379 : memref<1x128xi32, #tpu.memory_space<vmem>> -> memref<128xi32, #tpu.memory_space<vmem>>
      %dma_start3A_381 = arith.constant 0 : i32
      %dma_start3A_382 = tpu.memref_slice %arg7[%dma_start3A_381] : memref<10240xf32, #tpu.memory_space<vmem_shared>> -> memref<10240xf32, #tpu.memory_space<vmem_shared>>
      tpu.enqueue_indirect_dma source(%arg5 : memref<128xf32, #tpu.memory_space<vmem>>) target(%dma_start3A_382 : memref<10240xf32, #tpu.memory_space<vmem_shared>>) offsets(%dma_start3A_380 : memref<128xi32, #tpu.memory_space<vmem>>) semaphore(%arg9 : memref<!tpu.dma_semaphore, #tpu.memory_space<semaphore_mem>>) {add = true}
      %mul3A_383 = arith.constant 8 : i32
      %mul3A_384 = arith.muli %scan3A_310, %mul3A_383 : i32
      %add3A_385 = arith.constant 0 : i32
      %add3A_386 = arith.addi %mul3A_384, %add3A_385 : i32
      %dma_wait3A_387 = arith.constant 0 : i32
      %dma_wait3A_388 = tpu.memref_slice %arg4[%add3A_386, %dma_wait3A_387] : memref<160x128xi32, #tpu.memory_space<vmem>> -> memref<1x128xi32, #tpu.memory_space<vmem>>
      %dma_wait3A_389 = tpu.memref_squeeze %dma_wait3A_388 : memref<1x128xi32, #tpu.memory_space<vmem>> -> memref<128xi32, #tpu.memory_space<vmem>>
      %dma_wait3A_390 = arith.constant 0 : i32
      %dma_wait3A_391 = tpu.memref_slice %arg7[%dma_wait3A_390] : memref<10240xf32, #tpu.memory_space<vmem_shared>> -> memref<10240xf32, #tpu.memory_space<vmem_shared>>
      tpu.wait_indirect_dma semaphore(%arg9 : memref<!tpu.dma_semaphore, #tpu.memory_space<semaphore_mem>>) src(%arg5 : memref<128xf32, #tpu.memory_space<vmem>>) dst(%dma_wait3A_391 : memref<10240xf32, #tpu.memory_space<vmem_shared>>)
      %mul3A_392 = arith.constant 8 : i32
      %mul3A_393 = arith.muli %scan3A_310, %mul3A_392 : i32
      %add3A_394 = arith.constant 1 : i32
      %add3A_395 = arith.addi %mul3A_393, %add3A_394 : i32
      %dma_wait3A_396 = arith.constant 0 : i32
      %dma_wait3A_397 = tpu.memref_slice %arg4[%add3A_395, %dma_wait3A_396] : memref<160x128xi32, #tpu.memory_space<vmem>> -> memref<1x128xi32, #tpu.memory_space<vmem>>
      %dma_wait3A_398 = tpu.memref_squeeze %dma_wait3A_397 : memref<1x128xi32, #tpu.memory_space<vmem>> -> memref<128xi32, #tpu.memory_space<vmem>>
      %dma_wait3A_399 = arith.constant 0 : i32
      %dma_wait3A_400 = tpu.memref_slice %arg7[%dma_wait3A_399] : memref<10240xf32, #tpu.memory_space<vmem_shared>> -> memref<10240xf32, #tpu.memory_space<vmem_shared>>
      tpu.wait_indirect_dma semaphore(%arg9 : memref<!tpu.dma_semaphore, #tpu.memory_space<semaphore_mem>>) src(%arg5 : memref<128xf32, #tpu.memory_space<vmem>>) dst(%dma_wait3A_400 : memref<10240xf32, #tpu.memory_space<vmem_shared>>)
      %mul3A_401 = arith.constant 8 : i32
      %mul3A_402 = arith.muli %scan3A_310, %mul3A_401 : i32
      %add3A_403 = arith.constant 2 : i32
      %add3A_404 = arith.addi %mul3A_402, %add3A_403 : i32
      %dma_wait3A_405 = arith.constant 0 : i32
      %dma_wait3A_406 = tpu.memref_slice %arg4[%add3A_404, %dma_wait3A_405] : memref<160x128xi32, #tpu.memory_space<vmem>> -> memref<1x128xi32, #tpu.memory_space<vmem>>
      %dma_wait3A_407 = tpu.memref_squeeze %dma_wait3A_406 : memref<1x128xi32, #tpu.memory_space<vmem>> -> memref<128xi32, #tpu.memory_space<vmem>>
      %dma_wait3A_408 = arith.constant 0 : i32
      %dma_wait3A_409 = tpu.memref_slice %arg7[%dma_wait3A_408] : memref<10240xf32, #tpu.memory_space<vmem_shared>> -> memref<10240xf32, #tpu.memory_space<vmem_shared>>
      tpu.wait_indirect_dma semaphore(%arg9 : memref<!tpu.dma_semaphore, #tpu.memory_space<semaphore_mem>>) src(%arg5 : memref<128xf32, #tpu.memory_space<vmem>>) dst(%dma_wait3A_409 : memref<10240xf32, #tpu.memory_space<vmem_shared>>)
      %mul3A_410 = arith.constant 8 : i32
      %mul3A_411 = arith.muli %scan3A_310, %mul3A_410 : i32
      %add3A_412 = arith.constant 3 : i32
      %add3A_413 = arith.addi %mul3A_411, %add3A_412 : i32
      %dma_wait3A_414 = arith.constant 0 : i32
      %dma_wait3A_415 = tpu.memref_slice %arg4[%add3A_413, %dma_wait3A_414] : memref<160x128xi32, #tpu.memory_space<vmem>> -> memref<1x128xi32, #tpu.memory_space<vmem>>
      %dma_wait3A_416 = tpu.memref_squeeze %dma_wait3A_415 : memref<1x128xi32, #tpu.memory_space<vmem>> -> memref<128xi32, #tpu.memory_space<vmem>>
      %dma_wait3A_417 = arith.constant 0 : i32
      %dma_wait3A_418 = tpu.memref_slice %arg7[%dma_wait3A_417] : memref<10240xf32, #tpu.memory_space<vmem_shared>> -> memref<10240xf32, #tpu.memory_space<vmem_shared>>
      tpu.wait_indirect_dma semaphore(%arg9 : memref<!tpu.dma_semaphore, #tpu.memory_space<semaphore_mem>>) src(%arg5 : memref<128xf32, #tpu.memory_space<vmem>>) dst(%dma_wait3A_418 : memref<10240xf32, #tpu.memory_space<vmem_shared>>)
      %mul3A_419 = arith.constant 8 : i32
      %mul3A_420 = arith.muli %scan3A_310, %mul3A_419 : i32
      %add3A_421 = arith.constant 4 : i32
      %add3A_422 = arith.addi %mul3A_420, %add3A_421 : i32
      %dma_wait3A_423 = arith.constant 0 : i32
      %dma_wait3A_424 = tpu.memref_slice %arg4[%add3A_422, %dma_wait3A_423] : memref<160x128xi32, #tpu.memory_space<vmem>> -> memref<1x128xi32, #tpu.memory_space<vmem>>
      %dma_wait3A_425 = tpu.memref_squeeze %dma_wait3A_424 : memref<1x128xi32, #tpu.memory_space<vmem>> -> memref<128xi32, #tpu.memory_space<vmem>>
      %dma_wait3A_426 = arith.constant 0 : i32
      %dma_wait3A_427 = tpu.memref_slice %arg7[%dma_wait3A_426] : memref<10240xf32, #tpu.memory_space<vmem_shared>> -> memref<10240xf32, #tpu.memory_space<vmem_shared>>
      tpu.wait_indirect_dma semaphore(%arg9 : memref<!tpu.dma_semaphore, #tpu.memory_space<semaphore_mem>>) src(%arg5 : memref<128xf32, #tpu.memory_space<vmem>>) dst(%dma_wait3A_427 : memref<10240xf32, #tpu.memory_space<vmem_shared>>)
      %mul3A_428 = arith.constant 8 : i32
      %mul3A_429 = arith.muli %scan3A_310, %mul3A_428 : i32
      %add3A_430 = arith.constant 5 : i32
      %add3A_431 = arith.addi %mul3A_429, %add3A_430 : i32
      %dma_wait3A_432 = arith.constant 0 : i32
      %dma_wait3A_433 = tpu.memref_slice %arg4[%add3A_431, %dma_wait3A_432] : memref<160x128xi32, #tpu.memory_space<vmem>> -> memref<1x128xi32, #tpu.memory_space<vmem>>
      %dma_wait3A_434 = tpu.memref_squeeze %dma_wait3A_433 : memref<1x128xi32, #tpu.memory_space<vmem>> -> memref<128xi32, #tpu.memory_space<vmem>>
      %dma_wait3A_435 = arith.constant 0 : i32
      %dma_wait3A_436 = tpu.memref_slice %arg7[%dma_wait3A_435] : memref<10240xf32, #tpu.memory_space<vmem_shared>> -> memref<10240xf32, #tpu.memory_space<vmem_shared>>
      tpu.wait_indirect_dma semaphore(%arg9 : memref<!tpu.dma_semaphore, #tpu.memory_space<semaphore_mem>>) src(%arg5 : memref<128xf32, #tpu.memory_space<vmem>>) dst(%dma_wait3A_436 : memref<10240xf32, #tpu.memory_space<vmem_shared>>)
      %mul3A_437 = arith.constant 8 : i32
      %mul3A_438 = arith.muli %scan3A_310, %mul3A_437 : i32
      %add3A_439 = arith.constant 6 : i32
      %add3A_440 = arith.addi %mul3A_438, %add3A_439 : i32
      %dma_wait3A_441 = arith.constant 0 : i32
      %dma_wait3A_442 = tpu.memref_slice %arg4[%add3A_440, %dma_wait3A_441] : memref<160x128xi32, #tpu.memory_space<vmem>> -> memref<1x128xi32, #tpu.memory_space<vmem>>
      %dma_wait3A_443 = tpu.memref_squeeze %dma_wait3A_442 : memref<1x128xi32, #tpu.memory_space<vmem>> -> memref<128xi32, #tpu.memory_space<vmem>>
      %dma_wait3A_444 = arith.constant 0 : i32
      %dma_wait3A_445 = tpu.memref_slice %arg7[%dma_wait3A_444] : memref<10240xf32, #tpu.memory_space<vmem_shared>> -> memref<10240xf32, #tpu.memory_space<vmem_shared>>
      tpu.wait_indirect_dma semaphore(%arg9 : memref<!tpu.dma_semaphore, #tpu.memory_space<semaphore_mem>>) src(%arg5 : memref<128xf32, #tpu.memory_space<vmem>>) dst(%dma_wait3A_445 : memref<10240xf32, #tpu.memory_space<vmem_shared>>)
      %mul3A_446 = arith.constant 8 : i32
      %mul3A_447 = arith.muli %scan3A_310, %mul3A_446 : i32
      %add3A_448 = arith.constant 7 : i32
      %add3A_449 = arith.addi %mul3A_447, %add3A_448 : i32
      %dma_wait3A_450 = arith.constant 0 : i32
      %dma_wait3A_451 = tpu.memref_slice %arg4[%add3A_449, %dma_wait3A_450] : memref<160x128xi32, #tpu.memory_space<vmem>> -> memref<1x128xi32, #tpu.memory_space<vmem>>
      %dma_wait3A_452 = tpu.memref_squeeze %dma_wait3A_451 : memref<1x128xi32, #tpu.memory_space<vmem>> -> memref<128xi32, #tpu.memory_space<vmem>>
      %dma_wait3A_453 = arith.constant 0 : i32
      %dma_wait3A_454 = tpu.memref_slice %arg7[%dma_wait3A_453] : memref<10240xf32, #tpu.memory_space<vmem_shared>> -> memref<10240xf32, #tpu.memory_space<vmem_shared>>
      tpu.wait_indirect_dma semaphore(%arg9 : memref<!tpu.dma_semaphore, #tpu.memory_space<semaphore_mem>>) src(%arg5 : memref<128xf32, #tpu.memory_space<vmem>>) dst(%dma_wait3A_454 : memref<10240xf32, #tpu.memory_space<vmem_shared>>)
    }
    %scan3A_301 = arith.constant 20 : i32
    %barrier3A_302 = arith.constant 0 : index
    tpu.barrier barrier_id(%barrier3A_302)
    %mul3A_303 = arith.constant 640 : i32
    %mul3A_304 = arith.muli %arg1, %mul3A_303 : i32
    %mul3A_305 = arith.constant 10240 : i32
    %mul3A_306 = arith.muli %arg0, %mul3A_305 : i32
    %mul3A_307 = arith.constant 640 : i32
    %mul3A_308 = arith.muli %arg1, %mul3A_307 : i32
    %add3A_309 = arith.addi %mul3A_306, %mul3A_308 : i32
    "tpu.region"() ({
      %run_scoped3A = tpu.sem_alloc : memref<!tpu.dma_semaphore, #tpu.memory_space<semaphore_mem>>
      %dma_start3A_310 = tpu.memref_slice %arg3[%add3A_309] : memref<20480xf32, #tpu.memory_space<hbm>> -> memref<640xf32, #tpu.memory_space<hbm>>
      %dma_start3A_311 = tpu.memref_slice %arg7[%mul3A_304] : memref<10240xf32, #tpu.memory_space<vmem_shared>> -> memref<640xf32, #tpu.memory_space<vmem_shared>>
      tpu.enqueue_dma source(%dma_start3A_311 : memref<640xf32, #tpu.memory_space<vmem_shared>>) target(%dma_start3A_310 : memref<640xf32, #tpu.memory_space<hbm>>) target_semaphore(%run_scoped3A : memref<!tpu.dma_semaphore, #tpu.memory_space<semaphore_mem>>)
      %dma_wait3A_312 = tpu.memref_slice %arg3[%add3A_309] : memref<20480xf32, #tpu.memory_space<hbm>> -> memref<640xf32, #tpu.memory_space<hbm>>
      %dma_wait3A_313 = tpu.memref_slice %arg7[%mul3A_304] : memref<10240xf32, #tpu.memory_space<vmem_shared>> -> memref<640xf32, #tpu.memory_space<vmem_shared>>
      tpu.wait_dma2 semaphore(%run_scoped3A : memref<!tpu.dma_semaphore, #tpu.memory_space<semaphore_mem>>) src(%dma_wait3A_313 : memref<640xf32, #tpu.memory_space<vmem_shared>>) dst(%dma_wait3A_312 : memref<640xf32, #tpu.memory_space<hbm>>)
      tpu.yield
    }) : () -> ()
    return
  }
}

module attributes {stable_mosaic.version = 14 : i64} {
  func.func @_prep_body(%arg0: i32, %arg1: memref<1000x512xf32, #tpu.memory_space<vmem>>, %arg2: memref<1000x512xf32, #tpu.memory_space<vmem>>, %arg3: memref<1000x2xf32, #tpu.memory_space<vmem>>, %arg4: memref<128x512xf32, #tpu.memory_space<vmem>>, %arg5: memref<1x128xf32, #tpu.memory_space<vmem>>, %arg6: memref<128x512xf32, #tpu.memory_space<vmem>>, %arg7: memref<1x128xf32, #tpu.memory_space<vmem>>, %arg8: memref<128x128xf32, #tpu.memory_space<vmem>>, %arg9: memref<2x1000x128xf32, #tpu.memory_space<vmem>>, %arg10: memref<1000x2xf32, #tpu.memory_space<vmem>>) attributes {dimension_semantics = [#tpu.dimension_semantics<arbitrary>], iteration_bounds = array<i64: 10>, scalar_prefetch = 0 : i64, scratch_operands = 0 : i64, tpu.core_type = #tpu.core_type<tc>, window_params = [{transform_indices = @transform_0, window_bounds = array<i64: 1000, 512>}, {transform_indices = @transform_1, window_bounds = array<i64: 1000, 512>}, {transform_indices = @transform_2, window_bounds = array<i64: 1000, 2>}, {pipeline_mode = #tpu.pipeline_mode<synchronous>, transform_indices = @transform_3, window_bounds = array<i64: 128, 512>}, {pipeline_mode = #tpu.pipeline_mode<synchronous>, transform_indices = @transform_4, window_bounds = array<i64: 1, 128>}, {pipeline_mode = #tpu.pipeline_mode<synchronous>, transform_indices = @transform_5, window_bounds = array<i64: 128, 512>}, {pipeline_mode = #tpu.pipeline_mode<synchronous>, transform_indices = @transform_6, window_bounds = array<i64: 1, 128>}, {pipeline_mode = #tpu.pipeline_mode<synchronous>, transform_indices = @transform_7, window_bounds = array<i64: 128, 128>}, {transform_indices = @transform_8, window_bounds = array<i64: 2, 1000, 128>}, {transform_indices = @transform_9, window_bounds = array<i64: 1000, 2>}]} {
    %get3A = arith.constant 0 : index
    %get3A_0 = arith.constant 0 : index
    %get3A_1 = vector.load %arg3[%get3A, %get3A_0] : memref<1000x2xf32, #tpu.memory_space<vmem>>, vector<1000x2xf32>
    %add3A = arith.constant 1.000000e+00 : f32
    %add3A_2 = vector.broadcast %add3A : f32 to vector<1000x2xf32>
    %add3A_3 = arith.addf %get3A_1, %add3A_2 : vector<1000x2xf32>
    %rsqrt3A = math.rsqrt %add3A_3 : vector<1000x2xf32>
    %swap3A = arith.constant 0 : index
    %swap3A_4 = arith.constant 0 : index
    %swap3A_5 = vector.load %arg10[%swap3A, %swap3A_4] : memref<1000x2xf32, #tpu.memory_space<vmem>>, vector<1000x2xf32>
    tpu.vector_store %arg10[%swap3A, %swap3A_4], %rsqrt3A {strides = array<i32>} : memref<1000x2xf32, #tpu.memory_space<vmem>>, vector<1000x2xf32>,
    %get3A_6 = arith.constant 0 : index
    %get3A_7 = arith.constant 0 : index
    %get3A_8 = vector.load %arg1[%get3A_6, %get3A_7] : memref<1000x512xf32, #tpu.memory_space<vmem>>, vector<1000x512xf32>
    %get3A_9 = arith.constant 0 : index
    %get3A_10 = arith.constant 0 : index
    %get3A_11 = vector.load %arg4[%get3A_9, %get3A_10] : memref<128x512xf32, #tpu.memory_space<vmem>>, vector<128x512xf32>
    %dot_general3A = arith.constant dense<0.000000e+00> : vector<1000x128xf32>
    %dot_general3A_12 = tpu.matmul %get3A_8, %get3A_11, %dot_general3A {dimension_numbers = #tpu.dot_dimension_numbers<[1], [1], [0], [0], [0, 0, 1, 0], [], []>, transpose_lhs_hint = false} : vector<1000x512xf32>, vector<128x512xf32>, vector<1000x128xf32> -> vector<1000x128xf32>
    %get3A_13 = arith.constant 0 : index
    %get3A_14 = arith.constant 0 : index
    %get3A_15 = vector.load %arg5[%get3A_13, %get3A_14] : memref<1x128xf32, #tpu.memory_space<vmem>>, vector<1x128xf32>
    %add3A_16 = vector.broadcast %get3A_15 : vector<1x128xf32> to vector<1000x128xf32>
    %add3A_17 = arith.addf %dot_general3A_12, %add3A_16 : vector<1000x128xf32>
    %max3A = arith.constant 0.000000e+00 : f32
    %max3A_18 = vector.broadcast %max3A : f32 to vector<1000x128xf32>
    %max3A_19 = arith.maximumf %add3A_17, %max3A_18 : vector<1000x128xf32>
    %slice3A = vector.extract_strided_slice %rsqrt3A {offsets = [0, 0], sizes = [1000, 1], strides = [1, 1]} : vector<1000x2xf32> to vector<1000x1xf32>
    %get3A_20 = arith.constant 0 : index
    %get3A_21 = arith.constant 0 : index
    %get3A_22 = vector.load %arg8[%get3A_20, %get3A_21] : memref<128x128xf32, #tpu.memory_space<vmem>>, vector<128x128xf32>
    %dot_general3A_23 = arith.constant dense<0.000000e+00> : vector<1000x128xf32>
    %dot_general3A_24 = tpu.matmul %max3A_19, %get3A_22, %dot_general3A_23 {dimension_numbers = #tpu.dot_dimension_numbers<[1], [1], [0], [0], [0, 0, 1, 0], [], []>, transpose_lhs_hint = false} : vector<1000x128xf32>, vector<128x128xf32>, vector<1000x128xf32> -> vector<1000x128xf32>
    %mul3A = vector.broadcast %slice3A : vector<1000x1xf32> to vector<1000x128xf32>
    %mul3A_25 = arith.mulf %mul3A, %dot_general3A_24 : vector<1000x128xf32>
    %swap3A_26 = arith.constant 0 : index
    %swap3A_27 = arith.constant 0 : index
    %swap3A_28 = arith.constant 0 : index
    %swap3A_29 = vector.load %arg9[%swap3A_26, %swap3A_27, %swap3A_28] : memref<2x1000x128xf32, #tpu.memory_space<vmem>>, vector<1x1000x128xf32>
    %swap3A_30 = vector.shape_cast %swap3A_29 : vector<1x1000x128xf32> to vector<1000x128xf32>
    %swap3A_31 = vector.shape_cast %mul3A_25 : vector<1000x128xf32> to vector<1x1000x128xf32>
    tpu.vector_store %arg9[%swap3A_26, %swap3A_27, %swap3A_28], %swap3A_31 {strides = array<i32>} : memref<2x1000x128xf32, #tpu.memory_space<vmem>>, vector<1x1000x128xf32>,
    %get3A_32 = arith.constant 0 : index
    %get3A_33 = arith.constant 0 : index
    %get3A_34 = vector.load %arg2[%get3A_32, %get3A_33] : memref<1000x512xf32, #tpu.memory_space<vmem>>, vector<1000x512xf32>
    %get3A_35 = arith.constant 0 : index
    %get3A_36 = arith.constant 0 : index
    %get3A_37 = vector.load %arg6[%get3A_35, %get3A_36] : memref<128x512xf32, #tpu.memory_space<vmem>>, vector<128x512xf32>
    %dot_general3A_38 = arith.constant dense<0.000000e+00> : vector<1000x128xf32>
    %dot_general3A_39 = tpu.matmul %get3A_34, %get3A_37, %dot_general3A_38 {dimension_numbers = #tpu.dot_dimension_numbers<[1], [1], [0], [0], [0, 0, 1, 0], [], []>, transpose_lhs_hint = false} : vector<1000x512xf32>, vector<128x512xf32>, vector<1000x128xf32> -> vector<1000x128xf32>
    %get3A_40 = arith.constant 0 : index
    %get3A_41 = arith.constant 0 : index
    %get3A_42 = vector.load %arg7[%get3A_40, %get3A_41] : memref<1x128xf32, #tpu.memory_space<vmem>>, vector<1x128xf32>
    %add3A_43 = vector.broadcast %get3A_42 : vector<1x128xf32> to vector<1000x128xf32>
    %add3A_44 = arith.addf %dot_general3A_39, %add3A_43 : vector<1000x128xf32>
    %max3A_45 = arith.constant 0.000000e+00 : f32
    %max3A_46 = vector.broadcast %max3A_45 : f32 to vector<1000x128xf32>
    %max3A_47 = arith.maximumf %add3A_44, %max3A_46 : vector<1000x128xf32>
    %slice3A_48 = vector.extract_strided_slice %rsqrt3A {offsets = [0, 1], sizes = [1000, 1], strides = [1, 1]} : vector<1000x2xf32> to vector<1000x1xf32>
    %get3A_49 = arith.constant 0 : index
    %get3A_50 = arith.constant 0 : index
    %get3A_51 = vector.load %arg8[%get3A_49, %get3A_50] : memref<128x128xf32, #tpu.memory_space<vmem>>, vector<128x128xf32>
    %dot_general3A_52 = arith.constant dense<0.000000e+00> : vector<1000x128xf32>
    %dot_general3A_53 = tpu.matmul %max3A_47, %get3A_51, %dot_general3A_52 {dimension_numbers = #tpu.dot_dimension_numbers<[1], [1], [0], [0], [0, 0, 1, 0], [], []>, transpose_lhs_hint = false} : vector<1000x128xf32>, vector<128x128xf32>, vector<1000x128xf32> -> vector<1000x128xf32>
    %mul3A_54 = vector.broadcast %slice3A_48 : vector<1000x1xf32> to vector<1000x128xf32>
    %mul3A_55 = arith.mulf %mul3A_54, %dot_general3A_53 : vector<1000x128xf32>
    %swap3A_56 = arith.constant 1 : index
    %swap3A_57 = arith.constant 0 : index
    %swap3A_58 = arith.constant 0 : index
    %swap3A_59 = vector.load %arg9[%swap3A_56, %swap3A_57, %swap3A_58] : memref<2x1000x128xf32, #tpu.memory_space<vmem>>, vector<1x1000x128xf32>
    %swap3A_60 = vector.shape_cast %swap3A_59 : vector<1x1000x128xf32> to vector<1000x128xf32>
    %swap3A_61 = vector.shape_cast %mul3A_55 : vector<1000x128xf32> to vector<1x1000x128xf32>
    tpu.vector_store %arg9[%swap3A_56, %swap3A_57, %swap3A_58], %swap3A_61 {strides = array<i32>} : memref<2x1000x128xf32, #tpu.memory_space<vmem>>, vector<1x1000x128xf32>,
    return
  }
  func.func @transform_0(%arg0: i32) -> (i32, i32) {
    %c0_i32 = arith.constant 0 : i32
    %c0_i32_0 = arith.constant 0 : i32
    return %arg0, %c0_i32 : i32, i32
  }
  func.func @transform_1(%arg0: i32) -> (i32, i32) {
    %c0_i32 = arith.constant 0 : i32
    %c0_i32_0 = arith.constant 0 : i32
    return %arg0, %c0_i32 : i32, i32
  }
  func.func @transform_2(%arg0: i32) -> (i32, i32) {
    %c0_i32 = arith.constant 0 : i32
    %c0_i32_0 = arith.constant 0 : i32
    return %arg0, %c0_i32 : i32, i32
  }
  func.func @transform_3(%arg0: i32) -> (i32, i32) {
    %c0_i32 = arith.constant 0 : i32
    %c0_i32_0 = arith.constant 0 : i32
    %c0_i32_1 = arith.constant 0 : i32
    return %c0_i32, %c0_i32_0 : i32, i32
  }
  func.func @transform_4(%arg0: i32) -> (i32, i32) {
    %c0_i32 = arith.constant 0 : i32
    %c0_i32_0 = arith.constant 0 : i32
    %c0_i32_1 = arith.constant 0 : i32
    return %c0_i32, %c0_i32_0 : i32, i32
  }
  func.func @transform_5(%arg0: i32) -> (i32, i32) {
    %c0_i32 = arith.constant 0 : i32
    %c0_i32_0 = arith.constant 0 : i32
    %c0_i32_1 = arith.constant 0 : i32
    return %c0_i32, %c0_i32_0 : i32, i32
  }
  func.func @transform_6(%arg0: i32) -> (i32, i32) {
    %c0_i32 = arith.constant 0 : i32
    %c0_i32_0 = arith.constant 0 : i32
    %c0_i32_1 = arith.constant 0 : i32
    return %c0_i32, %c0_i32_0 : i32, i32
  }
  func.func @transform_7(%arg0: i32) -> (i32, i32) {
    %c0_i32 = arith.constant 0 : i32
    %c0_i32_0 = arith.constant 0 : i32
    %c0_i32_1 = arith.constant 0 : i32
    return %c0_i32, %c0_i32_0 : i32, i32
  }
  func.func @transform_8(%arg0: i32) -> (i32, i32, i32) {
    %c0_i32 = arith.constant 0 : i32
    %c0_i32_0 = arith.constant 0 : i32
    %c0_i32_1 = arith.constant 0 : i32
    return %c0_i32, %arg0, %c0_i32_0 : i32, i32, i32
  }
  func.func @transform_9(%arg0: i32) -> (i32, i32) {
    %c0_i32 = arith.constant 0 : i32
    %c0_i32_0 = arith.constant 0 : i32
    return %arg0, %c0_i32 : i32, i32
  }
}

module attributes {stable_mosaic.version = 14 : i64} {
  func.func @_mid_body(%arg0: i32, %arg1: memref<2x1000x128xf32, #tpu.memory_space<vmem>>, %arg2: memref<1000x2xf32, #tpu.memory_space<vmem>>, %arg3: memref<128x128xf32, #tpu.memory_space<vmem>>, %arg4: memref<1x128xf32, #tpu.memory_space<vmem>>, %arg5: memref<2x1000x128xf32, #tpu.memory_space<vmem>>) attributes {dimension_semantics = [#tpu.dimension_semantics<arbitrary>], iteration_bounds = array<i64: 10>, scalar_prefetch = 0 : i64, scratch_operands = 0 : i64, tpu.core_type = #tpu.core_type<tc>, window_params = [{transform_indices = @transform_0, window_bounds = array<i64: 2, 1000, 128>}, {transform_indices = @transform_1, window_bounds = array<i64: 1000, 2>}, {pipeline_mode = #tpu.pipeline_mode<synchronous>, transform_indices = @transform_2, window_bounds = array<i64: 128, 128>}, {pipeline_mode = #tpu.pipeline_mode<synchronous>, transform_indices = @transform_3, window_bounds = array<i64: 1, 128>}, {transform_indices = @transform_4, window_bounds = array<i64: 2, 1000, 128>}]} {
    %get3A = arith.constant 0 : index
    %get3A_0 = arith.constant 0 : index
    %get3A_1 = vector.load %arg2[%get3A, %get3A_0] : memref<1000x2xf32, #tpu.memory_space<vmem>>, vector<1000x2xf32>
    %slice3A = vector.extract_strided_slice %get3A_1 {offsets = [0, 0], sizes = [1000, 1], strides = [1, 1]} : vector<1000x2xf32> to vector<1000x1xf32>
    %get3A_2 = arith.constant 0 : index
    %get3A_3 = arith.constant 0 : index
    %get3A_4 = arith.constant 0 : index
    %get3A_5 = vector.load %arg1[%get3A_2, %get3A_3, %get3A_4] : memref<2x1000x128xf32, #tpu.memory_space<vmem>>, vector<1x1000x128xf32>
    %get3A_6 = vector.shape_cast %get3A_5 : vector<1x1000x128xf32> to vector<1000x128xf32>
    %mul3A = vector.broadcast %slice3A : vector<1000x1xf32> to vector<1000x128xf32>
    %mul3A_7 = arith.mulf %mul3A, %get3A_6 : vector<1000x128xf32>
    %get3A_8 = arith.constant 0 : index
    %get3A_9 = arith.constant 0 : index
    %get3A_10 = vector.load %arg4[%get3A_8, %get3A_9] : memref<1x128xf32, #tpu.memory_space<vmem>>, vector<1x128xf32>
    %add3A = vector.broadcast %get3A_10 : vector<1x128xf32> to vector<1000x128xf32>
    %add3A_11 = arith.addf %mul3A_7, %add3A : vector<1000x128xf32>
    %get3A_12 = arith.constant 0 : index
    %get3A_13 = arith.constant 0 : index
    %get3A_14 = vector.load %arg3[%get3A_12, %get3A_13] : memref<128x128xf32, #tpu.memory_space<vmem>>, vector<128x128xf32>
    %dot_general3A = arith.constant dense<0.000000e+00> : vector<1000x128xf32>
    %dot_general3A_15 = tpu.matmul %add3A_11, %get3A_14, %dot_general3A {dimension_numbers = #tpu.dot_dimension_numbers<[1], [1], [0], [0], [0, 0, 1, 0], [], []>, transpose_lhs_hint = false} : vector<1000x128xf32>, vector<128x128xf32>, vector<1000x128xf32> -> vector<1000x128xf32>
    %mul3A_16 = vector.broadcast %slice3A : vector<1000x1xf32> to vector<1000x128xf32>
    %mul3A_17 = arith.mulf %mul3A_16, %dot_general3A_15 : vector<1000x128xf32>
    %swap3A = arith.constant 0 : index
    %swap3A_18 = arith.constant 0 : index
    %swap3A_19 = arith.constant 0 : index
    %swap3A_20 = vector.load %arg5[%swap3A, %swap3A_18, %swap3A_19] : memref<2x1000x128xf32, #tpu.memory_space<vmem>>, vector<1x1000x128xf32>
    %swap3A_21 = vector.shape_cast %swap3A_20 : vector<1x1000x128xf32> to vector<1000x128xf32>
    %swap3A_22 = vector.shape_cast %mul3A_17 : vector<1000x128xf32> to vector<1x1000x128xf32>
    tpu.vector_store %arg5[%swap3A, %swap3A_18, %swap3A_19], %swap3A_22 {strides = array<i32>} : memref<2x1000x128xf32, #tpu.memory_space<vmem>>, vector<1x1000x128xf32>,
    %slice3A_23 = vector.extract_strided_slice %get3A_1 {offsets = [0, 1], sizes = [1000, 1], strides = [1, 1]} : vector<1000x2xf32> to vector<1000x1xf32>
    %get3A_24 = arith.constant 1 : index
    %get3A_25 = arith.constant 0 : index
    %get3A_26 = arith.constant 0 : index
    %get3A_27 = vector.load %arg1[%get3A_24, %get3A_25, %get3A_26] : memref<2x1000x128xf32, #tpu.memory_space<vmem>>, vector<1x1000x128xf32>
    %get3A_28 = vector.shape_cast %get3A_27 : vector<1x1000x128xf32> to vector<1000x128xf32>
    %mul3A_29 = vector.broadcast %slice3A_23 : vector<1000x1xf32> to vector<1000x128xf32>
    %mul3A_30 = arith.mulf %mul3A_29, %get3A_28 : vector<1000x128xf32>
    %get3A_31 = arith.constant 0 : index
    %get3A_32 = arith.constant 0 : index
    %get3A_33 = vector.load %arg4[%get3A_31, %get3A_32] : memref<1x128xf32, #tpu.memory_space<vmem>>, vector<1x128xf32>
    %add3A_34 = vector.broadcast %get3A_33 : vector<1x128xf32> to vector<1000x128xf32>
    %add3A_35 = arith.addf %mul3A_30, %add3A_34 : vector<1000x128xf32>
    %get3A_36 = arith.constant 0 : index
    %get3A_37 = arith.constant 0 : index
    %get3A_38 = vector.load %arg3[%get3A_36, %get3A_37] : memref<128x128xf32, #tpu.memory_space<vmem>>, vector<128x128xf32>
    %dot_general3A_39 = arith.constant dense<0.000000e+00> : vector<1000x128xf32>
    %dot_general3A_40 = tpu.matmul %add3A_35, %get3A_38, %dot_general3A_39 {dimension_numbers = #tpu.dot_dimension_numbers<[1], [1], [0], [0], [0, 0, 1, 0], [], []>, transpose_lhs_hint = false} : vector<1000x128xf32>, vector<128x128xf32>, vector<1000x128xf32> -> vector<1000x128xf32>
    %mul3A_41 = vector.broadcast %slice3A_23 : vector<1000x1xf32> to vector<1000x128xf32>
    %mul3A_42 = arith.mulf %mul3A_41, %dot_general3A_40 : vector<1000x128xf32>
    %swap3A_43 = arith.constant 1 : index
    %swap3A_44 = arith.constant 0 : index
    %swap3A_45 = arith.constant 0 : index
    %swap3A_46 = vector.load %arg5[%swap3A_43, %swap3A_44, %swap3A_45] : memref<2x1000x128xf32, #tpu.memory_space<vmem>>, vector<1x1000x128xf32>
    %swap3A_47 = vector.shape_cast %swap3A_46 : vector<1x1000x128xf32> to vector<1000x128xf32>
    %swap3A_48 = vector.shape_cast %mul3A_42 : vector<1000x128xf32> to vector<1x1000x128xf32>
    tpu.vector_store %arg5[%swap3A_43, %swap3A_44, %swap3A_45], %swap3A_48 {strides = array<i32>} : memref<2x1000x128xf32, #tpu.memory_space<vmem>>, vector<1x1000x128xf32>,
    return
  }
  func.func @transform_0(%arg0: i32) -> (i32, i32, i32) {
    %c0_i32 = arith.constant 0 : i32
    %c0_i32_0 = arith.constant 0 : i32
    %c0_i32_1 = arith.constant 0 : i32
    return %c0_i32, %arg0, %c0_i32_0 : i32, i32, i32
  }
  func.func @transform_1(%arg0: i32) -> (i32, i32) {
    %c0_i32 = arith.constant 0 : i32
    %c0_i32_0 = arith.constant 0 : i32
    return %arg0, %c0_i32 : i32, i32
  }
  func.func @transform_2(%arg0: i32) -> (i32, i32) {
    %c0_i32 = arith.constant 0 : i32
    %c0_i32_0 = arith.constant 0 : i32
    %c0_i32_1 = arith.constant 0 : i32
    return %c0_i32, %c0_i32_0 : i32, i32
  }
  func.func @transform_3(%arg0: i32) -> (i32, i32) {
    %c0_i32 = arith.constant 0 : i32
    %c0_i32_0 = arith.constant 0 : i32
    %c0_i32_1 = arith.constant 0 : i32
    return %c0_i32, %c0_i32_0 : i32, i32
  }
  func.func @transform_4(%arg0: i32) -> (i32, i32, i32) {
    %c0_i32 = arith.constant 0 : i32
    %c0_i32_0 = arith.constant 0 : i32
    %c0_i32_1 = arith.constant 0 : i32
    return %c0_i32, %arg0, %c0_i32_0 : i32, i32, i32
  }
}

module attributes {stable_mosaic.version = 14 : i64} {
  func.func @_final_body(%arg0: i32, %arg1: memref<2x1000x128xf32, #tpu.memory_space<vmem>>, %arg2: memref<1000x2xf32, #tpu.memory_space<vmem>>, %arg3: memref<1x128xf32, #tpu.memory_space<vmem>>, %arg4: memref<1000x1xf32, #tpu.memory_space<vmem>>) attributes {dimension_semantics = [#tpu.dimension_semantics<arbitrary>], iteration_bounds = array<i64: 10>, scalar_prefetch = 0 : i64, scratch_operands = 0 : i64, tpu.core_type = #tpu.core_type<tc>, window_params = [{transform_indices = @transform_0, window_bounds = array<i64: 2, 1000, 128>}, {transform_indices = @transform_1, window_bounds = array<i64: 1000, 2>}, {pipeline_mode = #tpu.pipeline_mode<synchronous>, transform_indices = @transform_2, window_bounds = array<i64: 1, 128>}, {transform_indices = @transform_3, window_bounds = array<i64: 1000, 1>}]} {
    %get3A = arith.constant 0 : index
    %get3A_0 = arith.constant 0 : index
    %get3A_1 = vector.load %arg2[%get3A, %get3A_0] : memref<1000x2xf32, #tpu.memory_space<vmem>>, vector<1000x2xf32>
    %slice3A = vector.extract_strided_slice %get3A_1 {offsets = [0, 0], sizes = [1000, 1], strides = [1, 1]} : vector<1000x2xf32> to vector<1000x1xf32>
    %get3A_2 = arith.constant 0 : index
    %get3A_3 = arith.constant 0 : index
    %get3A_4 = arith.constant 0 : index
    %get3A_5 = vector.load %arg1[%get3A_2, %get3A_3, %get3A_4] : memref<2x1000x128xf32, #tpu.memory_space<vmem>>, vector<1x1000x128xf32>
    %get3A_6 = vector.shape_cast %get3A_5 : vector<1x1000x128xf32> to vector<1000x128xf32>
    %mul3A = vector.broadcast %slice3A : vector<1000x1xf32> to vector<1000x128xf32>
    %mul3A_7 = arith.mulf %mul3A, %get3A_6 : vector<1000x128xf32>
    %get3A_8 = arith.constant 0 : index
    %get3A_9 = arith.constant 0 : index
    %get3A_10 = vector.load %arg3[%get3A_8, %get3A_9] : memref<1x128xf32, #tpu.memory_space<vmem>>, vector<1x128xf32>
    %add3A = vector.broadcast %get3A_10 : vector<1x128xf32> to vector<1000x128xf32>
    %add3A_11 = arith.addf %mul3A_7, %add3A : vector<1000x128xf32>
    %slice3A_12 = vector.extract_strided_slice %get3A_1 {offsets = [0, 1], sizes = [1000, 1], strides = [1, 1]} : vector<1000x2xf32> to vector<1000x1xf32>
    %get3A_13 = arith.constant 1 : index
    %get3A_14 = arith.constant 0 : index
    %get3A_15 = arith.constant 0 : index
    %get3A_16 = vector.load %arg1[%get3A_13, %get3A_14, %get3A_15] : memref<2x1000x128xf32, #tpu.memory_space<vmem>>, vector<1x1000x128xf32>
    %get3A_17 = vector.shape_cast %get3A_16 : vector<1x1000x128xf32> to vector<1000x128xf32>
    %mul3A_18 = vector.broadcast %slice3A_12 : vector<1000x1xf32> to vector<1000x128xf32>
    %mul3A_19 = arith.mulf %mul3A_18, %get3A_17 : vector<1000x128xf32>
    %get3A_20 = arith.constant 0 : index
    %get3A_21 = arith.constant 0 : index
    %get3A_22 = vector.load %arg3[%get3A_20, %get3A_21] : memref<1x128xf32, #tpu.memory_space<vmem>>, vector<1x128xf32>
    %add3A_23 = vector.broadcast %get3A_22 : vector<1x128xf32> to vector<1000x128xf32>
    %add3A_24 = arith.addf %mul3A_19, %add3A_23 : vector<1000x128xf32>
    %mul3A_25 = arith.mulf %add3A_11, %add3A_11 : vector<1000x128xf32>
    %reduce_sum3A = arith.constant dense<0.000000e+00> : vector<1000xf32>
    %reduce_sum3A_26 = vector.multi_reduction <add>, %mul3A_25, %reduce_sum3A [1] : vector<1000x128xf32> to vector<1000xf32>
    %sqrt3A = math.sqrt %reduce_sum3A_26 : vector<1000xf32>
    %max3A = arith.constant 9.99999993E-9 : f32
    %max3A_27 = vector.broadcast %max3A : f32 to vector<1000xf32>
    %max3A_28 = arith.maximumf %sqrt3A, %max3A_27 : vector<1000xf32>
    %mul3A_29 = arith.mulf %add3A_24, %add3A_24 : vector<1000x128xf32>
    %reduce_sum3A_30 = arith.constant dense<0.000000e+00> : vector<1000xf32>
    %reduce_sum3A_31 = vector.multi_reduction <add>, %mul3A_29, %reduce_sum3A_30 [1] : vector<1000x128xf32> to vector<1000xf32>
    %sqrt3A_32 = math.sqrt %reduce_sum3A_31 : vector<1000xf32>
    %max3A_33 = arith.constant 9.99999993E-9 : f32
    %max3A_34 = vector.broadcast %max3A_33 : f32 to vector<1000xf32>
    %max3A_35 = arith.maximumf %sqrt3A_32, %max3A_34 : vector<1000xf32>
    %mul3A_36 = arith.mulf %add3A_11, %add3A_24 : vector<1000x128xf32>
    %reduce_sum3A_37 = arith.constant dense<0.000000e+00> : vector<1000xf32>
    %reduce_sum3A_38 = vector.multi_reduction <add>, %mul3A_36, %reduce_sum3A_37 [1] : vector<1000x128xf32> to vector<1000xf32>
    %mul3A_39 = arith.mulf %max3A_28, %max3A_35 : vector<1000xf32>
    %div3A = arith.divf %reduce_sum3A_38, %mul3A_39 : vector<1000xf32>
    %logistic3A = arith.negf %div3A : vector<1000xf32>
    %logistic3A_40 = math.exp %logistic3A : vector<1000xf32>
    %logistic3A_41 = arith.constant 1.000000e+00 : f32
    %logistic3A_42 = vector.broadcast %logistic3A_41 : f32 to vector<1000xf32>
    %logistic3A_43 = arith.addf %logistic3A_42, %logistic3A_40 : vector<1000xf32>
    %logistic3A_44 = arith.divf %logistic3A_42, %logistic3A_43 : vector<1000xf32>
    %broadcast_in_dim3A = vector.shape_cast %logistic3A_44 : vector<1000xf32> to vector<1000x1xf32>
    %swap3A = arith.constant 0 : index
    %swap3A_45 = arith.constant 0 : index
    %swap3A_46 = vector.load %arg4[%swap3A, %swap3A_45] : memref<1000x1xf32, #tpu.memory_space<vmem>>, vector<1000x1xf32>
    tpu.vector_store %arg4[%swap3A, %swap3A_45], %broadcast_in_dim3A {strides = array<i32>} : memref<1000x1xf32, #tpu.memory_space<vmem>>, vector<1000x1xf32>,
    return
  }
  func.func @transform_0(%arg0: i32) -> (i32, i32, i32) {
    %c0_i32 = arith.constant 0 : i32
    %c0_i32_0 = arith.constant 0 : i32
    %c0_i32_1 = arith.constant 0 : i32
    return %c0_i32, %arg0, %c0_i32_0 : i32, i32, i32
  }
  func.func @transform_1(%arg0: i32) -> (i32, i32) {
    %c0_i32 = arith.constant 0 : i32
    %c0_i32_0 = arith.constant 0 : i32
    return %arg0, %c0_i32 : i32, i32
  }
  func.func @transform_2(%arg0: i32) -> (i32, i32) {
    %c0_i32 = arith.constant 0 : i32
    %c0_i32_0 = arith.constant 0 : i32
    %c0_i32_1 = arith.constant 0 : i32
    return %c0_i32, %c0_i32_0 : i32, i32
  }
  func.func @transform_3(%arg0: i32) -> (i32, i32) {
    %c0_i32 = arith.constant 0 : i32
    %c0_i32_0 = arith.constant 0 : i32
    return %arg0, %c0_i32 : i32, i32
  }
}

</mosaic_0001>

<sc_bundles>
// kernel: kernel.11.cloned.1.call-start
scs
__scs_entry_jumppad:
0x0: {  	(pc) =	sbr.rel $0x88, $3  }
0x1: {  	(tag) =	ssettag $0x0;
	lr =	simm.s32 $0x1  }
0x2: {  	[smem:$0x3F95] =	sst lr;
	_ =	strace $0xD0000000  }
0x3: {  	_ = 	snop  }
0x4: {  	_ = 	snop  }
0x5: {  	_ = 	snop  }
0x6: {  	_ = 	snop  }
0x7: {  	_ = 	snop  }
__scs_overlays_trampoline_lowered:
0x8: {  	[smem:$0x3FA4] =	sst s0  }
0x9: {  	[smem:$0x3FA5] =	sst s1  }
0xa: {  	[smem:$0x3FA6] =	sst s2  }
0xb: {  	[smem:$0x3FA7] =	sst s3  }
0xc: {  	[smem:$0x3FA8] =	sst s4  }
0xd: {  	[smem:$0x3FA9] =	sst s5  }
0xe: {  	[smem:$0x3FAA] =	sst s6  }
0xf: {  	[smem:$0x3FAB] =	sst s7  }
0x10: {  	[smem:$0x3FAC] =	sst s8  }
0x11: {  	[smem:$0x3FAD] =	sst s9;
	s0 =	simm.s32 @!p0 $0x0  }
0x12: {  	s1 =	sld [smem:$0x3F93];
	s0 =	simm.s32 @p0 $0x1  }
0x13: {  	[smem:$0x3FAE] =	sst s0;
	s0 =	simm.s32 @!p1 $0x0  }
0x14: {  	s2 =	sld [smem:$0x3F92];
	s0 =	simm.s32 @p1 $0x1  }
0x15: {  	[smem:$0x3FAF] =	sst s0;
	s0 =	simm.s32 @!p2 $0x0  }
0x16: {  	s3 =	sld [smem:$0x3FDB];
	s0 =	simm.s32 @p2 $0x1  }
0x17: {  	s4 =	simm.s32 $0x1BF5;
	[smem:$0x3FB1] =	sst s0  }
0x18: {  	s0 =	sld [smem:$0x3F94];
	_ =	swait.ge [sflag:s4], $0x0  }
0x19: {  	s7 =	sld [smem:$0x3F95]  }
0x1a: {  	s8 =	sadd.s32 $0xFFFFE003, lr  }
0x1b: {  	s9 =	sadd.s32 $0xFFFFFEF7, lr;
	s5 =	simm.s32 $0xFFFFFFFF;
	p2 =	slt.u32 s8, $0xFFFFF086  }
0x1c: {  	p1 =	slt.u32 s9, $0xF7A;
	s5 =	simm.s32 @!p2 $0x0  }
0x1d: {  	s5 =	simm.s32 @p1 $0x1;
	p0 =	seq.s32 s7, s2  }
0x1e: {  	s7 =	smul.u32 @!p0 $0xF7A, s2;
	p2 =	seq.s32 @!p0 s5, $0x0  }
0x1f: {  	s9 =	smul.u32 $0xF7A, s1;
	s8 =	simm.s32 @!p0 $0x1BF5;
	p2 =	por !p2, p0  }
0x20: {  	[sflag:s8] =	ssyncset.s32 @!p0 $0xFFFFF086;
	s6 =	sadd.s32 @!p0 s3, s7;
	s7 =	simm.s32 @!p0 $0x108  }
0x21: {  	s3 =	sadd.s32 s3, s9;
	s6 =	sadd.s32 @!p0 $0x88, s6;
	s7 =	simm.s32 @p2 $0x1082  }
0x22: {  	[simem:s7], [sflag:s8] =	dma.local @!p0 [hbm:s6], $0xF7A  }
0x23: {  	s9 =	sor.u32 $0xD0000000, s2;
	s6 =	simm.s32 $0x108;
	_ =	swait.ge @!p0 [sflag:s8], $0x0  }
0x24: {  	s3 =	sadd.s32 $0x88, s3;
	s6 =	simm.s32 @!p1 $0x1082;
	[sflag:s4] =	ssyncset.s32 $0xFFFFF086  }
0x25: {  	[simem:s6], [sflag:s4] =	dma.local [hbm:s3], $0xF7A  }
0x26: {  	[smem:$0x3F95] =	sst s1;
	(tag) =	ssettag s2;
	_ =	strace s9  }
0x27: {  	s1 =	sld [smem:$0x3FA5]  }
0x28: {  	s2 =	sld [smem:$0x3FA6]  }
0x29: {  	s4 =	sld [smem:$0x3FA8]  }
0x2a: {  	p0 =	seq.s32 s5, $0x0;
	s5 =	sld [smem:$0x3FA9]  }
0x2b: {  	s6 =	sld [smem:$0x3FAA]  }
0x2c: {  	s7 =	sld [smem:$0x3FAB]  }
0x2d: {  	s3 =	simm.s32 $0x108;
	s8 =	sld [smem:$0x3FAC]  }
0x2e: {  	s3 =	simm.s32 @!p0 $0x1082;
	s9 =	sld [smem:$0x3FAD]  }
0x2f: {  	lr =	sadd.s32 s0, s3;
	s0 =	sld [smem:$0x3FA4]  }
0x30: {  	s3 =	sld [smem:$0x3FA7]  }
0x31: {  	[smem:$0x3FB0] =	sst s10  }
0x32: {  	s10 =	sld [smem:$0x3FAE];
	_ =	sdelay $0x3  }
0x33: {  	p0 =	seq.s32 s10, $0x1;
	s10 =	sld [smem:$0x3FB0];
	_ =	sdelay $0x3  }
0x34: {  	[smem:$0x3FB0] =	sst s10  }
0x35: {  	s10 =	sld [smem:$0x3FAF];
	_ =	sdelay $0x3  }
0x36: {  	p1 =	seq.s32 s10, $0x1;
	s10 =	sld [smem:$0x3FB0];
	_ =	sdelay $0x3  }
0x37: {  	[smem:$0x3FB0] =	sst s10  }
0x38: {  	s10 =	sld [smem:$0x3FB1]  }
0x39: {  	_ = 	snop;
	(pc) =	sbr.ind lr, $3  }
0x3a: {  	_ = 	snop  }
0x3b: {  	_ = 	snop  }
0x3c: {  	p2 =	seq.s32 s10, $0x1;
	s10 =	sld [smem:$0x3FB0]  }
0x3d: {  	_ =	shalt  }
0x3e: {  	_ =	shalt  }
0x3f: {  	_ =	shalt  }
0x40: {  	_ =	shalt  }
0x41: {  	_ =	shalt  }
0x42: {  	_ =	shalt  }
0x43: {  	_ =	shalt  }
0x44: {  	_ =	shalt  }
0x45: {  	_ =	shalt  }
0x46: {  	_ =	shalt  }
0x47: {  	_ =	shalt  }
0x48: {  	_ =	shalt  }
0x49: {  	_ =	shalt  }
0x4a: {  	_ =	shalt  }
0x4b: {  	_ =	shalt  }
0x4c: {  	_ =	shalt  }
0x4d: {  	_ =	shalt  }
0x4e: {  	_ =	shalt  }
0x4f: {  	_ =	shalt  }
0x50: {  	_ =	shalt  }
0x51: {  	_ =	shalt  }
0x52: {  	_ =	shalt  }
0x53: {  	_ =	shalt  }
0x54: {  	_ =	shalt  }
0x55: {  	_ =	shalt  }
0x56: {  	_ =	shalt  }
0x57: {  	_ =	shalt  }
0x58: {  	_ =	shalt  }
0x59: {  	_ =	shalt  }
0x5a: {  	_ =	shalt  }
0x5b: {  	_ =	shalt  }
0x5c: {  	_ =	shalt  }
0x5d: {  	_ =	shalt  }
0x5e: {  	_ =	shalt  }
0x5f: {  	_ =	shalt  }
0x60: {  	_ =	shalt  }
0x61: {  	_ =	shalt  }
0x62: {  	_ =	shalt  }
0x63: {  	_ =	shalt  }
0x64: {  	_ =	shalt  }
0x65: {  	_ =	shalt  }
0x66: {  	_ =	shalt  }
0x67: {  	_ =	shalt  }
0x68: {  	_ =	shalt  }
0x69: {  	_ =	shalt  }
0x6a: {  	_ =	shalt  }
0x6b: {  	_ =	shalt  }
0x6c: {  	_ =	shalt  }
0x6d: {  	_ =	shalt  }
0x6e: {  	_ =	shalt  }
0x6f: {  	_ =	shalt  }
0x70: {  	_ =	shalt  }
0x71: {  	_ =	shalt  }
0x72: {  	_ =	shalt  }
0x73: {  	_ =	shalt  }
0x74: {  	_ =	shalt  }
0x75: {  	_ =	shalt  }
0x76: {  	_ =	shalt  }
0x77: {  	_ =	shalt  }
0x78: {  	_ =	shalt  }
0x79: {  	_ =	shalt  }
0x7a: {  	_ =	shalt  }
0x7b: {  	_ =	shalt  }
0x7c: {  	_ =	shalt  }
0x7d: {  	_ =	shalt  }
0x7e: {  	_ =	shalt  }
0x7f: {  	_ =	shalt  }
0x80: {  	_ =	shalt  }
0x81: {  	_ =	shalt  }
0x82: {  	_ =	shalt  }
0x83: {  	_ =	shalt  }
0x84: {  	_ =	shalt  }
0x85: {  	_ =	shalt  }
0x86: {  	_ =	shalt  }
0x87: {  	_ =	shalt  }
.Lfunc_end0:
.L_simem_size_0:
called_computation.1_lowered:
.L_overlay_start_0:
0x88: {  	s2 =	sld [smem:$0x3FD9]  }
0x89: {  	s3 =	sld [smem:$0x3FFE];
	_ =	sdelay $0x1  }
0x8a: {  	s1 =	srdreg.scid  }
0x8b: {  	s0 =	sand.u32 $0x1, s1  }
0x8c: {  	s16 =	sshll.u32 s0, $0xA;
	s2 =	sadd.s32 s3, s2  }
0x8d: {  	s2 =	sadd.s32 s2, s16  }
0x8e: {  	[smem:$0x3FBC] =	sst s2  }
0x8f: {  	_ = 	snop  }
0x90: {  	(tm) =	ssettm $0x1  }
0x91: {  	s17 =	sld [smem:$0x3FFB];
	_ =	sdelay $0x3  }
0x92: {  	_ =	strace s17  }
0x93: {  	s2 =	sld [smem:$0x3FFC];
	_ =	sdelay $0x3  }
0x94: {  	_ =	strace s2  }
0x95: {  	s2 =	sld [smem:$0x3FFD];
	_ =	sdelay $0x3  }
0x96: {  	_ =	strace s2  }
0x97: {  	_ =	strace $0x8FFFFFFF  }
0x98: {  	s18 =	sld [smem:$0x3FDB];
	_ =	sdelay $0x1  }
0x99: {  	s19 =	simm.s32 $_scs_section_size  }
0x9a: {  	s4 =	simm.s32 $_size__tile_overlayer_lowered;
	s5 =	simm.s32 $_tile_overlayer_lowered  }
0x9b: {  	s22 =	simm.s32 $0x1BFF;
	s21 =	sshll.u32 s5, $0x1;
	s2 =	sadd.s32 s19, s18  }
0x9c: {  	s6 =	simm.s32 $0x0;
	s20 =	sshll.u32 s4, $0x1;
	s4 =	sadd.s32 s21, s2  }
0x9d: {  	[timem:s6], [sflag:s22] =	dma.local [hbm:s4], s20  }
0x9e: {  	_ =	swait.ge [sflag:s22], s20  }
0x9f: {  	s3 =	ssub.s32 $0x0, s20;
	[sflag:s22] =	ssyncset.done $0x0  }
0xa0: {  	[sflag:s22] =	ssyncadd.s32 s3;
	_ =	sdelay $0x1  }
0xa1: {  	s23 =	simm.s32 $0x1B8B  }
0xa2: {  	_ =	swait.ge [sflag:s23], $0x1  }
0xa3: {  	[sflag:s23] =	ssyncset.done $0x0  }
0xa4: {  	s25 =	simm.s32 $0x1B8E;
	s24 =	sld [smem:$0x3FFE];
	[sflag:s23] =	ssyncadd.s32 $0xFFFFFFFF  }
0xa5: {  	s26 =	simm.s32 $execute0_lowered;
	[smem:$0x3FD2] =	sst s25  }
0xa6: {  	s4 =	sshll.u32 s26, $0x1;
	_ =	strace $0x80000049;
	[dreg:$0x1] =	wrdreg $0xFFFFFFFF  }
0xa7: {  	s28 =	simm.s32 $_size_execute0_lowered;
	s2 =	sadd.s32 s2, s4;
	[dreg:$0x0] =	wrdreg $0x0  }
0xa8: {  	s4 =	sshll.u32 s28, $0x1;
	[dreg:$0x2] =	wrdreg s2  }
0xa9: {  	[dreg:$0x3] =	wrdreg s4  }
0xaa: {  	[dreg:$0x4] =	wrdreg $0xC0  }
0xab: {  	_ =	task [dreg:s6], $0x5FFFF  }
0xac: {  	[dreg:$0x1] =	wrdreg $0xFFFFFFFF  }
0xad: {  	[dreg:$0x0] =	wrdreg $0x60  }
0xae: {  	[dreg:$0x2] =	wrdreg s24  }
0xaf: {  	[dreg:$0x3] =	wrdreg $0x88000  }
0xb0: {  	[dreg:$0x4] =	wrdreg $0x9  }
0xb1: {  	_ =	task.clear_ibuf [dreg:s6], $0x5FFFF;
	_ =	strace $0x90000049  }
0xb2: {  	s29 =	simm.s32 $0x9;
	_ =	strace $0x8000004B  }
0xb3: {  	_ =	swait.ge [sflag:s29], $0x1  }
0xb4: {  	[sflag:s29] =	ssyncadd.s32 $0xFFFFFFFF  }
0xb5: {  	_ =	strace $0x9000004B  }
0xb6: {  	_ =	sfence  }
0xb7: {  	s30 =	sld [smem:$0x0];
	_ =	sdelay $0x2  }
0xb8: {  	s31 =	sshll.u32 s1, $0xD;
	s1 =	sshrl.u32 s1, $0x2  }
0xb9: {  	s3 =	sand.u32 $0x4000, s31;
	s1 =	sadd.s32 s1, s30  }
0xba: {  	s0 =	sor.u32 s3, s0;
	s1 =	sshll.u32 s1, $0x11  }
0xbb: {  	s0 =	sor.u32 s1, s0  }
0xbc: {  	s0 =	sadd.s32 $0x8F2B, s0  }
0xbd: {  	[sflag:s0] =	ssyncadd.remote.s32 $0x1  }
0xbe: {  	_ =	sfence.sel $0xFFFF  }
0xbf: {  	[dreg:$0x0] =	wrdreg $0xFFFFFFFF;
	(pc) =	sbr.abs _section_cstart, $3  }
0xc0: {  	[dreg:$0x1] =	wrdreg $0xFFFFFFFF  }
0xc1: {  	_ =	task.clear_ibuf [dreg:s6], $0x2FFFF;
	_ =	strace $0x9FFFFFFF  }
0xc2: {  	(tm) =	ssettm $0x7FFFFFFF  }
0xc3: {  	_ =	shalt  }
tec
execute0_lowered:
.L_overlay_start_1:
0x0: {  	(tag) =	ssettag $0x1  }
0x1: {  	s0 =	rddreg [dreg:$0x0]  }
0x2: {  	s1 =	rddreg [dreg:$0x1]  }
0x3: {  	s2 =	srdreg.scid;
	s5 =	stileid.u32  }
0x4: {  	s28 =	simm.s32 $0x400;
	s29 =	simm.s32 $0x80;
	s9 =	smul.u32 $0x4E000, s5  }
0x5: {  	s30 =	simm.s32 $0x180;
	s31 =	simm.s32 $0x280;
	s25 =	smul.u32 $0x270, s5  }
0x6: {  	s4 =	sand.u32 $0x1, s2;
	s2 =	simm.s32 $0x0;
	s24 =	smul.u32 $0xA00, s5  }
0x7: {  	s7 =	sadd.s32 $0x15400, s0;
	s10 =	sadd.s32 $0xA00, s0;
	s12 =	smul.u32 $0x2710, s4  }
0x8: {  	p0 =	sne.s32 s5, $0x0;
	s3 =	sshll.u32 s4, $0x4;
	s26 =	smul.u32 $0x138800, s4  }
0x9: {  	[smem:$0x7FF] =	sst s2;
	s8 =	ssub.s32 $0x2, s4;
	s21 =	smul.u32 $0xA000, s4  }
0xa: {  	s6 =	sor.u32 s5, s3;
	_ =	strace $0x8000004A;
	s3 =	sadd.s32 $0x29400, s0  }
0xb: {  	s11 =	sshrl.u32 s8, $0x1;
	s0 =	sadd.s32 $0x77600, s0;
	s9 =	sshrl.u32 s9, $0x2  }
0xc: {  	s6 =	smul.u32 $0xA00, s6;
	s8 =	ssub.s32 s8, s11;
	s11 =	sadd.s32 s25, s12  }
0xd: {  	s9 =	sadd.s32 s9, s1;
	s25 =	sshll.u32 s5, $0x6;
	s5 =	simm.s32 $0x1  }
0xe: {  	s11 =	sshll.u32 s11, $0x4;
	[dreg:$0x7] =	wrdreg s9;
	s17 =	smax.u32 s8, $0x1  }
0xf: {  	s8 =	simm.s32 $0x2;
	s14 =	sadd.s32 s10, s6;
	[dreg:$0xd] =	wrdreg s17  }
0x10: {  	s9 =	simm.s32 $0x800;
	s12 =	sadd.s32 s3, s11;
	[dreg:$0x4] =	wrdreg s14  }
0x11: {  	s13 =	sadd.s32 s7, s6;
	s16 =	sadd.s32 s0, s11;
	[dreg:$0x8] =	wrdreg s12  }
0x12: {  	s6 =	sshrl.u32 s26, $0x3;
	s7 =	sadd.s32 s21, s7;
	[dreg:$0xb] =	wrdreg s16  }
0x13: {  	s11 =	simm.s32 $0x3;
	s15 =	sadd.s32 $0x40, s13;
	[dreg:$0x3] =	wrdreg s13  }
0x14: {  	s17 =	simm.s32 $0x780;
	s14 =	sadd.s32 $0x40, s14;
	[dreg:$0x5] =	wrdreg s15  }
0x15: {  	s6 =	sadd.s32 $0x27000, s6;
	s18 =	sadd.s32 $0x10, s13;
	[dreg:$0x6] =	wrdreg s14  }
0x16: {  	s19 =	sadd.s32 $0x20, s13;
	s20 =	sadd.s32 $0x30, s13;
	[dreg:$0xe] =	wrdreg s18  }
0x17: {  	s22 =	sadd.s32 $0x50, s13;
	s23 =	sadd.s32 $0x60, s13;
	[dreg:$0xf] =	wrdreg s19  }
0x18: {  	s26 =	sadd.s32 $0x70, s13;
	s12 =	simm.s32 $0x480;
	[dreg:$0x10] =	wrdreg s20  }
0x19: {  	s13 =	simm.s32 $0x500;
	s16 =	simm.s32 $0x700;
	[dreg:$0x11] =	wrdreg s22  }
0x1a: {  	s14 =	sadd.s32 $0x138000, s1;
	s15 =	sadd.s32 s3, s6;
	[dreg:$0x12] =	wrdreg s23  }
0x1b: {  	s0 =	sadd.s32 s0, s6;
	[dreg:$0x13] =	wrdreg s26;
	s19 =	sor.u32 $0x1C04, s25  }
0x1c: {  	s22 =	sadd.s32 s24, s7;
	s25 =	simm.s32 $0x200;
	s26 =	simm.s32 $0x300  }
.Ltmp0:
0x1d: {  	s6 =	simm.s32 $0x600;
	[dreg:$0x9] =	wrdreg s14;
	(pc) =	sbr.rel .LBB2_1-.Ltmp0, $4  }
0x1e: {  	s7 =	simm.s32 $0x4;
	s20 =	simm.s32 $0x0;
	[dreg:$0xa] =	wrdreg s15  }
0x1f: {  	[dreg:$0xc] =	wrdreg s0;
	s0 =	sadd.s32 s21, s10;
	s10 =	simm.s32 $0x4800  }
0x20: {  	s14 =	simm.s32 $0x580;
	s15 =	simm.s32 $0x680;
	[dreg:$0x14] =	wrdreg s19  }
0x21: {  	s23 =	sadd.s32 s24, s0;
	s24 =	simm.s32 $0x100;
	s0 =	simm.s32 $0x380  }
.LBB2_4:
0x22: {  	_ =	swait.ge [sflag:s11], $0x4000  }
0x23: {  	[sflag:s11] =	ssyncset.done $0x0  }
0x24: {  	[sflag:s11] =	ssyncadd.s32 $0xFFFFC000  }
0x25: {  	[spmem:s1] =	stream.indirect.scatter.add.f32 [tilespmem:s10], [sflag:$0x4], $0x80, s17, s29, $0xb8;
	[tilespmem:$0x1C100] =	vst v63  }
0x26: {  	_ =	swait.ge [sflag:s7], $0x4000  }
0x27: {  	[sflag:s7] =	ssyncset.done $0x0  }
0x28: {  	[sflag:s7] =	ssyncadd.s32 $0xFFFFC000  }
0x29: {  	[bflag:$0x0] =	sbarrier.arrive $0xFFFF  }
0x2a: {  	s4 =	rddreg [dreg:$0xb]  }
0x2b: {  	s19 =	rddreg [dreg:$0x14]  }
0x2c: {  	s18 =	rddreg [dreg:$0x16]  }
0x2d: {  	[hbm:s4], [sflag:s19] =	dma.local [spmem:s18], $0x2700  }
0x2e: {  	_ =	swait.ge [sflag:s7], $0x2700  }
0x2f: {  	[sflag:s7] =	ssyncset.done $0x0;
	s4 =	rddreg [dreg:$0xc]  }
0x30: {  	s18 =	rddreg [dreg:$0x17];
	[sflag:s7] =	ssyncadd.s32 $0xFFFFD900  }
0x31: {  	[hbm:s4], [sflag:s19] =	dma.local @!p0 [spmem:s18], $0x100  }
0x32: {  	s4 =	simm.s32 @!p0 $0x4  }
0x33: {  	_ =	swait.ge @!p0 [sflag:s4], $0x100  }
0x34: {  	s20 =	rddreg [dreg:$0x15]  }
0x35: {  	s21 =	rddreg [dreg:$0xd];
	s20 =	sadd.s32 $0x1, s20  }
0x36: {  	p1 =	sne.s32 s20, s21  }
.Ltmp1:
0x37: {  	_ = 	snop;
	(pc) =	sbr.rel @!p1 .LBB2_5-.Ltmp1, $3  }
0x38: {  	_ =	sdelay $0x1  }
0x39: {  	[sflag:s4] =	ssyncset.done @!p0 $0x0  }
0x3a: {  	[sflag:s4] =	ssyncadd.s32 @!p0 $0xFFFFFF00  }
.LBB2_1:
0x3b: {  	[dreg:$0x15] =	wrdreg s20  }
0x3c: {  	s4 =	rddreg [dreg:$0x3]  }
0x3d: {  	s20 =	rddreg [dreg:$0xe]  }
0x3e: {  	[tilespmem:s2], [sflag:$0x1] =	stream.linear.gather [hbm4b:s4+s2], $0x80, $0x38;
	[tilespmem:$0x1C100] =	vst v63  }
0x3f: {  	s21 =	rddreg [dreg:$0xf]  }
0x40: {  	[tilespmem:s24], [sflag:$0x1] =	stream.linear.gather [hbm4b:s20+s2], $0x80, $0x38;
	[tilespmem:$0x1C100] =	vst v63  }
0x41: {  	s18 =	rddreg [dreg:$0x10]  }
0x42: {  	[tilespmem:s25], [sflag:$0x1] =	stream.linear.gather [hbm4b:s21+s2], $0x80, $0x38;
	[tilespmem:$0x1C100] =	vst v63  }
0x43: {  	s20 =	rddreg [dreg:$0x4]  }
0x44: {  	[tilespmem:s26], [sflag:$0x1] =	stream.linear.gather [hbm4b:s18+s2], $0x80, $0x38;
	[tilespmem:$0x1C100] =	vst v63  }
0x45: {  	s21 =	rddreg [dreg:$0x5]  }
0x46: {  	[tilespmem:s28], [sflag:$0x2] =	stream.linear.gather [hbm4b:s20+s2], $0x200, $0x38;
	[tilespmem:$0x1C100] =	vst v63  }
0x47: {  	s18 =	rddreg [dreg:$0x11]  }
0x48: {  	[tilespmem:s29], [sflag:$0x1] =	stream.linear.gather [hbm4b:s21+s2], $0x80, $0x38;
	[tilespmem:$0x1C100] =	vst v63  }
0x49: {  	s20 =	rddreg [dreg:$0x12]  }
0x4a: {  	[tilespmem:s30], [sflag:$0x1] =	stream.linear.gather [hbm4b:s18+s2], $0x80, $0x38;
	[tilespmem:$0x1C100] =	vst v63  }
0x4b: {  	s21 =	rddreg [dreg:$0x13]  }
0x4c: {  	[tilespmem:s31], [sflag:$0x1] =	stream.linear.gather [hbm4b:s20+s2], $0x80, $0x38;
	[tilespmem:$0x1C100] =	vst v63  }
0x4d: {  	s18 =	rddreg [dreg:$0x6]  }
0x4e: {  	[tilespmem:s0], [sflag:$0x1] =	stream.linear.gather [hbm4b:s21+s2], $0x80, $0x38;
	[tilespmem:$0x1C100] =	vst v63  }
0x4f: {  	s20 =	rddreg [dreg:$0x7]  }
0x50: {  	[tilespmem:s6], [sflag:$0x2] =	stream.linear.gather [hbm4b:s18+s2], $0x200, $0x38;
	[tilespmem:$0x1C100] =	vst v63  }
0x51: {  	s21 =	rddreg [dreg:$0x8];
	s18 =	sshrl.u32 s20, $0x3  }
0x52: {  	[dreg:$0x16] =	wrdreg s18  }
0x53: {  	[spmem:s18], [sflag:s19] =	dma.local [hbm:s21], $0x2700  }
0x54: {  	_ =	swait.ge [sflag:s7], $0x2700  }
0x55: {  	s4 =	rddreg [dreg:$0x9]  }
0x56: {  	[sflag:s7] =	ssyncset.done $0x0;
	s18 =	sshrl.u32 @!p0 s4, $0x3;
	s4 =	rddreg [dreg:$0xa]  }
0x57: {  	[sflag:s7] =	ssyncadd.s32 $0xFFFFD900;
	[dreg:$0x17] =	wrdreg s18  }
0x58: {  	[spmem:s18], [sflag:s19] =	dma.local @!p0 [hbm:s4], $0x100  }
0x59: {  	s4 =	simm.s32 @!p0 $0x4  }
0x5a: {  	_ =	swait.ge @!p0 [sflag:s4], $0x100  }
0x5b: {  	[sflag:s4] =	ssyncset.done @!p0 $0x0  }
0x5c: {  	[sflag:s4] =	ssyncadd.s32 @!p0 $0xFFFFFF00  }
0x5d: {  	_ =	swait.ge [sflag:s5], $0x200  }
0x5e: {  	[sflag:s5] =	ssyncset.done $0x0  }
0x5f: {  	[sflag:s5] =	ssyncadd.s32 $0xFFFFFE00  }
0x60: {  	_ =	swait.ge [sflag:s8], $0x200  }
0x61: {  	[sflag:s8] =	ssyncset.done $0x0  }
0x62: {  	[sflag:s8] =	ssyncadd.s32 $0xFFFFFE00  }
0x63: {  	[tilespmem:s9], [sflag:$0x3] =	stream.indirect.gather [hbm4b:s3+s29], $0x80, s2, s29, $0xb8;
	[tilespmem:$0x1C100] =	vst v63  }
0x64: {  	s4 =	simm.s32 $0x0;
	[bflag:$0x0] =	sbarrier.arrive $0xFFFF  }
.LBB2_2:
0x65: {  	[tilespmem:s10], [sflag:$0x3] =	stream.indirect.gather [hbm4b:s3+s29], $0x80, s24, s29, $0xb8;
	[tilespmem:$0x1C100] =	vst v63  }
0x66: {  	_ =	swait.ge [sflag:s11], $0x4000  }
0x67: {  	[sflag:s11] =	ssyncset.done $0x0  }
0x68: {  	[sflag:s11] =	ssyncadd.s32 $0xFFFFC000  }
0x69: {  	[spmem:s1] =	stream.indirect.scatter.add.f32 [tilespmem:s9], [sflag:$0x4], $0x80, s28, s29, $0xb8;
	[tilespmem:$0x1C100] =	vst v63  }
0x6a: {  	_ =	swait.ge [sflag:s7], $0x4000  }
0x6b: {  	[sflag:s7] =	ssyncset.done $0x0  }
0x6c: {  	[sflag:s7] =	ssyncadd.s32 $0xFFFFC000  }
0x6d: {  	[tilespmem:s9], [sflag:$0x3] =	stream.indirect.gather [hbm4b:s3+s29], $0x80, s25, s29, $0xb8;
	[tilespmem:$0x1C100] =	vst v63  }
0x6e: {  	_ =	swait.ge [sflag:s11], $0x4000  }
0x6f: {  	[sflag:s11] =	ssyncset.done $0x0  }
0x70: {  	[sflag:s11] =	ssyncadd.s32 $0xFFFFC000  }
0x71: {  	[spmem:s1] =	stream.indirect.scatter.add.f32 [tilespmem:s10], [sflag:$0x4], $0x80, s12, s29, $0xb8;
	[tilespmem:$0x1C100] =	vst v63  }
0x72: {  	_ =	swait.ge [sflag:s7], $0x4000  }
0x73: {  	[sflag:s7] =	ssyncset.done $0x0  }
0x74: {  	[sflag:s7] =	ssyncadd.s32 $0xFFFFC000  }
0x75: {  	[tilespmem:s10], [sflag:$0x3] =	stream.indirect.gather [hbm4b:s3+s29], $0x80, s26, s29, $0xb8;
	[tilespmem:$0x1C100] =	vst v63  }
0x76: {  	_ =	swait.ge [sflag:s11], $0x4000  }
0x77: {  	[sflag:s11] =	ssyncset.done $0x0  }
0x78: {  	[sflag:s11] =	ssyncadd.s32 $0xFFFFC000  }
0x79: {  	[spmem:s1] =	stream.indirect.scatter.add.f32 [tilespmem:s9], [sflag:$0x4], $0x80, s13, s29, $0xb8;
	[tilespmem:$0x1C100] =	vst v63  }
0x7a: {  	_ =	swait.ge [sflag:s7], $0x4000  }
0x7b: {  	[sflag:s7] =	ssyncset.done $0x0  }
0x7c: {  	[sflag:s7] =	ssyncadd.s32 $0xFFFFC000  }
0x7d: {  	_ =	swait.ge [sflag:s5], $0x200  }
0x7e: {  	[sflag:s5] =	ssyncset.done $0x0  }
0x7f: {  	[sflag:s5] =	ssyncadd.s32 $0xFFFFFE00  }
0x80: {  	_ =	swait.ge [sflag:s8], $0x200  }
0x81: {  	[sflag:s8] =	ssyncset.done $0x0  }
0x82: {  	[sflag:s8] =	ssyncadd.s32 $0xFFFFFE00  }
0x83: {  	[tilespmem:s9], [sflag:$0x3] =	stream.indirect.gather [hbm4b:s3+s29], $0x80, s29, s29, $0xb8;
	[tilespmem:$0x1C100] =	vst v63  }
0x84: {  	_ =	swait.ge [sflag:s11], $0x4000  }
0x85: {  	[sflag:s11] =	ssyncset.done $0x0  }
0x86: {  	[sflag:s11] =	ssyncadd.s32 $0xFFFFC000  }
0x87: {  	[spmem:s1] =	stream.indirect.scatter.add.f32 [tilespmem:s10], [sflag:$0x4], $0x80, s14, s29, $0xb8;
	[tilespmem:$0x1C100] =	vst v63  }
0x88: {  	p1 =	seq.s32 s4, $0x980;
	_ =	swait.ge [sflag:s7], $0x4000  }
0x89: {  	s19 =	sadd.s32 @!p1 s4, s22;
	[sflag:s7] =	ssyncset.done $0x0  }
0x8a: {  	s21 =	simm.s32 @!p1 $0x0;
	s20 =	sadd.s32 @!p1 $0x80, s19;
	[sflag:s7] =	ssyncadd.s32 $0xFFFFC000  }
0x8b: {  	[tilespmem:s21], [sflag:$0x1] =	stream.linear.gather @!p1 [hbm4b:s20+s21], $0x80, $0x38;
	[tilespmem:$0x1C100] =	vst v63  }
0x8c: {  	s18 =	simm.s32 @!p1 $0x100;
	s20 =	sadd.s32 @!p1 $0x90, s19  }
0x8d: {  	[tilespmem:s18], [sflag:$0x1] =	stream.linear.gather @!p1 [hbm4b:s20+s21], $0x80, $0x38;
	[tilespmem:$0x1C100] =	vst v63  }
0x8e: {  	s18 =	sadd.s32 @!p1 $0xA0, s19;
	s20 =	simm.s32 @!p1 $0x200  }
0x8f: {  	[tilespmem:s20], [sflag:$0x1] =	stream.linear.gather @!p1 [hbm4b:s18+s21], $0x80, $0x38;
	[tilespmem:$0x1C100] =	vst v63  }
0x90: {  	s18 =	sadd.s32 @!p1 $0xB0, s19;
	s19 =	simm.s32 @!p1 $0x300  }
0x91: {  	[tilespmem:s19], [sflag:$0x1] =	stream.linear.gather @!p1 [hbm4b:s18+s21], $0x80, $0x38;
	[tilespmem:$0x1C100] =	vst v63  }
0x92: {  	s18 =	sadd.s32 @!p1 s4, s23  }
0x93: {  	s19 =	simm.s32 @!p1 $0x400;
	s18 =	sadd.s32 @!p1 $0x80, s18  }
0x94: {  	[tilespmem:s19], [sflag:$0x2] =	stream.linear.gather @!p1 [hbm4b:s18+s21], $0x200, $0x38;
	[tilespmem:$0x1C100] =	vst v63  }
0x95: {  	_ = 	snop  }
0x96: {  	[tilespmem:s10], [sflag:$0x3] =	stream.indirect.gather [hbm4b:s3+s29], $0x80, s30, s29, $0xb8;
	[tilespmem:$0x1C100] =	vst v63  }
0x97: {  	_ =	swait.ge [sflag:s11], $0x4000  }
0x98: {  	[sflag:s11] =	ssyncset.done $0x0  }
0x99: {  	[sflag:s11] =	ssyncadd.s32 $0xFFFFC000  }
0x9a: {  	[spmem:s1] =	stream.indirect.scatter.add.f32 [tilespmem:s9], [sflag:$0x4], $0x80, s6, s29, $0xb8;
	[tilespmem:$0x1C100] =	vst v63  }
0x9b: {  	_ =	swait.ge [sflag:s7], $0x4000  }
0x9c: {  	[sflag:s7] =	ssyncset.done $0x0  }
0x9d: {  	[sflag:s7] =	ssyncadd.s32 $0xFFFFC000  }
0x9e: {  	[tilespmem:s9], [sflag:$0x3] =	stream.indirect.gather [hbm4b:s3+s29], $0x80, s31, s29, $0xb8;
	[tilespmem:$0x1C100] =	vst v63  }
0x9f: {  	_ =	swait.ge [sflag:s11], $0x4000  }
0xa0: {  	[sflag:s11] =	ssyncset.done $0x0  }
0xa1: {  	[sflag:s11] =	ssyncadd.s32 $0xFFFFC000  }
0xa2: {  	[spmem:s1] =	stream.indirect.scatter.add.f32 [tilespmem:s10], [sflag:$0x4], $0x80, s15, s29, $0xb8;
	[tilespmem:$0x1C100] =	vst v63  }
0xa3: {  	_ =	swait.ge [sflag:s7], $0x4000  }
0xa4: {  	[sflag:s7] =	ssyncset.done $0x0  }
0xa5: {  	[sflag:s7] =	ssyncadd.s32 $0xFFFFC000  }
0xa6: {  	[tilespmem:s10], [sflag:$0x3] =	stream.indirect.gather [hbm4b:s3+s29], $0x80, s0, s29, $0xb8;
	[tilespmem:$0x1C100] =	vst v63  }
0xa7: {  	_ =	swait.ge [sflag:s11], $0x4000  }
0xa8: {  	[sflag:s11] =	ssyncset.done $0x0  }
.Ltmp2:
0xa9: {  	[sflag:s11] =	ssyncadd.s32 $0xFFFFC000;
	(pc) =	sbr.rel @p1 .LBB2_4-.Ltmp2, $4  }
0xaa: {  	[spmem:s1] =	stream.indirect.scatter.add.f32 [tilespmem:s9], [sflag:$0x4], $0x80, s16, s29, $0xb8;
	[tilespmem:$0x1C100] =	vst v63  }
0xab: {  	_ =	swait.ge [sflag:s7], $0x4000  }
0xac: {  	[sflag:s7] =	ssyncset.done $0x0  }
0xad: {  	[sflag:s7] =	ssyncadd.s32 $0xFFFFC000  }
0xae: {  	_ =	swait.ge [sflag:s5], $0x200  }
0xaf: {  	[sflag:s5] =	ssyncset.done $0x0  }
0xb0: {  	[sflag:s5] =	ssyncadd.s32 $0xFFFFFE00  }
0xb1: {  	_ =	swait.ge [sflag:s8], $0x200  }
0xb2: {  	[sflag:s8] =	ssyncset.done $0x0  }
0xb3: {  	[sflag:s8] =	ssyncadd.s32 $0xFFFFFE00  }
0xb4: {  	[tilespmem:s9], [sflag:$0x3] =	stream.indirect.gather [hbm4b:s3+s29], $0x80, s2, s29, $0xb8;
	[tilespmem:$0x1C100] =	vst v63  }
0xb5: {  	_ =	swait.ge [sflag:s11], $0x4000  }
0xb6: {  	[sflag:s11] =	ssyncset.done $0x0  }
0xb7: {  	[sflag:s11] =	ssyncadd.s32 $0xFFFFC000  }
0xb8: {  	[spmem:s1] =	stream.indirect.scatter.add.f32 [tilespmem:s10], [sflag:$0x4], $0x80, s17, s29, $0xb8;
	[tilespmem:$0x1C100] =	vst v63  }
0xb9: {  	_ =	swait.ge [sflag:s7], $0x4000  }
0xba: {  	s18 =	sadd.s32 s4, s22;
	[sflag:s7] =	ssyncset.done $0x0  }
0xbb: {  	s19 =	sadd.s32 $0xC0, s18;
	[sflag:s7] =	ssyncadd.s32 $0xFFFFC000  }
0xbc: {  	[tilespmem:s29], [sflag:$0x1] =	stream.linear.gather [hbm4b:s19+s2], $0x80, $0x38;
	[tilespmem:$0x1C100] =	vst v63  }
0xbd: {  	s21 =	sadd.s32 $0xD0, s18  }
0xbe: {  	[tilespmem:s30], [sflag:$0x1] =	stream.linear.gather [hbm4b:s21+s2], $0x80, $0x38;
	[tilespmem:$0x1C100] =	vst v63  }
0xbf: {  	s20 =	sadd.s32 $0xE0, s18  }
0xc0: {  	[tilespmem:s31], [sflag:$0x1] =	stream.linear.gather [hbm4b:s20+s2], $0x80, $0x38;
	[tilespmem:$0x1C100] =	vst v63  }
.Ltmp3:
0xc1: {  	_ = 	snop;
	(pc) =	sbr.rel .LBB2_2-.Ltmp3, $4  }
0xc2: {  	s18 =	sadd.s32 $0xF0, s18;
	s21 =	sadd.s32 s4, s23  }
0xc3: {  	[tilespmem:s0], [sflag:$0x1] =	stream.linear.gather [hbm4b:s18+s2], $0x80, $0x38;
	[tilespmem:$0x1C100] =	vst v63  }
0xc4: {  	s4 =	sadd.s32 $0x80, s4;
	s18 =	sadd.s32 $0xC0, s21  }
0xc5: {  	[tilespmem:s6], [sflag:$0x2] =	stream.linear.gather [hbm4b:s18+s2], $0x200, $0x38;
	[tilespmem:$0x1C100] =	vst v63  }
.LBB2_5:
0xc6: {  	_ =	sfence.sel $0x180000  }
0xc7: {  	[bflag:$0x0] =	sbarrier.arrive $0xFFFF  }
0xc8: {  	_ =	strace $0x9000004A  }
0xc9: {  	[bflag:$0x2] =	sbarrier.arrive $0xFFFF  }
0xca: {  	s0 =	rddreg [dreg:$0x2]  }
0xcb: {  	s0 =	sadd.s32 @!p0 $0x100000, s0  }
0xcc: {  	[sflag:s0] =	ssyncadd.tile.s32 @!p0 $0x1;
	_ =	shalt  }
.Lfunc_end2:
_tile_overlayer_lowered:
.L_overlay_start_2:
0xcd: {  	(tag) =	ssettag $0x2  }
0xce: {  	s0 =	rddreg [dreg:$0x0];
	s2 =	stileid.u32  }
0xcf: {  	s1 =	rddreg [dreg:$0x1];
	p0 =	sne.s32 s2, $0x0  }
0xd0: {  	s3 =	rddreg [dreg:$0x2];
	[bflag:$0x3] =	sbarrier.arrive $0xFFFF;
	s2 =	simm.s32 @!p0 $0x1C04  }
0xd1: {  	[timem:s3], [sflag:s2] =	dma.local @!p0 [hbm:s0], s1  }
0xd2: {  	s0 =	simm.s32 @!p0 $0x4  }
0xd3: {  	_ =	swait.ge @!p0 [sflag:s0], s1  }
0xd4: {  	s1 =	ssub.s32 @!p0 $0x0, s1;
	[sflag:s0] =	ssyncset.done @!p0 $0x0  }
0xd5: {  	[sflag:s0] =	ssyncadd.s32 @!p0 s1  }
0xd6: {  	[bflag:$0x3] =	sbarrier.arrive $0xFFFF  }
0xd7: {  	_ =	shalt  }

// kernel: kernel.14.cloned.1.call-start
scs
__scs_entry_jumppad:
0x0: {  	(pc) =	sbr.rel $0x88, $3  }
0x1: {  	(tag) =	ssettag $0x0;
	lr =	simm.s32 $0x1  }
0x2: {  	[smem:$0x3F95] =	sst lr;
	_ =	strace $0xD0000000  }
0x3: {  	_ = 	snop  }
0x4: {  	_ = 	snop  }
0x5: {  	_ = 	snop  }
0x6: {  	_ = 	snop  }
0x7: {  	_ = 	snop  }
__scs_overlays_trampoline_lowered:
0x8: {  	[smem:$0x3FA4] =	sst s0  }
0x9: {  	[smem:$0x3FA5] =	sst s1  }
0xa: {  	[smem:$0x3FA6] =	sst s2  }
0xb: {  	[smem:$0x3FA7] =	sst s3  }
0xc: {  	[smem:$0x3FA8] =	sst s4  }
0xd: {  	[smem:$0x3FA9] =	sst s5  }
0xe: {  	[smem:$0x3FAA] =	sst s6  }
0xf: {  	[smem:$0x3FAB] =	sst s7  }
0x10: {  	[smem:$0x3FAC] =	sst s8  }
0x11: {  	[smem:$0x3FAD] =	sst s9;
	s0 =	simm.s32 @!p0 $0x0  }
0x12: {  	s1 =	sld [smem:$0x3F93];
	s0 =	simm.s32 @p0 $0x1  }
0x13: {  	[smem:$0x3FAE] =	sst s0;
	s0 =	simm.s32 @!p1 $0x0  }
0x14: {  	s2 =	sld [smem:$0x3F92];
	s0 =	simm.s32 @p1 $0x1  }
0x15: {  	[smem:$0x3FAF] =	sst s0;
	s0 =	simm.s32 @!p2 $0x0  }
0x16: {  	s3 =	sld [smem:$0x3FDB];
	s0 =	simm.s32 @p2 $0x1  }
0x17: {  	s4 =	simm.s32 $0x1BF5;
	[smem:$0x3FB1] =	sst s0  }
0x18: {  	s0 =	sld [smem:$0x3F94];
	_ =	swait.ge [sflag:s4], $0x0  }
0x19: {  	s7 =	sld [smem:$0x3F95]  }
0x1a: {  	s8 =	sadd.s32 $0xFFFFE003, lr  }
0x1b: {  	s9 =	sadd.s32 $0xFFFFFEF7, lr;
	s5 =	simm.s32 $0xFFFFFFFF;
	p2 =	slt.u32 s8, $0xFFFFF086  }
0x1c: {  	p1 =	slt.u32 s9, $0xF7A;
	s5 =	simm.s32 @!p2 $0x0  }
0x1d: {  	s5 =	simm.s32 @p1 $0x1;
	p0 =	seq.s32 s7, s2  }
0x1e: {  	s7 =	smul.u32 @!p0 $0xF7A, s2;
	p2 =	seq.s32 @!p0 s5, $0x0  }
0x1f: {  	s9 =	smul.u32 $0xF7A, s1;
	s8 =	simm.s32 @!p0 $0x1BF5;
	p2 =	por !p2, p0  }
0x20: {  	[sflag:s8] =	ssyncset.s32 @!p0 $0xFFFFF086;
	s6 =	sadd.s32 @!p0 s3, s7;
	s7 =	simm.s32 @!p0 $0x108  }
0x21: {  	s3 =	sadd.s32 s3, s9;
	s6 =	sadd.s32 @!p0 $0x88, s6;
	s7 =	simm.s32 @p2 $0x1082  }
0x22: {  	[simem:s7], [sflag:s8] =	dma.local @!p0 [hbm:s6], $0xF7A  }
0x23: {  	s9 =	sor.u32 $0xD0000000, s2;
	s6 =	simm.s32 $0x108;
	_ =	swait.ge @!p0 [sflag:s8], $0x0  }
0x24: {  	s3 =	sadd.s32 $0x88, s3;
	s6 =	simm.s32 @!p1 $0x1082;
	[sflag:s4] =	ssyncset.s32 $0xFFFFF086  }
0x25: {  	[simem:s6], [sflag:s4] =	dma.local [hbm:s3], $0xF7A  }
0x26: {  	[smem:$0x3F95] =	sst s1;
	(tag) =	ssettag s2;
	_ =	strace s9  }
0x27: {  	s1 =	sld [smem:$0x3FA5]  }
0x28: {  	s2 =	sld [smem:$0x3FA6]  }
0x29: {  	s4 =	sld [smem:$0x3FA8]  }
0x2a: {  	p0 =	seq.s32 s5, $0x0;
	s5 =	sld [smem:$0x3FA9]  }
0x2b: {  	s6 =	sld [smem:$0x3FAA]  }
0x2c: {  	s7 =	sld [smem:$0x3FAB]  }
0x2d: {  	s3 =	simm.s32 $0x108;
	s8 =	sld [smem:$0x3FAC]  }
0x2e: {  	s3 =	simm.s32 @!p0 $0x1082;
	s9 =	sld [smem:$0x3FAD]  }
0x2f: {  	lr =	sadd.s32 s0, s3;
	s0 =	sld [smem:$0x3FA4]  }
0x30: {  	s3 =	sld [smem:$0x3FA7]  }
0x31: {  	[smem:$0x3FB0] =	sst s10  }
0x32: {  	s10 =	sld [smem:$0x3FAE];
	_ =	sdelay $0x3  }
0x33: {  	p0 =	seq.s32 s10, $0x1;
	s10 =	sld [smem:$0x3FB0];
	_ =	sdelay $0x3  }
0x34: {  	[smem:$0x3FB0] =	sst s10  }
0x35: {  	s10 =	sld [smem:$0x3FAF];
	_ =	sdelay $0x3  }
0x36: {  	p1 =	seq.s32 s10, $0x1;
	s10 =	sld [smem:$0x3FB0];
	_ =	sdelay $0x3  }
0x37: {  	[smem:$0x3FB0] =	sst s10  }
0x38: {  	s10 =	sld [smem:$0x3FB1]  }
0x39: {  	_ = 	snop;
	(pc) =	sbr.ind lr, $3  }
0x3a: {  	_ = 	snop  }
0x3b: {  	_ = 	snop  }
0x3c: {  	p2 =	seq.s32 s10, $0x1;
	s10 =	sld [smem:$0x3FB0]  }
0x3d: {  	_ =	shalt  }
0x3e: {  	_ =	shalt  }
0x3f: {  	_ =	shalt  }
0x40: {  	_ =	shalt  }
0x41: {  	_ =	shalt  }
0x42: {  	_ =	shalt  }
0x43: {  	_ =	shalt  }
0x44: {  	_ =	shalt  }
0x45: {  	_ =	shalt  }
0x46: {  	_ =	shalt  }
0x47: {  	_ =	shalt  }
0x48: {  	_ =	shalt  }
0x49: {  	_ =	shalt  }
0x4a: {  	_ =	shalt  }
0x4b: {  	_ =	shalt  }
0x4c: {  	_ =	shalt  }
0x4d: {  	_ =	shalt  }
0x4e: {  	_ =	shalt  }
0x4f: {  	_ =	shalt  }
0x50: {  	_ =	shalt  }
0x51: {  	_ =	shalt  }
0x52: {  	_ =	shalt  }
0x53: {  	_ =	shalt  }
0x54: {  	_ =	shalt  }
0x55: {  	_ =	shalt  }
0x56: {  	_ =	shalt  }
0x57: {  	_ =	shalt  }
0x58: {  	_ =	shalt  }
0x59: {  	_ =	shalt  }
0x5a: {  	_ =	shalt  }
0x5b: {  	_ =	shalt  }
0x5c: {  	_ =	shalt  }
0x5d: {  	_ =	shalt  }
0x5e: {  	_ =	shalt  }
0x5f: {  	_ =	shalt  }
0x60: {  	_ =	shalt  }
0x61: {  	_ =	shalt  }
0x62: {  	_ =	shalt  }
0x63: {  	_ =	shalt  }
0x64: {  	_ =	shalt  }
0x65: {  	_ =	shalt  }
0x66: {  	_ =	shalt  }
0x67: {  	_ =	shalt  }
0x68: {  	_ =	shalt  }
0x69: {  	_ =	shalt  }
0x6a: {  	_ =	shalt  }
0x6b: {  	_ =	shalt  }
0x6c: {  	_ =	shalt  }
0x6d: {  	_ =	shalt  }
0x6e: {  	_ =	shalt  }
0x6f: {  	_ =	shalt  }
0x70: {  	_ =	shalt  }
0x71: {  	_ =	shalt  }
0x72: {  	_ =	shalt  }
0x73: {  	_ =	shalt  }
0x74: {  	_ =	shalt  }
0x75: {  	_ =	shalt  }
0x76: {  	_ =	shalt  }
0x77: {  	_ =	shalt  }
0x78: {  	_ =	shalt  }
0x79: {  	_ =	shalt  }
0x7a: {  	_ =	shalt  }
0x7b: {  	_ =	shalt  }
0x7c: {  	_ =	shalt  }
0x7d: {  	_ =	shalt  }
0x7e: {  	_ =	shalt  }
0x7f: {  	_ =	shalt  }
0x80: {  	_ =	shalt  }
0x81: {  	_ =	shalt  }
0x82: {  	_ =	shalt  }
0x83: {  	_ =	shalt  }
0x84: {  	_ =	shalt  }
0x85: {  	_ =	shalt  }
0x86: {  	_ =	shalt  }
0x87: {  	_ =	shalt  }
.Lfunc_end0:
.L_simem_size_0:
called_computation.2_lowered:
.L_overlay_start_0:
0x88: {  	s2 =	sld [smem:$0x3FD9]  }
0x89: {  	s3 =	sld [smem:$0x3FFE];
	_ =	sdelay $0x1  }
0x8a: {  	s1 =	srdreg.scid  }
0x8b: {  	s0 =	sand.u32 $0x1, s1  }
0x8c: {  	s16 =	sshll.u32 s0, $0xA;
	s2 =	sadd.s32 s3, s2  }
0x8d: {  	s2 =	sadd.s32 s2, s16  }
0x8e: {  	[smem:$0x3FBC] =	sst s2  }
0x8f: {  	_ = 	snop  }
0x90: {  	(tm) =	ssettm $0x1  }
0x91: {  	s17 =	sld [smem:$0x3FFB];
	_ =	sdelay $0x3  }
0x92: {  	_ =	strace s17  }
0x93: {  	s2 =	sld [smem:$0x3FFC];
	_ =	sdelay $0x3  }
0x94: {  	_ =	strace s2  }
0x95: {  	s2 =	sld [smem:$0x3FFD];
	_ =	sdelay $0x3  }
0x96: {  	_ =	strace s2  }
0x97: {  	_ =	strace $0x8FFFFFFF  }
0x98: {  	s18 =	sld [smem:$0x3FDB];
	_ =	sdelay $0x1  }
0x99: {  	s19 =	simm.s32 $_scs_section_size  }
0x9a: {  	s4 =	simm.s32 $_size__tile_overlayer_lowered;
	s5 =	simm.s32 $_tile_overlayer_lowered  }
0x9b: {  	s22 =	simm.s32 $0x1BFF;
	s21 =	sshll.u32 s5, $0x1;
	s2 =	sadd.s32 s19, s18  }
0x9c: {  	s6 =	simm.s32 $0x0;
	s20 =	sshll.u32 s4, $0x1;
	s4 =	sadd.s32 s21, s2  }
0x9d: {  	[timem:s6], [sflag:s22] =	dma.local [hbm:s4], s20  }
0x9e: {  	_ =	swait.ge [sflag:s22], s20  }
0x9f: {  	s3 =	ssub.s32 $0x0, s20;
	[sflag:s22] =	ssyncset.done $0x0  }
0xa0: {  	[sflag:s22] =	ssyncadd.s32 s3;
	_ =	sdelay $0x1  }
0xa1: {  	s23 =	simm.s32 $0x1B8B  }
0xa2: {  	_ =	swait.ge [sflag:s23], $0x1  }
0xa3: {  	[sflag:s23] =	ssyncset.done $0x0  }
0xa4: {  	s25 =	simm.s32 $0x1B8E;
	s24 =	sld [smem:$0x3FFE];
	[sflag:s23] =	ssyncadd.s32 $0xFFFFFFFF  }
0xa5: {  	s26 =	simm.s32 $execute0_lowered;
	[smem:$0x3FD2] =	sst s25  }
0xa6: {  	s4 =	sshll.u32 s26, $0x1;
	_ =	strace $0x8000004C;
	[dreg:$0x1] =	wrdreg $0xFFFFFFFF  }
0xa7: {  	s28 =	simm.s32 $_size_execute0_lowered;
	s2 =	sadd.s32 s2, s4;
	[dreg:$0x0] =	wrdreg $0x0  }
0xa8: {  	s4 =	sshll.u32 s28, $0x1;
	[dreg:$0x2] =	wrdreg s2  }
0xa9: {  	[dreg:$0x3] =	wrdreg s4  }
0xaa: {  	[dreg:$0x4] =	wrdreg $0xC0  }
0xab: {  	_ =	task [dreg:s6], $0x5FFFF  }
0xac: {  	[dreg:$0x1] =	wrdreg $0xFFFFFFFF  }
0xad: {  	[dreg:$0x0] =	wrdreg $0x60  }
0xae: {  	[dreg:$0x2] =	wrdreg s24  }
0xaf: {  	[dreg:$0x3] =	wrdreg $0x88000  }
0xb0: {  	[dreg:$0x4] =	wrdreg $0x9  }
0xb1: {  	_ =	task.clear_ibuf [dreg:s6], $0x5FFFF;
	_ =	strace $0x9000004C  }
0xb2: {  	s29 =	simm.s32 $0x9;
	_ =	strace $0x8000004E  }
0xb3: {  	_ =	swait.ge [sflag:s29], $0x1  }
0xb4: {  	[sflag:s29] =	ssyncadd.s32 $0xFFFFFFFF  }
0xb5: {  	_ =	strace $0x9000004E  }
0xb6: {  	_ =	sfence  }
0xb7: {  	s30 =	sld [smem:$0x0];
	_ =	sdelay $0x2  }
0xb8: {  	s31 =	sshll.u32 s1, $0xD;
	s1 =	sshrl.u32 s1, $0x2  }
0xb9: {  	s3 =	sand.u32 $0x4000, s31;
	s1 =	sadd.s32 s1, s30  }
0xba: {  	s0 =	sor.u32 s3, s0;
	s1 =	sshll.u32 s1, $0x11  }
0xbb: {  	s0 =	sor.u32 s1, s0  }
0xbc: {  	s0 =	sadd.s32 $0x8F2B, s0  }
0xbd: {  	[sflag:s0] =	ssyncadd.remote.s32 $0x1  }
0xbe: {  	_ =	sfence.sel $0xFFFF  }
0xbf: {  	[dreg:$0x0] =	wrdreg $0xFFFFFFFF;
	(pc) =	sbr.abs _section_cstart, $3  }
0xc0: {  	[dreg:$0x1] =	wrdreg $0xFFFFFFFF  }
0xc1: {  	_ =	task.clear_ibuf [dreg:s6], $0x2FFFF;
	_ =	strace $0x9FFFFFFF  }
0xc2: {  	(tm) =	ssettm $0x7FFFFFFF  }
0xc3: {  	_ =	shalt  }
tec
execute0_lowered:
.L_overlay_start_1:
0x0: {  	(tag) =	ssettag $0x1  }
0x1: {  	s0 =	rddreg [dreg:$0x0]  }
0x2: {  	s1 =	rddreg [dreg:$0x1]  }
0x3: {  	s2 =	srdreg.scid;
	s5 =	stileid.u32  }
0x4: {  	s28 =	simm.s32 $0x400;
	s29 =	simm.s32 $0x80;
	s9 =	smul.u32 $0x4E000, s5  }
0x5: {  	s30 =	simm.s32 $0x180;
	s31 =	simm.s32 $0x280;
	s25 =	smul.u32 $0x270, s5  }
0x6: {  	s4 =	sand.u32 $0x1, s2;
	s2 =	simm.s32 $0x0;
	s24 =	smul.u32 $0xA00, s5  }
0x7: {  	s7 =	sadd.s32 $0x15400, s0;
	s10 =	sadd.s32 $0xA00, s0;
	s12 =	smul.u32 $0x2710, s4  }
0x8: {  	p0 =	sne.s32 s5, $0x0;
	s3 =	sshll.u32 s4, $0x4;
	s26 =	smul.u32 $0x138800, s4  }
0x9: {  	[smem:$0x7FF] =	sst s2;
	s8 =	ssub.s32 $0x2, s4;
	s21 =	smul.u32 $0xA000, s4  }
0xa: {  	s6 =	sor.u32 s5, s3;
	_ =	strace $0x8000004D;
	s3 =	sadd.s32 $0x29400, s0  }
0xb: {  	s11 =	sshrl.u32 s8, $0x1;
	s0 =	sadd.s32 $0x77600, s0;
	s9 =	sshrl.u32 s9, $0x2  }
0xc: {  	s6 =	smul.u32 $0xA00, s6;
	s8 =	ssub.s32 s8, s11;
	s11 =	sadd.s32 s25, s12  }
0xd: {  	s9 =	sadd.s32 s9, s1;
	s25 =	sshll.u32 s5, $0x6;
	s5 =	simm.s32 $0x1  }
0xe: {  	s11 =	sshll.u32 s11, $0x4;
	[dreg:$0x7] =	wrdreg s9;
	s17 =	smax.u32 s8, $0x1  }
0xf: {  	s8 =	simm.s32 $0x2;
	s14 =	sadd.s32 s10, s6;
	[dreg:$0xd] =	wrdreg s17  }
0x10: {  	s9 =	simm.s32 $0x800;
	s12 =	sadd.s32 s3, s11;
	[dreg:$0x4] =	wrdreg s14  }
0x11: {  	s13 =	sadd.s32 s7, s6;
	s16 =	sadd.s32 s0, s11;
	[dreg:$0x8] =	wrdreg s12  }
0x12: {  	s6 =	sshrl.u32 s26, $0x3;
	s7 =	sadd.s32 s21, s7;
	[dreg:$0xb] =	wrdreg s16  }
0x13: {  	s11 =	simm.s32 $0x3;
	s15 =	sadd.s32 $0x40, s13;
	[dreg:$0x3] =	wrdreg s13  }
0x14: {  	s17 =	simm.s32 $0x780;
	s14 =	sadd.s32 $0x40, s14;
	[dreg:$0x5] =	wrdreg s15  }
0x15: {  	s6 =	sadd.s32 $0x27000, s6;
	s18 =	sadd.s32 $0x10, s13;
	[dreg:$0x6] =	wrdreg s14  }
0x16: {  	s19 =	sadd.s32 $0x20, s13;
	s20 =	sadd.s32 $0x30, s13;
	[dreg:$0xe] =	wrdreg s18  }
0x17: {  	s22 =	sadd.s32 $0x50, s13;
	s23 =	sadd.s32 $0x60, s13;
	[dreg:$0xf] =	wrdreg s19  }
0x18: {  	s26 =	sadd.s32 $0x70, s13;
	s12 =	simm.s32 $0x480;
	[dreg:$0x10] =	wrdreg s20  }
0x19: {  	s13 =	simm.s32 $0x500;
	s16 =	simm.s32 $0x700;
	[dreg:$0x11] =	wrdreg s22  }
0x1a: {  	s14 =	sadd.s32 $0x138000, s1;
	s15 =	sadd.s32 s3, s6;
	[dreg:$0x12] =	wrdreg s23  }
0x1b: {  	s0 =	sadd.s32 s0, s6;
	[dreg:$0x13] =	wrdreg s26;
	s19 =	sor.u32 $0x1C04, s25  }
0x1c: {  	s22 =	sadd.s32 s24, s7;
	s25 =	simm.s32 $0x200;
	s26 =	simm.s32 $0x300  }
.Ltmp0:
0x1d: {  	s6 =	simm.s32 $0x600;
	[dreg:$0x9] =	wrdreg s14;
	(pc) =	sbr.rel .LBB2_1-.Ltmp0, $4  }
0x1e: {  	s7 =	simm.s32 $0x4;
	s20 =	simm.s32 $0x0;
	[dreg:$0xa] =	wrdreg s15  }
0x1f: {  	[dreg:$0xc] =	wrdreg s0;
	s0 =	sadd.s32 s21, s10;
	s10 =	simm.s32 $0x4800  }
0x20: {  	s14 =	simm.s32 $0x580;
	s15 =	simm.s32 $0x680;
	[dreg:$0x14] =	wrdreg s19  }
0x21: {  	s23 =	sadd.s32 s24, s0;
	s24 =	simm.s32 $0x100;
	s0 =	simm.s32 $0x380  }
.LBB2_4:
0x22: {  	_ =	swait.ge [sflag:s11], $0x4000  }
0x23: {  	[sflag:s11] =	ssyncset.done $0x0  }
0x24: {  	[sflag:s11] =	ssyncadd.s32 $0xFFFFC000  }
0x25: {  	[spmem:s1] =	stream.indirect.scatter.add.f32 [tilespmem:s10], [sflag:$0x4], $0x80, s17, s29, $0xb8;
	[tilespmem:$0x1C100] =	vst v63  }
0x26: {  	_ =	swait.ge [sflag:s7], $0x4000  }
0x27: {  	[sflag:s7] =	ssyncset.done $0x0  }
0x28: {  	[sflag:s7] =	ssyncadd.s32 $0xFFFFC000  }
0x29: {  	[bflag:$0x0] =	sbarrier.arrive $0xFFFF  }
0x2a: {  	s4 =	rddreg [dreg:$0xb]  }
0x2b: {  	s19 =	rddreg [dreg:$0x14]  }
0x2c: {  	s18 =	rddreg [dreg:$0x16]  }
0x2d: {  	[hbm:s4], [sflag:s19] =	dma.local [spmem:s18], $0x2700  }
0x2e: {  	_ =	swait.ge [sflag:s7], $0x2700  }
0x2f: {  	[sflag:s7] =	ssyncset.done $0x0;
	s4 =	rddreg [dreg:$0xc]  }
0x30: {  	s18 =	rddreg [dreg:$0x17];
	[sflag:s7] =	ssyncadd.s32 $0xFFFFD900  }
0x31: {  	[hbm:s4], [sflag:s19] =	dma.local @!p0 [spmem:s18], $0x100  }
0x32: {  	s4 =	simm.s32 @!p0 $0x4  }
0x33: {  	_ =	swait.ge @!p0 [sflag:s4], $0x100  }
0x34: {  	s20 =	rddreg [dreg:$0x15]  }
0x35: {  	s21 =	rddreg [dreg:$0xd];
	s20 =	sadd.s32 $0x1, s20  }
0x36: {  	p1 =	sne.s32 s20, s21  }
.Ltmp1:
0x37: {  	_ = 	snop;
	(pc) =	sbr.rel @!p1 .LBB2_5-.Ltmp1, $3  }
0x38: {  	_ =	sdelay $0x1  }
0x39: {  	[sflag:s4] =	ssyncset.done @!p0 $0x0  }
0x3a: {  	[sflag:s4] =	ssyncadd.s32 @!p0 $0xFFFFFF00  }
.LBB2_1:
0x3b: {  	[dreg:$0x15] =	wrdreg s20  }
0x3c: {  	s4 =	rddreg [dreg:$0x3]  }
0x3d: {  	s20 =	rddreg [dreg:$0xe]  }
0x3e: {  	[tilespmem:s2], [sflag:$0x1] =	stream.linear.gather [hbm4b:s4+s2], $0x80, $0x38;
	[tilespmem:$0x1C100] =	vst v63  }
0x3f: {  	s21 =	rddreg [dreg:$0xf]  }
0x40: {  	[tilespmem:s24], [sflag:$0x1] =	stream.linear.gather [hbm4b:s20+s2], $0x80, $0x38;
	[tilespmem:$0x1C100] =	vst v63  }
0x41: {  	s18 =	rddreg [dreg:$0x10]  }
0x42: {  	[tilespmem:s25], [sflag:$0x1] =	stream.linear.gather [hbm4b:s21+s2], $0x80, $0x38;
	[tilespmem:$0x1C100] =	vst v63  }
0x43: {  	s20 =	rddreg [dreg:$0x4]  }
0x44: {  	[tilespmem:s26], [sflag:$0x1] =	stream.linear.gather [hbm4b:s18+s2], $0x80, $0x38;
	[tilespmem:$0x1C100] =	vst v63  }
0x45: {  	s21 =	rddreg [dreg:$0x5]  }
0x46: {  	[tilespmem:s28], [sflag:$0x2] =	stream.linear.gather [hbm4b:s20+s2], $0x200, $0x38;
	[tilespmem:$0x1C100] =	vst v63  }
0x47: {  	s18 =	rddreg [dreg:$0x11]  }
0x48: {  	[tilespmem:s29], [sflag:$0x1] =	stream.linear.gather [hbm4b:s21+s2], $0x80, $0x38;
	[tilespmem:$0x1C100] =	vst v63  }
0x49: {  	s20 =	rddreg [dreg:$0x12]  }
0x4a: {  	[tilespmem:s30], [sflag:$0x1] =	stream.linear.gather [hbm4b:s18+s2], $0x80, $0x38;
	[tilespmem:$0x1C100] =	vst v63  }
0x4b: {  	s21 =	rddreg [dreg:$0x13]  }
0x4c: {  	[tilespmem:s31], [sflag:$0x1] =	stream.linear.gather [hbm4b:s20+s2], $0x80, $0x38;
	[tilespmem:$0x1C100] =	vst v63  }
0x4d: {  	s18 =	rddreg [dreg:$0x6]  }
0x4e: {  	[tilespmem:s0], [sflag:$0x1] =	stream.linear.gather [hbm4b:s21+s2], $0x80, $0x38;
	[tilespmem:$0x1C100] =	vst v63  }
0x4f: {  	s20 =	rddreg [dreg:$0x7]  }
0x50: {  	[tilespmem:s6], [sflag:$0x2] =	stream.linear.gather [hbm4b:s18+s2], $0x200, $0x38;
	[tilespmem:$0x1C100] =	vst v63  }
0x51: {  	s21 =	rddreg [dreg:$0x8];
	s18 =	sshrl.u32 s20, $0x3  }
0x52: {  	[dreg:$0x16] =	wrdreg s18  }
0x53: {  	[spmem:s18], [sflag:s19] =	dma.local [hbm:s21], $0x2700  }
0x54: {  	_ =	swait.ge [sflag:s7], $0x2700  }
0x55: {  	s4 =	rddreg [dreg:$0x9]  }
0x56: {  	[sflag:s7] =	ssyncset.done $0x0;
	s18 =	sshrl.u32 @!p0 s4, $0x3;
	s4 =	rddreg [dreg:$0xa]  }
0x57: {  	[sflag:s7] =	ssyncadd.s32 $0xFFFFD900;
	[dreg:$0x17] =	wrdreg s18  }
0x58: {  	[spmem:s18], [sflag:s19] =	dma.local @!p0 [hbm:s4], $0x100  }
0x59: {  	s4 =	simm.s32 @!p0 $0x4  }
0x5a: {  	_ =	swait.ge @!p0 [sflag:s4], $0x100  }
0x5b: {  	[sflag:s4] =	ssyncset.done @!p0 $0x0  }
0x5c: {  	[sflag:s4] =	ssyncadd.s32 @!p0 $0xFFFFFF00  }
0x5d: {  	_ =	swait.ge [sflag:s5], $0x200  }
0x5e: {  	[sflag:s5] =	ssyncset.done $0x0  }
0x5f: {  	[sflag:s5] =	ssyncadd.s32 $0xFFFFFE00  }
0x60: {  	_ =	swait.ge [sflag:s8], $0x200  }
0x61: {  	[sflag:s8] =	ssyncset.done $0x0  }
0x62: {  	[sflag:s8] =	ssyncadd.s32 $0xFFFFFE00  }
0x63: {  	[tilespmem:s9], [sflag:$0x3] =	stream.indirect.gather [hbm4b:s3+s29], $0x80, s2, s29, $0xb8;
	[tilespmem:$0x1C100] =	vst v63  }
0x64: {  	s4 =	simm.s32 $0x0;
	[bflag:$0x0] =	sbarrier.arrive $0xFFFF  }
.LBB2_2:
0x65: {  	[tilespmem:s10], [sflag:$0x3] =	stream.indirect.gather [hbm4b:s3+s29], $0x80, s24, s29, $0xb8;
	[tilespmem:$0x1C100] =	vst v63  }
0x66: {  	_ =	swait.ge [sflag:s11], $0x4000  }
0x67: {  	[sflag:s11] =	ssyncset.done $0x0  }
0x68: {  	[sflag:s11] =	ssyncadd.s32 $0xFFFFC000  }
0x69: {  	[spmem:s1] =	stream.indirect.scatter.add.f32 [tilespmem:s9], [sflag:$0x4], $0x80, s28, s29, $0xb8;
	[tilespmem:$0x1C100] =	vst v63  }
0x6a: {  	_ =	swait.ge [sflag:s7], $0x4000  }
0x6b: {  	[sflag:s7] =	ssyncset.done $0x0  }
0x6c: {  	[sflag:s7] =	ssyncadd.s32 $0xFFFFC000  }
0x6d: {  	[tilespmem:s9], [sflag:$0x3] =	stream.indirect.gather [hbm4b:s3+s29], $0x80, s25, s29, $0xb8;
	[tilespmem:$0x1C100] =	vst v63  }
0x6e: {  	_ =	swait.ge [sflag:s11], $0x4000  }
0x6f: {  	[sflag:s11] =	ssyncset.done $0x0  }
0x70: {  	[sflag:s11] =	ssyncadd.s32 $0xFFFFC000  }
0x71: {  	[spmem:s1] =	stream.indirect.scatter.add.f32 [tilespmem:s10], [sflag:$0x4], $0x80, s12, s29, $0xb8;
	[tilespmem:$0x1C100] =	vst v63  }
0x72: {  	_ =	swait.ge [sflag:s7], $0x4000  }
0x73: {  	[sflag:s7] =	ssyncset.done $0x0  }
0x74: {  	[sflag:s7] =	ssyncadd.s32 $0xFFFFC000  }
0x75: {  	[tilespmem:s10], [sflag:$0x3] =	stream.indirect.gather [hbm4b:s3+s29], $0x80, s26, s29, $0xb8;
	[tilespmem:$0x1C100] =	vst v63  }
0x76: {  	_ =	swait.ge [sflag:s11], $0x4000  }
0x77: {  	[sflag:s11] =	ssyncset.done $0x0  }
0x78: {  	[sflag:s11] =	ssyncadd.s32 $0xFFFFC000  }
0x79: {  	[spmem:s1] =	stream.indirect.scatter.add.f32 [tilespmem:s9], [sflag:$0x4], $0x80, s13, s29, $0xb8;
	[tilespmem:$0x1C100] =	vst v63  }
0x7a: {  	_ =	swait.ge [sflag:s7], $0x4000  }
0x7b: {  	[sflag:s7] =	ssyncset.done $0x0  }
0x7c: {  	[sflag:s7] =	ssyncadd.s32 $0xFFFFC000  }
0x7d: {  	_ =	swait.ge [sflag:s5], $0x200  }
0x7e: {  	[sflag:s5] =	ssyncset.done $0x0  }
0x7f: {  	[sflag:s5] =	ssyncadd.s32 $0xFFFFFE00  }
0x80: {  	_ =	swait.ge [sflag:s8], $0x200  }
0x81: {  	[sflag:s8] =	ssyncset.done $0x0  }
0x82: {  	[sflag:s8] =	ssyncadd.s32 $0xFFFFFE00  }
0x83: {  	[tilespmem:s9], [sflag:$0x3] =	stream.indirect.gather [hbm4b:s3+s29], $0x80, s29, s29, $0xb8;
	[tilespmem:$0x1C100] =	vst v63  }
0x84: {  	_ =	swait.ge [sflag:s11], $0x4000  }
0x85: {  	[sflag:s11] =	ssyncset.done $0x0  }
0x86: {  	[sflag:s11] =	ssyncadd.s32 $0xFFFFC000  }
0x87: {  	[spmem:s1] =	stream.indirect.scatter.add.f32 [tilespmem:s10], [sflag:$0x4], $0x80, s14, s29, $0xb8;
	[tilespmem:$0x1C100] =	vst v63  }
0x88: {  	p1 =	seq.s32 s4, $0x980;
	_ =	swait.ge [sflag:s7], $0x4000  }
0x89: {  	s19 =	sadd.s32 @!p1 s4, s22;
	[sflag:s7] =	ssyncset.done $0x0  }
0x8a: {  	s21 =	simm.s32 @!p1 $0x0;
	s20 =	sadd.s32 @!p1 $0x80, s19;
	[sflag:s7] =	ssyncadd.s32 $0xFFFFC000  }
0x8b: {  	[tilespmem:s21], [sflag:$0x1] =	stream.linear.gather @!p1 [hbm4b:s20+s21], $0x80, $0x38;
	[tilespmem:$0x1C100] =	vst v63  }
0x8c: {  	s18 =	simm.s32 @!p1 $0x100;
	s20 =	sadd.s32 @!p1 $0x90, s19  }
0x8d: {  	[tilespmem:s18], [sflag:$0x1] =	stream.linear.gather @!p1 [hbm4b:s20+s21], $0x80, $0x38;
	[tilespmem:$0x1C100] =	vst v63  }
0x8e: {  	s18 =	sadd.s32 @!p1 $0xA0, s19;
	s20 =	simm.s32 @!p1 $0x200  }
0x8f: {  	[tilespmem:s20], [sflag:$0x1] =	stream.linear.gather @!p1 [hbm4b:s18+s21], $0x80, $0x38;
	[tilespmem:$0x1C100] =	vst v63  }
0x90: {  	s18 =	sadd.s32 @!p1 $0xB0, s19;
	s19 =	simm.s32 @!p1 $0x300  }
0x91: {  	[tilespmem:s19], [sflag:$0x1] =	stream.linear.gather @!p1 [hbm4b:s18+s21], $0x80, $0x38;
	[tilespmem:$0x1C100] =	vst v63  }
0x92: {  	s18 =	sadd.s32 @!p1 s4, s23  }
0x93: {  	s19 =	simm.s32 @!p1 $0x400;
	s18 =	sadd.s32 @!p1 $0x80, s18  }
0x94: {  	[tilespmem:s19], [sflag:$0x2] =	stream.linear.gather @!p1 [hbm4b:s18+s21], $0x200, $0x38;
	[tilespmem:$0x1C100] =	vst v63  }
0x95: {  	_ = 	snop  }
0x96: {  	[tilespmem:s10], [sflag:$0x3] =	stream.indirect.gather [hbm4b:s3+s29], $0x80, s30, s29, $0xb8;
	[tilespmem:$0x1C100] =	vst v63  }
0x97: {  	_ =	swait.ge [sflag:s11], $0x4000  }
0x98: {  	[sflag:s11] =	ssyncset.done $0x0  }
0x99: {  	[sflag:s11] =	ssyncadd.s32 $0xFFFFC000  }
0x9a: {  	[spmem:s1] =	stream.indirect.scatter.add.f32 [tilespmem:s9], [sflag:$0x4], $0x80, s6, s29, $0xb8;
	[tilespmem:$0x1C100] =	vst v63  }
0x9b: {  	_ =	swait.ge [sflag:s7], $0x4000  }
0x9c: {  	[sflag:s7] =	ssyncset.done $0x0  }
0x9d: {  	[sflag:s7] =	ssyncadd.s32 $0xFFFFC000  }
0x9e: {  	[tilespmem:s9], [sflag:$0x3] =	stream.indirect.gather [hbm4b:s3+s29], $0x80, s31, s29, $0xb8;
	[tilespmem:$0x1C100] =	vst v63  }
0x9f: {  	_ =	swait.ge [sflag:s11], $0x4000  }
0xa0: {  	[sflag:s11] =	ssyncset.done $0x0  }
0xa1: {  	[sflag:s11] =	ssyncadd.s32 $0xFFFFC000  }
0xa2: {  	[spmem:s1] =	stream.indirect.scatter.add.f32 [tilespmem:s10], [sflag:$0x4], $0x80, s15, s29, $0xb8;
	[tilespmem:$0x1C100] =	vst v63  }
0xa3: {  	_ =	swait.ge [sflag:s7], $0x4000  }
0xa4: {  	[sflag:s7] =	ssyncset.done $0x0  }
0xa5: {  	[sflag:s7] =	ssyncadd.s32 $0xFFFFC000  }
0xa6: {  	[tilespmem:s10], [sflag:$0x3] =	stream.indirect.gather [hbm4b:s3+s29], $0x80, s0, s29, $0xb8;
	[tilespmem:$0x1C100] =	vst v63  }
0xa7: {  	_ =	swait.ge [sflag:s11], $0x4000  }
0xa8: {  	[sflag:s11] =	ssyncset.done $0x0  }
.Ltmp2:
0xa9: {  	[sflag:s11] =	ssyncadd.s32 $0xFFFFC000;
	(pc) =	sbr.rel @p1 .LBB2_4-.Ltmp2, $4  }
0xaa: {  	[spmem:s1] =	stream.indirect.scatter.add.f32 [tilespmem:s9], [sflag:$0x4], $0x80, s16, s29, $0xb8;
	[tilespmem:$0x1C100] =	vst v63  }
0xab: {  	_ =	swait.ge [sflag:s7], $0x4000  }
0xac: {  	[sflag:s7] =	ssyncset.done $0x0  }
0xad: {  	[sflag:s7] =	ssyncadd.s32 $0xFFFFC000  }
0xae: {  	_ =	swait.ge [sflag:s5], $0x200  }
0xaf: {  	[sflag:s5] =	ssyncset.done $0x0  }
0xb0: {  	[sflag:s5] =	ssyncadd.s32 $0xFFFFFE00  }
0xb1: {  	_ =	swait.ge [sflag:s8], $0x200  }
0xb2: {  	[sflag:s8] =	ssyncset.done $0x0  }
0xb3: {  	[sflag:s8] =	ssyncadd.s32 $0xFFFFFE00  }
0xb4: {  	[tilespmem:s9], [sflag:$0x3] =	stream.indirect.gather [hbm4b:s3+s29], $0x80, s2, s29, $0xb8;
	[tilespmem:$0x1C100] =	vst v63  }
0xb5: {  	_ =	swait.ge [sflag:s11], $0x4000  }
0xb6: {  	[sflag:s11] =	ssyncset.done $0x0  }
0xb7: {  	[sflag:s11] =	ssyncadd.s32 $0xFFFFC000  }
0xb8: {  	[spmem:s1] =	stream.indirect.scatter.add.f32 [tilespmem:s10], [sflag:$0x4], $0x80, s17, s29, $0xb8;
	[tilespmem:$0x1C100] =	vst v63  }
0xb9: {  	_ =	swait.ge [sflag:s7], $0x4000  }
0xba: {  	s18 =	sadd.s32 s4, s22;
	[sflag:s7] =	ssyncset.done $0x0  }
0xbb: {  	s19 =	sadd.s32 $0xC0, s18;
	[sflag:s7] =	ssyncadd.s32 $0xFFFFC000  }
0xbc: {  	[tilespmem:s29], [sflag:$0x1] =	stream.linear.gather [hbm4b:s19+s2], $0x80, $0x38;
	[tilespmem:$0x1C100] =	vst v63  }
0xbd: {  	s21 =	sadd.s32 $0xD0, s18  }
0xbe: {  	[tilespmem:s30], [sflag:$0x1] =	stream.linear.gather [hbm4b:s21+s2], $0x80, $0x38;
	[tilespmem:$0x1C100] =	vst v63  }
0xbf: {  	s20 =	sadd.s32 $0xE0, s18  }
0xc0: {  	[tilespmem:s31], [sflag:$0x1] =	stream.linear.gather [hbm4b:s20+s2], $0x80, $0x38;
	[tilespmem:$0x1C100] =	vst v63  }
.Ltmp3:
0xc1: {  	_ = 	snop;
	(pc) =	sbr.rel .LBB2_2-.Ltmp3, $4  }
0xc2: {  	s18 =	sadd.s32 $0xF0, s18;
	s21 =	sadd.s32 s4, s23  }
0xc3: {  	[tilespmem:s0], [sflag:$0x1] =	stream.linear.gather [hbm4b:s18+s2], $0x80, $0x38;
	[tilespmem:$0x1C100] =	vst v63  }
0xc4: {  	s4 =	sadd.s32 $0x80, s4;
	s18 =	sadd.s32 $0xC0, s21  }
0xc5: {  	[tilespmem:s6], [sflag:$0x2] =	stream.linear.gather [hbm4b:s18+s2], $0x200, $0x38;
	[tilespmem:$0x1C100] =	vst v63  }
.LBB2_5:
0xc6: {  	_ =	sfence.sel $0x180000  }
0xc7: {  	[bflag:$0x0] =	sbarrier.arrive $0xFFFF  }
0xc8: {  	_ =	strace $0x9000004D  }
0xc9: {  	[bflag:$0x2] =	sbarrier.arrive $0xFFFF  }
0xca: {  	s0 =	rddreg [dreg:$0x2]  }
0xcb: {  	s0 =	sadd.s32 @!p0 $0x100000, s0  }
0xcc: {  	[sflag:s0] =	ssyncadd.tile.s32 @!p0 $0x1;
	_ =	shalt  }
.Lfunc_end2:
_tile_overlayer_lowered:
.L_overlay_start_2:
0xcd: {  	(tag) =	ssettag $0x2  }
0xce: {  	s0 =	rddreg [dreg:$0x0];
	s2 =	stileid.u32  }
0xcf: {  	s1 =	rddreg [dreg:$0x1];
	p0 =	sne.s32 s2, $0x0  }
0xd0: {  	s3 =	rddreg [dreg:$0x2];
	[bflag:$0x3] =	sbarrier.arrive $0xFFFF;
	s2 =	simm.s32 @!p0 $0x1C04  }
0xd1: {  	[timem:s3], [sflag:s2] =	dma.local @!p0 [hbm:s0], s1  }
0xd2: {  	s0 =	simm.s32 @!p0 $0x4  }
0xd3: {  	_ =	swait.ge @!p0 [sflag:s0], s1  }
0xd4: {  	s1 =	ssub.s32 @!p0 $0x0, s1;
	[sflag:s0] =	ssyncset.done @!p0 $0x0  }
0xd5: {  	[sflag:s0] =	ssyncadd.s32 @!p0 s1  }
0xd6: {  	[bflag:$0x3] =	sbarrier.arrive $0xFFFF  }
0xd7: {  	_ =	shalt  }

// kernel: kernel.8.cloned.1.call-start
scs
__scs_entry_jumppad:
0x0: {  	(pc) =	sbr.rel $0x88, $3  }
0x1: {  	(tag) =	ssettag $0x0;
	lr =	simm.s32 $0x1  }
0x2: {  	[smem:$0x3F95] =	sst lr;
	_ =	strace $0xD0000000  }
0x3: {  	_ = 	snop  }
0x4: {  	_ = 	snop  }
0x5: {  	_ = 	snop  }
0x6: {  	_ = 	snop  }
0x7: {  	_ = 	snop  }
__scs_overlays_trampoline_lowered:
0x8: {  	[smem:$0x3FA4] =	sst s0  }
0x9: {  	[smem:$0x3FA5] =	sst s1  }
0xa: {  	[smem:$0x3FA6] =	sst s2  }
0xb: {  	[smem:$0x3FA7] =	sst s3  }
0xc: {  	[smem:$0x3FA8] =	sst s4  }
0xd: {  	[smem:$0x3FA9] =	sst s5  }
0xe: {  	[smem:$0x3FAA] =	sst s6  }
0xf: {  	[smem:$0x3FAB] =	sst s7  }
0x10: {  	[smem:$0x3FAC] =	sst s8  }
0x11: {  	[smem:$0x3FAD] =	sst s9;
	s0 =	simm.s32 @!p0 $0x0  }
0x12: {  	s1 =	sld [smem:$0x3F93];
	s0 =	simm.s32 @p0 $0x1  }
0x13: {  	[smem:$0x3FAE] =	sst s0;
	s0 =	simm.s32 @!p1 $0x0  }
0x14: {  	s2 =	sld [smem:$0x3F92];
	s0 =	simm.s32 @p1 $0x1  }
0x15: {  	[smem:$0x3FAF] =	sst s0;
	s0 =	simm.s32 @!p2 $0x0  }
0x16: {  	s3 =	sld [smem:$0x3FDB];
	s0 =	simm.s32 @p2 $0x1  }
0x17: {  	s4 =	simm.s32 $0x1BF5;
	[smem:$0x3FB1] =	sst s0  }
0x18: {  	s0 =	sld [smem:$0x3F94];
	_ =	swait.ge [sflag:s4], $0x0  }
0x19: {  	s7 =	sld [smem:$0x3F95]  }
0x1a: {  	s8 =	sadd.s32 $0xFFFFE003, lr  }
0x1b: {  	s9 =	sadd.s32 $0xFFFFFEF7, lr;
	s5 =	simm.s32 $0xFFFFFFFF;
	p2 =	slt.u32 s8, $0xFFFFF086  }
0x1c: {  	p1 =	slt.u32 s9, $0xF7A;
	s5 =	simm.s32 @!p2 $0x0  }
0x1d: {  	s5 =	simm.s32 @p1 $0x1;
	p0 =	seq.s32 s7, s2  }
0x1e: {  	s7 =	smul.u32 @!p0 $0xF7A, s2;
	p2 =	seq.s32 @!p0 s5, $0x0  }
0x1f: {  	s9 =	smul.u32 $0xF7A, s1;
	s8 =	simm.s32 @!p0 $0x1BF5;
	p2 =	por !p2, p0  }
0x20: {  	[sflag:s8] =	ssyncset.s32 @!p0 $0xFFFFF086;
	s6 =	sadd.s32 @!p0 s3, s7;
	s7 =	simm.s32 @!p0 $0x108  }
0x21: {  	s3 =	sadd.s32 s3, s9;
	s6 =	sadd.s32 @!p0 $0x88, s6;
	s7 =	simm.s32 @p2 $0x1082  }
0x22: {  	[simem:s7], [sflag:s8] =	dma.local @!p0 [hbm:s6], $0xF7A  }
0x23: {  	s9 =	sor.u32 $0xD0000000, s2;
	s6 =	simm.s32 $0x108;
	_ =	swait.ge @!p0 [sflag:s8], $0x0  }
0x24: {  	s3 =	sadd.s32 $0x88, s3;
	s6 =	simm.s32 @!p1 $0x1082;
	[sflag:s4] =	ssyncset.s32 $0xFFFFF086  }
0x25: {  	[simem:s6], [sflag:s4] =	dma.local [hbm:s3], $0xF7A  }
0x26: {  	[smem:$0x3F95] =	sst s1;
	(tag) =	ssettag s2;
	_ =	strace s9  }
0x27: {  	s1 =	sld [smem:$0x3FA5]  }
0x28: {  	s2 =	sld [smem:$0x3FA6]  }
0x29: {  	s4 =	sld [smem:$0x3FA8]  }
0x2a: {  	p0 =	seq.s32 s5, $0x0;
	s5 =	sld [smem:$0x3FA9]  }
0x2b: {  	s6 =	sld [smem:$0x3FAA]  }
0x2c: {  	s7 =	sld [smem:$0x3FAB]  }
0x2d: {  	s3 =	simm.s32 $0x108;
	s8 =	sld [smem:$0x3FAC]  }
0x2e: {  	s3 =	simm.s32 @!p0 $0x1082;
	s9 =	sld [smem:$0x3FAD]  }
0x2f: {  	lr =	sadd.s32 s0, s3;
	s0 =	sld [smem:$0x3FA4]  }
0x30: {  	s3 =	sld [smem:$0x3FA7]  }
0x31: {  	[smem:$0x3FB0] =	sst s10  }
0x32: {  	s10 =	sld [smem:$0x3FAE];
	_ =	sdelay $0x3  }
0x33: {  	p0 =	seq.s32 s10, $0x1;
	s10 =	sld [smem:$0x3FB0];
	_ =	sdelay $0x3  }
0x34: {  	[smem:$0x3FB0] =	sst s10  }
0x35: {  	s10 =	sld [smem:$0x3FAF];
	_ =	sdelay $0x3  }
0x36: {  	p1 =	seq.s32 s10, $0x1;
	s10 =	sld [smem:$0x3FB0];
	_ =	sdelay $0x3  }
0x37: {  	[smem:$0x3FB0] =	sst s10  }
0x38: {  	s10 =	sld [smem:$0x3FB1]  }
0x39: {  	_ = 	snop;
	(pc) =	sbr.ind lr, $3  }
0x3a: {  	_ = 	snop  }
0x3b: {  	_ = 	snop  }
0x3c: {  	p2 =	seq.s32 s10, $0x1;
	s10 =	sld [smem:$0x3FB0]  }
0x3d: {  	_ =	shalt  }
0x3e: {  	_ =	shalt  }
0x3f: {  	_ =	shalt  }
0x40: {  	_ =	shalt  }
0x41: {  	_ =	shalt  }
0x42: {  	_ =	shalt  }
0x43: {  	_ =	shalt  }
0x44: {  	_ =	shalt  }
0x45: {  	_ =	shalt  }
0x46: {  	_ =	shalt  }
0x47: {  	_ =	shalt  }
0x48: {  	_ =	shalt  }
0x49: {  	_ =	shalt  }
0x4a: {  	_ =	shalt  }
0x4b: {  	_ =	shalt  }
0x4c: {  	_ =	shalt  }
0x4d: {  	_ =	shalt  }
0x4e: {  	_ =	shalt  }
0x4f: {  	_ =	shalt  }
0x50: {  	_ =	shalt  }
0x51: {  	_ =	shalt  }
0x52: {  	_ =	shalt  }
0x53: {  	_ =	shalt  }
0x54: {  	_ =	shalt  }
0x55: {  	_ =	shalt  }
0x56: {  	_ =	shalt  }
0x57: {  	_ =	shalt  }
0x58: {  	_ =	shalt  }
0x59: {  	_ =	shalt  }
0x5a: {  	_ =	shalt  }
0x5b: {  	_ =	shalt  }
0x5c: {  	_ =	shalt  }
0x5d: {  	_ =	shalt  }
0x5e: {  	_ =	shalt  }
0x5f: {  	_ =	shalt  }
0x60: {  	_ =	shalt  }
0x61: {  	_ =	shalt  }
0x62: {  	_ =	shalt  }
0x63: {  	_ =	shalt  }
0x64: {  	_ =	shalt  }
0x65: {  	_ =	shalt  }
0x66: {  	_ =	shalt  }
0x67: {  	_ =	shalt  }
0x68: {  	_ =	shalt  }
0x69: {  	_ =	shalt  }
0x6a: {  	_ =	shalt  }
0x6b: {  	_ =	shalt  }
0x6c: {  	_ =	shalt  }
0x6d: {  	_ =	shalt  }
0x6e: {  	_ =	shalt  }
0x6f: {  	_ =	shalt  }
0x70: {  	_ =	shalt  }
0x71: {  	_ =	shalt  }
0x72: {  	_ =	shalt  }
0x73: {  	_ =	shalt  }
0x74: {  	_ =	shalt  }
0x75: {  	_ =	shalt  }
0x76: {  	_ =	shalt  }
0x77: {  	_ =	shalt  }
0x78: {  	_ =	shalt  }
0x79: {  	_ =	shalt  }
0x7a: {  	_ =	shalt  }
0x7b: {  	_ =	shalt  }
0x7c: {  	_ =	shalt  }
0x7d: {  	_ =	shalt  }
0x7e: {  	_ =	shalt  }
0x7f: {  	_ =	shalt  }
0x80: {  	_ =	shalt  }
0x81: {  	_ =	shalt  }
0x82: {  	_ =	shalt  }
0x83: {  	_ =	shalt  }
0x84: {  	_ =	shalt  }
0x85: {  	_ =	shalt  }
0x86: {  	_ =	shalt  }
0x87: {  	_ =	shalt  }
.Lfunc_end0:
.L_simem_size_0:
called_computation_lowered:
.L_overlay_start_0:
0x88: {  	s2 =	sld [smem:$0x3FD9]  }
0x89: {  	s3 =	sld [smem:$0x3FFE];
	_ =	sdelay $0x1  }
0x8a: {  	s1 =	srdreg.scid  }
0x8b: {  	s0 =	sand.u32 $0x1, s1  }
0x8c: {  	s16 =	sshll.u32 s0, $0xA;
	s2 =	sadd.s32 s3, s2  }
0x8d: {  	s2 =	sadd.s32 s2, s16  }
0x8e: {  	[smem:$0x3FBC] =	sst s2  }
0x8f: {  	_ = 	snop  }
0x90: {  	(tm) =	ssettm $0x1  }
0x91: {  	s17 =	sld [smem:$0x3FFB];
	_ =	sdelay $0x3  }
0x92: {  	_ =	strace s17  }
0x93: {  	s2 =	sld [smem:$0x3FFC];
	_ =	sdelay $0x3  }
0x94: {  	_ =	strace s2  }
0x95: {  	s2 =	sld [smem:$0x3FFD];
	_ =	sdelay $0x3  }
0x96: {  	_ =	strace s2  }
0x97: {  	_ =	strace $0x8FFFFFFF  }
0x98: {  	s18 =	sld [smem:$0x3FDB];
	_ =	sdelay $0x1  }
0x99: {  	s19 =	simm.s32 $_scs_section_size  }
0x9a: {  	s4 =	simm.s32 $_size__tile_overlayer_lowered;
	s5 =	simm.s32 $_tile_overlayer_lowered  }
0x9b: {  	s22 =	simm.s32 $0x1BFF;
	s21 =	sshll.u32 s5, $0x1;
	s2 =	sadd.s32 s19, s18  }
0x9c: {  	s6 =	simm.s32 $0x0;
	s20 =	sshll.u32 s4, $0x1;
	s4 =	sadd.s32 s21, s2  }
0x9d: {  	[timem:s6], [sflag:s22] =	dma.local [hbm:s4], s20  }
0x9e: {  	_ =	swait.ge [sflag:s22], s20  }
0x9f: {  	s3 =	ssub.s32 $0x0, s20;
	[sflag:s22] =	ssyncset.done $0x0  }
0xa0: {  	[sflag:s22] =	ssyncadd.s32 s3;
	_ =	sdelay $0x1  }
0xa1: {  	s23 =	simm.s32 $0x1B8B  }
0xa2: {  	_ =	swait.ge [sflag:s23], $0x1  }
0xa3: {  	[sflag:s23] =	ssyncset.done $0x0  }
0xa4: {  	s25 =	simm.s32 $0x1B8E;
	s24 =	sld [smem:$0x3FFE];
	[sflag:s23] =	ssyncadd.s32 $0xFFFFFFFF  }
0xa5: {  	s26 =	simm.s32 $execute0_lowered;
	[smem:$0x3FD2] =	sst s25  }
0xa6: {  	s4 =	sshll.u32 s26, $0x1;
	_ =	strace $0x80000046;
	[dreg:$0x1] =	wrdreg $0xFFFFFFFF  }
0xa7: {  	s28 =	simm.s32 $_size_execute0_lowered;
	s2 =	sadd.s32 s2, s4;
	[dreg:$0x0] =	wrdreg $0x0  }
0xa8: {  	s4 =	sshll.u32 s28, $0x1;
	[dreg:$0x2] =	wrdreg s2  }
0xa9: {  	[dreg:$0x3] =	wrdreg s4  }
0xaa: {  	[dreg:$0x4] =	wrdreg $0xC0  }
0xab: {  	_ =	task [dreg:s6], $0x5FFFF  }
0xac: {  	[dreg:$0x1] =	wrdreg $0xFFFFFFFF  }
0xad: {  	[dreg:$0x0] =	wrdreg $0x60  }
0xae: {  	[dreg:$0x2] =	wrdreg s24  }
0xaf: {  	[dreg:$0x3] =	wrdreg $0x53000  }
0xb0: {  	[dreg:$0x4] =	wrdreg $0x9  }
0xb1: {  	_ =	task.clear_ibuf [dreg:s6], $0x5FFFF;
	_ =	strace $0x90000046  }
0xb2: {  	s29 =	simm.s32 $0x9;
	_ =	strace $0x80000048  }
0xb3: {  	_ =	swait.ge [sflag:s29], $0x1  }
0xb4: {  	[sflag:s29] =	ssyncadd.s32 $0xFFFFFFFF  }
0xb5: {  	_ =	strace $0x90000048  }
0xb6: {  	_ =	sfence  }
0xb7: {  	s30 =	sld [smem:$0x0];
	_ =	sdelay $0x2  }
0xb8: {  	s31 =	sshll.u32 s1, $0xD;
	s1 =	sshrl.u32 s1, $0x2  }
0xb9: {  	s3 =	sand.u32 $0x4000, s31;
	s1 =	sadd.s32 s1, s30  }
0xba: {  	s0 =	sor.u32 s3, s0;
	s1 =	sshll.u32 s1, $0x11  }
0xbb: {  	s0 =	sor.u32 s1, s0  }
0xbc: {  	s0 =	sadd.s32 $0x8F2B, s0  }
0xbd: {  	[sflag:s0] =	ssyncadd.remote.s32 $0x1  }
0xbe: {  	_ =	sfence.sel $0xFFFF  }
0xbf: {  	[dreg:$0x0] =	wrdreg $0xFFFFFFFF;
	(pc) =	sbr.abs _section_cstart, $3  }
0xc0: {  	[dreg:$0x1] =	wrdreg $0xFFFFFFFF  }
0xc1: {  	_ =	task.clear_ibuf [dreg:s6], $0x2FFFF;
	_ =	strace $0x9FFFFFFF  }
0xc2: {  	(tm) =	ssettm $0x7FFFFFFF  }
0xc3: {  	_ =	shalt  }
tec
execute0_lowered:
.L_overlay_start_1:
0x0: {  	(tag) =	ssettag $0x1  }
0x1: {  	s1 =	srdreg.scid;
	s4 =	rddreg [dreg:$0x0]  }
0x2: {  	s0 =	stileid.u32;
	s2 =	rddreg [dreg:$0x1];
	s3 =	simm.s32 $0x0  }
0x3: {  	s10 =	simm.s32 $0x1;
	s11 =	simm.s32 $0x80;
	s12 =	simm.s32 $0x5000  }
0x4: {  	s13 =	simm.s32 $0x2;
	s5 =	sand.u32 $0x1, s1;
	s1 =	rddreg [dreg:$0x2]  }
0x5: {  	s16 =	simm.s32 $0x0;
	s6 =	smul.u32 $0x280, s0;
	[smem:$0x7FF] =	sst s3  }
0x6: {  	s14 =	sshll.u32 s0, $0x6;
	s7 =	sshll.u32 s5, $0x4;
	s8 =	smul.u32 $0x2800, s5  }
0x7: {  	_ =	strace $0x80000047;
	s5 =	ssub.s32 $0x2, s5;
	s7 =	sor.u32 s0, s7  }
0x8: {  	s31 =	sshrl.u32 s5, $0x1;
	s7 =	smul.u32 $0xA00, s7;
	s8 =	sadd.s32 s6, s8  }
0x9: {  	s14 =	sor.u32 $0x1C03, s14;
	s9 =	ssub.s32 s5, s31;
	s8 =	sshrl.u32 s8, $0x3  }
0xa: {  	s5 =	sadd.s32 s6, s2;
	s7 =	sadd.s32 s7, s4;
	s8 =	sadd.s32 s8, s4  }
0xb: {  	s15 =	sshrl.u32 s5, $0x3;
	s4 =	sadd.s32 $0xA00, s7;
	s6 =	sadd.s32 $0x14A00, s8  }
0xc: {  	v0 =	vimm.f32 $1.000000000e+00;
	v1 =	vimm.f32 $0.0e+00;
	s7 =	smax.u32 s9, $0x1;
	s8 =	simm.s32 $0x5080;
	s9 =	simm.s32 $0x3  }
.LBB2_1:
0xd: {  	[tilespmem:s3], [sflag:$0x1] =	stream.linear.gather [hbm4b:s4+s3], $0x5000, $0x38;
	[tilespmem:$0x5580] =	vst v63  }
0xe: {  	[tilespmem:$0x5000] =	vst v0  }
0xf: {  	[tilespmem:$0x5010] =	vst v0  }
0x10: {  	[tilespmem:$0x5020] =	vst v0  }
0x11: {  	[tilespmem:$0x5030] =	vst v0  }
0x12: {  	[tilespmem:$0x5040] =	vst v0  }
0x13: {  	[tilespmem:$0x5050] =	vst v0  }
0x14: {  	[tilespmem:$0x5060] =	vst v0  }
0x15: {  	[tilespmem:$0x5070] =	vst v0  }
0x16: {  	[tilespmem:$0x5080] =	vst v1  }
0x17: {  	[tilespmem:$0x5090] =	vst v1  }
0x18: {  	[tilespmem:$0x50A0] =	vst v1  }
0x19: {  	[tilespmem:$0x50B0] =	vst v1  }
0x1a: {  	[tilespmem:$0x50C0] =	vst v1  }
0x1b: {  	[tilespmem:$0x50D0] =	vst v1  }
0x1c: {  	[tilespmem:$0x50E0] =	vst v1  }
0x1d: {  	[tilespmem:$0x50F0] =	vst v1  }
0x1e: {  	[tilespmem:$0x5100] =	vst v1  }
0x1f: {  	[tilespmem:$0x5110] =	vst v1  }
0x20: {  	[tilespmem:$0x5120] =	vst v1  }
0x21: {  	[tilespmem:$0x5130] =	vst v1  }
0x22: {  	[tilespmem:$0x5140] =	vst v1  }
0x23: {  	[tilespmem:$0x5150] =	vst v1  }
0x24: {  	[tilespmem:$0x5160] =	vst v1  }
0x25: {  	[tilespmem:$0x5170] =	vst v1  }
0x26: {  	[tilespmem:$0x5180] =	vst v1  }
0x27: {  	[tilespmem:$0x5190] =	vst v1  }
0x28: {  	[tilespmem:$0x51A0] =	vst v1  }
0x29: {  	[tilespmem:$0x51B0] =	vst v1  }
0x2a: {  	[tilespmem:$0x51C0] =	vst v1  }
0x2b: {  	[tilespmem:$0x51D0] =	vst v1  }
0x2c: {  	[tilespmem:$0x51E0] =	vst v1  }
0x2d: {  	[tilespmem:$0x51F0] =	vst v1  }
0x2e: {  	[tilespmem:$0x5200] =	vst v1  }
0x2f: {  	[tilespmem:$0x5210] =	vst v1  }
0x30: {  	[tilespmem:$0x5220] =	vst v1  }
0x31: {  	[tilespmem:$0x5230] =	vst v1  }
0x32: {  	[tilespmem:$0x5240] =	vst v1  }
0x33: {  	[tilespmem:$0x5250] =	vst v1  }
0x34: {  	[tilespmem:$0x5260] =	vst v1  }
0x35: {  	[tilespmem:$0x5270] =	vst v1  }
0x36: {  	[tilespmem:$0x5280] =	vst v1  }
0x37: {  	[tilespmem:$0x5290] =	vst v1  }
0x38: {  	[tilespmem:$0x52A0] =	vst v1  }
0x39: {  	[tilespmem:$0x52B0] =	vst v1  }
0x3a: {  	[tilespmem:$0x52C0] =	vst v1  }
0x3b: {  	[tilespmem:$0x52D0] =	vst v1  }
0x3c: {  	[tilespmem:$0x52E0] =	vst v1  }
0x3d: {  	[tilespmem:$0x52F0] =	vst v1  }
0x3e: {  	[spmem:s5] =	stream.linear.scatter [tilespmem:s8], [sflag:$0x3], $0x280, $0x38;
	[tilespmem:$0x5580] =	vst v63  }
0x3f: {  	_ =	swait.ge [sflag:s9], $0x280  }
0x40: {  	[sflag:s9] =	ssyncset.done $0x0  }
0x41: {  	[sflag:s9] =	ssyncadd.s32 $0xFFFFFD80  }
0x42: {  	_ =	swait.ge [sflag:s10], $0x5000  }
0x43: {  	[sflag:s10] =	ssyncset.done $0x0  }
0x44: {  	[sflag:s10] =	ssyncadd.s32 $0xFFFFB000  }
0x45: {  	s17 =	simm.s32 $0x0;
	[bflag:$0x0] =	sbarrier.arrive $0xFFFF  }
0x46: {  	[spmem:s2] =	stream.indirect.scatter.add.f32 [tilespmem:s12], [sflag:$0x2], $0x1, s17, s11, $0xb8;
	[tilespmem:$0x5580] =	vst v63  }
0x47: {  	s24 =	simm.s32 $0x80  }
0x48: {  	[spmem:s2] =	stream.indirect.scatter.add.f32 [tilespmem:s12], [sflag:$0x2], $0x1, s24, s11, $0xb8;
	[tilespmem:$0x5580] =	vst v63  }
0x49: {  	s25 =	simm.s32 $0x100  }
0x4a: {  	[spmem:s2] =	stream.indirect.scatter.add.f32 [tilespmem:s12], [sflag:$0x2], $0x1, s25, s11, $0xb8;
	[tilespmem:$0x5580] =	vst v63  }
0x4b: {  	s26 =	simm.s32 $0x180  }
0x4c: {  	[spmem:s2] =	stream.indirect.scatter.add.f32 [tilespmem:s12], [sflag:$0x2], $0x1, s26, s11, $0xb8;
	[tilespmem:$0x5580] =	vst v63  }
0x4d: {  	s28 =	simm.s32 $0x200  }
0x4e: {  	[spmem:s2] =	stream.indirect.scatter.add.f32 [tilespmem:s12], [sflag:$0x2], $0x1, s28, s11, $0xb8;
	[tilespmem:$0x5580] =	vst v63  }
0x4f: {  	s29 =	simm.s32 $0x280  }
0x50: {  	[spmem:s2] =	stream.indirect.scatter.add.f32 [tilespmem:s12], [sflag:$0x2], $0x1, s29, s11, $0xb8;
	[tilespmem:$0x5580] =	vst v63  }
0x51: {  	s30 =	simm.s32 $0x300  }
0x52: {  	[spmem:s2] =	stream.indirect.scatter.add.f32 [tilespmem:s12], [sflag:$0x2], $0x1, s30, s11, $0xb8;
	[tilespmem:$0x5580] =	vst v63  }
0x53: {  	s31 =	simm.s32 $0x380  }
0x54: {  	[spmem:s2] =	stream.indirect.scatter.add.f32 [tilespmem:s12], [sflag:$0x2], $0x1, s31, s11, $0xb8;
	[tilespmem:$0x5580] =	vst v63  }
0x55: {  	_ =	swait.ge [sflag:s13], $0x80  }
0x56: {  	[sflag:s13] =	ssyncset.done $0x0  }
0x57: {  	[sflag:s13] =	ssyncadd.s32 $0xFFFFFF80  }
0x58: {  	_ =	swait.ge [sflag:s13], $0x80  }
0x59: {  	[sflag:s13] =	ssyncset.done $0x0  }
0x5a: {  	[sflag:s13] =	ssyncadd.s32 $0xFFFFFF80  }
0x5b: {  	_ =	swait.ge [sflag:s13], $0x80  }
0x5c: {  	[sflag:s13] =	ssyncset.done $0x0  }
0x5d: {  	[sflag:s13] =	ssyncadd.s32 $0xFFFFFF80  }
0x5e: {  	_ =	swait.ge [sflag:s13], $0x80  }
0x5f: {  	[sflag:s13] =	ssyncset.done $0x0  }
0x60: {  	[sflag:s13] =	ssyncadd.s32 $0xFFFFFF80  }
0x61: {  	_ =	swait.ge [sflag:s13], $0x80  }
0x62: {  	[sflag:s13] =	ssyncset.done $0x0  }
0x63: {  	[sflag:s13] =	ssyncadd.s32 $0xFFFFFF80  }
0x64: {  	_ =	swait.ge [sflag:s13], $0x80  }
0x65: {  	[sflag:s13] =	ssyncset.done $0x0  }
0x66: {  	[sflag:s13] =	ssyncadd.s32 $0xFFFFFF80  }
0x67: {  	_ =	swait.ge [sflag:s13], $0x80  }
0x68: {  	[sflag:s13] =	ssyncset.done $0x0  }
0x69: {  	[sflag:s13] =	ssyncadd.s32 $0xFFFFFF80  }
0x6a: {  	_ =	swait.ge [sflag:s13], $0x80  }
0x6b: {  	s19 =	simm.s32 $0x2000;
	s17 =	simm.s32 $0x1000;
	[sflag:s13] =	ssyncset.done $0x0  }
.LBB2_2:
0x6c: {  	s20 =	sshra.s32 s17, $0x2  }
0x6d: {  	[sflag:s13] =	ssyncadd.s32 $0xFFFFFF80;
	s17 =	smov.u32 s19;
	s18 =	sadd.s32 $0x1000, s19  }
0x6e: {  	[spmem:s2] =	stream.indirect.scatter.add.f32 [tilespmem:s12], [sflag:$0x2], $0x1, s20, s11, $0xb8;
	[tilespmem:$0x5580] =	vst v63  }
0x6f: {  	p0 =	sne.s32 s19, $0x13000;
	s19 =	sadd.s32 $0x80, s20  }
0x70: {  	[spmem:s2] =	stream.indirect.scatter.add.f32 [tilespmem:s12], [sflag:$0x2], $0x1, s19, s11, $0xb8;
	[tilespmem:$0x5580] =	vst v63  }
0x71: {  	s19 =	sadd.s32 $0x100, s20  }
0x72: {  	[spmem:s2] =	stream.indirect.scatter.add.f32 [tilespmem:s12], [sflag:$0x2], $0x1, s19, s11, $0xb8;
	[tilespmem:$0x5580] =	vst v63  }
0x73: {  	s19 =	sadd.s32 $0x180, s20  }
0x74: {  	[spmem:s2] =	stream.indirect.scatter.add.f32 [tilespmem:s12], [sflag:$0x2], $0x1, s19, s11, $0xb8;
	[tilespmem:$0x5580] =	vst v63  }
0x75: {  	s19 =	sadd.s32 $0x200, s20  }
0x76: {  	[spmem:s2] =	stream.indirect.scatter.add.f32 [tilespmem:s12], [sflag:$0x2], $0x1, s19, s11, $0xb8;
	[tilespmem:$0x5580] =	vst v63  }
0x77: {  	s19 =	sadd.s32 $0x280, s20  }
0x78: {  	[spmem:s2] =	stream.indirect.scatter.add.f32 [tilespmem:s12], [sflag:$0x2], $0x1, s19, s11, $0xb8;
	[tilespmem:$0x5580] =	vst v63  }
0x79: {  	s19 =	sadd.s32 $0x300, s20  }
0x7a: {  	[spmem:s2] =	stream.indirect.scatter.add.f32 [tilespmem:s12], [sflag:$0x2], $0x1, s19, s11, $0xb8;
	[tilespmem:$0x5580] =	vst v63  }
0x7b: {  	s19 =	sadd.s32 $0x380, s20  }
0x7c: {  	[spmem:s2] =	stream.indirect.scatter.add.f32 [tilespmem:s12], [sflag:$0x2], $0x1, s19, s11, $0xb8;
	[tilespmem:$0x5580] =	vst v63  }
0x7d: {  	_ =	swait.ge [sflag:s13], $0x80  }
0x7e: {  	[sflag:s13] =	ssyncset.done $0x0  }
0x7f: {  	[sflag:s13] =	ssyncadd.s32 $0xFFFFFF80  }
0x80: {  	_ =	swait.ge [sflag:s13], $0x80  }
0x81: {  	[sflag:s13] =	ssyncset.done $0x0  }
0x82: {  	[sflag:s13] =	ssyncadd.s32 $0xFFFFFF80  }
0x83: {  	_ =	swait.ge [sflag:s13], $0x80  }
0x84: {  	[sflag:s13] =	ssyncset.done $0x0  }
0x85: {  	[sflag:s13] =	ssyncadd.s32 $0xFFFFFF80  }
0x86: {  	_ =	swait.ge [sflag:s13], $0x80  }
0x87: {  	[sflag:s13] =	ssyncset.done $0x0  }
0x88: {  	[sflag:s13] =	ssyncadd.s32 $0xFFFFFF80  }
0x89: {  	_ =	swait.ge [sflag:s13], $0x80  }
0x8a: {  	[sflag:s13] =	ssyncset.done $0x0  }
0x8b: {  	[sflag:s13] =	ssyncadd.s32 $0xFFFFFF80  }
0x8c: {  	_ =	swait.ge [sflag:s13], $0x80  }
0x8d: {  	[sflag:s13] =	ssyncset.done $0x0  }
0x8e: {  	[sflag:s13] =	ssyncadd.s32 $0xFFFFFF80  }
.Ltmp0:
0x8f: {  	_ =	swait.ge [sflag:s13], $0x80;
	(pc) =	sbr.rel @p0 .LBB2_2-.Ltmp0, $4  }
0x90: {  	[sflag:s13] =	ssyncset.done $0x0  }
0x91: {  	[sflag:s13] =	ssyncadd.s32 $0xFFFFFF80  }
0x92: {  	_ =	swait.ge [sflag:s13], $0x80  }
0x93: {  	s19 =	smov.u32 s18;
	[sflag:s13] =	ssyncset.done $0x0  }
0x94: {  	s17 =	sshra.s32 s17, $0x2;
	[sflag:s13] =	ssyncadd.s32 $0xFFFFFF80  }
0x95: {  	[spmem:s2] =	stream.indirect.scatter.add.f32 [tilespmem:s12], [sflag:$0x2], $0x1, s17, s11, $0xb8;
	[tilespmem:$0x5580] =	vst v63  }
0x96: {  	s18 =	sadd.s32 $0x80, s17  }
0x97: {  	[spmem:s2] =	stream.indirect.scatter.add.f32 [tilespmem:s12], [sflag:$0x2], $0x1, s18, s11, $0xb8;
	[tilespmem:$0x5580] =	vst v63  }
0x98: {  	s26 =	sadd.s32 $0x100, s17  }
0x99: {  	[spmem:s2] =	stream.indirect.scatter.add.f32 [tilespmem:s12], [sflag:$0x2], $0x1, s26, s11, $0xb8;
	[tilespmem:$0x5580] =	vst v63  }
0x9a: {  	s28 =	sadd.s32 $0x180, s17  }
0x9b: {  	[spmem:s2] =	stream.indirect.scatter.add.f32 [tilespmem:s12], [sflag:$0x2], $0x1, s28, s11, $0xb8;
	[tilespmem:$0x5580] =	vst v63  }
0x9c: {  	s29 =	sadd.s32 $0x200, s17  }
0x9d: {  	[spmem:s2] =	stream.indirect.scatter.add.f32 [tilespmem:s12], [sflag:$0x2], $0x1, s29, s11, $0xb8;
	[tilespmem:$0x5580] =	vst v63  }
0x9e: {  	s30 =	sadd.s32 $0x280, s17  }
0x9f: {  	[spmem:s2] =	stream.indirect.scatter.add.f32 [tilespmem:s12], [sflag:$0x2], $0x1, s30, s11, $0xb8;
	[tilespmem:$0x5580] =	vst v63  }
0xa0: {  	s31 =	sadd.s32 $0x300, s17  }
0xa1: {  	[spmem:s2] =	stream.indirect.scatter.add.f32 [tilespmem:s12], [sflag:$0x2], $0x1, s31, s11, $0xb8;
	[tilespmem:$0x5580] =	vst v63  }
0xa2: {  	s17 =	sadd.s32 $0x380, s17  }
0xa3: {  	[spmem:s2] =	stream.indirect.scatter.add.f32 [tilespmem:s12], [sflag:$0x2], $0x1, s17, s11, $0xb8;
	[tilespmem:$0x5580] =	vst v63  }
0xa4: {  	_ =	swait.ge [sflag:s13], $0x80  }
0xa5: {  	[sflag:s13] =	ssyncset.done $0x0  }
0xa6: {  	[sflag:s13] =	ssyncadd.s32 $0xFFFFFF80  }
0xa7: {  	_ =	swait.ge [sflag:s13], $0x80  }
0xa8: {  	[sflag:s13] =	ssyncset.done $0x0  }
0xa9: {  	[sflag:s13] =	ssyncadd.s32 $0xFFFFFF80  }
0xaa: {  	_ =	swait.ge [sflag:s13], $0x80  }
0xab: {  	[sflag:s13] =	ssyncset.done $0x0  }
0xac: {  	[sflag:s13] =	ssyncadd.s32 $0xFFFFFF80  }
0xad: {  	_ =	swait.ge [sflag:s13], $0x80  }
0xae: {  	[sflag:s13] =	ssyncset.done $0x0  }
0xaf: {  	[sflag:s13] =	ssyncadd.s32 $0xFFFFFF80  }
0xb0: {  	_ =	swait.ge [sflag:s13], $0x80  }
0xb1: {  	[sflag:s13] =	ssyncset.done $0x0  }
0xb2: {  	[sflag:s13] =	ssyncadd.s32 $0xFFFFFF80  }
0xb3: {  	_ =	swait.ge [sflag:s13], $0x80  }
0xb4: {  	[sflag:s13] =	ssyncset.done $0x0  }
0xb5: {  	[sflag:s13] =	ssyncadd.s32 $0xFFFFFF80  }
0xb6: {  	_ =	swait.ge [sflag:s13], $0x80  }
0xb7: {  	[sflag:s13] =	ssyncset.done $0x0  }
0xb8: {  	[sflag:s13] =	ssyncadd.s32 $0xFFFFFF80  }
0xb9: {  	_ =	swait.ge [sflag:s13], $0x80  }
0xba: {  	s16 =	sadd.s32 $0x1, s16;
	[sflag:s13] =	ssyncset.done $0x0  }
0xbb: {  	p0 =	sne.s32 s16, s7;
	[sflag:s13] =	ssyncadd.s32 $0xFFFFFF80  }
.Ltmp1:
0xbc: {  	[bflag:$0x0] =	sbarrier.arrive $0xFFFF;
	(pc) =	sbr.rel @p0 .LBB2_1-.Ltmp1, $4  }
0xbd: {  	[hbm:s6], [sflag:s14] =	dma.local [spmem:s15], $0x50  }
0xbe: {  	_ =	swait.ge [sflag:s9], $0x50  }
0xbf: {  	[sflag:s9] =	ssyncset.done $0x0  }
0xc0: {  	[sflag:s9] =	ssyncadd.s32 $0xFFFFFFB0  }
0xc1: {  	_ =	sfence.sel $0x180000  }
0xc2: {  	[bflag:$0x0] =	sbarrier.arrive $0xFFFF  }
0xc3: {  	p0 =	sne.s32 s0, $0x0;
	_ =	strace $0x90000047  }
0xc4: {  	s0 =	sadd.s32 @!p0 $0x100000, s1;
	[bflag:$0x2] =	sbarrier.arrive $0xFFFF  }
0xc5: {  	[sflag:s0] =	ssyncadd.tile.s32 @!p0 $0x1;
	_ =	shalt  }
.Lfunc_end2:
_tile_overlayer_lowered:
.L_overlay_start_2:
0xc6: {  	(tag) =	ssettag $0x2  }
0xc7: {  	s0 =	rddreg [dreg:$0x0];
	s2 =	stileid.u32  }
0xc8: {  	s1 =	rddreg [dreg:$0x1];
	p0 =	sne.s32 s2, $0x0  }
0xc9: {  	s3 =	rddreg [dreg:$0x2];
	[bflag:$0x3] =	sbarrier.arrive $0xFFFF;
	s2 =	simm.s32 @!p0 $0x1C03  }
0xca: {  	[timem:s3], [sflag:s2] =	dma.local @!p0 [hbm:s0], s1  }
0xcb: {  	s0 =	simm.s32 @!p0 $0x3  }
0xcc: {  	_ =	swait.ge @!p0 [sflag:s0], s1  }
0xcd: {  	s1 =	ssub.s32 @!p0 $0x0, s1;
	[sflag:s0] =	ssyncset.done @!p0 $0x0  }
0xce: {  	[sflag:s0] =	ssyncadd.s32 @!p0 s1  }
0xcf: {  	[bflag:$0x3] =	sbarrier.arrive $0xFFFF  }
0xd0: {  	_ =	shalt  }

</sc_bundles>
